<compile_context>
chip_gen: v7x
topology: tpu7x:2x2x1
jax: 0.10.2.dev20260603
libtpu: 0.0.44.dev20260713+nightly
codegen_flags: <defaults>
</compile_context>

<pallas_src>
import jax
import jax.numpy as jnp
from jax import lax
from jax.experimental import pallas as pl
from jax.experimental.pallas import tpu as pltpu
from jax.experimental.pallas import tpu_sc as plsc

N = 10000
E = 320000
D = 64
NODE_DIM = 128
POS_DIM = 3

NUM_CORES = 2
NUM_SUBCORES = 16
NTILES = NUM_CORES * NUM_SUBCORES
CH = 125
NCH = 80
NPAD = 10112
ZROWS = NPAD // NUM_SUBCORES
LAST_ROWS = N - 15 * ZROWS
DW = 16

_MESH = plsc.VectorSubcoreMesh(
    core_axis_name="c", subcore_axis_name="s",
    num_cores=NUM_CORES, num_subcores=NUM_SUBCORES)
_SC_PARAMS = pltpu.CompilerParams(use_tc_tiling_on_sc=False)


def _row_split(s, agg_sh, agg_out, c):
  @pl.when(s < NUM_SUBCORES - 1)
  def _():
    osl = pl.ds(s * ZROWS, ZROWS)
    pltpu.sync_copy(agg_sh.at[osl], agg_out.at[c, osl])

  @pl.when(s == NUM_SUBCORES - 1)
  def _():
    osl = pl.ds(s * ZROWS, LAST_ROWS)
    pltpu.sync_copy(agg_sh.at[osl], agg_out.at[c, osl])


NB = 8


def _sc_body(nb, with_deg, *refs):
  if with_deg:
    (h_hbm, ei_hbm, z_hbm, zd_hbm, agg_out, deg_out, src_v, dst_v), rest = (
        refs[:8], refs[8:])
  else:
    (h_hbm, ei_hbm, z_hbm, agg_out, src_v, dst_v), rest = refs[:6], refs[6:]
  rows = rest[:nb]
  rest = rest[nb:]
  if with_deg:
    ones_v, deg_sh = rest[0], rest[2]
    agg_sh = rest[1]
    rest = rest[3:]
  else:
    agg_sh = rest[0]
    rest = rest[1:]
  sg = rest[:nb]
  ss = rest[nb:]
  pf = nb // 2
  c = lax.axis_index("c")
  s = lax.axis_index("s")
  wid = s * NUM_CORES + c

  zsl = pl.ds(s * ZROWS, ZROWS)
  pltpu.sync_copy(z_hbm.at[zsl], agg_sh.at[zsl])
  if with_deg:
    pltpu.sync_copy(zd_hbm.at[zsl], deg_sh.at[zsl])

    def fill(i, carry):
      ones_v[i] = jnp.ones((DW,), jnp.float32)
      return carry
    lax.fori_loop(0, CH, fill, 0)
  plsc.subcore_barrier()

  pltpu.sync_copy(ei_hbm.at[0, wid], src_v)
  pltpu.sync_copy(ei_hbm.at[1, wid], dst_v)

  def g(i, b):
    pltpu.async_copy(h_hbm.at[src_v.at[i]], rows[b], sg[b])

  def wg(b):
    pltpu.make_async_copy(h_hbm.at[src_v.at[0]], rows[b], sg[b]).wait()

  def sc(i, b):
    pltpu.async_copy(rows[b], agg_sh.at[dst_v.at[i]], ss[b], add=True)
    if with_deg:
      pltpu.sync_copy(ones_v, deg_sh.at[dst_v.at[i]], add=True)

  def ws(b):
    pltpu.make_async_copy(rows[b], agg_sh.at[dst_v.at[0]], ss[b]).wait()

  for i in range(pf):
    g(i, i)
  for c0 in range(pf):
    wg(c0 % nb); sc(c0, c0 % nb); g(c0 + pf, (c0 + pf) % nb)
  for c0 in range(pf, nb):
    wg(c0 % nb); sc(c0, c0 % nb); ws((c0 + pf) % nb); g(c0 + pf, (c0 + pf) % nb)

  def ring(q, carry):
    c0 = nb * q
    for r in range(nb):
      tb = (r + pf) % nb
      wg(r); sc(c0 + r, r); ws(tb)
      g(c0 + r + pf, tb)
    return carry
  lax.fori_loop(1, NCH // nb - 1, ring, 0)

  for r in range(NCH % nb + nb):
    c0 = (NCH // nb - 1) * nb + r
    b = c0 % nb
    wg(b); sc(c0, b)
    if c0 + pf < NCH:
      ws((c0 + pf) % nb); g(c0 + pf, (c0 + pf) % nb)
  for b in range(nb):
    ws(b)

  plsc.subcore_barrier()
  _row_split(s, agg_sh, agg_out, c)
  if with_deg:
    _row_split(s, deg_sh, deg_out, c)


def _make_sc(nb, with_deg):
  import functools
  out_type = [jax.ShapeDtypeStruct((NUM_CORES, N, D), jnp.float32)]
  scratch = [pltpu.VMEM((NCH, CH), jnp.int32)] * 2
  scratch += [pltpu.VMEM((CH, D), jnp.float32)] * nb
  if with_deg:
    out_type.append(jax.ShapeDtypeStruct((NUM_CORES, N, DW), jnp.float32))
    scratch.append(pltpu.VMEM((CH, DW), jnp.float32))
  scratch.append(pltpu.VMEM_SHARED((NPAD, D), jnp.float32))
  if with_deg:
    scratch.append(pltpu.VMEM_SHARED((NPAD, DW), jnp.float32))
  scratch += [pltpu.SemaphoreType.DMA] * (2 * nb)
  return pl.kernel(
      functools.partial(_sc_body, nb, with_deg),
      out_type=tuple(out_type) if with_deg else out_type[0],
      mesh=_MESH,
      compiler_params=_SC_PARAMS,
      scratch_types=scratch,
  )


_sc_agg = _make_sc(NB, False)
_sc_agg_deg = _make_sc(6, True)


def _proj_body(x_ref, pos_ref, wx_ref, wp_ref, b_ref, o_ref):
  acc = lax.dot_general(
      x_ref[...], wx_ref[...], (((1,), (0,)), ((), ())),
      precision=lax.Precision.HIGHEST, preferred_element_type=jnp.float32)
  acc += lax.dot_general(
      pos_ref[...], wp_ref[...], (((1,), (0,)), ((), ())),
      precision=lax.Precision.HIGHEST, preferred_element_type=jnp.float32)
  o_ref[...] = acc + b_ref[...]


def _act(h_ref, agg_ref, deg_ref, w_ref, b_ref):
  agg = agg_ref[0] + agg_ref[1]
  deg = jnp.maximum(deg_ref[0, :, 0:1] + deg_ref[1, :, 0:1], 1.0)
  m = h_ref[...] + agg / deg
  out = lax.dot_general(
      m, w_ref[...], (((1,), (0,)), ((), ())),
      precision=lax.Precision.HIGHEST, preferred_element_type=jnp.float32)
  out = out + b_ref[...]
  return jnp.where(out >= 0.0, out, 0.01 * out)


_RB = 2000


def _proj(x, pos, wx, wp, b):
  return pl.pallas_call(
      _proj_body,
      grid=(N // _RB,),
      in_specs=[
          pl.BlockSpec((_RB, NODE_DIM), lambda i: (i, 0)),
          pl.BlockSpec((_RB, POS_DIM), lambda i: (i, 0)),
          pl.BlockSpec((NODE_DIM, D), lambda i: (0, 0)),
          pl.BlockSpec((POS_DIM, D), lambda i: (0, 0)),
          pl.BlockSpec((1, D), lambda i: (0, 0)),
      ],
      out_specs=pl.BlockSpec((_RB, D), lambda i: (i, 0)),
      out_shape=jax.ShapeDtypeStruct((N, D), jnp.float32),
  )(x, pos, wx, wp, b)


def _layer(l, h, agg, deg, w, b, hcat=None):
  in_specs = [
      pl.BlockSpec((_RB, D), lambda i: (i, 0)),
      pl.BlockSpec((NUM_CORES, _RB, D), lambda i: (0, i, 0)),
      pl.BlockSpec((NUM_CORES, _RB, DW), lambda i: (0, i, 0)),
      pl.BlockSpec((D, D), lambda i: (0, 0)),
      pl.BlockSpec((1, D), lambda i: (0, 0)),
  ]
  args = [h, agg, deg, w, b]
  if l > 0:
    in_specs.append(pl.BlockSpec((_RB, 3 * D), lambda i: (i, 0)))
    args.append(hcat)
  last = l == 2

  def body(h_ref, agg_ref, deg_ref, w_ref, b_ref, *rest):
    act = _act(h_ref, agg_ref, deg_ref, w_ref, b_ref)
    if l == 0:
      o_ref, cat_ref = rest
      cat_ref[...] = jnp.concatenate(
          [act, jnp.zeros((act.shape[0], 2 * D), jnp.float32)], axis=1)
    elif l == 1:
      cat_in, o_ref, cat_ref = rest
      cat_ref[...] = jnp.concatenate(
          [cat_in[:, :D], act, jnp.zeros((act.shape[0], D), jnp.float32)],
          axis=1)
    else:
      cat_in, cat_ref = rest
      cat_ref[...] = jnp.concatenate([cat_in[:, :2 * D], act], axis=1)
      return
    o_ref[...] = act

  cat_spec = pl.BlockSpec((_RB, 3 * D), lambda i: (i, 0))
  cat_shape = jax.ShapeDtypeStruct((N, 3 * D), jnp.float32)
  if last:
    out_specs, out_shape = cat_spec, cat_shape
  else:
    out_specs = (pl.BlockSpec((_RB, D), lambda i: (i, 0)), cat_spec)
    out_shape = (jax.ShapeDtypeStruct((N, D), jnp.float32), cat_shape)

  return pl.pallas_call(
      body,
      grid=(N // _RB,),
      in_specs=in_specs,
      out_specs=out_specs,
      out_shape=out_shape,
  )(*args)


def kernel(x, pos, edge_index, batch, Wp, bp, W0, b0, W1, b1, W2, b2, W3, b3):
  del batch, W3, b3
  ei = edge_index.reshape(2, NTILES, NCH, CH)
  z = jnp.zeros((NPAD, D), jnp.float32)
  zd = jnp.zeros((NPAD, DW), jnp.float32)

  wx = Wp[POS_DIM:]
  wp = Wp[:POS_DIM]

  h0 = _proj(x, pos, wx, wp, bp.reshape(1, D))
  agg1, deg = _sc_agg_deg(h0, ei, z, zd)
  h1, hcat = _layer(0, h0, agg1, deg, W0, b0.reshape(1, D))
  agg2 = _sc_agg(h1, ei, z)
  h2, hcat = _layer(1, h1, agg2, deg, W1, b1.reshape(1, D), hcat)
  agg3 = _sc_agg(h2, ei, z)
  hcat = _layer(2, h2, agg3, deg, W2, b2.reshape(1, D), hcat)
  return hcat

# --- scband reference (transcript-rebuilt; emitter-appended) ---
"""Pipeline reference for scband-graph-encoder-59536836657700 (READ-ONLY COPY).

The authoritative reference and input builder live on the scoring server;
editing this copy changes nothing except your own understanding.
"""

import jax, jax.numpy as jnp
import numpy as np

N = 10000
E = 320000
NODE_DIM = 128
POS_DIM = 3
PROJ = 64
NUM_GRAPHS = 16


def _glorot(key, shape):
    fan_in = shape[0]
    return jax.random.normal(key, shape, dtype=jnp.float32) / np.sqrt(float(fan_in))


def setup_inputs(seed: int = 0) -> dict:
    key = jax.random.key(seed)
    ks = jax.random.split(key, 12)
    x = jax.random.normal(ks[0], (N, NODE_DIM), dtype=jnp.float32)
    pos = jax.random.normal(ks[1], (N, POS_DIM), dtype=jnp.float32)
    edge_index = jax.random.randint(ks[2], (2, E), 0, N, dtype=jnp.int32)
    batch = jnp.sort(jax.random.randint(ks[3], (N,), 0, NUM_GRAPHS, dtype=jnp.int32))
    Wp = _glorot(ks[4], (POS_DIM + NODE_DIM, PROJ))
    bp = jnp.zeros((PROJ,), jnp.float32)
    W0 = _glorot(ks[5], (PROJ, 64)); b0 = jnp.zeros((64,), jnp.float32)
    W1 = _glorot(ks[6], (64, 64)); b1 = jnp.zeros((64,), jnp.float32)
    W2 = _glorot(ks[7], (64, 64)); b2 = jnp.zeros((64,), jnp.float32)
    W3 = _glorot(ks[8], (192, 64)); b3 = jnp.zeros((64,), jnp.float32)
    return {"x": x, "pos": pos, "edge_index": edge_index, "batch": batch,
            "Wp": Wp, "bp": bp, "W0": W0, "b0": b0, "W1": W1, "b1": b1,
            "W2": W2, "b2": b2, "W3": W3, "b3": b3}


def _mp_layer(h, src, dst, W, b, act):
    # message passing: gather source-node features, scatter-mean to destination nodes
    msg = jnp.take(h, src, axis=0)
    agg = jax.ops.segment_sum(msg, dst, num_segments=N)
    deg = jax.ops.segment_sum(jnp.ones((src.shape[0],), h.dtype), dst, num_segments=N)
    agg = agg / jnp.clip(deg, 1.0, None)[:, None]
    out = (h + agg) @ W + b
    if act:
        out = jax.nn.leaky_relu(out, negative_slope=0.01)
    return out


def reference(x, pos, edge_index, batch, Wp, bp, W0, b0, W1, b1, W2, b2, W3, b3):
    src = edge_index[0]
    dst = edge_index[1]
    # node projection of concat(pos, feature)
    h = jnp.concatenate([pos, x], axis=-1)
    h = h @ Wp + bp
    res = []
    for (W, b) in ((W0, b0), (W1, b1), (W2, b2)):
        h = _mp_layer(h, src, dst, W, b, True)
        res.append(h)
    hcat = jnp.concatenate(res, axis=-1)
    # final mp layer: computed as in the original forward, but unused downstream
    # because dense_channels=[] means there is no dense head and the original
    # code returns the concatenated intermediate features.
    nf = _mp_layer(hcat, src, dst, W3, b3, False)
    return hcat

if __name__ == "__main__":
    import jax
    _d = setup_inputs()
    print(jax.jit(kernel)(*tuple(_d.values())))

</pallas_src>

<mosaic_0001>
#map = affine_map<(d0, d1) -> (0, 0)>
#map1 = affine_map<(d0, d1) -> (0, 0, 0, 0)>
#map2 = affine_map<(d0, d1) -> (0, 0, 0)>
module attributes {stable_mosaic.version = 14 : i64} {
  func.func @_sc_body(%arg0: i32, %arg1: i32, %arg2: memref<10000x64xf32, #tpu.memory_space<hbm>>, %arg3: memref<2x32x80x125xi32, #tpu.memory_space<hbm>>, %arg4: memref<10112x64xf32, #tpu.memory_space<hbm>>, %arg5: memref<2x10000x64xf32, #tpu.memory_space<hbm>>, %arg6: memref<80x125xi32, #tpu.memory_space<vmem>>, %arg7: memref<80x125xi32, #tpu.memory_space<vmem>>, %arg8: memref<125x64xf32, #tpu.memory_space<vmem>>, %arg9: memref<125x64xf32, #tpu.memory_space<vmem>>, %arg10: memref<125x64xf32, #tpu.memory_space<vmem>>, %arg11: memref<125x64xf32, #tpu.memory_space<vmem>>, %arg12: memref<125x64xf32, #tpu.memory_space<vmem>>, %arg13: memref<125x64xf32, #tpu.memory_space<vmem>>, %arg14: memref<125x64xf32, #tpu.memory_space<vmem>>, %arg15: memref<125x64xf32, #tpu.memory_space<vmem>>, %arg16: memref<10112x64xf32, #tpu.memory_space<vmem_shared>>, %arg17: memref<!tpu.dma_semaphore, #tpu.memory_space<semaphore_mem>>, %arg18: memref<!tpu.dma_semaphore, #tpu.memory_space<semaphore_mem>>, %arg19: memref<!tpu.dma_semaphore, #tpu.memory_space<semaphore_mem>>, %arg20: memref<!tpu.dma_semaphore, #tpu.memory_space<semaphore_mem>>, %arg21: memref<!tpu.dma_semaphore, #tpu.memory_space<semaphore_mem>>, %arg22: memref<!tpu.dma_semaphore, #tpu.memory_space<semaphore_mem>>, %arg23: memref<!tpu.dma_semaphore, #tpu.memory_space<semaphore_mem>>, %arg24: memref<!tpu.dma_semaphore, #tpu.memory_space<semaphore_mem>>, %arg25: memref<!tpu.dma_semaphore, #tpu.memory_space<semaphore_mem>>, %arg26: memref<!tpu.dma_semaphore, #tpu.memory_space<semaphore_mem>>, %arg27: memref<!tpu.dma_semaphore, #tpu.memory_space<semaphore_mem>>, %arg28: memref<!tpu.dma_semaphore, #tpu.memory_space<semaphore_mem>>, %arg29: memref<!tpu.dma_semaphore, #tpu.memory_space<semaphore_mem>>, %arg30: memref<!tpu.dma_semaphore, #tpu.memory_space<semaphore_mem>>, %arg31: memref<!tpu.dma_semaphore, #tpu.memory_space<semaphore_mem>>, %arg32: memref<!tpu.dma_semaphore, #tpu.memory_space<semaphore_mem>>) attributes {dimension_semantics = [#tpu.dimension_semantics<core_parallel>, #tpu.dimension_semantics<subcore_parallel>], iteration_bounds = array<i64: 2, 16>, scalar_prefetch = 0 : i64, scratch_operands = 27 : i64, tpu.core_type = #tpu.core_type<sc_vector_subcore>, window_params = [{transform_indices = #map}, {transform_indices = #map1}, {transform_indices = #map}, {transform_indices = #map2}]} {
    %mul3A = arith.constant 2 : i32
    %mul3A_0 = arith.muli %arg1, %mul3A : i32
    %add3A = arith.addi %mul3A_0, %arg0 : i32
    %mul3A_1 = arith.constant 632 : i32
    %mul3A_2 = arith.muli %arg1, %mul3A_1 : i32
    "tpu.region"() ({
      %run_scoped3A_462 = tpu.sem_alloc : memref<!tpu.dma_semaphore, #tpu.memory_space<semaphore_mem>>
      %dma_start3A_463 = arith.constant 0 : i32
      %dma_start3A_464 = tpu.memref_slice %arg16[%mul3A_2, %dma_start3A_463] : memref<10112x64xf32, #tpu.memory_space<vmem_shared>> -> memref<632x64xf32, #tpu.memory_space<vmem_shared>>
      %dma_start3A_465 = arith.constant 0 : i32
      %dma_start3A_466 = tpu.memref_slice %arg4[%mul3A_2, %dma_start3A_465] : memref<10112x64xf32, #tpu.memory_space<hbm>> -> memref<632x64xf32, #tpu.memory_space<hbm>>
      tpu.enqueue_dma source(%dma_start3A_466 : memref<632x64xf32, #tpu.memory_space<hbm>>) target(%dma_start3A_464 : memref<632x64xf32, #tpu.memory_space<vmem_shared>>) target_semaphore(%run_scoped3A_462 : memref<!tpu.dma_semaphore, #tpu.memory_space<semaphore_mem>>)
      %dma_wait3A_467 = arith.constant 0 : i32
      %dma_wait3A_468 = tpu.memref_slice %arg16[%mul3A_2, %dma_wait3A_467] : memref<10112x64xf32, #tpu.memory_space<vmem_shared>> -> memref<632x64xf32, #tpu.memory_space<vmem_shared>>
      %dma_wait3A_469 = arith.constant 0 : i32
      %dma_wait3A_470 = tpu.memref_slice %arg4[%mul3A_2, %dma_wait3A_469] : memref<10112x64xf32, #tpu.memory_space<hbm>> -> memref<632x64xf32, #tpu.memory_space<hbm>>
      tpu.wait_dma2 semaphore(%run_scoped3A_462 : memref<!tpu.dma_semaphore, #tpu.memory_space<semaphore_mem>>) src(%dma_wait3A_470 : memref<632x64xf32, #tpu.memory_space<hbm>>) dst(%dma_wait3A_468 : memref<632x64xf32, #tpu.memory_space<vmem_shared>>)
      tpu.yield
    }) : () -> ()
    %barrier3A = arith.constant 0 : index
    tpu.barrier barrier_id(%barrier3A)
    %run_scoped3A = arith.constant 0 : i32
    "tpu.region"() ({
      %run_scoped3A_462 = tpu.sem_alloc : memref<!tpu.dma_semaphore, #tpu.memory_space<semaphore_mem>>
      %dma_start3A_463 = arith.constant 0 : i32
      %dma_start3A_464 = arith.constant 0 : i32
      %dma_start3A_465 = tpu.memref_slice %arg3[%run_scoped3A, %add3A, %dma_start3A_463, %dma_start3A_464] : memref<2x32x80x125xi32, #tpu.memory_space<hbm>> -> memref<1x1x80x125xi32, #tpu.memory_space<hbm>>
      %dma_start3A_466 = tpu.memref_squeeze %dma_start3A_465 : memref<1x1x80x125xi32, #tpu.memory_space<hbm>> -> memref<80x125xi32, #tpu.memory_space<hbm>>
      %dma_start3A_467 = arith.constant 0 : i32
      %dma_start3A_468 = arith.constant 0 : i32
      %dma_start3A_469 = tpu.memref_slice %arg3[%run_scoped3A, %add3A, %dma_start3A_467, %dma_start3A_468] : memref<2x32x80x125xi32, #tpu.memory_space<hbm>> -> memref<1x1x80x125xi32, #tpu.memory_space<hbm>>
      %dma_start3A_470 = tpu.memref_squeeze %dma_start3A_469 : memref<1x1x80x125xi32, #tpu.memory_space<hbm>> -> memref<80x125xi32, #tpu.memory_space<hbm>>
      tpu.enqueue_dma source(%dma_start3A_470 : memref<80x125xi32, #tpu.memory_space<hbm>>) target(%arg6 : memref<80x125xi32, #tpu.memory_space<vmem>>) target_semaphore(%run_scoped3A_462 : memref<!tpu.dma_semaphore, #tpu.memory_space<semaphore_mem>>)
      %dma_wait3A_471 = arith.constant 0 : i32
      %dma_wait3A_472 = arith.constant 0 : i32
      %dma_wait3A_473 = tpu.memref_slice %arg3[%run_scoped3A, %add3A, %dma_wait3A_471, %dma_wait3A_472] : memref<2x32x80x125xi32, #tpu.memory_space<hbm>> -> memref<1x1x80x125xi32, #tpu.memory_space<hbm>>
      %dma_wait3A_474 = tpu.memref_squeeze %dma_wait3A_473 : memref<1x1x80x125xi32, #tpu.memory_space<hbm>> -> memref<80x125xi32, #tpu.memory_space<hbm>>
      %dma_wait3A_475 = arith.constant 0 : i32
      %dma_wait3A_476 = arith.constant 0 : i32
      %dma_wait3A_477 = tpu.memref_slice %arg3[%run_scoped3A, %add3A, %dma_wait3A_475, %dma_wait3A_476] : memref<2x32x80x125xi32, #tpu.memory_space<hbm>> -> memref<1x1x80x125xi32, #tpu.memory_space<hbm>>
      %dma_wait3A_478 = tpu.memref_squeeze %dma_wait3A_477 : memref<1x1x80x125xi32, #tpu.memory_space<hbm>> -> memref<80x125xi32, #tpu.memory_space<hbm>>
      tpu.wait_dma2 semaphore(%run_scoped3A_462 : memref<!tpu.dma_semaphore, #tpu.memory_space<semaphore_mem>>) src(%dma_wait3A_478 : memref<80x125xi32, #tpu.memory_space<hbm>>) dst(%arg6 : memref<80x125xi32, #tpu.memory_space<vmem>>)
      tpu.yield
    }) : () -> ()
    %run_scoped3A_3 = arith.constant 1 : i32
    "tpu.region"() ({
      %run_scoped3A_462 = tpu.sem_alloc : memref<!tpu.dma_semaphore, #tpu.memory_space<semaphore_mem>>
      %dma_start3A_463 = arith.constant 0 : i32
      %dma_start3A_464 = arith.constant 0 : i32
      %dma_start3A_465 = tpu.memref_slice %arg3[%run_scoped3A_3, %add3A, %dma_start3A_463, %dma_start3A_464] : memref<2x32x80x125xi32, #tpu.memory_space<hbm>> -> memref<1x1x80x125xi32, #tpu.memory_space<hbm>>
      %dma_start3A_466 = tpu.memref_squeeze %dma_start3A_465 : memref<1x1x80x125xi32, #tpu.memory_space<hbm>> -> memref<80x125xi32, #tpu.memory_space<hbm>>
      %dma_start3A_467 = arith.constant 0 : i32
      %dma_start3A_468 = arith.constant 0 : i32
      %dma_start3A_469 = tpu.memref_slice %arg3[%run_scoped3A_3, %add3A, %dma_start3A_467, %dma_start3A_468] : memref<2x32x80x125xi32, #tpu.memory_space<hbm>> -> memref<1x1x80x125xi32, #tpu.memory_space<hbm>>
      %dma_start3A_470 = tpu.memref_squeeze %dma_start3A_469 : memref<1x1x80x125xi32, #tpu.memory_space<hbm>> -> memref<80x125xi32, #tpu.memory_space<hbm>>
      tpu.enqueue_dma source(%dma_start3A_470 : memref<80x125xi32, #tpu.memory_space<hbm>>) target(%arg7 : memref<80x125xi32, #tpu.memory_space<vmem>>) target_semaphore(%run_scoped3A_462 : memref<!tpu.dma_semaphore, #tpu.memory_space<semaphore_mem>>)
      %dma_wait3A_471 = arith.constant 0 : i32
      %dma_wait3A_472 = arith.constant 0 : i32
      %dma_wait3A_473 = tpu.memref_slice %arg3[%run_scoped3A_3, %add3A, %dma_wait3A_471, %dma_wait3A_472] : memref<2x32x80x125xi32, #tpu.memory_space<hbm>> -> memref<1x1x80x125xi32, #tpu.memory_space<hbm>>
      %dma_wait3A_474 = tpu.memref_squeeze %dma_wait3A_473 : memref<1x1x80x125xi32, #tpu.memory_space<hbm>> -> memref<80x125xi32, #tpu.memory_space<hbm>>
      %dma_wait3A_475 = arith.constant 0 : i32
      %dma_wait3A_476 = arith.constant 0 : i32
      %dma_wait3A_477 = tpu.memref_slice %arg3[%run_scoped3A_3, %add3A, %dma_wait3A_475, %dma_wait3A_476] : memref<2x32x80x125xi32, #tpu.memory_space<hbm>> -> memref<1x1x80x125xi32, #tpu.memory_space<hbm>>
      %dma_wait3A_478 = tpu.memref_squeeze %dma_wait3A_477 : memref<1x1x80x125xi32, #tpu.memory_space<hbm>> -> memref<80x125xi32, #tpu.memory_space<hbm>>
      tpu.wait_dma2 semaphore(%run_scoped3A_462 : memref<!tpu.dma_semaphore, #tpu.memory_space<semaphore_mem>>) src(%dma_wait3A_478 : memref<80x125xi32, #tpu.memory_space<hbm>>) dst(%arg7 : memref<80x125xi32, #tpu.memory_space<vmem>>)
      tpu.yield
    }) : () -> ()
    %dma_start3A = arith.constant 0 : i32
    %dma_start3A_4 = arith.constant 0 : i32
    %dma_start3A_5 = tpu.memref_slice %arg6[%dma_start3A, %dma_start3A_4] : memref<80x125xi32, #tpu.memory_space<vmem>> -> memref<1x125xi32, #tpu.memory_space<vmem>>
    %dma_start3A_6 = tpu.memref_squeeze %dma_start3A_5 : memref<1x125xi32, #tpu.memory_space<vmem>> -> memref<125xi32, #tpu.memory_space<vmem>>
    %dma_start3A_7 = arith.constant 0 : i32
    %dma_start3A_8 = arith.constant 0 : i32
    %dma_start3A_9 = tpu.memref_slice %arg2[%dma_start3A_7, %dma_start3A_8] : memref<10000x64xf32, #tpu.memory_space<hbm>> -> memref<10000x64xf32, #tpu.memory_space<hbm>>
    tpu.enqueue_indirect_dma source(%dma_start3A_9 : memref<10000x64xf32, #tpu.memory_space<hbm>>) target(%arg8 : memref<125x64xf32, #tpu.memory_space<vmem>>) offsets(%dma_start3A_6 : memref<125xi32, #tpu.memory_space<vmem>>) semaphore(%arg17 : memref<!tpu.dma_semaphore, #tpu.memory_space<semaphore_mem>>)
    %dma_start3A_10 = arith.constant 1 : i32
    %dma_start3A_11 = arith.constant 0 : i32
    %dma_start3A_12 = tpu.memref_slice %arg6[%dma_start3A_10, %dma_start3A_11] : memref<80x125xi32, #tpu.memory_space<vmem>> -> memref<1x125xi32, #tpu.memory_space<vmem>>
    %dma_start3A_13 = tpu.memref_squeeze %dma_start3A_12 : memref<1x125xi32, #tpu.memory_space<vmem>> -> memref<125xi32, #tpu.memory_space<vmem>>
    %dma_start3A_14 = arith.constant 0 : i32
    %dma_start3A_15 = arith.constant 0 : i32
    %dma_start3A_16 = tpu.memref_slice %arg2[%dma_start3A_14, %dma_start3A_15] : memref<10000x64xf32, #tpu.memory_space<hbm>> -> memref<10000x64xf32, #tpu.memory_space<hbm>>
    tpu.enqueue_indirect_dma source(%dma_start3A_16 : memref<10000x64xf32, #tpu.memory_space<hbm>>) target(%arg9 : memref<125x64xf32, #tpu.memory_space<vmem>>) offsets(%dma_start3A_13 : memref<125xi32, #tpu.memory_space<vmem>>) semaphore(%arg18 : memref<!tpu.dma_semaphore, #tpu.memory_space<semaphore_mem>>)
    %dma_start3A_17 = arith.constant 2 : i32
    %dma_start3A_18 = arith.constant 0 : i32
    %dma_start3A_19 = tpu.memref_slice %arg6[%dma_start3A_17, %dma_start3A_18] : memref<80x125xi32, #tpu.memory_space<vmem>> -> memref<1x125xi32, #tpu.memory_space<vmem>>
    %dma_start3A_20 = tpu.memref_squeeze %dma_start3A_19 : memref<1x125xi32, #tpu.memory_space<vmem>> -> memref<125xi32, #tpu.memory_space<vmem>>
    %dma_start3A_21 = arith.constant 0 : i32
    %dma_start3A_22 = arith.constant 0 : i32
    %dma_start3A_23 = tpu.memref_slice %arg2[%dma_start3A_21, %dma_start3A_22] : memref<10000x64xf32, #tpu.memory_space<hbm>> -> memref<10000x64xf32, #tpu.memory_space<hbm>>
    tpu.enqueue_indirect_dma source(%dma_start3A_23 : memref<10000x64xf32, #tpu.memory_space<hbm>>) target(%arg10 : memref<125x64xf32, #tpu.memory_space<vmem>>) offsets(%dma_start3A_20 : memref<125xi32, #tpu.memory_space<vmem>>) semaphore(%arg19 : memref<!tpu.dma_semaphore, #tpu.memory_space<semaphore_mem>>)
    %dma_start3A_24 = arith.constant 3 : i32
    %dma_start3A_25 = arith.constant 0 : i32
    %dma_start3A_26 = tpu.memref_slice %arg6[%dma_start3A_24, %dma_start3A_25] : memref<80x125xi32, #tpu.memory_space<vmem>> -> memref<1x125xi32, #tpu.memory_space<vmem>>
    %dma_start3A_27 = tpu.memref_squeeze %dma_start3A_26 : memref<1x125xi32, #tpu.memory_space<vmem>> -> memref<125xi32, #tpu.memory_space<vmem>>
    %dma_start3A_28 = arith.constant 0 : i32
    %dma_start3A_29 = arith.constant 0 : i32
    %dma_start3A_30 = tpu.memref_slice %arg2[%dma_start3A_28, %dma_start3A_29] : memref<10000x64xf32, #tpu.memory_space<hbm>> -> memref<10000x64xf32, #tpu.memory_space<hbm>>
    tpu.enqueue_indirect_dma source(%dma_start3A_30 : memref<10000x64xf32, #tpu.memory_space<hbm>>) target(%arg11 : memref<125x64xf32, #tpu.memory_space<vmem>>) offsets(%dma_start3A_27 : memref<125xi32, #tpu.memory_space<vmem>>) semaphore(%arg20 : memref<!tpu.dma_semaphore, #tpu.memory_space<semaphore_mem>>)
    %dma_wait3A = arith.constant 0 : i32
    %dma_wait3A_31 = arith.constant 0 : i32
    %dma_wait3A_32 = tpu.memref_slice %arg6[%dma_wait3A, %dma_wait3A_31] : memref<80x125xi32, #tpu.memory_space<vmem>> -> memref<1x125xi32, #tpu.memory_space<vmem>>
    %dma_wait3A_33 = tpu.memref_squeeze %dma_wait3A_32 : memref<1x125xi32, #tpu.memory_space<vmem>> -> memref<125xi32, #tpu.memory_space<vmem>>
    %dma_wait3A_34 = arith.constant 0 : i32
    %dma_wait3A_35 = arith.constant 0 : i32
    %dma_wait3A_36 = tpu.memref_slice %arg2[%dma_wait3A_34, %dma_wait3A_35] : memref<10000x64xf32, #tpu.memory_space<hbm>> -> memref<10000x64xf32, #tpu.memory_space<hbm>>
    tpu.wait_indirect_dma semaphore(%arg17 : memref<!tpu.dma_semaphore, #tpu.memory_space<semaphore_mem>>) src(%dma_wait3A_36 : memref<10000x64xf32, #tpu.memory_space<hbm>>) dst(%arg8 : memref<125x64xf32, #tpu.memory_space<vmem>>)
    %dma_start3A_37 = arith.constant 0 : i32
    %dma_start3A_38 = arith.constant 0 : i32
    %dma_start3A_39 = tpu.memref_slice %arg7[%dma_start3A_37, %dma_start3A_38] : memref<80x125xi32, #tpu.memory_space<vmem>> -> memref<1x125xi32, #tpu.memory_space<vmem>>
    %dma_start3A_40 = tpu.memref_squeeze %dma_start3A_39 : memref<1x125xi32, #tpu.memory_space<vmem>> -> memref<125xi32, #tpu.memory_space<vmem>>
    %dma_start3A_41 = arith.constant 0 : i32
    %dma_start3A_42 = arith.constant 0 : i32
    %dma_start3A_43 = tpu.memref_slice %arg16[%dma_start3A_41, %dma_start3A_42] : memref<10112x64xf32, #tpu.memory_space<vmem_shared>> -> memref<10112x64xf32, #tpu.memory_space<vmem_shared>>
    tpu.enqueue_indirect_dma source(%arg8 : memref<125x64xf32, #tpu.memory_space<vmem>>) target(%dma_start3A_43 : memref<10112x64xf32, #tpu.memory_space<vmem_shared>>) offsets(%dma_start3A_40 : memref<125xi32, #tpu.memory_space<vmem>>) semaphore(%arg25 : memref<!tpu.dma_semaphore, #tpu.memory_space<semaphore_mem>>) {add = true}
    %dma_start3A_44 = arith.constant 4 : i32
    %dma_start3A_45 = arith.constant 0 : i32
    %dma_start3A_46 = tpu.memref_slice %arg6[%dma_start3A_44, %dma_start3A_45] : memref<80x125xi32, #tpu.memory_space<vmem>> -> memref<1x125xi32, #tpu.memory_space<vmem>>
    %dma_start3A_47 = tpu.memref_squeeze %dma_start3A_46 : memref<1x125xi32, #tpu.memory_space<vmem>> -> memref<125xi32, #tpu.memory_space<vmem>>
    %dma_start3A_48 = arith.constant 0 : i32
    %dma_start3A_49 = arith.constant 0 : i32
    %dma_start3A_50 = tpu.memref_slice %arg2[%dma_start3A_48, %dma_start3A_49] : memref<10000x64xf32, #tpu.memory_space<hbm>> -> memref<10000x64xf32, #tpu.memory_space<hbm>>
    tpu.enqueue_indirect_dma source(%dma_start3A_50 : memref<10000x64xf32, #tpu.memory_space<hbm>>) target(%arg12 : memref<125x64xf32, #tpu.memory_space<vmem>>) offsets(%dma_start3A_47 : memref<125xi32, #tpu.memory_space<vmem>>) semaphore(%arg21 : memref<!tpu.dma_semaphore, #tpu.memory_space<semaphore_mem>>)
    %dma_wait3A_51 = arith.constant 0 : i32
    %dma_wait3A_52 = arith.constant 0 : i32
    %dma_wait3A_53 = tpu.memref_slice %arg6[%dma_wait3A_51, %dma_wait3A_52] : memref<80x125xi32, #tpu.memory_space<vmem>> -> memref<1x125xi32, #tpu.memory_space<vmem>>
    %dma_wait3A_54 = tpu.memref_squeeze %dma_wait3A_53 : memref<1x125xi32, #tpu.memory_space<vmem>> -> memref<125xi32, #tpu.memory_space<vmem>>
    %dma_wait3A_55 = arith.constant 0 : i32
    %dma_wait3A_56 = arith.constant 0 : i32
    %dma_wait3A_57 = tpu.memref_slice %arg2[%dma_wait3A_55, %dma_wait3A_56] : memref<10000x64xf32, #tpu.memory_space<hbm>> -> memref<10000x64xf32, #tpu.memory_space<hbm>>
    tpu.wait_indirect_dma semaphore(%arg18 : memref<!tpu.dma_semaphore, #tpu.memory_space<semaphore_mem>>) src(%dma_wait3A_57 : memref<10000x64xf32, #tpu.memory_space<hbm>>) dst(%arg9 : memref<125x64xf32, #tpu.memory_space<vmem>>)
    %dma_start3A_58 = arith.constant 1 : i32
    %dma_start3A_59 = arith.constant 0 : i32
    %dma_start3A_60 = tpu.memref_slice %arg7[%dma_start3A_58, %dma_start3A_59] : memref<80x125xi32, #tpu.memory_space<vmem>> -> memref<1x125xi32, #tpu.memory_space<vmem>>
    %dma_start3A_61 = tpu.memref_squeeze %dma_start3A_60 : memref<1x125xi32, #tpu.memory_space<vmem>> -> memref<125xi32, #tpu.memory_space<vmem>>
    %dma_start3A_62 = arith.constant 0 : i32
    %dma_start3A_63 = arith.constant 0 : i32
    %dma_start3A_64 = tpu.memref_slice %arg16[%dma_start3A_62, %dma_start3A_63] : memref<10112x64xf32, #tpu.memory_space<vmem_shared>> -> memref<10112x64xf32, #tpu.memory_space<vmem_shared>>
    tpu.enqueue_indirect_dma source(%arg9 : memref<125x64xf32, #tpu.memory_space<vmem>>) target(%dma_start3A_64 : memref<10112x64xf32, #tpu.memory_space<vmem_shared>>) offsets(%dma_start3A_61 : memref<125xi32, #tpu.memory_space<vmem>>) semaphore(%arg26 : memref<!tpu.dma_semaphore, #tpu.memory_space<semaphore_mem>>) {add = true}
    %dma_start3A_65 = arith.constant 5 : i32
    %dma_start3A_66 = arith.constant 0 : i32
    %dma_start3A_67 = tpu.memref_slice %arg6[%dma_start3A_65, %dma_start3A_66] : memref<80x125xi32, #tpu.memory_space<vmem>> -> memref<1x125xi32, #tpu.memory_space<vmem>>
    %dma_start3A_68 = tpu.memref_squeeze %dma_start3A_67 : memref<1x125xi32, #tpu.memory_space<vmem>> -> memref<125xi32, #tpu.memory_space<vmem>>
    %dma_start3A_69 = arith.constant 0 : i32
    %dma_start3A_70 = arith.constant 0 : i32
    %dma_start3A_71 = tpu.memref_slice %arg2[%dma_start3A_69, %dma_start3A_70] : memref<10000x64xf32, #tpu.memory_space<hbm>> -> memref<10000x64xf32, #tpu.memory_space<hbm>>
    tpu.enqueue_indirect_dma source(%dma_start3A_71 : memref<10000x64xf32, #tpu.memory_space<hbm>>) target(%arg13 : memref<125x64xf32, #tpu.memory_space<vmem>>) offsets(%dma_start3A_68 : memref<125xi32, #tpu.memory_space<vmem>>) semaphore(%arg22 : memref<!tpu.dma_semaphore, #tpu.memory_space<semaphore_mem>>)
    %dma_wait3A_72 = arith.constant 0 : i32
    %dma_wait3A_73 = arith.constant 0 : i32
    %dma_wait3A_74 = tpu.memref_slice %arg6[%dma_wait3A_72, %dma_wait3A_73] : memref<80x125xi32, #tpu.memory_space<vmem>> -> memref<1x125xi32, #tpu.memory_space<vmem>>
    %dma_wait3A_75 = tpu.memref_squeeze %dma_wait3A_74 : memref<1x125xi32, #tpu.memory_space<vmem>> -> memref<125xi32, #tpu.memory_space<vmem>>
    %dma_wait3A_76 = arith.constant 0 : i32
    %dma_wait3A_77 = arith.constant 0 : i32
    %dma_wait3A_78 = tpu.memref_slice %arg2[%dma_wait3A_76, %dma_wait3A_77] : memref<10000x64xf32, #tpu.memory_space<hbm>> -> memref<10000x64xf32, #tpu.memory_space<hbm>>
    tpu.wait_indirect_dma semaphore(%arg19 : memref<!tpu.dma_semaphore, #tpu.memory_space<semaphore_mem>>) src(%dma_wait3A_78 : memref<10000x64xf32, #tpu.memory_space<hbm>>) dst(%arg10 : memref<125x64xf32, #tpu.memory_space<vmem>>)
    %dma_start3A_79 = arith.constant 2 : i32
    %dma_start3A_80 = arith.constant 0 : i32
    %dma_start3A_81 = tpu.memref_slice %arg7[%dma_start3A_79, %dma_start3A_80] : memref<80x125xi32, #tpu.memory_space<vmem>> -> memref<1x125xi32, #tpu.memory_space<vmem>>
    %dma_start3A_82 = tpu.memref_squeeze %dma_start3A_81 : memref<1x125xi32, #tpu.memory_space<vmem>> -> memref<125xi32, #tpu.memory_space<vmem>>
    %dma_start3A_83 = arith.constant 0 : i32
    %dma_start3A_84 = arith.constant 0 : i32
    %dma_start3A_85 = tpu.memref_slice %arg16[%dma_start3A_83, %dma_start3A_84] : memref<10112x64xf32, #tpu.memory_space<vmem_shared>> -> memref<10112x64xf32, #tpu.memory_space<vmem_shared>>
    tpu.enqueue_indirect_dma source(%arg10 : memref<125x64xf32, #tpu.memory_space<vmem>>) target(%dma_start3A_85 : memref<10112x64xf32, #tpu.memory_space<vmem_shared>>) offsets(%dma_start3A_82 : memref<125xi32, #tpu.memory_space<vmem>>) semaphore(%arg27 : memref<!tpu.dma_semaphore, #tpu.memory_space<semaphore_mem>>) {add = true}
    %dma_start3A_86 = arith.constant 6 : i32
    %dma_start3A_87 = arith.constant 0 : i32
    %dma_start3A_88 = tpu.memref_slice %arg6[%dma_start3A_86, %dma_start3A_87] : memref<80x125xi32, #tpu.memory_space<vmem>> -> memref<1x125xi32, #tpu.memory_space<vmem>>
    %dma_start3A_89 = tpu.memref_squeeze %dma_start3A_88 : memref<1x125xi32, #tpu.memory_space<vmem>> -> memref<125xi32, #tpu.memory_space<vmem>>
    %dma_start3A_90 = arith.constant 0 : i32
    %dma_start3A_91 = arith.constant 0 : i32
    %dma_start3A_92 = tpu.memref_slice %arg2[%dma_start3A_90, %dma_start3A_91] : memref<10000x64xf32, #tpu.memory_space<hbm>> -> memref<10000x64xf32, #tpu.memory_space<hbm>>
    tpu.enqueue_indirect_dma source(%dma_start3A_92 : memref<10000x64xf32, #tpu.memory_space<hbm>>) target(%arg14 : memref<125x64xf32, #tpu.memory_space<vmem>>) offsets(%dma_start3A_89 : memref<125xi32, #tpu.memory_space<vmem>>) semaphore(%arg23 : memref<!tpu.dma_semaphore, #tpu.memory_space<semaphore_mem>>)
    %dma_wait3A_93 = arith.constant 0 : i32
    %dma_wait3A_94 = arith.constant 0 : i32
    %dma_wait3A_95 = tpu.memref_slice %arg6[%dma_wait3A_93, %dma_wait3A_94] : memref<80x125xi32, #tpu.memory_space<vmem>> -> memref<1x125xi32, #tpu.memory_space<vmem>>
    %dma_wait3A_96 = tpu.memref_squeeze %dma_wait3A_95 : memref<1x125xi32, #tpu.memory_space<vmem>> -> memref<125xi32, #tpu.memory_space<vmem>>
    %dma_wait3A_97 = arith.constant 0 : i32
    %dma_wait3A_98 = arith.constant 0 : i32
    %dma_wait3A_99 = tpu.memref_slice %arg2[%dma_wait3A_97, %dma_wait3A_98] : memref<10000x64xf32, #tpu.memory_space<hbm>> -> memref<10000x64xf32, #tpu.memory_space<hbm>>
    tpu.wait_indirect_dma semaphore(%arg20 : memref<!tpu.dma_semaphore, #tpu.memory_space<semaphore_mem>>) src(%dma_wait3A_99 : memref<10000x64xf32, #tpu.memory_space<hbm>>) dst(%arg11 : memref<125x64xf32, #tpu.memory_space<vmem>>)
    %dma_start3A_100 = arith.constant 3 : i32
    %dma_start3A_101 = arith.constant 0 : i32
    %dma_start3A_102 = tpu.memref_slice %arg7[%dma_start3A_100, %dma_start3A_101] : memref<80x125xi32, #tpu.memory_space<vmem>> -> memref<1x125xi32, #tpu.memory_space<vmem>>
    %dma_start3A_103 = tpu.memref_squeeze %dma_start3A_102 : memref<1x125xi32, #tpu.memory_space<vmem>> -> memref<125xi32, #tpu.memory_space<vmem>>
    %dma_start3A_104 = arith.constant 0 : i32
    %dma_start3A_105 = arith.constant 0 : i32
    %dma_start3A_106 = tpu.memref_slice %arg16[%dma_start3A_104, %dma_start3A_105] : memref<10112x64xf32, #tpu.memory_space<vmem_shared>> -> memref<10112x64xf32, #tpu.memory_space<vmem_shared>>
    tpu.enqueue_indirect_dma source(%arg11 : memref<125x64xf32, #tpu.memory_space<vmem>>) target(%dma_start3A_106 : memref<10112x64xf32, #tpu.memory_space<vmem_shared>>) offsets(%dma_start3A_103 : memref<125xi32, #tpu.memory_space<vmem>>) semaphore(%arg28 : memref<!tpu.dma_semaphore, #tpu.memory_space<semaphore_mem>>) {add = true}
    %dma_start3A_107 = arith.constant 7 : i32
    %dma_start3A_108 = arith.constant 0 : i32
    %dma_start3A_109 = tpu.memref_slice %arg6[%dma_start3A_107, %dma_start3A_108] : memref<80x125xi32, #tpu.memory_space<vmem>> -> memref<1x125xi32, #tpu.memory_space<vmem>>
    %dma_start3A_110 = tpu.memref_squeeze %dma_start3A_109 : memref<1x125xi32, #tpu.memory_space<vmem>> -> memref<125xi32, #tpu.memory_space<vmem>>
    %dma_start3A_111 = arith.constant 0 : i32
    %dma_start3A_112 = arith.constant 0 : i32
    %dma_start3A_113 = tpu.memref_slice %arg2[%dma_start3A_111, %dma_start3A_112] : memref<10000x64xf32, #tpu.memory_space<hbm>> -> memref<10000x64xf32, #tpu.memory_space<hbm>>
    tpu.enqueue_indirect_dma source(%dma_start3A_113 : memref<10000x64xf32, #tpu.memory_space<hbm>>) target(%arg15 : memref<125x64xf32, #tpu.memory_space<vmem>>) offsets(%dma_start3A_110 : memref<125xi32, #tpu.memory_space<vmem>>) semaphore(%arg24 : memref<!tpu.dma_semaphore, #tpu.memory_space<semaphore_mem>>)
    %dma_wait3A_114 = arith.constant 0 : i32
    %dma_wait3A_115 = arith.constant 0 : i32
    %dma_wait3A_116 = tpu.memref_slice %arg6[%dma_wait3A_114, %dma_wait3A_115] : memref<80x125xi32, #tpu.memory_space<vmem>> -> memref<1x125xi32, #tpu.memory_space<vmem>>
    %dma_wait3A_117 = tpu.memref_squeeze %dma_wait3A_116 : memref<1x125xi32, #tpu.memory_space<vmem>> -> memref<125xi32, #tpu.memory_space<vmem>>
    %dma_wait3A_118 = arith.constant 0 : i32
    %dma_wait3A_119 = arith.constant 0 : i32
    %dma_wait3A_120 = tpu.memref_slice %arg2[%dma_wait3A_118, %dma_wait3A_119] : memref<10000x64xf32, #tpu.memory_space<hbm>> -> memref<10000x64xf32, #tpu.memory_space<hbm>>
    tpu.wait_indirect_dma semaphore(%arg21 : memref<!tpu.dma_semaphore, #tpu.memory_space<semaphore_mem>>) src(%dma_wait3A_120 : memref<10000x64xf32, #tpu.memory_space<hbm>>) dst(%arg12 : memref<125x64xf32, #tpu.memory_space<vmem>>)
    %dma_start3A_121 = arith.constant 4 : i32
    %dma_start3A_122 = arith.constant 0 : i32
    %dma_start3A_123 = tpu.memref_slice %arg7[%dma_start3A_121, %dma_start3A_122] : memref<80x125xi32, #tpu.memory_space<vmem>> -> memref<1x125xi32, #tpu.memory_space<vmem>>
    %dma_start3A_124 = tpu.memref_squeeze %dma_start3A_123 : memref<1x125xi32, #tpu.memory_space<vmem>> -> memref<125xi32, #tpu.memory_space<vmem>>
    %dma_start3A_125 = arith.constant 0 : i32
    %dma_start3A_126 = arith.constant 0 : i32
    %dma_start3A_127 = tpu.memref_slice %arg16[%dma_start3A_125, %dma_start3A_126] : memref<10112x64xf32, #tpu.memory_space<vmem_shared>> -> memref<10112x64xf32, #tpu.memory_space<vmem_shared>>
    tpu.enqueue_indirect_dma source(%arg12 : memref<125x64xf32, #tpu.memory_space<vmem>>) target(%dma_start3A_127 : memref<10112x64xf32, #tpu.memory_space<vmem_shared>>) offsets(%dma_start3A_124 : memref<125xi32, #tpu.memory_space<vmem>>) semaphore(%arg29 : memref<!tpu.dma_semaphore, #tpu.memory_space<semaphore_mem>>) {add = true}
    %dma_wait3A_128 = arith.constant 0 : i32
    %dma_wait3A_129 = arith.constant 0 : i32
    %dma_wait3A_130 = tpu.memref_slice %arg7[%dma_wait3A_128, %dma_wait3A_129] : memref<80x125xi32, #tpu.memory_space<vmem>> -> memref<1x125xi32, #tpu.memory_space<vmem>>
    %dma_wait3A_131 = tpu.memref_squeeze %dma_wait3A_130 : memref<1x125xi32, #tpu.memory_space<vmem>> -> memref<125xi32, #tpu.memory_space<vmem>>
    %dma_wait3A_132 = arith.constant 0 : i32
    %dma_wait3A_133 = arith.constant 0 : i32
    %dma_wait3A_134 = tpu.memref_slice %arg16[%dma_wait3A_132, %dma_wait3A_133] : memref<10112x64xf32, #tpu.memory_space<vmem_shared>> -> memref<10112x64xf32, #tpu.memory_space<vmem_shared>>
    tpu.wait_indirect_dma semaphore(%arg25 : memref<!tpu.dma_semaphore, #tpu.memory_space<semaphore_mem>>) src(%arg8 : memref<125x64xf32, #tpu.memory_space<vmem>>) dst(%dma_wait3A_134 : memref<10112x64xf32, #tpu.memory_space<vmem_shared>>)
    %dma_start3A_135 = arith.constant 8 : i32
    %dma_start3A_136 = arith.constant 0 : i32
    %dma_start3A_137 = tpu.memref_slice %arg6[%dma_start3A_135, %dma_start3A_136] : memref<80x125xi32, #tpu.memory_space<vmem>> -> memref<1x125xi32, #tpu.memory_space<vmem>>
    %dma_start3A_138 = tpu.memref_squeeze %dma_start3A_137 : memref<1x125xi32, #tpu.memory_space<vmem>> -> memref<125xi32, #tpu.memory_space<vmem>>
    %dma_start3A_139 = arith.constant 0 : i32
    %dma_start3A_140 = arith.constant 0 : i32
    %dma_start3A_141 = tpu.memref_slice %arg2[%dma_start3A_139, %dma_start3A_140] : memref<10000x64xf32, #tpu.memory_space<hbm>> -> memref<10000x64xf32, #tpu.memory_space<hbm>>
    tpu.enqueue_indirect_dma source(%dma_start3A_141 : memref<10000x64xf32, #tpu.memory_space<hbm>>) target(%arg8 : memref<125x64xf32, #tpu.memory_space<vmem>>) offsets(%dma_start3A_138 : memref<125xi32, #tpu.memory_space<vmem>>) semaphore(%arg17 : memref<!tpu.dma_semaphore, #tpu.memory_space<semaphore_mem>>)
    %dma_wait3A_142 = arith.constant 0 : i32
    %dma_wait3A_143 = arith.constant 0 : i32
    %dma_wait3A_144 = tpu.memref_slice %arg6[%dma_wait3A_142, %dma_wait3A_143] : memref<80x125xi32, #tpu.memory_space<vmem>> -> memref<1x125xi32, #tpu.memory_space<vmem>>
    %dma_wait3A_145 = tpu.memref_squeeze %dma_wait3A_144 : memref<1x125xi32, #tpu.memory_space<vmem>> -> memref<125xi32, #tpu.memory_space<vmem>>
    %dma_wait3A_146 = arith.constant 0 : i32
    %dma_wait3A_147 = arith.constant 0 : i32
    %dma_wait3A_148 = tpu.memref_slice %arg2[%dma_wait3A_146, %dma_wait3A_147] : memref<10000x64xf32, #tpu.memory_space<hbm>> -> memref<10000x64xf32, #tpu.memory_space<hbm>>
    tpu.wait_indirect_dma semaphore(%arg22 : memref<!tpu.dma_semaphore, #tpu.memory_space<semaphore_mem>>) src(%dma_wait3A_148 : memref<10000x64xf32, #tpu.memory_space<hbm>>) dst(%arg13 : memref<125x64xf32, #tpu.memory_space<vmem>>)
    %dma_start3A_149 = arith.constant 5 : i32
    %dma_start3A_150 = arith.constant 0 : i32
    %dma_start3A_151 = tpu.memref_slice %arg7[%dma_start3A_149, %dma_start3A_150] : memref<80x125xi32, #tpu.memory_space<vmem>> -> memref<1x125xi32, #tpu.memory_space<vmem>>
    %dma_start3A_152 = tpu.memref_squeeze %dma_start3A_151 : memref<1x125xi32, #tpu.memory_space<vmem>> -> memref<125xi32, #tpu.memory_space<vmem>>
    %dma_start3A_153 = arith.constant 0 : i32
    %dma_start3A_154 = arith.constant 0 : i32
    %dma_start3A_155 = tpu.memref_slice %arg16[%dma_start3A_153, %dma_start3A_154] : memref<10112x64xf32, #tpu.memory_space<vmem_shared>> -> memref<10112x64xf32, #tpu.memory_space<vmem_shared>>
    tpu.enqueue_indirect_dma source(%arg13 : memref<125x64xf32, #tpu.memory_space<vmem>>) target(%dma_start3A_155 : memref<10112x64xf32, #tpu.memory_space<vmem_shared>>) offsets(%dma_start3A_152 : memref<125xi32, #tpu.memory_space<vmem>>) semaphore(%arg30 : memref<!tpu.dma_semaphore, #tpu.memory_space<semaphore_mem>>) {add = true}
    %dma_wait3A_156 = arith.constant 0 : i32
    %dma_wait3A_157 = arith.constant 0 : i32
    %dma_wait3A_158 = tpu.memref_slice %arg7[%dma_wait3A_156, %dma_wait3A_157] : memref<80x125xi32, #tpu.memory_space<vmem>> -> memref<1x125xi32, #tpu.memory_space<vmem>>
    %dma_wait3A_159 = tpu.memref_squeeze %dma_wait3A_158 : memref<1x125xi32, #tpu.memory_space<vmem>> -> memref<125xi32, #tpu.memory_space<vmem>>
    %dma_wait3A_160 = arith.constant 0 : i32
    %dma_wait3A_161 = arith.constant 0 : i32
    %dma_wait3A_162 = tpu.memref_slice %arg16[%dma_wait3A_160, %dma_wait3A_161] : memref<10112x64xf32, #tpu.memory_space<vmem_shared>> -> memref<10112x64xf32, #tpu.memory_space<vmem_shared>>
    tpu.wait_indirect_dma semaphore(%arg26 : memref<!tpu.dma_semaphore, #tpu.memory_space<semaphore_mem>>) src(%arg9 : memref<125x64xf32, #tpu.memory_space<vmem>>) dst(%dma_wait3A_162 : memref<10112x64xf32, #tpu.memory_space<vmem_shared>>)
    %dma_start3A_163 = arith.constant 9 : i32
    %dma_start3A_164 = arith.constant 0 : i32
    %dma_start3A_165 = tpu.memref_slice %arg6[%dma_start3A_163, %dma_start3A_164] : memref<80x125xi32, #tpu.memory_space<vmem>> -> memref<1x125xi32, #tpu.memory_space<vmem>>
    %dma_start3A_166 = tpu.memref_squeeze %dma_start3A_165 : memref<1x125xi32, #tpu.memory_space<vmem>> -> memref<125xi32, #tpu.memory_space<vmem>>
    %dma_start3A_167 = arith.constant 0 : i32
    %dma_start3A_168 = arith.constant 0 : i32
    %dma_start3A_169 = tpu.memref_slice %arg2[%dma_start3A_167, %dma_start3A_168] : memref<10000x64xf32, #tpu.memory_space<hbm>> -> memref<10000x64xf32, #tpu.memory_space<hbm>>
    tpu.enqueue_indirect_dma source(%dma_start3A_169 : memref<10000x64xf32, #tpu.memory_space<hbm>>) target(%arg9 : memref<125x64xf32, #tpu.memory_space<vmem>>) offsets(%dma_start3A_166 : memref<125xi32, #tpu.memory_space<vmem>>) semaphore(%arg18 : memref<!tpu.dma_semaphore, #tpu.memory_space<semaphore_mem>>)
    %dma_wait3A_170 = arith.constant 0 : i32
    %dma_wait3A_171 = arith.constant 0 : i32
    %dma_wait3A_172 = tpu.memref_slice %arg6[%dma_wait3A_170, %dma_wait3A_171] : memref<80x125xi32, #tpu.memory_space<vmem>> -> memref<1x125xi32, #tpu.memory_space<vmem>>
    %dma_wait3A_173 = tpu.memref_squeeze %dma_wait3A_172 : memref<1x125xi32, #tpu.memory_space<vmem>> -> memref<125xi32, #tpu.memory_space<vmem>>
    %dma_wait3A_174 = arith.constant 0 : i32
    %dma_wait3A_175 = arith.constant 0 : i32
    %dma_wait3A_176 = tpu.memref_slice %arg2[%dma_wait3A_174, %dma_wait3A_175] : memref<10000x64xf32, #tpu.memory_space<hbm>> -> memref<10000x64xf32, #tpu.memory_space<hbm>>
    tpu.wait_indirect_dma semaphore(%arg23 : memref<!tpu.dma_semaphore, #tpu.memory_space<semaphore_mem>>) src(%dma_wait3A_176 : memref<10000x64xf32, #tpu.memory_space<hbm>>) dst(%arg14 : memref<125x64xf32, #tpu.memory_space<vmem>>)
    %dma_start3A_177 = arith.constant 6 : i32
    %dma_start3A_178 = arith.constant 0 : i32
    %dma_start3A_179 = tpu.memref_slice %arg7[%dma_start3A_177, %dma_start3A_178] : memref<80x125xi32, #tpu.memory_space<vmem>> -> memref<1x125xi32, #tpu.memory_space<vmem>>
    %dma_start3A_180 = tpu.memref_squeeze %dma_start3A_179 : memref<1x125xi32, #tpu.memory_space<vmem>> -> memref<125xi32, #tpu.memory_space<vmem>>
    %dma_start3A_181 = arith.constant 0 : i32
    %dma_start3A_182 = arith.constant 0 : i32
    %dma_start3A_183 = tpu.memref_slice %arg16[%dma_start3A_181, %dma_start3A_182] : memref<10112x64xf32, #tpu.memory_space<vmem_shared>> -> memref<10112x64xf32, #tpu.memory_space<vmem_shared>>
    tpu.enqueue_indirect_dma source(%arg14 : memref<125x64xf32, #tpu.memory_space<vmem>>) target(%dma_start3A_183 : memref<10112x64xf32, #tpu.memory_space<vmem_shared>>) offsets(%dma_start3A_180 : memref<125xi32, #tpu.memory_space<vmem>>) semaphore(%arg31 : memref<!tpu.dma_semaphore, #tpu.memory_space<semaphore_mem>>) {add = true}
    %dma_wait3A_184 = arith.constant 0 : i32
    %dma_wait3A_185 = arith.constant 0 : i32
    %dma_wait3A_186 = tpu.memref_slice %arg7[%dma_wait3A_184, %dma_wait3A_185] : memref<80x125xi32, #tpu.memory_space<vmem>> -> memref<1x125xi32, #tpu.memory_space<vmem>>
    %dma_wait3A_187 = tpu.memref_squeeze %dma_wait3A_186 : memref<1x125xi32, #tpu.memory_space<vmem>> -> memref<125xi32, #tpu.memory_space<vmem>>
    %dma_wait3A_188 = arith.constant 0 : i32
    %dma_wait3A_189 = arith.constant 0 : i32
    %dma_wait3A_190 = tpu.memref_slice %arg16[%dma_wait3A_188, %dma_wait3A_189] : memref<10112x64xf32, #tpu.memory_space<vmem_shared>> -> memref<10112x64xf32, #tpu.memory_space<vmem_shared>>
    tpu.wait_indirect_dma semaphore(%arg27 : memref<!tpu.dma_semaphore, #tpu.memory_space<semaphore_mem>>) src(%arg10 : memref<125x64xf32, #tpu.memory_space<vmem>>) dst(%dma_wait3A_190 : memref<10112x64xf32, #tpu.memory_space<vmem_shared>>)
    %dma_start3A_191 = arith.constant 10 : i32
    %dma_start3A_192 = arith.constant 0 : i32
    %dma_start3A_193 = tpu.memref_slice %arg6[%dma_start3A_191, %dma_start3A_192] : memref<80x125xi32, #tpu.memory_space<vmem>> -> memref<1x125xi32, #tpu.memory_space<vmem>>
    %dma_start3A_194 = tpu.memref_squeeze %dma_start3A_193 : memref<1x125xi32, #tpu.memory_space<vmem>> -> memref<125xi32, #tpu.memory_space<vmem>>
    %dma_start3A_195 = arith.constant 0 : i32
    %dma_start3A_196 = arith.constant 0 : i32
    %dma_start3A_197 = tpu.memref_slice %arg2[%dma_start3A_195, %dma_start3A_196] : memref<10000x64xf32, #tpu.memory_space<hbm>> -> memref<10000x64xf32, #tpu.memory_space<hbm>>
    tpu.enqueue_indirect_dma source(%dma_start3A_197 : memref<10000x64xf32, #tpu.memory_space<hbm>>) target(%arg10 : memref<125x64xf32, #tpu.memory_space<vmem>>) offsets(%dma_start3A_194 : memref<125xi32, #tpu.memory_space<vmem>>) semaphore(%arg19 : memref<!tpu.dma_semaphore, #tpu.memory_space<semaphore_mem>>)
    %dma_wait3A_198 = arith.constant 0 : i32
    %dma_wait3A_199 = arith.constant 0 : i32
    %dma_wait3A_200 = tpu.memref_slice %arg6[%dma_wait3A_198, %dma_wait3A_199] : memref<80x125xi32, #tpu.memory_space<vmem>> -> memref<1x125xi32, #tpu.memory_space<vmem>>
    %dma_wait3A_201 = tpu.memref_squeeze %dma_wait3A_200 : memref<1x125xi32, #tpu.memory_space<vmem>> -> memref<125xi32, #tpu.memory_space<vmem>>
    %dma_wait3A_202 = arith.constant 0 : i32
    %dma_wait3A_203 = arith.constant 0 : i32
    %dma_wait3A_204 = tpu.memref_slice %arg2[%dma_wait3A_202, %dma_wait3A_203] : memref<10000x64xf32, #tpu.memory_space<hbm>> -> memref<10000x64xf32, #tpu.memory_space<hbm>>
    tpu.wait_indirect_dma semaphore(%arg24 : memref<!tpu.dma_semaphore, #tpu.memory_space<semaphore_mem>>) src(%dma_wait3A_204 : memref<10000x64xf32, #tpu.memory_space<hbm>>) dst(%arg15 : memref<125x64xf32, #tpu.memory_space<vmem>>)
    %dma_start3A_205 = arith.constant 7 : i32
    %dma_start3A_206 = arith.constant 0 : i32
    %dma_start3A_207 = tpu.memref_slice %arg7[%dma_start3A_205, %dma_start3A_206] : memref<80x125xi32, #tpu.memory_space<vmem>> -> memref<1x125xi32, #tpu.memory_space<vmem>>
    %dma_start3A_208 = tpu.memref_squeeze %dma_start3A_207 : memref<1x125xi32, #tpu.memory_space<vmem>> -> memref<125xi32, #tpu.memory_space<vmem>>
    %dma_start3A_209 = arith.constant 0 : i32
    %dma_start3A_210 = arith.constant 0 : i32
    %dma_start3A_211 = tpu.memref_slice %arg16[%dma_start3A_209, %dma_start3A_210] : memref<10112x64xf32, #tpu.memory_space<vmem_shared>> -> memref<10112x64xf32, #tpu.memory_space<vmem_shared>>
    tpu.enqueue_indirect_dma source(%arg15 : memref<125x64xf32, #tpu.memory_space<vmem>>) target(%dma_start3A_211 : memref<10112x64xf32, #tpu.memory_space<vmem_shared>>) offsets(%dma_start3A_208 : memref<125xi32, #tpu.memory_space<vmem>>) semaphore(%arg32 : memref<!tpu.dma_semaphore, #tpu.memory_space<semaphore_mem>>) {add = true}
    %dma_wait3A_212 = arith.constant 0 : i32
    %dma_wait3A_213 = arith.constant 0 : i32
    %dma_wait3A_214 = tpu.memref_slice %arg7[%dma_wait3A_212, %dma_wait3A_213] : memref<80x125xi32, #tpu.memory_space<vmem>> -> memref<1x125xi32, #tpu.memory_space<vmem>>
    %dma_wait3A_215 = tpu.memref_squeeze %dma_wait3A_214 : memref<1x125xi32, #tpu.memory_space<vmem>> -> memref<125xi32, #tpu.memory_space<vmem>>
    %dma_wait3A_216 = arith.constant 0 : i32
    %dma_wait3A_217 = arith.constant 0 : i32
    %dma_wait3A_218 = tpu.memref_slice %arg16[%dma_wait3A_216, %dma_wait3A_217] : memref<10112x64xf32, #tpu.memory_space<vmem_shared>> -> memref<10112x64xf32, #tpu.memory_space<vmem_shared>>
    tpu.wait_indirect_dma semaphore(%arg28 : memref<!tpu.dma_semaphore, #tpu.memory_space<semaphore_mem>>) src(%arg11 : memref<125x64xf32, #tpu.memory_space<vmem>>) dst(%dma_wait3A_218 : memref<10112x64xf32, #tpu.memory_space<vmem_shared>>)
    %dma_start3A_219 = arith.constant 11 : i32
    %dma_start3A_220 = arith.constant 0 : i32
    %dma_start3A_221 = tpu.memref_slice %arg6[%dma_start3A_219, %dma_start3A_220] : memref<80x125xi32, #tpu.memory_space<vmem>> -> memref<1x125xi32, #tpu.memory_space<vmem>>
    %dma_start3A_222 = tpu.memref_squeeze %dma_start3A_221 : memref<1x125xi32, #tpu.memory_space<vmem>> -> memref<125xi32, #tpu.memory_space<vmem>>
    %dma_start3A_223 = arith.constant 0 : i32
    %dma_start3A_224 = arith.constant 0 : i32
    %dma_start3A_225 = tpu.memref_slice %arg2[%dma_start3A_223, %dma_start3A_224] : memref<10000x64xf32, #tpu.memory_space<hbm>> -> memref<10000x64xf32, #tpu.memory_space<hbm>>
    tpu.enqueue_indirect_dma source(%dma_start3A_225 : memref<10000x64xf32, #tpu.memory_space<hbm>>) target(%arg11 : memref<125x64xf32, #tpu.memory_space<vmem>>) offsets(%dma_start3A_222 : memref<125xi32, #tpu.memory_space<vmem>>) semaphore(%arg20 : memref<!tpu.dma_semaphore, #tpu.memory_space<semaphore_mem>>)
    %scan3A = arith.constant 0 : i32
    %scan3A_226 = arith.constant 1 : i32
    %scan3A_227 = arith.constant 8 : i32
    %scan3A_228 = arith.addi %scan3A_226, %scan3A_227 : i32
    %scan3A_229 = arith.constant 1 : i32
    scf.for %scan3A_462 = %scan3A_226 to %scan3A_228 step %scan3A_229  : i32 {
      %mul3A_463 = arith.constant 8 : i32
      %mul3A_464 = arith.muli %mul3A_463, %scan3A_462 : i32
      %dma_wait3A_465 = arith.constant 0 : i32
      %dma_wait3A_466 = arith.constant 0 : i32
      %dma_wait3A_467 = tpu.memref_slice %arg6[%dma_wait3A_465, %dma_wait3A_466] : memref<80x125xi32, #tpu.memory_space<vmem>> -> memref<1x125xi32, #tpu.memory_space<vmem>>
      %dma_wait3A_468 = tpu.memref_squeeze %dma_wait3A_467 : memref<1x125xi32, #tpu.memory_space<vmem>> -> memref<125xi32, #tpu.memory_space<vmem>>
      %dma_wait3A_469 = arith.constant 0 : i32
      %dma_wait3A_470 = arith.constant 0 : i32
      %dma_wait3A_471 = tpu.memref_slice %arg2[%dma_wait3A_469, %dma_wait3A_470] : memref<10000x64xf32, #tpu.memory_space<hbm>> -> memref<10000x64xf32, #tpu.memory_space<hbm>>
      tpu.wait_indirect_dma semaphore(%arg17 : memref<!tpu.dma_semaphore, #tpu.memory_space<semaphore_mem>>) src(%dma_wait3A_471 : memref<10000x64xf32, #tpu.memory_space<hbm>>) dst(%arg8 : memref<125x64xf32, #tpu.memory_space<vmem>>)
      %add3A_472 = arith.constant 0 : i32
      %add3A_473 = arith.addi %mul3A_464, %add3A_472 : i32
      %dma_start3A_474 = arith.constant 0 : i32
      %dma_start3A_475 = tpu.memref_slice %arg7[%add3A_473, %dma_start3A_474] : memref<80x125xi32, #tpu.memory_space<vmem>> -> memref<1x125xi32, #tpu.memory_space<vmem>>
      %dma_start3A_476 = tpu.memref_squeeze %dma_start3A_475 : memref<1x125xi32, #tpu.memory_space<vmem>> -> memref<125xi32, #tpu.memory_space<vmem>>
      %dma_start3A_477 = arith.constant 0 : i32
      %dma_start3A_478 = arith.constant 0 : i32
      %dma_start3A_479 = tpu.memref_slice %arg16[%dma_start3A_477, %dma_start3A_478] : memref<10112x64xf32, #tpu.memory_space<vmem_shared>> -> memref<10112x64xf32, #tpu.memory_space<vmem_shared>>
      tpu.enqueue_indirect_dma source(%arg8 : memref<125x64xf32, #tpu.memory_space<vmem>>) target(%dma_start3A_479 : memref<10112x64xf32, #tpu.memory_space<vmem_shared>>) offsets(%dma_start3A_476 : memref<125xi32, #tpu.memory_space<vmem>>) semaphore(%arg25 : memref<!tpu.dma_semaphore, #tpu.memory_space<semaphore_mem>>) {add = true}
      %dma_wait3A_480 = arith.constant 0 : i32
      %dma_wait3A_481 = arith.constant 0 : i32
      %dma_wait3A_482 = tpu.memref_slice %arg7[%dma_wait3A_480, %dma_wait3A_481] : memref<80x125xi32, #tpu.memory_space<vmem>> -> memref<1x125xi32, #tpu.memory_space<vmem>>
      %dma_wait3A_483 = tpu.memref_squeeze %dma_wait3A_482 : memref<1x125xi32, #tpu.memory_space<vmem>> -> memref<125xi32, #tpu.memory_space<vmem>>
      %dma_wait3A_484 = arith.constant 0 : i32
      %dma_wait3A_485 = arith.constant 0 : i32
      %dma_wait3A_486 = tpu.memref_slice %arg16[%dma_wait3A_484, %dma_wait3A_485] : memref<10112x64xf32, #tpu.memory_space<vmem_shared>> -> memref<10112x64xf32, #tpu.memory_space<vmem_shared>>
      tpu.wait_indirect_dma semaphore(%arg29 : memref<!tpu.dma_semaphore, #tpu.memory_space<semaphore_mem>>) src(%arg12 : memref<125x64xf32, #tpu.memory_space<vmem>>) dst(%dma_wait3A_486 : memref<10112x64xf32, #tpu.memory_space<vmem_shared>>)
      %add3A_487 = arith.constant 0 : i32
      %add3A_488 = arith.addi %mul3A_464, %add3A_487 : i32
      %add3A_489 = arith.constant 4 : i32
      %add3A_490 = arith.addi %add3A_488, %add3A_489 : i32
      %dma_start3A_491 = arith.constant 0 : i32
      %dma_start3A_492 = tpu.memref_slice %arg6[%add3A_490, %dma_start3A_491] : memref<80x125xi32, #tpu.memory_space<vmem>> -> memref<1x125xi32, #tpu.memory_space<vmem>>
      %dma_start3A_493 = tpu.memref_squeeze %dma_start3A_492 : memref<1x125xi32, #tpu.memory_space<vmem>> -> memref<125xi32, #tpu.memory_space<vmem>>
      %dma_start3A_494 = arith.constant 0 : i32
      %dma_start3A_495 = arith.constant 0 : i32
      %dma_start3A_496 = tpu.memref_slice %arg2[%dma_start3A_494, %dma_start3A_495] : memref<10000x64xf32, #tpu.memory_space<hbm>> -> memref<10000x64xf32, #tpu.memory_space<hbm>>
      tpu.enqueue_indirect_dma source(%dma_start3A_496 : memref<10000x64xf32, #tpu.memory_space<hbm>>) target(%arg12 : memref<125x64xf32, #tpu.memory_space<vmem>>) offsets(%dma_start3A_493 : memref<125xi32, #tpu.memory_space<vmem>>) semaphore(%arg21 : memref<!tpu.dma_semaphore, #tpu.memory_space<semaphore_mem>>)
      %dma_wait3A_497 = arith.constant 0 : i32
      %dma_wait3A_498 = arith.constant 0 : i32
      %dma_wait3A_499 = tpu.memref_slice %arg6[%dma_wait3A_497, %dma_wait3A_498] : memref<80x125xi32, #tpu.memory_space<vmem>> -> memref<1x125xi32, #tpu.memory_space<vmem>>
      %dma_wait3A_500 = tpu.memref_squeeze %dma_wait3A_499 : memref<1x125xi32, #tpu.memory_space<vmem>> -> memref<125xi32, #tpu.memory_space<vmem>>
      %dma_wait3A_501 = arith.constant 0 : i32
      %dma_wait3A_502 = arith.constant 0 : i32
      %dma_wait3A_503 = tpu.memref_slice %arg2[%dma_wait3A_501, %dma_wait3A_502] : memref<10000x64xf32, #tpu.memory_space<hbm>> -> memref<10000x64xf32, #tpu.memory_space<hbm>>
      tpu.wait_indirect_dma semaphore(%arg18 : memref<!tpu.dma_semaphore, #tpu.memory_space<semaphore_mem>>) src(%dma_wait3A_503 : memref<10000x64xf32, #tpu.memory_space<hbm>>) dst(%arg9 : memref<125x64xf32, #tpu.memory_space<vmem>>)
      %add3A_504 = arith.constant 1 : i32
      %add3A_505 = arith.addi %mul3A_464, %add3A_504 : i32
      %dma_start3A_506 = arith.constant 0 : i32
      %dma_start3A_507 = tpu.memref_slice %arg7[%add3A_505, %dma_start3A_506] : memref<80x125xi32, #tpu.memory_space<vmem>> -> memref<1x125xi32, #tpu.memory_space<vmem>>
      %dma_start3A_508 = tpu.memref_squeeze %dma_start3A_507 : memref<1x125xi32, #tpu.memory_space<vmem>> -> memref<125xi32, #tpu.memory_space<vmem>>
      %dma_start3A_509 = arith.constant 0 : i32
      %dma_start3A_510 = arith.constant 0 : i32
      %dma_start3A_511 = tpu.memref_slice %arg16[%dma_start3A_509, %dma_start3A_510] : memref<10112x64xf32, #tpu.memory_space<vmem_shared>> -> memref<10112x64xf32, #tpu.memory_space<vmem_shared>>
      tpu.enqueue_indirect_dma source(%arg9 : memref<125x64xf32, #tpu.memory_space<vmem>>) target(%dma_start3A_511 : memref<10112x64xf32, #tpu.memory_space<vmem_shared>>) offsets(%dma_start3A_508 : memref<125xi32, #tpu.memory_space<vmem>>) semaphore(%arg26 : memref<!tpu.dma_semaphore, #tpu.memory_space<semaphore_mem>>) {add = true}
      %dma_wait3A_512 = arith.constant 0 : i32
      %dma_wait3A_513 = arith.constant 0 : i32
      %dma_wait3A_514 = tpu.memref_slice %arg7[%dma_wait3A_512, %dma_wait3A_513] : memref<80x125xi32, #tpu.memory_space<vmem>> -> memref<1x125xi32, #tpu.memory_space<vmem>>
      %dma_wait3A_515 = tpu.memref_squeeze %dma_wait3A_514 : memref<1x125xi32, #tpu.memory_space<vmem>> -> memref<125xi32, #tpu.memory_space<vmem>>
      %dma_wait3A_516 = arith.constant 0 : i32
      %dma_wait3A_517 = arith.constant 0 : i32
      %dma_wait3A_518 = tpu.memref_slice %arg16[%dma_wait3A_516, %dma_wait3A_517] : memref<10112x64xf32, #tpu.memory_space<vmem_shared>> -> memref<10112x64xf32, #tpu.memory_space<vmem_shared>>
      tpu.wait_indirect_dma semaphore(%arg30 : memref<!tpu.dma_semaphore, #tpu.memory_space<semaphore_mem>>) src(%arg13 : memref<125x64xf32, #tpu.memory_space<vmem>>) dst(%dma_wait3A_518 : memref<10112x64xf32, #tpu.memory_space<vmem_shared>>)
      %add3A_519 = arith.constant 1 : i32
      %add3A_520 = arith.addi %mul3A_464, %add3A_519 : i32
      %add3A_521 = arith.constant 4 : i32
      %add3A_522 = arith.addi %add3A_520, %add3A_521 : i32
      %dma_start3A_523 = arith.constant 0 : i32
      %dma_start3A_524 = tpu.memref_slice %arg6[%add3A_522, %dma_start3A_523] : memref<80x125xi32, #tpu.memory_space<vmem>> -> memref<1x125xi32, #tpu.memory_space<vmem>>
      %dma_start3A_525 = tpu.memref_squeeze %dma_start3A_524 : memref<1x125xi32, #tpu.memory_space<vmem>> -> memref<125xi32, #tpu.memory_space<vmem>>
      %dma_start3A_526 = arith.constant 0 : i32
      %dma_start3A_527 = arith.constant 0 : i32
      %dma_start3A_528 = tpu.memref_slice %arg2[%dma_start3A_526, %dma_start3A_527] : memref<10000x64xf32, #tpu.memory_space<hbm>> -> memref<10000x64xf32, #tpu.memory_space<hbm>>
      tpu.enqueue_indirect_dma source(%dma_start3A_528 : memref<10000x64xf32, #tpu.memory_space<hbm>>) target(%arg13 : memref<125x64xf32, #tpu.memory_space<vmem>>) offsets(%dma_start3A_525 : memref<125xi32, #tpu.memory_space<vmem>>) semaphore(%arg22 : memref<!tpu.dma_semaphore, #tpu.memory_space<semaphore_mem>>)
      %dma_wait3A_529 = arith.constant 0 : i32
      %dma_wait3A_530 = arith.constant 0 : i32
      %dma_wait3A_531 = tpu.memref_slice %arg6[%dma_wait3A_529, %dma_wait3A_530] : memref<80x125xi32, #tpu.memory_space<vmem>> -> memref<1x125xi32, #tpu.memory_space<vmem>>
      %dma_wait3A_532 = tpu.memref_squeeze %dma_wait3A_531 : memref<1x125xi32, #tpu.memory_space<vmem>> -> memref<125xi32, #tpu.memory_space<vmem>>
      %dma_wait3A_533 = arith.constant 0 : i32
      %dma_wait3A_534 = arith.constant 0 : i32
      %dma_wait3A_535 = tpu.memref_slice %arg2[%dma_wait3A_533, %dma_wait3A_534] : memref<10000x64xf32, #tpu.memory_space<hbm>> -> memref<10000x64xf32, #tpu.memory_space<hbm>>
      tpu.wait_indirect_dma semaphore(%arg19 : memref<!tpu.dma_semaphore, #tpu.memory_space<semaphore_mem>>) src(%dma_wait3A_535 : memref<10000x64xf32, #tpu.memory_space<hbm>>) dst(%arg10 : memref<125x64xf32, #tpu.memory_space<vmem>>)
      %add3A_536 = arith.constant 2 : i32
      %add3A_537 = arith.addi %mul3A_464, %add3A_536 : i32
      %dma_start3A_538 = arith.constant 0 : i32
      %dma_start3A_539 = tpu.memref_slice %arg7[%add3A_537, %dma_start3A_538] : memref<80x125xi32, #tpu.memory_space<vmem>> -> memref<1x125xi32, #tpu.memory_space<vmem>>
      %dma_start3A_540 = tpu.memref_squeeze %dma_start3A_539 : memref<1x125xi32, #tpu.memory_space<vmem>> -> memref<125xi32, #tpu.memory_space<vmem>>
      %dma_start3A_541 = arith.constant 0 : i32
      %dma_start3A_542 = arith.constant 0 : i32
      %dma_start3A_543 = tpu.memref_slice %arg16[%dma_start3A_541, %dma_start3A_542] : memref<10112x64xf32, #tpu.memory_space<vmem_shared>> -> memref<10112x64xf32, #tpu.memory_space<vmem_shared>>
      tpu.enqueue_indirect_dma source(%arg10 : memref<125x64xf32, #tpu.memory_space<vmem>>) target(%dma_start3A_543 : memref<10112x64xf32, #tpu.memory_space<vmem_shared>>) offsets(%dma_start3A_540 : memref<125xi32, #tpu.memory_space<vmem>>) semaphore(%arg27 : memref<!tpu.dma_semaphore, #tpu.memory_space<semaphore_mem>>) {add = true}
      %dma_wait3A_544 = arith.constant 0 : i32
      %dma_wait3A_545 = arith.constant 0 : i32
      %dma_wait3A_546 = tpu.memref_slice %arg7[%dma_wait3A_544, %dma_wait3A_545] : memref<80x125xi32, #tpu.memory_space<vmem>> -> memref<1x125xi32, #tpu.memory_space<vmem>>
      %dma_wait3A_547 = tpu.memref_squeeze %dma_wait3A_546 : memref<1x125xi32, #tpu.memory_space<vmem>> -> memref<125xi32, #tpu.memory_space<vmem>>
      %dma_wait3A_548 = arith.constant 0 : i32
      %dma_wait3A_549 = arith.constant 0 : i32
      %dma_wait3A_550 = tpu.memref_slice %arg16[%dma_wait3A_548, %dma_wait3A_549] : memref<10112x64xf32, #tpu.memory_space<vmem_shared>> -> memref<10112x64xf32, #tpu.memory_space<vmem_shared>>
      tpu.wait_indirect_dma semaphore(%arg31 : memref<!tpu.dma_semaphore, #tpu.memory_space<semaphore_mem>>) src(%arg14 : memref<125x64xf32, #tpu.memory_space<vmem>>) dst(%dma_wait3A_550 : memref<10112x64xf32, #tpu.memory_space<vmem_shared>>)
      %add3A_551 = arith.constant 2 : i32
      %add3A_552 = arith.addi %mul3A_464, %add3A_551 : i32
      %add3A_553 = arith.constant 4 : i32
      %add3A_554 = arith.addi %add3A_552, %add3A_553 : i32
      %dma_start3A_555 = arith.constant 0 : i32
      %dma_start3A_556 = tpu.memref_slice %arg6[%add3A_554, %dma_start3A_555] : memref<80x125xi32, #tpu.memory_space<vmem>> -> memref<1x125xi32, #tpu.memory_space<vmem>>
      %dma_start3A_557 = tpu.memref_squeeze %dma_start3A_556 : memref<1x125xi32, #tpu.memory_space<vmem>> -> memref<125xi32, #tpu.memory_space<vmem>>
      %dma_start3A_558 = arith.constant 0 : i32
      %dma_start3A_559 = arith.constant 0 : i32
      %dma_start3A_560 = tpu.memref_slice %arg2[%dma_start3A_558, %dma_start3A_559] : memref<10000x64xf32, #tpu.memory_space<hbm>> -> memref<10000x64xf32, #tpu.memory_space<hbm>>
      tpu.enqueue_indirect_dma source(%dma_start3A_560 : memref<10000x64xf32, #tpu.memory_space<hbm>>) target(%arg14 : memref<125x64xf32, #tpu.memory_space<vmem>>) offsets(%dma_start3A_557 : memref<125xi32, #tpu.memory_space<vmem>>) semaphore(%arg23 : memref<!tpu.dma_semaphore, #tpu.memory_space<semaphore_mem>>)
      %dma_wait3A_561 = arith.constant 0 : i32
      %dma_wait3A_562 = arith.constant 0 : i32
      %dma_wait3A_563 = tpu.memref_slice %arg6[%dma_wait3A_561, %dma_wait3A_562] : memref<80x125xi32, #tpu.memory_space<vmem>> -> memref<1x125xi32, #tpu.memory_space<vmem>>
      %dma_wait3A_564 = tpu.memref_squeeze %dma_wait3A_563 : memref<1x125xi32, #tpu.memory_space<vmem>> -> memref<125xi32, #tpu.memory_space<vmem>>
      %dma_wait3A_565 = arith.constant 0 : i32
      %dma_wait3A_566 = arith.constant 0 : i32
      %dma_wait3A_567 = tpu.memref_slice %arg2[%dma_wait3A_565, %dma_wait3A_566] : memref<10000x64xf32, #tpu.memory_space<hbm>> -> memref<10000x64xf32, #tpu.memory_space<hbm>>
      tpu.wait_indirect_dma semaphore(%arg20 : memref<!tpu.dma_semaphore, #tpu.memory_space<semaphore_mem>>) src(%dma_wait3A_567 : memref<10000x64xf32, #tpu.memory_space<hbm>>) dst(%arg11 : memref<125x64xf32, #tpu.memory_space<vmem>>)
      %add3A_568 = arith.constant 3 : i32
      %add3A_569 = arith.addi %mul3A_464, %add3A_568 : i32
      %dma_start3A_570 = arith.constant 0 : i32
      %dma_start3A_571 = tpu.memref_slice %arg7[%add3A_569, %dma_start3A_570] : memref<80x125xi32, #tpu.memory_space<vmem>> -> memref<1x125xi32, #tpu.memory_space<vmem>>
      %dma_start3A_572 = tpu.memref_squeeze %dma_start3A_571 : memref<1x125xi32, #tpu.memory_space<vmem>> -> memref<125xi32, #tpu.memory_space<vmem>>
      %dma_start3A_573 = arith.constant 0 : i32
      %dma_start3A_574 = arith.constant 0 : i32
      %dma_start3A_575 = tpu.memref_slice %arg16[%dma_start3A_573, %dma_start3A_574] : memref<10112x64xf32, #tpu.memory_space<vmem_shared>> -> memref<10112x64xf32, #tpu.memory_space<vmem_shared>>
      tpu.enqueue_indirect_dma source(%arg11 : memref<125x64xf32, #tpu.memory_space<vmem>>) target(%dma_start3A_575 : memref<10112x64xf32, #tpu.memory_space<vmem_shared>>) offsets(%dma_start3A_572 : memref<125xi32, #tpu.memory_space<vmem>>) semaphore(%arg28 : memref<!tpu.dma_semaphore, #tpu.memory_space<semaphore_mem>>) {add = true}
      %dma_wait3A_576 = arith.constant 0 : i32
      %dma_wait3A_577 = arith.constant 0 : i32
      %dma_wait3A_578 = tpu.memref_slice %arg7[%dma_wait3A_576, %dma_wait3A_577] : memref<80x125xi32, #tpu.memory_space<vmem>> -> memref<1x125xi32, #tpu.memory_space<vmem>>
      %dma_wait3A_579 = tpu.memref_squeeze %dma_wait3A_578 : memref<1x125xi32, #tpu.memory_space<vmem>> -> memref<125xi32, #tpu.memory_space<vmem>>
      %dma_wait3A_580 = arith.constant 0 : i32
      %dma_wait3A_581 = arith.constant 0 : i32
      %dma_wait3A_582 = tpu.memref_slice %arg16[%dma_wait3A_580, %dma_wait3A_581] : memref<10112x64xf32, #tpu.memory_space<vmem_shared>> -> memref<10112x64xf32, #tpu.memory_space<vmem_shared>>
      tpu.wait_indirect_dma semaphore(%arg32 : memref<!tpu.dma_semaphore, #tpu.memory_space<semaphore_mem>>) src(%arg15 : memref<125x64xf32, #tpu.memory_space<vmem>>) dst(%dma_wait3A_582 : memref<10112x64xf32, #tpu.memory_space<vmem_shared>>)
      %add3A_583 = arith.constant 3 : i32
      %add3A_584 = arith.addi %mul3A_464, %add3A_583 : i32
      %add3A_585 = arith.constant 4 : i32
      %add3A_586 = arith.addi %add3A_584, %add3A_585 : i32
      %dma_start3A_587 = arith.constant 0 : i32
      %dma_start3A_588 = tpu.memref_slice %arg6[%add3A_586, %dma_start3A_587] : memref<80x125xi32, #tpu.memory_space<vmem>> -> memref<1x125xi32, #tpu.memory_space<vmem>>
      %dma_start3A_589 = tpu.memref_squeeze %dma_start3A_588 : memref<1x125xi32, #tpu.memory_space<vmem>> -> memref<125xi32, #tpu.memory_space<vmem>>
      %dma_start3A_590 = arith.constant 0 : i32
      %dma_start3A_591 = arith.constant 0 : i32
      %dma_start3A_592 = tpu.memref_slice %arg2[%dma_start3A_590, %dma_start3A_591] : memref<10000x64xf32, #tpu.memory_space<hbm>> -> memref<10000x64xf32, #tpu.memory_space<hbm>>
      tpu.enqueue_indirect_dma source(%dma_start3A_592 : memref<10000x64xf32, #tpu.memory_space<hbm>>) target(%arg15 : memref<125x64xf32, #tpu.memory_space<vmem>>) offsets(%dma_start3A_589 : memref<125xi32, #tpu.memory_space<vmem>>) semaphore(%arg24 : memref<!tpu.dma_semaphore, #tpu.memory_space<semaphore_mem>>)
      %dma_wait3A_593 = arith.constant 0 : i32
      %dma_wait3A_594 = arith.constant 0 : i32
      %dma_wait3A_595 = tpu.memref_slice %arg6[%dma_wait3A_593, %dma_wait3A_594] : memref<80x125xi32, #tpu.memory_space<vmem>> -> memref<1x125xi32, #tpu.memory_space<vmem>>
      %dma_wait3A_596 = tpu.memref_squeeze %dma_wait3A_595 : memref<1x125xi32, #tpu.memory_space<vmem>> -> memref<125xi32, #tpu.memory_space<vmem>>
      %dma_wait3A_597 = arith.constant 0 : i32
      %dma_wait3A_598 = arith.constant 0 : i32
      %dma_wait3A_599 = tpu.memref_slice %arg2[%dma_wait3A_597, %dma_wait3A_598] : memref<10000x64xf32, #tpu.memory_space<hbm>> -> memref<10000x64xf32, #tpu.memory_space<hbm>>
      tpu.wait_indirect_dma semaphore(%arg21 : memref<!tpu.dma_semaphore, #tpu.memory_space<semaphore_mem>>) src(%dma_wait3A_599 : memref<10000x64xf32, #tpu.memory_space<hbm>>) dst(%arg12 : memref<125x64xf32, #tpu.memory_space<vmem>>)
      %add3A_600 = arith.constant 4 : i32
      %add3A_601 = arith.addi %mul3A_464, %add3A_600 : i32
      %dma_start3A_602 = arith.constant 0 : i32
      %dma_start3A_603 = tpu.memref_slice %arg7[%add3A_601, %dma_start3A_602] : memref<80x125xi32, #tpu.memory_space<vmem>> -> memref<1x125xi32, #tpu.memory_space<vmem>>
      %dma_start3A_604 = tpu.memref_squeeze %dma_start3A_603 : memref<1x125xi32, #tpu.memory_space<vmem>> -> memref<125xi32, #tpu.memory_space<vmem>>
      %dma_start3A_605 = arith.constant 0 : i32
      %dma_start3A_606 = arith.constant 0 : i32
      %dma_start3A_607 = tpu.memref_slice %arg16[%dma_start3A_605, %dma_start3A_606] : memref<10112x64xf32, #tpu.memory_space<vmem_shared>> -> memref<10112x64xf32, #tpu.memory_space<vmem_shared>>
      tpu.enqueue_indirect_dma source(%arg12 : memref<125x64xf32, #tpu.memory_space<vmem>>) target(%dma_start3A_607 : memref<10112x64xf32, #tpu.memory_space<vmem_shared>>) offsets(%dma_start3A_604 : memref<125xi32, #tpu.memory_space<vmem>>) semaphore(%arg29 : memref<!tpu.dma_semaphore, #tpu.memory_space<semaphore_mem>>) {add = true}
      %dma_wait3A_608 = arith.constant 0 : i32
      %dma_wait3A_609 = arith.constant 0 : i32
      %dma_wait3A_610 = tpu.memref_slice %arg7[%dma_wait3A_608, %dma_wait3A_609] : memref<80x125xi32, #tpu.memory_space<vmem>> -> memref<1x125xi32, #tpu.memory_space<vmem>>
      %dma_wait3A_611 = tpu.memref_squeeze %dma_wait3A_610 : memref<1x125xi32, #tpu.memory_space<vmem>> -> memref<125xi32, #tpu.memory_space<vmem>>
      %dma_wait3A_612 = arith.constant 0 : i32
      %dma_wait3A_613 = arith.constant 0 : i32
      %dma_wait3A_614 = tpu.memref_slice %arg16[%dma_wait3A_612, %dma_wait3A_613] : memref<10112x64xf32, #tpu.memory_space<vmem_shared>> -> memref<10112x64xf32, #tpu.memory_space<vmem_shared>>
      tpu.wait_indirect_dma semaphore(%arg25 : memref<!tpu.dma_semaphore, #tpu.memory_space<semaphore_mem>>) src(%arg8 : memref<125x64xf32, #tpu.memory_space<vmem>>) dst(%dma_wait3A_614 : memref<10112x64xf32, #tpu.memory_space<vmem_shared>>)
      %add3A_615 = arith.constant 4 : i32
      %add3A_616 = arith.addi %mul3A_464, %add3A_615 : i32
      %add3A_617 = arith.constant 4 : i32
      %add3A_618 = arith.addi %add3A_616, %add3A_617 : i32
      %dma_start3A_619 = arith.constant 0 : i32
      %dma_start3A_620 = tpu.memref_slice %arg6[%add3A_618, %dma_start3A_619] : memref<80x125xi32, #tpu.memory_space<vmem>> -> memref<1x125xi32, #tpu.memory_space<vmem>>
      %dma_start3A_621 = tpu.memref_squeeze %dma_start3A_620 : memref<1x125xi32, #tpu.memory_space<vmem>> -> memref<125xi32, #tpu.memory_space<vmem>>
      %dma_start3A_622 = arith.constant 0 : i32
      %dma_start3A_623 = arith.constant 0 : i32
      %dma_start3A_624 = tpu.memref_slice %arg2[%dma_start3A_622, %dma_start3A_623] : memref<10000x64xf32, #tpu.memory_space<hbm>> -> memref<10000x64xf32, #tpu.memory_space<hbm>>
      tpu.enqueue_indirect_dma source(%dma_start3A_624 : memref<10000x64xf32, #tpu.memory_space<hbm>>) target(%arg8 : memref<125x64xf32, #tpu.memory_space<vmem>>) offsets(%dma_start3A_621 : memref<125xi32, #tpu.memory_space<vmem>>) semaphore(%arg17 : memref<!tpu.dma_semaphore, #tpu.memory_space<semaphore_mem>>)
      %dma_wait3A_625 = arith.constant 0 : i32
      %dma_wait3A_626 = arith.constant 0 : i32
      %dma_wait3A_627 = tpu.memref_slice %arg6[%dma_wait3A_625, %dma_wait3A_626] : memref<80x125xi32, #tpu.memory_space<vmem>> -> memref<1x125xi32, #tpu.memory_space<vmem>>
      %dma_wait3A_628 = tpu.memref_squeeze %dma_wait3A_627 : memref<1x125xi32, #tpu.memory_space<vmem>> -> memref<125xi32, #tpu.memory_space<vmem>>
      %dma_wait3A_629 = arith.constant 0 : i32
      %dma_wait3A_630 = arith.constant 0 : i32
      %dma_wait3A_631 = tpu.memref_slice %arg2[%dma_wait3A_629, %dma_wait3A_630] : memref<10000x64xf32, #tpu.memory_space<hbm>> -> memref<10000x64xf32, #tpu.memory_space<hbm>>
      tpu.wait_indirect_dma semaphore(%arg22 : memref<!tpu.dma_semaphore, #tpu.memory_space<semaphore_mem>>) src(%dma_wait3A_631 : memref<10000x64xf32, #tpu.memory_space<hbm>>) dst(%arg13 : memref<125x64xf32, #tpu.memory_space<vmem>>)
      %add3A_632 = arith.constant 5 : i32
      %add3A_633 = arith.addi %mul3A_464, %add3A_632 : i32
      %dma_start3A_634 = arith.constant 0 : i32
      %dma_start3A_635 = tpu.memref_slice %arg7[%add3A_633, %dma_start3A_634] : memref<80x125xi32, #tpu.memory_space<vmem>> -> memref<1x125xi32, #tpu.memory_space<vmem>>
      %dma_start3A_636 = tpu.memref_squeeze %dma_start3A_635 : memref<1x125xi32, #tpu.memory_space<vmem>> -> memref<125xi32, #tpu.memory_space<vmem>>
      %dma_start3A_637 = arith.constant 0 : i32
      %dma_start3A_638 = arith.constant 0 : i32
      %dma_start3A_639 = tpu.memref_slice %arg16[%dma_start3A_637, %dma_start3A_638] : memref<10112x64xf32, #tpu.memory_space<vmem_shared>> -> memref<10112x64xf32, #tpu.memory_space<vmem_shared>>
      tpu.enqueue_indirect_dma source(%arg13 : memref<125x64xf32, #tpu.memory_space<vmem>>) target(%dma_start3A_639 : memref<10112x64xf32, #tpu.memory_space<vmem_shared>>) offsets(%dma_start3A_636 : memref<125xi32, #tpu.memory_space<vmem>>) semaphore(%arg30 : memref<!tpu.dma_semaphore, #tpu.memory_space<semaphore_mem>>) {add = true}
      %dma_wait3A_640 = arith.constant 0 : i32
      %dma_wait3A_641 = arith.constant 0 : i32
      %dma_wait3A_642 = tpu.memref_slice %arg7[%dma_wait3A_640, %dma_wait3A_641] : memref<80x125xi32, #tpu.memory_space<vmem>> -> memref<1x125xi32, #tpu.memory_space<vmem>>
      %dma_wait3A_643 = tpu.memref_squeeze %dma_wait3A_642 : memref<1x125xi32, #tpu.memory_space<vmem>> -> memref<125xi32, #tpu.memory_space<vmem>>
      %dma_wait3A_644 = arith.constant 0 : i32
      %dma_wait3A_645 = arith.constant 0 : i32
      %dma_wait3A_646 = tpu.memref_slice %arg16[%dma_wait3A_644, %dma_wait3A_645] : memref<10112x64xf32, #tpu.memory_space<vmem_shared>> -> memref<10112x64xf32, #tpu.memory_space<vmem_shared>>
      tpu.wait_indirect_dma semaphore(%arg26 : memref<!tpu.dma_semaphore, #tpu.memory_space<semaphore_mem>>) src(%arg9 : memref<125x64xf32, #tpu.memory_space<vmem>>) dst(%dma_wait3A_646 : memref<10112x64xf32, #tpu.memory_space<vmem_shared>>)
      %add3A_647 = arith.constant 5 : i32
      %add3A_648 = arith.addi %mul3A_464, %add3A_647 : i32
      %add3A_649 = arith.constant 4 : i32
      %add3A_650 = arith.addi %add3A_648, %add3A_649 : i32
      %dma_start3A_651 = arith.constant 0 : i32
      %dma_start3A_652 = tpu.memref_slice %arg6[%add3A_650, %dma_start3A_651] : memref<80x125xi32, #tpu.memory_space<vmem>> -> memref<1x125xi32, #tpu.memory_space<vmem>>
      %dma_start3A_653 = tpu.memref_squeeze %dma_start3A_652 : memref<1x125xi32, #tpu.memory_space<vmem>> -> memref<125xi32, #tpu.memory_space<vmem>>
      %dma_start3A_654 = arith.constant 0 : i32
      %dma_start3A_655 = arith.constant 0 : i32
      %dma_start3A_656 = tpu.memref_slice %arg2[%dma_start3A_654, %dma_start3A_655] : memref<10000x64xf32, #tpu.memory_space<hbm>> -> memref<10000x64xf32, #tpu.memory_space<hbm>>
      tpu.enqueue_indirect_dma source(%dma_start3A_656 : memref<10000x64xf32, #tpu.memory_space<hbm>>) target(%arg9 : memref<125x64xf32, #tpu.memory_space<vmem>>) offsets(%dma_start3A_653 : memref<125xi32, #tpu.memory_space<vmem>>) semaphore(%arg18 : memref<!tpu.dma_semaphore, #tpu.memory_space<semaphore_mem>>)
      %dma_wait3A_657 = arith.constant 0 : i32
      %dma_wait3A_658 = arith.constant 0 : i32
      %dma_wait3A_659 = tpu.memref_slice %arg6[%dma_wait3A_657, %dma_wait3A_658] : memref<80x125xi32, #tpu.memory_space<vmem>> -> memref<1x125xi32, #tpu.memory_space<vmem>>
      %dma_wait3A_660 = tpu.memref_squeeze %dma_wait3A_659 : memref<1x125xi32, #tpu.memory_space<vmem>> -> memref<125xi32, #tpu.memory_space<vmem>>
      %dma_wait3A_661 = arith.constant 0 : i32
      %dma_wait3A_662 = arith.constant 0 : i32
      %dma_wait3A_663 = tpu.memref_slice %arg2[%dma_wait3A_661, %dma_wait3A_662] : memref<10000x64xf32, #tpu.memory_space<hbm>> -> memref<10000x64xf32, #tpu.memory_space<hbm>>
      tpu.wait_indirect_dma semaphore(%arg23 : memref<!tpu.dma_semaphore, #tpu.memory_space<semaphore_mem>>) src(%dma_wait3A_663 : memref<10000x64xf32, #tpu.memory_space<hbm>>) dst(%arg14 : memref<125x64xf32, #tpu.memory_space<vmem>>)
      %add3A_664 = arith.constant 6 : i32
      %add3A_665 = arith.addi %mul3A_464, %add3A_664 : i32
      %dma_start3A_666 = arith.constant 0 : i32
      %dma_start3A_667 = tpu.memref_slice %arg7[%add3A_665, %dma_start3A_666] : memref<80x125xi32, #tpu.memory_space<vmem>> -> memref<1x125xi32, #tpu.memory_space<vmem>>
      %dma_start3A_668 = tpu.memref_squeeze %dma_start3A_667 : memref<1x125xi32, #tpu.memory_space<vmem>> -> memref<125xi32, #tpu.memory_space<vmem>>
      %dma_start3A_669 = arith.constant 0 : i32
      %dma_start3A_670 = arith.constant 0 : i32
      %dma_start3A_671 = tpu.memref_slice %arg16[%dma_start3A_669, %dma_start3A_670] : memref<10112x64xf32, #tpu.memory_space<vmem_shared>> -> memref<10112x64xf32, #tpu.memory_space<vmem_shared>>
      tpu.enqueue_indirect_dma source(%arg14 : memref<125x64xf32, #tpu.memory_space<vmem>>) target(%dma_start3A_671 : memref<10112x64xf32, #tpu.memory_space<vmem_shared>>) offsets(%dma_start3A_668 : memref<125xi32, #tpu.memory_space<vmem>>) semaphore(%arg31 : memref<!tpu.dma_semaphore, #tpu.memory_space<semaphore_mem>>) {add = true}
      %dma_wait3A_672 = arith.constant 0 : i32
      %dma_wait3A_673 = arith.constant 0 : i32
      %dma_wait3A_674 = tpu.memref_slice %arg7[%dma_wait3A_672, %dma_wait3A_673] : memref<80x125xi32, #tpu.memory_space<vmem>> -> memref<1x125xi32, #tpu.memory_space<vmem>>
      %dma_wait3A_675 = tpu.memref_squeeze %dma_wait3A_674 : memref<1x125xi32, #tpu.memory_space<vmem>> -> memref<125xi32, #tpu.memory_space<vmem>>
      %dma_wait3A_676 = arith.constant 0 : i32
      %dma_wait3A_677 = arith.constant 0 : i32
      %dma_wait3A_678 = tpu.memref_slice %arg16[%dma_wait3A_676, %dma_wait3A_677] : memref<10112x64xf32, #tpu.memory_space<vmem_shared>> -> memref<10112x64xf32, #tpu.memory_space<vmem_shared>>
      tpu.wait_indirect_dma semaphore(%arg27 : memref<!tpu.dma_semaphore, #tpu.memory_space<semaphore_mem>>) src(%arg10 : memref<125x64xf32, #tpu.memory_space<vmem>>) dst(%dma_wait3A_678 : memref<10112x64xf32, #tpu.memory_space<vmem_shared>>)
      %add3A_679 = arith.constant 6 : i32
      %add3A_680 = arith.addi %mul3A_464, %add3A_679 : i32
      %add3A_681 = arith.constant 4 : i32
      %add3A_682 = arith.addi %add3A_680, %add3A_681 : i32
      %dma_start3A_683 = arith.constant 0 : i32
      %dma_start3A_684 = tpu.memref_slice %arg6[%add3A_682, %dma_start3A_683] : memref<80x125xi32, #tpu.memory_space<vmem>> -> memref<1x125xi32, #tpu.memory_space<vmem>>
      %dma_start3A_685 = tpu.memref_squeeze %dma_start3A_684 : memref<1x125xi32, #tpu.memory_space<vmem>> -> memref<125xi32, #tpu.memory_space<vmem>>
      %dma_start3A_686 = arith.constant 0 : i32
      %dma_start3A_687 = arith.constant 0 : i32
      %dma_start3A_688 = tpu.memref_slice %arg2[%dma_start3A_686, %dma_start3A_687] : memref<10000x64xf32, #tpu.memory_space<hbm>> -> memref<10000x64xf32, #tpu.memory_space<hbm>>
      tpu.enqueue_indirect_dma source(%dma_start3A_688 : memref<10000x64xf32, #tpu.memory_space<hbm>>) target(%arg10 : memref<125x64xf32, #tpu.memory_space<vmem>>) offsets(%dma_start3A_685 : memref<125xi32, #tpu.memory_space<vmem>>) semaphore(%arg19 : memref<!tpu.dma_semaphore, #tpu.memory_space<semaphore_mem>>)
      %dma_wait3A_689 = arith.constant 0 : i32
      %dma_wait3A_690 = arith.constant 0 : i32
      %dma_wait3A_691 = tpu.memref_slice %arg6[%dma_wait3A_689, %dma_wait3A_690] : memref<80x125xi32, #tpu.memory_space<vmem>> -> memref<1x125xi32, #tpu.memory_space<vmem>>
      %dma_wait3A_692 = tpu.memref_squeeze %dma_wait3A_691 : memref<1x125xi32, #tpu.memory_space<vmem>> -> memref<125xi32, #tpu.memory_space<vmem>>
      %dma_wait3A_693 = arith.constant 0 : i32
      %dma_wait3A_694 = arith.constant 0 : i32
      %dma_wait3A_695 = tpu.memref_slice %arg2[%dma_wait3A_693, %dma_wait3A_694] : memref<10000x64xf32, #tpu.memory_space<hbm>> -> memref<10000x64xf32, #tpu.memory_space<hbm>>
      tpu.wait_indirect_dma semaphore(%arg24 : memref<!tpu.dma_semaphore, #tpu.memory_space<semaphore_mem>>) src(%dma_wait3A_695 : memref<10000x64xf32, #tpu.memory_space<hbm>>) dst(%arg15 : memref<125x64xf32, #tpu.memory_space<vmem>>)
      %add3A_696 = arith.constant 7 : i32
      %add3A_697 = arith.addi %mul3A_464, %add3A_696 : i32
      %dma_start3A_698 = arith.constant 0 : i32
      %dma_start3A_699 = tpu.memref_slice %arg7[%add3A_697, %dma_start3A_698] : memref<80x125xi32, #tpu.memory_space<vmem>> -> memref<1x125xi32, #tpu.memory_space<vmem>>
      %dma_start3A_700 = tpu.memref_squeeze %dma_start3A_699 : memref<1x125xi32, #tpu.memory_space<vmem>> -> memref<125xi32, #tpu.memory_space<vmem>>
      %dma_start3A_701 = arith.constant 0 : i32
      %dma_start3A_702 = arith.constant 0 : i32
      %dma_start3A_703 = tpu.memref_slice %arg16[%dma_start3A_701, %dma_start3A_702] : memref<10112x64xf32, #tpu.memory_space<vmem_shared>> -> memref<10112x64xf32, #tpu.memory_space<vmem_shared>>
      tpu.enqueue_indirect_dma source(%arg15 : memref<125x64xf32, #tpu.memory_space<vmem>>) target(%dma_start3A_703 : memref<10112x64xf32, #tpu.memory_space<vmem_shared>>) offsets(%dma_start3A_700 : memref<125xi32, #tpu.memory_space<vmem>>) semaphore(%arg32 : memref<!tpu.dma_semaphore, #tpu.memory_space<semaphore_mem>>) {add = true}
      %dma_wait3A_704 = arith.constant 0 : i32
      %dma_wait3A_705 = arith.constant 0 : i32
      %dma_wait3A_706 = tpu.memref_slice %arg7[%dma_wait3A_704, %dma_wait3A_705] : memref<80x125xi32, #tpu.memory_space<vmem>> -> memref<1x125xi32, #tpu.memory_space<vmem>>
      %dma_wait3A_707 = tpu.memref_squeeze %dma_wait3A_706 : memref<1x125xi32, #tpu.memory_space<vmem>> -> memref<125xi32, #tpu.memory_space<vmem>>
      %dma_wait3A_708 = arith.constant 0 : i32
      %dma_wait3A_709 = arith.constant 0 : i32
      %dma_wait3A_710 = tpu.memref_slice %arg16[%dma_wait3A_708, %dma_wait3A_709] : memref<10112x64xf32, #tpu.memory_space<vmem_shared>> -> memref<10112x64xf32, #tpu.memory_space<vmem_shared>>
      tpu.wait_indirect_dma semaphore(%arg28 : memref<!tpu.dma_semaphore, #tpu.memory_space<semaphore_mem>>) src(%arg11 : memref<125x64xf32, #tpu.memory_space<vmem>>) dst(%dma_wait3A_710 : memref<10112x64xf32, #tpu.memory_space<vmem_shared>>)
      %add3A_711 = arith.constant 7 : i32
      %add3A_712 = arith.addi %mul3A_464, %add3A_711 : i32
      %add3A_713 = arith.constant 4 : i32
      %add3A_714 = arith.addi %add3A_712, %add3A_713 : i32
      %dma_start3A_715 = arith.constant 0 : i32
      %dma_start3A_716 = tpu.memref_slice %arg6[%add3A_714, %dma_start3A_715] : memref<80x125xi32, #tpu.memory_space<vmem>> -> memref<1x125xi32, #tpu.memory_space<vmem>>
      %dma_start3A_717 = tpu.memref_squeeze %dma_start3A_716 : memref<1x125xi32, #tpu.memory_space<vmem>> -> memref<125xi32, #tpu.memory_space<vmem>>
      %dma_start3A_718 = arith.constant 0 : i32
      %dma_start3A_719 = arith.constant 0 : i32
      %dma_start3A_720 = tpu.memref_slice %arg2[%dma_start3A_718, %dma_start3A_719] : memref<10000x64xf32, #tpu.memory_space<hbm>> -> memref<10000x64xf32, #tpu.memory_space<hbm>>
      tpu.enqueue_indirect_dma source(%dma_start3A_720 : memref<10000x64xf32, #tpu.memory_space<hbm>>) target(%arg11 : memref<125x64xf32, #tpu.memory_space<vmem>>) offsets(%dma_start3A_717 : memref<125xi32, #tpu.memory_space<vmem>>) semaphore(%arg20 : memref<!tpu.dma_semaphore, #tpu.memory_space<semaphore_mem>>)
    }
    %scan3A_230 = arith.constant 8 : i32
    %dma_wait3A_231 = arith.constant 0 : i32
    %dma_wait3A_232 = arith.constant 0 : i32
    %dma_wait3A_233 = tpu.memref_slice %arg6[%dma_wait3A_231, %dma_wait3A_232] : memref<80x125xi32, #tpu.memory_space<vmem>> -> memref<1x125xi32, #tpu.memory_space<vmem>>
    %dma_wait3A_234 = tpu.memref_squeeze %dma_wait3A_233 : memref<1x125xi32, #tpu.memory_space<vmem>> -> memref<125xi32, #tpu.memory_space<vmem>>
    %dma_wait3A_235 = arith.constant 0 : i32
    %dma_wait3A_236 = arith.constant 0 : i32
    %dma_wait3A_237 = tpu.memref_slice %arg2[%dma_wait3A_235, %dma_wait3A_236] : memref<10000x64xf32, #tpu.memory_space<hbm>> -> memref<10000x64xf32, #tpu.memory_space<hbm>>
    tpu.wait_indirect_dma semaphore(%arg17 : memref<!tpu.dma_semaphore, #tpu.memory_space<semaphore_mem>>) src(%dma_wait3A_237 : memref<10000x64xf32, #tpu.memory_space<hbm>>) dst(%arg8 : memref<125x64xf32, #tpu.memory_space<vmem>>)
    %dma_start3A_238 = arith.constant 72 : i32
    %dma_start3A_239 = arith.constant 0 : i32
    %dma_start3A_240 = tpu.memref_slice %arg7[%dma_start3A_238, %dma_start3A_239] : memref<80x125xi32, #tpu.memory_space<vmem>> -> memref<1x125xi32, #tpu.memory_space<vmem>>
    %dma_start3A_241 = tpu.memref_squeeze %dma_start3A_240 : memref<1x125xi32, #tpu.memory_space<vmem>> -> memref<125xi32, #tpu.memory_space<vmem>>
    %dma_start3A_242 = arith.constant 0 : i32
    %dma_start3A_243 = arith.constant 0 : i32
    %dma_start3A_244 = tpu.memref_slice %arg16[%dma_start3A_242, %dma_start3A_243] : memref<10112x64xf32, #tpu.memory_space<vmem_shared>> -> memref<10112x64xf32, #tpu.memory_space<vmem_shared>>
    tpu.enqueue_indirect_dma source(%arg8 : memref<125x64xf32, #tpu.memory_space<vmem>>) target(%dma_start3A_244 : memref<10112x64xf32, #tpu.memory_space<vmem_shared>>) offsets(%dma_start3A_241 : memref<125xi32, #tpu.memory_space<vmem>>) semaphore(%arg25 : memref<!tpu.dma_semaphore, #tpu.memory_space<semaphore_mem>>) {add = true}
    %dma_wait3A_245 = arith.constant 0 : i32
    %dma_wait3A_246 = arith.constant 0 : i32
    %dma_wait3A_247 = tpu.memref_slice %arg7[%dma_wait3A_245, %dma_wait3A_246] : memref<80x125xi32, #tpu.memory_space<vmem>> -> memref<1x125xi32, #tpu.memory_space<vmem>>
    %dma_wait3A_248 = tpu.memref_squeeze %dma_wait3A_247 : memref<1x125xi32, #tpu.memory_space<vmem>> -> memref<125xi32, #tpu.memory_space<vmem>>
    %dma_wait3A_249 = arith.constant 0 : i32
    %dma_wait3A_250 = arith.constant 0 : i32
    %dma_wait3A_251 = tpu.memref_slice %arg16[%dma_wait3A_249, %dma_wait3A_250] : memref<10112x64xf32, #tpu.memory_space<vmem_shared>> -> memref<10112x64xf32, #tpu.memory_space<vmem_shared>>
    tpu.wait_indirect_dma semaphore(%arg29 : memref<!tpu.dma_semaphore, #tpu.memory_space<semaphore_mem>>) src(%arg12 : memref<125x64xf32, #tpu.memory_space<vmem>>) dst(%dma_wait3A_251 : memref<10112x64xf32, #tpu.memory_space<vmem_shared>>)
    %dma_start3A_252 = arith.constant 76 : i32
    %dma_start3A_253 = arith.constant 0 : i32
    %dma_start3A_254 = tpu.memref_slice %arg6[%dma_start3A_252, %dma_start3A_253] : memref<80x125xi32, #tpu.memory_space<vmem>> -> memref<1x125xi32, #tpu.memory_space<vmem>>
    %dma_start3A_255 = tpu.memref_squeeze %dma_start3A_254 : memref<1x125xi32, #tpu.memory_space<vmem>> -> memref<125xi32, #tpu.memory_space<vmem>>
    %dma_start3A_256 = arith.constant 0 : i32
    %dma_start3A_257 = arith.constant 0 : i32
    %dma_start3A_258 = tpu.memref_slice %arg2[%dma_start3A_256, %dma_start3A_257] : memref<10000x64xf32, #tpu.memory_space<hbm>> -> memref<10000x64xf32, #tpu.memory_space<hbm>>
    tpu.enqueue_indirect_dma source(%dma_start3A_258 : memref<10000x64xf32, #tpu.memory_space<hbm>>) target(%arg12 : memref<125x64xf32, #tpu.memory_space<vmem>>) offsets(%dma_start3A_255 : memref<125xi32, #tpu.memory_space<vmem>>) semaphore(%arg21 : memref<!tpu.dma_semaphore, #tpu.memory_space<semaphore_mem>>)
    %dma_wait3A_259 = arith.constant 0 : i32
    %dma_wait3A_260 = arith.constant 0 : i32
    %dma_wait3A_261 = tpu.memref_slice %arg6[%dma_wait3A_259, %dma_wait3A_260] : memref<80x125xi32, #tpu.memory_space<vmem>> -> memref<1x125xi32, #tpu.memory_space<vmem>>
    %dma_wait3A_262 = tpu.memref_squeeze %dma_wait3A_261 : memref<1x125xi32, #tpu.memory_space<vmem>> -> memref<125xi32, #tpu.memory_space<vmem>>
    %dma_wait3A_263 = arith.constant 0 : i32
    %dma_wait3A_264 = arith.constant 0 : i32
    %dma_wait3A_265 = tpu.memref_slice %arg2[%dma_wait3A_263, %dma_wait3A_264] : memref<10000x64xf32, #tpu.memory_space<hbm>> -> memref<10000x64xf32, #tpu.memory_space<hbm>>
    tpu.wait_indirect_dma semaphore(%arg18 : memref<!tpu.dma_semaphore, #tpu.memory_space<semaphore_mem>>) src(%dma_wait3A_265 : memref<10000x64xf32, #tpu.memory_space<hbm>>) dst(%arg9 : memref<125x64xf32, #tpu.memory_space<vmem>>)
    %dma_start3A_266 = arith.constant 73 : i32
    %dma_start3A_267 = arith.constant 0 : i32
    %dma_start3A_268 = tpu.memref_slice %arg7[%dma_start3A_266, %dma_start3A_267] : memref<80x125xi32, #tpu.memory_space<vmem>> -> memref<1x125xi32, #tpu.memory_space<vmem>>
    %dma_start3A_269 = tpu.memref_squeeze %dma_start3A_268 : memref<1x125xi32, #tpu.memory_space<vmem>> -> memref<125xi32, #tpu.memory_space<vmem>>
    %dma_start3A_270 = arith.constant 0 : i32
    %dma_start3A_271 = arith.constant 0 : i32
    %dma_start3A_272 = tpu.memref_slice %arg16[%dma_start3A_270, %dma_start3A_271] : memref<10112x64xf32, #tpu.memory_space<vmem_shared>> -> memref<10112x64xf32, #tpu.memory_space<vmem_shared>>
    tpu.enqueue_indirect_dma source(%arg9 : memref<125x64xf32, #tpu.memory_space<vmem>>) target(%dma_start3A_272 : memref<10112x64xf32, #tpu.memory_space<vmem_shared>>) offsets(%dma_start3A_269 : memref<125xi32, #tpu.memory_space<vmem>>) semaphore(%arg26 : memref<!tpu.dma_semaphore, #tpu.memory_space<semaphore_mem>>) {add = true}
    %dma_wait3A_273 = arith.constant 0 : i32
    %dma_wait3A_274 = arith.constant 0 : i32
    %dma_wait3A_275 = tpu.memref_slice %arg7[%dma_wait3A_273, %dma_wait3A_274] : memref<80x125xi32, #tpu.memory_space<vmem>> -> memref<1x125xi32, #tpu.memory_space<vmem>>
    %dma_wait3A_276 = tpu.memref_squeeze %dma_wait3A_275 : memref<1x125xi32, #tpu.memory_space<vmem>> -> memref<125xi32, #tpu.memory_space<vmem>>
    %dma_wait3A_277 = arith.constant 0 : i32
    %dma_wait3A_278 = arith.constant 0 : i32
    %dma_wait3A_279 = tpu.memref_slice %arg16[%dma_wait3A_277, %dma_wait3A_278] : memref<10112x64xf32, #tpu.memory_space<vmem_shared>> -> memref<10112x64xf32, #tpu.memory_space<vmem_shared>>
    tpu.wait_indirect_dma semaphore(%arg30 : memref<!tpu.dma_semaphore, #tpu.memory_space<semaphore_mem>>) src(%arg13 : memref<125x64xf32, #tpu.memory_space<vmem>>) dst(%dma_wait3A_279 : memref<10112x64xf32, #tpu.memory_space<vmem_shared>>)
    %dma_start3A_280 = arith.constant 77 : i32
    %dma_start3A_281 = arith.constant 0 : i32
    %dma_start3A_282 = tpu.memref_slice %arg6[%dma_start3A_280, %dma_start3A_281] : memref<80x125xi32, #tpu.memory_space<vmem>> -> memref<1x125xi32, #tpu.memory_space<vmem>>
    %dma_start3A_283 = tpu.memref_squeeze %dma_start3A_282 : memref<1x125xi32, #tpu.memory_space<vmem>> -> memref<125xi32, #tpu.memory_space<vmem>>
    %dma_start3A_284 = arith.constant 0 : i32
    %dma_start3A_285 = arith.constant 0 : i32
    %dma_start3A_286 = tpu.memref_slice %arg2[%dma_start3A_284, %dma_start3A_285] : memref<10000x64xf32, #tpu.memory_space<hbm>> -> memref<10000x64xf32, #tpu.memory_space<hbm>>
    tpu.enqueue_indirect_dma source(%dma_start3A_286 : memref<10000x64xf32, #tpu.memory_space<hbm>>) target(%arg13 : memref<125x64xf32, #tpu.memory_space<vmem>>) offsets(%dma_start3A_283 : memref<125xi32, #tpu.memory_space<vmem>>) semaphore(%arg22 : memref<!tpu.dma_semaphore, #tpu.memory_space<semaphore_mem>>)
    %dma_wait3A_287 = arith.constant 0 : i32
    %dma_wait3A_288 = arith.constant 0 : i32
    %dma_wait3A_289 = tpu.memref_slice %arg6[%dma_wait3A_287, %dma_wait3A_288] : memref<80x125xi32, #tpu.memory_space<vmem>> -> memref<1x125xi32, #tpu.memory_space<vmem>>
    %dma_wait3A_290 = tpu.memref_squeeze %dma_wait3A_289 : memref<1x125xi32, #tpu.memory_space<vmem>> -> memref<125xi32, #tpu.memory_space<vmem>>
    %dma_wait3A_291 = arith.constant 0 : i32
    %dma_wait3A_292 = arith.constant 0 : i32
    %dma_wait3A_293 = tpu.memref_slice %arg2[%dma_wait3A_291, %dma_wait3A_292] : memref<10000x64xf32, #tpu.memory_space<hbm>> -> memref<10000x64xf32, #tpu.memory_space<hbm>>
    tpu.wait_indirect_dma semaphore(%arg19 : memref<!tpu.dma_semaphore, #tpu.memory_space<semaphore_mem>>) src(%dma_wait3A_293 : memref<10000x64xf32, #tpu.memory_space<hbm>>) dst(%arg10 : memref<125x64xf32, #tpu.memory_space<vmem>>)
    %dma_start3A_294 = arith.constant 74 : i32
    %dma_start3A_295 = arith.constant 0 : i32
    %dma_start3A_296 = tpu.memref_slice %arg7[%dma_start3A_294, %dma_start3A_295] : memref<80x125xi32, #tpu.memory_space<vmem>> -> memref<1x125xi32, #tpu.memory_space<vmem>>
    %dma_start3A_297 = tpu.memref_squeeze %dma_start3A_296 : memref<1x125xi32, #tpu.memory_space<vmem>> -> memref<125xi32, #tpu.memory_space<vmem>>
    %dma_start3A_298 = arith.constant 0 : i32
    %dma_start3A_299 = arith.constant 0 : i32
    %dma_start3A_300 = tpu.memref_slice %arg16[%dma_start3A_298, %dma_start3A_299] : memref<10112x64xf32, #tpu.memory_space<vmem_shared>> -> memref<10112x64xf32, #tpu.memory_space<vmem_shared>>
    tpu.enqueue_indirect_dma source(%arg10 : memref<125x64xf32, #tpu.memory_space<vmem>>) target(%dma_start3A_300 : memref<10112x64xf32, #tpu.memory_space<vmem_shared>>) offsets(%dma_start3A_297 : memref<125xi32, #tpu.memory_space<vmem>>) semaphore(%arg27 : memref<!tpu.dma_semaphore, #tpu.memory_space<semaphore_mem>>) {add = true}
    %dma_wait3A_301 = arith.constant 0 : i32
    %dma_wait3A_302 = arith.constant 0 : i32
    %dma_wait3A_303 = tpu.memref_slice %arg7[%dma_wait3A_301, %dma_wait3A_302] : memref<80x125xi32, #tpu.memory_space<vmem>> -> memref<1x125xi32, #tpu.memory_space<vmem>>
    %dma_wait3A_304 = tpu.memref_squeeze %dma_wait3A_303 : memref<1x125xi32, #tpu.memory_space<vmem>> -> memref<125xi32, #tpu.memory_space<vmem>>
    %dma_wait3A_305 = arith.constant 0 : i32
    %dma_wait3A_306 = arith.constant 0 : i32
    %dma_wait3A_307 = tpu.memref_slice %arg16[%dma_wait3A_305, %dma_wait3A_306] : memref<10112x64xf32, #tpu.memory_space<vmem_shared>> -> memref<10112x64xf32, #tpu.memory_space<vmem_shared>>
    tpu.wait_indirect_dma semaphore(%arg31 : memref<!tpu.dma_semaphore, #tpu.memory_space<semaphore_mem>>) src(%arg14 : memref<125x64xf32, #tpu.memory_space<vmem>>) dst(%dma_wait3A_307 : memref<10112x64xf32, #tpu.memory_space<vmem_shared>>)
    %dma_start3A_308 = arith.constant 78 : i32
    %dma_start3A_309 = arith.constant 0 : i32
    %dma_start3A_310 = tpu.memref_slice %arg6[%dma_start3A_308, %dma_start3A_309] : memref<80x125xi32, #tpu.memory_space<vmem>> -> memref<1x125xi32, #tpu.memory_space<vmem>>
    %dma_start3A_311 = tpu.memref_squeeze %dma_start3A_310 : memref<1x125xi32, #tpu.memory_space<vmem>> -> memref<125xi32, #tpu.memory_space<vmem>>
    %dma_start3A_312 = arith.constant 0 : i32
    %dma_start3A_313 = arith.constant 0 : i32
    %dma_start3A_314 = tpu.memref_slice %arg2[%dma_start3A_312, %dma_start3A_313] : memref<10000x64xf32, #tpu.memory_space<hbm>> -> memref<10000x64xf32, #tpu.memory_space<hbm>>
    tpu.enqueue_indirect_dma source(%dma_start3A_314 : memref<10000x64xf32, #tpu.memory_space<hbm>>) target(%arg14 : memref<125x64xf32, #tpu.memory_space<vmem>>) offsets(%dma_start3A_311 : memref<125xi32, #tpu.memory_space<vmem>>) semaphore(%arg23 : memref<!tpu.dma_semaphore, #tpu.memory_space<semaphore_mem>>)
    %dma_wait3A_315 = arith.constant 0 : i32
    %dma_wait3A_316 = arith.constant 0 : i32
    %dma_wait3A_317 = tpu.memref_slice %arg6[%dma_wait3A_315, %dma_wait3A_316] : memref<80x125xi32, #tpu.memory_space<vmem>> -> memref<1x125xi32, #tpu.memory_space<vmem>>
    %dma_wait3A_318 = tpu.memref_squeeze %dma_wait3A_317 : memref<1x125xi32, #tpu.memory_space<vmem>> -> memref<125xi32, #tpu.memory_space<vmem>>
    %dma_wait3A_319 = arith.constant 0 : i32
    %dma_wait3A_320 = arith.constant 0 : i32
    %dma_wait3A_321 = tpu.memref_slice %arg2[%dma_wait3A_319, %dma_wait3A_320] : memref<10000x64xf32, #tpu.memory_space<hbm>> -> memref<10000x64xf32, #tpu.memory_space<hbm>>
    tpu.wait_indirect_dma semaphore(%arg20 : memref<!tpu.dma_semaphore, #tpu.memory_space<semaphore_mem>>) src(%dma_wait3A_321 : memref<10000x64xf32, #tpu.memory_space<hbm>>) dst(%arg11 : memref<125x64xf32, #tpu.memory_space<vmem>>)
    %dma_start3A_322 = arith.constant 75 : i32
    %dma_start3A_323 = arith.constant 0 : i32
    %dma_start3A_324 = tpu.memref_slice %arg7[%dma_start3A_322, %dma_start3A_323] : memref<80x125xi32, #tpu.memory_space<vmem>> -> memref<1x125xi32, #tpu.memory_space<vmem>>
    %dma_start3A_325 = tpu.memref_squeeze %dma_start3A_324 : memref<1x125xi32, #tpu.memory_space<vmem>> -> memref<125xi32, #tpu.memory_space<vmem>>
    %dma_start3A_326 = arith.constant 0 : i32
    %dma_start3A_327 = arith.constant 0 : i32
    %dma_start3A_328 = tpu.memref_slice %arg16[%dma_start3A_326, %dma_start3A_327] : memref<10112x64xf32, #tpu.memory_space<vmem_shared>> -> memref<10112x64xf32, #tpu.memory_space<vmem_shared>>
    tpu.enqueue_indirect_dma source(%arg11 : memref<125x64xf32, #tpu.memory_space<vmem>>) target(%dma_start3A_328 : memref<10112x64xf32, #tpu.memory_space<vmem_shared>>) offsets(%dma_start3A_325 : memref<125xi32, #tpu.memory_space<vmem>>) semaphore(%arg28 : memref<!tpu.dma_semaphore, #tpu.memory_space<semaphore_mem>>) {add = true}
    %dma_wait3A_329 = arith.constant 0 : i32
    %dma_wait3A_330 = arith.constant 0 : i32
    %dma_wait3A_331 = tpu.memref_slice %arg7[%dma_wait3A_329, %dma_wait3A_330] : memref<80x125xi32, #tpu.memory_space<vmem>> -> memref<1x125xi32, #tpu.memory_space<vmem>>
    %dma_wait3A_332 = tpu.memref_squeeze %dma_wait3A_331 : memref<1x125xi32, #tpu.memory_space<vmem>> -> memref<125xi32, #tpu.memory_space<vmem>>
    %dma_wait3A_333 = arith.constant 0 : i32
    %dma_wait3A_334 = arith.constant 0 : i32
    %dma_wait3A_335 = tpu.memref_slice %arg16[%dma_wait3A_333, %dma_wait3A_334] : memref<10112x64xf32, #tpu.memory_space<vmem_shared>> -> memref<10112x64xf32, #tpu.memory_space<vmem_shared>>
    tpu.wait_indirect_dma semaphore(%arg32 : memref<!tpu.dma_semaphore, #tpu.memory_space<semaphore_mem>>) src(%arg15 : memref<125x64xf32, #tpu.memory_space<vmem>>) dst(%dma_wait3A_335 : memref<10112x64xf32, #tpu.memory_space<vmem_shared>>)
    %dma_start3A_336 = arith.constant 79 : i32
    %dma_start3A_337 = arith.constant 0 : i32
    %dma_start3A_338 = tpu.memref_slice %arg6[%dma_start3A_336, %dma_start3A_337] : memref<80x125xi32, #tpu.memory_space<vmem>> -> memref<1x125xi32, #tpu.memory_space<vmem>>
    %dma_start3A_339 = tpu.memref_squeeze %dma_start3A_338 : memref<1x125xi32, #tpu.memory_space<vmem>> -> memref<125xi32, #tpu.memory_space<vmem>>
    %dma_start3A_340 = arith.constant 0 : i32
    %dma_start3A_341 = arith.constant 0 : i32
    %dma_start3A_342 = tpu.memref_slice %arg2[%dma_start3A_340, %dma_start3A_341] : memref<10000x64xf32, #tpu.memory_space<hbm>> -> memref<10000x64xf32, #tpu.memory_space<hbm>>
    tpu.enqueue_indirect_dma source(%dma_start3A_342 : memref<10000x64xf32, #tpu.memory_space<hbm>>) target(%arg15 : memref<125x64xf32, #tpu.memory_space<vmem>>) offsets(%dma_start3A_339 : memref<125xi32, #tpu.memory_space<vmem>>) semaphore(%arg24 : memref<!tpu.dma_semaphore, #tpu.memory_space<semaphore_mem>>)
    %dma_wait3A_343 = arith.constant 0 : i32
    %dma_wait3A_344 = arith.constant 0 : i32
    %dma_wait3A_345 = tpu.memref_slice %arg6[%dma_wait3A_343, %dma_wait3A_344] : memref<80x125xi32, #tpu.memory_space<vmem>> -> memref<1x125xi32, #tpu.memory_space<vmem>>
    %dma_wait3A_346 = tpu.memref_squeeze %dma_wait3A_345 : memref<1x125xi32, #tpu.memory_space<vmem>> -> memref<125xi32, #tpu.memory_space<vmem>>
    %dma_wait3A_347 = arith.constant 0 : i32
    %dma_wait3A_348 = arith.constant 0 : i32
    %dma_wait3A_349 = tpu.memref_slice %arg2[%dma_wait3A_347, %dma_wait3A_348] : memref<10000x64xf32, #tpu.memory_space<hbm>> -> memref<10000x64xf32, #tpu.memory_space<hbm>>
    tpu.wait_indirect_dma semaphore(%arg21 : memref<!tpu.dma_semaphore, #tpu.memory_space<semaphore_mem>>) src(%dma_wait3A_349 : memref<10000x64xf32, #tpu.memory_space<hbm>>) dst(%arg12 : memref<125x64xf32, #tpu.memory_space<vmem>>)
    %dma_start3A_350 = arith.constant 76 : i32
    %dma_start3A_351 = arith.constant 0 : i32
    %dma_start3A_352 = tpu.memref_slice %arg7[%dma_start3A_350, %dma_start3A_351] : memref<80x125xi32, #tpu.memory_space<vmem>> -> memref<1x125xi32, #tpu.memory_space<vmem>>
    %dma_start3A_353 = tpu.memref_squeeze %dma_start3A_352 : memref<1x125xi32, #tpu.memory_space<vmem>> -> memref<125xi32, #tpu.memory_space<vmem>>
    %dma_start3A_354 = arith.constant 0 : i32
    %dma_start3A_355 = arith.constant 0 : i32
    %dma_start3A_356 = tpu.memref_slice %arg16[%dma_start3A_354, %dma_start3A_355] : memref<10112x64xf32, #tpu.memory_space<vmem_shared>> -> memref<10112x64xf32, #tpu.memory_space<vmem_shared>>
    tpu.enqueue_indirect_dma source(%arg12 : memref<125x64xf32, #tpu.memory_space<vmem>>) target(%dma_start3A_356 : memref<10112x64xf32, #tpu.memory_space<vmem_shared>>) offsets(%dma_start3A_353 : memref<125xi32, #tpu.memory_space<vmem>>) semaphore(%arg29 : memref<!tpu.dma_semaphore, #tpu.memory_space<semaphore_mem>>) {add = true}
    %dma_wait3A_357 = arith.constant 0 : i32
    %dma_wait3A_358 = arith.constant 0 : i32
    %dma_wait3A_359 = tpu.memref_slice %arg6[%dma_wait3A_357, %dma_wait3A_358] : memref<80x125xi32, #tpu.memory_space<vmem>> -> memref<1x125xi32, #tpu.memory_space<vmem>>
    %dma_wait3A_360 = tpu.memref_squeeze %dma_wait3A_359 : memref<1x125xi32, #tpu.memory_space<vmem>> -> memref<125xi32, #tpu.memory_space<vmem>>
    %dma_wait3A_361 = arith.constant 0 : i32
    %dma_wait3A_362 = arith.constant 0 : i32
    %dma_wait3A_363 = tpu.memref_slice %arg2[%dma_wait3A_361, %dma_wait3A_362] : memref<10000x64xf32, #tpu.memory_space<hbm>> -> memref<10000x64xf32, #tpu.memory_space<hbm>>
    tpu.wait_indirect_dma semaphore(%arg22 : memref<!tpu.dma_semaphore, #tpu.memory_space<semaphore_mem>>) src(%dma_wait3A_363 : memref<10000x64xf32, #tpu.memory_space<hbm>>) dst(%arg13 : memref<125x64xf32, #tpu.memory_space<vmem>>)
    %dma_start3A_364 = arith.constant 77 : i32
    %dma_start3A_365 = arith.constant 0 : i32
    %dma_start3A_366 = tpu.memref_slice %arg7[%dma_start3A_364, %dma_start3A_365] : memref<80x125xi32, #tpu.memory_space<vmem>> -> memref<1x125xi32, #tpu.memory_space<vmem>>
    %dma_start3A_367 = tpu.memref_squeeze %dma_start3A_366 : memref<1x125xi32, #tpu.memory_space<vmem>> -> memref<125xi32, #tpu.memory_space<vmem>>
    %dma_start3A_368 = arith.constant 0 : i32
    %dma_start3A_369 = arith.constant 0 : i32
    %dma_start3A_370 = tpu.memref_slice %arg16[%dma_start3A_368, %dma_start3A_369] : memref<10112x64xf32, #tpu.memory_space<vmem_shared>> -> memref<10112x64xf32, #tpu.memory_space<vmem_shared>>
    tpu.enqueue_indirect_dma source(%arg13 : memref<125x64xf32, #tpu.memory_space<vmem>>) target(%dma_start3A_370 : memref<10112x64xf32, #tpu.memory_space<vmem_shared>>) offsets(%dma_start3A_367 : memref<125xi32, #tpu.memory_space<vmem>>) semaphore(%arg30 : memref<!tpu.dma_semaphore, #tpu.memory_space<semaphore_mem>>) {add = true}
    %dma_wait3A_371 = arith.constant 0 : i32
    %dma_wait3A_372 = arith.constant 0 : i32
    %dma_wait3A_373 = tpu.memref_slice %arg6[%dma_wait3A_371, %dma_wait3A_372] : memref<80x125xi32, #tpu.memory_space<vmem>> -> memref<1x125xi32, #tpu.memory_space<vmem>>
    %dma_wait3A_374 = tpu.memref_squeeze %dma_wait3A_373 : memref<1x125xi32, #tpu.memory_space<vmem>> -> memref<125xi32, #tpu.memory_space<vmem>>
    %dma_wait3A_375 = arith.constant 0 : i32
    %dma_wait3A_376 = arith.constant 0 : i32
    %dma_wait3A_377 = tpu.memref_slice %arg2[%dma_wait3A_375, %dma_wait3A_376] : memref<10000x64xf32, #tpu.memory_space<hbm>> -> memref<10000x64xf32, #tpu.memory_space<hbm>>
    tpu.wait_indirect_dma semaphore(%arg23 : memref<!tpu.dma_semaphore, #tpu.memory_space<semaphore_mem>>) src(%dma_wait3A_377 : memref<10000x64xf32, #tpu.memory_space<hbm>>) dst(%arg14 : memref<125x64xf32, #tpu.memory_space<vmem>>)
    %dma_start3A_378 = arith.constant 78 : i32
    %dma_start3A_379 = arith.constant 0 : i32
    %dma_start3A_380 = tpu.memref_slice %arg7[%dma_start3A_378, %dma_start3A_379] : memref<80x125xi32, #tpu.memory_space<vmem>> -> memref<1x125xi32, #tpu.memory_space<vmem>>
    %dma_start3A_381 = tpu.memref_squeeze %dma_start3A_380 : memref<1x125xi32, #tpu.memory_space<vmem>> -> memref<125xi32, #tpu.memory_space<vmem>>
    %dma_start3A_382 = arith.constant 0 : i32
    %dma_start3A_383 = arith.constant 0 : i32
    %dma_start3A_384 = tpu.memref_slice %arg16[%dma_start3A_382, %dma_start3A_383] : memref<10112x64xf32, #tpu.memory_space<vmem_shared>> -> memref<10112x64xf32, #tpu.memory_space<vmem_shared>>
    tpu.enqueue_indirect_dma source(%arg14 : memref<125x64xf32, #tpu.memory_space<vmem>>) target(%dma_start3A_384 : memref<10112x64xf32, #tpu.memory_space<vmem_shared>>) offsets(%dma_start3A_381 : memref<125xi32, #tpu.memory_space<vmem>>) semaphore(%arg31 : memref<!tpu.dma_semaphore, #tpu.memory_space<semaphore_mem>>) {add = true}
    %dma_wait3A_385 = arith.constant 0 : i32
    %dma_wait3A_386 = arith.constant 0 : i32
    %dma_wait3A_387 = tpu.memref_slice %arg6[%dma_wait3A_385, %dma_wait3A_386] : memref<80x125xi32, #tpu.memory_space<vmem>> -> memref<1x125xi32, #tpu.memory_space<vmem>>
    %dma_wait3A_388 = tpu.memref_squeeze %dma_wait3A_387 : memref<1x125xi32, #tpu.memory_space<vmem>> -> memref<125xi32, #tpu.memory_space<vmem>>
    %dma_wait3A_389 = arith.constant 0 : i32
    %dma_wait3A_390 = arith.constant 0 : i32
    %dma_wait3A_391 = tpu.memref_slice %arg2[%dma_wait3A_389, %dma_wait3A_390] : memref<10000x64xf32, #tpu.memory_space<hbm>> -> memref<10000x64xf32, #tpu.memory_space<hbm>>
    tpu.wait_indirect_dma semaphore(%arg24 : memref<!tpu.dma_semaphore, #tpu.memory_space<semaphore_mem>>) src(%dma_wait3A_391 : memref<10000x64xf32, #tpu.memory_space<hbm>>) dst(%arg15 : memref<125x64xf32, #tpu.memory_space<vmem>>)
    %dma_start3A_392 = arith.constant 79 : i32
    %dma_start3A_393 = arith.constant 0 : i32
    %dma_start3A_394 = tpu.memref_slice %arg7[%dma_start3A_392, %dma_start3A_393] : memref<80x125xi32, #tpu.memory_space<vmem>> -> memref<1x125xi32, #tpu.memory_space<vmem>>
    %dma_start3A_395 = tpu.memref_squeeze %dma_start3A_394 : memref<1x125xi32, #tpu.memory_space<vmem>> -> memref<125xi32, #tpu.memory_space<vmem>>
    %dma_start3A_396 = arith.constant 0 : i32
    %dma_start3A_397 = arith.constant 0 : i32
    %dma_start3A_398 = tpu.memref_slice %arg16[%dma_start3A_396, %dma_start3A_397] : memref<10112x64xf32, #tpu.memory_space<vmem_shared>> -> memref<10112x64xf32, #tpu.memory_space<vmem_shared>>
    tpu.enqueue_indirect_dma source(%arg15 : memref<125x64xf32, #tpu.memory_space<vmem>>) target(%dma_start3A_398 : memref<10112x64xf32, #tpu.memory_space<vmem_shared>>) offsets(%dma_start3A_395 : memref<125xi32, #tpu.memory_space<vmem>>) semaphore(%arg32 : memref<!tpu.dma_semaphore, #tpu.memory_space<semaphore_mem>>) {add = true}
    %dma_wait3A_399 = arith.constant 0 : i32
    %dma_wait3A_400 = arith.constant 0 : i32
    %dma_wait3A_401 = tpu.memref_slice %arg7[%dma_wait3A_399, %dma_wait3A_400] : memref<80x125xi32, #tpu.memory_space<vmem>> -> memref<1x125xi32, #tpu.memory_space<vmem>>
    %dma_wait3A_402 = tpu.memref_squeeze %dma_wait3A_401 : memref<1x125xi32, #tpu.memory_space<vmem>> -> memref<125xi32, #tpu.memory_space<vmem>>
    %dma_wait3A_403 = arith.constant 0 : i32
    %dma_wait3A_404 = arith.constant 0 : i32
    %dma_wait3A_405 = tpu.memref_slice %arg16[%dma_wait3A_403, %dma_wait3A_404] : memref<10112x64xf32, #tpu.memory_space<vmem_shared>> -> memref<10112x64xf32, #tpu.memory_space<vmem_shared>>
    tpu.wait_indirect_dma semaphore(%arg25 : memref<!tpu.dma_semaphore, #tpu.memory_space<semaphore_mem>>) src(%arg8 : memref<125x64xf32, #tpu.memory_space<vmem>>) dst(%dma_wait3A_405 : memref<10112x64xf32, #tpu.memory_space<vmem_shared>>)
    %dma_wait3A_406 = arith.constant 0 : i32
    %dma_wait3A_407 = arith.constant 0 : i32
    %dma_wait3A_408 = tpu.memref_slice %arg7[%dma_wait3A_406, %dma_wait3A_407] : memref<80x125xi32, #tpu.memory_space<vmem>> -> memref<1x125xi32, #tpu.memory_space<vmem>>
    %dma_wait3A_409 = tpu.memref_squeeze %dma_wait3A_408 : memref<1x125xi32, #tpu.memory_space<vmem>> -> memref<125xi32, #tpu.memory_space<vmem>>
    %dma_wait3A_410 = arith.constant 0 : i32
    %dma_wait3A_411 = arith.constant 0 : i32
    %dma_wait3A_412 = tpu.memref_slice %arg16[%dma_wait3A_410, %dma_wait3A_411] : memref<10112x64xf32, #tpu.memory_space<vmem_shared>> -> memref<10112x64xf32, #tpu.memory_space<vmem_shared>>
    tpu.wait_indirect_dma semaphore(%arg26 : memref<!tpu.dma_semaphore, #tpu.memory_space<semaphore_mem>>) src(%arg9 : memref<125x64xf32, #tpu.memory_space<vmem>>) dst(%dma_wait3A_412 : memref<10112x64xf32, #tpu.memory_space<vmem_shared>>)
    %dma_wait3A_413 = arith.constant 0 : i32
    %dma_wait3A_414 = arith.constant 0 : i32
    %dma_wait3A_415 = tpu.memref_slice %arg7[%dma_wait3A_413, %dma_wait3A_414] : memref<80x125xi32, #tpu.memory_space<vmem>> -> memref<1x125xi32, #tpu.memory_space<vmem>>
    %dma_wait3A_416 = tpu.memref_squeeze %dma_wait3A_415 : memref<1x125xi32, #tpu.memory_space<vmem>> -> memref<125xi32, #tpu.memory_space<vmem>>
    %dma_wait3A_417 = arith.constant 0 : i32
    %dma_wait3A_418 = arith.constant 0 : i32
    %dma_wait3A_419 = tpu.memref_slice %arg16[%dma_wait3A_417, %dma_wait3A_418] : memref<10112x64xf32, #tpu.memory_space<vmem_shared>> -> memref<10112x64xf32, #tpu.memory_space<vmem_shared>>
    tpu.wait_indirect_dma semaphore(%arg27 : memref<!tpu.dma_semaphore, #tpu.memory_space<semaphore_mem>>) src(%arg10 : memref<125x64xf32, #tpu.memory_space<vmem>>) dst(%dma_wait3A_419 : memref<10112x64xf32, #tpu.memory_space<vmem_shared>>)
    %dma_wait3A_420 = arith.constant 0 : i32
    %dma_wait3A_421 = arith.constant 0 : i32
    %dma_wait3A_422 = tpu.memref_slice %arg7[%dma_wait3A_420, %dma_wait3A_421] : memref<80x125xi32, #tpu.memory_space<vmem>> -> memref<1x125xi32, #tpu.memory_space<vmem>>
    %dma_wait3A_423 = tpu.memref_squeeze %dma_wait3A_422 : memref<1x125xi32, #tpu.memory_space<vmem>> -> memref<125xi32, #tpu.memory_space<vmem>>
    %dma_wait3A_424 = arith.constant 0 : i32
    %dma_wait3A_425 = arith.constant 0 : i32
    %dma_wait3A_426 = tpu.memref_slice %arg16[%dma_wait3A_424, %dma_wait3A_425] : memref<10112x64xf32, #tpu.memory_space<vmem_shared>> -> memref<10112x64xf32, #tpu.memory_space<vmem_shared>>
    tpu.wait_indirect_dma semaphore(%arg28 : memref<!tpu.dma_semaphore, #tpu.memory_space<semaphore_mem>>) src(%arg11 : memref<125x64xf32, #tpu.memory_space<vmem>>) dst(%dma_wait3A_426 : memref<10112x64xf32, #tpu.memory_space<vmem_shared>>)
    %dma_wait3A_427 = arith.constant 0 : i32
    %dma_wait3A_428 = arith.constant 0 : i32
    %dma_wait3A_429 = tpu.memref_slice %arg7[%dma_wait3A_427, %dma_wait3A_428] : memref<80x125xi32, #tpu.memory_space<vmem>> -> memref<1x125xi32, #tpu.memory_space<vmem>>
    %dma_wait3A_430 = tpu.memref_squeeze %dma_wait3A_429 : memref<1x125xi32, #tpu.memory_space<vmem>> -> memref<125xi32, #tpu.memory_space<vmem>>
    %dma_wait3A_431 = arith.constant 0 : i32
    %dma_wait3A_432 = arith.constant 0 : i32
    %dma_wait3A_433 = tpu.memref_slice %arg16[%dma_wait3A_431, %dma_wait3A_432] : memref<10112x64xf32, #tpu.memory_space<vmem_shared>> -> memref<10112x64xf32, #tpu.memory_space<vmem_shared>>
    tpu.wait_indirect_dma semaphore(%arg29 : memref<!tpu.dma_semaphore, #tpu.memory_space<semaphore_mem>>) src(%arg12 : memref<125x64xf32, #tpu.memory_space<vmem>>) dst(%dma_wait3A_433 : memref<10112x64xf32, #tpu.memory_space<vmem_shared>>)
    %dma_wait3A_434 = arith.constant 0 : i32
    %dma_wait3A_435 = arith.constant 0 : i32
    %dma_wait3A_436 = tpu.memref_slice %arg7[%dma_wait3A_434, %dma_wait3A_435] : memref<80x125xi32, #tpu.memory_space<vmem>> -> memref<1x125xi32, #tpu.memory_space<vmem>>
    %dma_wait3A_437 = tpu.memref_squeeze %dma_wait3A_436 : memref<1x125xi32, #tpu.memory_space<vmem>> -> memref<125xi32, #tpu.memory_space<vmem>>
    %dma_wait3A_438 = arith.constant 0 : i32
    %dma_wait3A_439 = arith.constant 0 : i32
    %dma_wait3A_440 = tpu.memref_slice %arg16[%dma_wait3A_438, %dma_wait3A_439] : memref<10112x64xf32, #tpu.memory_space<vmem_shared>> -> memref<10112x64xf32, #tpu.memory_space<vmem_shared>>
    tpu.wait_indirect_dma semaphore(%arg30 : memref<!tpu.dma_semaphore, #tpu.memory_space<semaphore_mem>>) src(%arg13 : memref<125x64xf32, #tpu.memory_space<vmem>>) dst(%dma_wait3A_440 : memref<10112x64xf32, #tpu.memory_space<vmem_shared>>)
    %dma_wait3A_441 = arith.constant 0 : i32
    %dma_wait3A_442 = arith.constant 0 : i32
    %dma_wait3A_443 = tpu.memref_slice %arg7[%dma_wait3A_441, %dma_wait3A_442] : memref<80x125xi32, #tpu.memory_space<vmem>> -> memref<1x125xi32, #tpu.memory_space<vmem>>
    %dma_wait3A_444 = tpu.memref_squeeze %dma_wait3A_443 : memref<1x125xi32, #tpu.memory_space<vmem>> -> memref<125xi32, #tpu.memory_space<vmem>>
    %dma_wait3A_445 = arith.constant 0 : i32
    %dma_wait3A_446 = arith.constant 0 : i32
    %dma_wait3A_447 = tpu.memref_slice %arg16[%dma_wait3A_445, %dma_wait3A_446] : memref<10112x64xf32, #tpu.memory_space<vmem_shared>> -> memref<10112x64xf32, #tpu.memory_space<vmem_shared>>
    tpu.wait_indirect_dma semaphore(%arg31 : memref<!tpu.dma_semaphore, #tpu.memory_space<semaphore_mem>>) src(%arg14 : memref<125x64xf32, #tpu.memory_space<vmem>>) dst(%dma_wait3A_447 : memref<10112x64xf32, #tpu.memory_space<vmem_shared>>)
    %dma_wait3A_448 = arith.constant 0 : i32
    %dma_wait3A_449 = arith.constant 0 : i32
    %dma_wait3A_450 = tpu.memref_slice %arg7[%dma_wait3A_448, %dma_wait3A_449] : memref<80x125xi32, #tpu.memory_space<vmem>> -> memref<1x125xi32, #tpu.memory_space<vmem>>
    %dma_wait3A_451 = tpu.memref_squeeze %dma_wait3A_450 : memref<1x125xi32, #tpu.memory_space<vmem>> -> memref<125xi32, #tpu.memory_space<vmem>>
    %dma_wait3A_452 = arith.constant 0 : i32
    %dma_wait3A_453 = arith.constant 0 : i32
    %dma_wait3A_454 = tpu.memref_slice %arg16[%dma_wait3A_452, %dma_wait3A_453] : memref<10112x64xf32, #tpu.memory_space<vmem_shared>> -> memref<10112x64xf32, #tpu.memory_space<vmem_shared>>
    tpu.wait_indirect_dma semaphore(%arg32 : memref<!tpu.dma_semaphore, #tpu.memory_space<semaphore_mem>>) src(%arg15 : memref<125x64xf32, #tpu.memory_space<vmem>>) dst(%dma_wait3A_454 : memref<10112x64xf32, #tpu.memory_space<vmem_shared>>)
    %barrier3A_455 = arith.constant 0 : index
    tpu.barrier barrier_id(%barrier3A_455)
    %lt3A = arith.constant 15 : i32
    %lt3A_456 = arith.cmpi slt, %arg1, %lt3A : i32
    %convert_element_type3A = arith.extui %lt3A_456 : i1 to i32
    %cond3A = arith.constant 0 : i32
    %cond3A_457 = arith.cmpi ne, %convert_element_type3A, %cond3A : i32
    scf.if %cond3A_457 {
      %mul3A_462 = arith.constant 632 : i32
      %mul3A_463 = arith.muli %arg1, %mul3A_462 : i32
      "tpu.region"() ({
        %run_scoped3A_464 = tpu.sem_alloc : memref<!tpu.dma_semaphore, #tpu.memory_space<semaphore_mem>>
        %dma_start3A_465 = arith.constant 0 : i32
        %dma_start3A_466 = tpu.memref_slice %arg5[%arg0, %mul3A_463, %dma_start3A_465] : memref<2x10000x64xf32, #tpu.memory_space<hbm>> -> memref<1x632x64xf32, #tpu.memory_space<hbm>>
        %dma_start3A_467 = tpu.memref_squeeze %dma_start3A_466 : memref<1x632x64xf32, #tpu.memory_space<hbm>> -> memref<632x64xf32, #tpu.memory_space<hbm>>
        %dma_start3A_468 = arith.constant 0 : i32
        %dma_start3A_469 = tpu.memref_slice %arg16[%mul3A_463, %dma_start3A_468] : memref<10112x64xf32, #tpu.memory_space<vmem_shared>> -> memref<632x64xf32, #tpu.memory_space<vmem_shared>>
        tpu.enqueue_dma source(%dma_start3A_469 : memref<632x64xf32, #tpu.memory_space<vmem_shared>>) target(%dma_start3A_467 : memref<632x64xf32, #tpu.memory_space<hbm>>) target_semaphore(%run_scoped3A_464 : memref<!tpu.dma_semaphore, #tpu.memory_space<semaphore_mem>>)
        %dma_wait3A_470 = arith.constant 0 : i32
        %dma_wait3A_471 = tpu.memref_slice %arg5[%arg0, %mul3A_463, %dma_wait3A_470] : memref<2x10000x64xf32, #tpu.memory_space<hbm>> -> memref<1x632x64xf32, #tpu.memory_space<hbm>>
        %dma_wait3A_472 = tpu.memref_squeeze %dma_wait3A_471 : memref<1x632x64xf32, #tpu.memory_space<hbm>> -> memref<632x64xf32, #tpu.memory_space<hbm>>
        %dma_wait3A_473 = arith.constant 0 : i32
        %dma_wait3A_474 = tpu.memref_slice %arg16[%mul3A_463, %dma_wait3A_473] : memref<10112x64xf32, #tpu.memory_space<vmem_shared>> -> memref<632x64xf32, #tpu.memory_space<vmem_shared>>
        tpu.wait_dma2 semaphore(%run_scoped3A_464 : memref<!tpu.dma_semaphore, #tpu.memory_space<semaphore_mem>>) src(%dma_wait3A_474 : memref<632x64xf32, #tpu.memory_space<vmem_shared>>) dst(%dma_wait3A_472 : memref<632x64xf32, #tpu.memory_space<hbm>>)
        tpu.yield
      }) : () -> ()
    } else {
    }
    %eq3A = arith.constant 15 : i32
    %eq3A_458 = arith.cmpi eq, %arg1, %eq3A : i32
    %convert_element_type3A_459 = arith.extui %eq3A_458 : i1 to i32
    %cond3A_460 = arith.constant 0 : i32
    %cond3A_461 = arith.cmpi ne, %convert_element_type3A_459, %cond3A_460 : i32
    scf.if %cond3A_461 {
      %mul3A_462 = arith.constant 632 : i32
      %mul3A_463 = arith.muli %arg1, %mul3A_462 : i32
      "tpu.region"() ({
        %run_scoped3A_464 = tpu.sem_alloc : memref<!tpu.dma_semaphore, #tpu.memory_space<semaphore_mem>>
        %dma_start3A_465 = arith.constant 0 : i32
        %dma_start3A_466 = tpu.memref_slice %arg5[%arg0, %mul3A_463, %dma_start3A_465] : memref<2x10000x64xf32, #tpu.memory_space<hbm>> -> memref<1x520x64xf32, #tpu.memory_space<hbm>>
        %dma_start3A_467 = tpu.memref_squeeze %dma_start3A_466 : memref<1x520x64xf32, #tpu.memory_space<hbm>> -> memref<520x64xf32, #tpu.memory_space<hbm>>
        %dma_start3A_468 = arith.constant 0 : i32
        %dma_start3A_469 = tpu.memref_slice %arg16[%mul3A_463, %dma_start3A_468] : memref<10112x64xf32, #tpu.memory_space<vmem_shared>> -> memref<520x64xf32, #tpu.memory_space<vmem_shared>>
        tpu.enqueue_dma source(%dma_start3A_469 : memref<520x64xf32, #tpu.memory_space<vmem_shared>>) target(%dma_start3A_467 : memref<520x64xf32, #tpu.memory_space<hbm>>) target_semaphore(%run_scoped3A_464 : memref<!tpu.dma_semaphore, #tpu.memory_space<semaphore_mem>>)
        %dma_wait3A_470 = arith.constant 0 : i32
        %dma_wait3A_471 = tpu.memref_slice %arg5[%arg0, %mul3A_463, %dma_wait3A_470] : memref<2x10000x64xf32, #tpu.memory_space<hbm>> -> memref<1x520x64xf32, #tpu.memory_space<hbm>>
        %dma_wait3A_472 = tpu.memref_squeeze %dma_wait3A_471 : memref<1x520x64xf32, #tpu.memory_space<hbm>> -> memref<520x64xf32, #tpu.memory_space<hbm>>
        %dma_wait3A_473 = arith.constant 0 : i32
        %dma_wait3A_474 = tpu.memref_slice %arg16[%mul3A_463, %dma_wait3A_473] : memref<10112x64xf32, #tpu.memory_space<vmem_shared>> -> memref<520x64xf32, #tpu.memory_space<vmem_shared>>
        tpu.wait_dma2 semaphore(%run_scoped3A_464 : memref<!tpu.dma_semaphore, #tpu.memory_space<semaphore_mem>>) src(%dma_wait3A_474 : memref<520x64xf32, #tpu.memory_space<vmem_shared>>) dst(%dma_wait3A_472 : memref<520x64xf32, #tpu.memory_space<hbm>>)
        tpu.yield
      }) : () -> ()
    } else {
    }
    return
  }
}

#map = affine_map<(d0, d1) -> (0, 0)>
#map1 = affine_map<(d0, d1) -> (0, 0, 0, 0)>
#map2 = affine_map<(d0, d1) -> (0, 0, 0)>
module attributes {stable_mosaic.version = 14 : i64} {
  func.func @_sc_body(%arg0: i32, %arg1: i32, %arg2: memref<10000x64xf32, #tpu.memory_space<hbm>>, %arg3: memref<2x32x80x125xi32, #tpu.memory_space<hbm>>, %arg4: memref<10112x64xf32, #tpu.memory_space<hbm>>, %arg5: memref<10112x16xf32, #tpu.memory_space<hbm>>, %arg6: memref<2x10000x64xf32, #tpu.memory_space<hbm>>, %arg7: memref<2x10000x16xf32, #tpu.memory_space<hbm>>, %arg8: memref<80x125xi32, #tpu.memory_space<vmem>>, %arg9: memref<80x125xi32, #tpu.memory_space<vmem>>, %arg10: memref<125x64xf32, #tpu.memory_space<vmem>>, %arg11: memref<125x64xf32, #tpu.memory_space<vmem>>, %arg12: memref<125x64xf32, #tpu.memory_space<vmem>>, %arg13: memref<125x64xf32, #tpu.memory_space<vmem>>, %arg14: memref<125x64xf32, #tpu.memory_space<vmem>>, %arg15: memref<125x64xf32, #tpu.memory_space<vmem>>, %arg16: memref<125x16xf32, #tpu.memory_space<vmem>>, %arg17: memref<10112x64xf32, #tpu.memory_space<vmem_shared>>, %arg18: memref<10112x16xf32, #tpu.memory_space<vmem_shared>>, %arg19: memref<!tpu.dma_semaphore, #tpu.memory_space<semaphore_mem>>, %arg20: memref<!tpu.dma_semaphore, #tpu.memory_space<semaphore_mem>>, %arg21: memref<!tpu.dma_semaphore, #tpu.memory_space<semaphore_mem>>, %arg22: memref<!tpu.dma_semaphore, #tpu.memory_space<semaphore_mem>>, %arg23: memref<!tpu.dma_semaphore, #tpu.memory_space<semaphore_mem>>, %arg24: memref<!tpu.dma_semaphore, #tpu.memory_space<semaphore_mem>>, %arg25: memref<!tpu.dma_semaphore, #tpu.memory_space<semaphore_mem>>, %arg26: memref<!tpu.dma_semaphore, #tpu.memory_space<semaphore_mem>>, %arg27: memref<!tpu.dma_semaphore, #tpu.memory_space<semaphore_mem>>, %arg28: memref<!tpu.dma_semaphore, #tpu.memory_space<semaphore_mem>>, %arg29: memref<!tpu.dma_semaphore, #tpu.memory_space<semaphore_mem>>, %arg30: memref<!tpu.dma_semaphore, #tpu.memory_space<semaphore_mem>>) attributes {dimension_semantics = [#tpu.dimension_semantics<core_parallel>, #tpu.dimension_semantics<subcore_parallel>], iteration_bounds = array<i64: 2, 16>, scalar_prefetch = 0 : i64, scratch_operands = 23 : i64, tpu.core_type = #tpu.core_type<sc_vector_subcore>, window_params = [{transform_indices = #map}, {transform_indices = #map1}, {transform_indices = #map}, {transform_indices = #map}, {transform_indices = #map2}, {transform_indices = #map2}]} {
    %mul3A = arith.constant 2 : i32
    %mul3A_0 = arith.muli %arg1, %mul3A : i32
    %add3A = arith.addi %mul3A_0, %arg0 : i32
    %mul3A_1 = arith.constant 632 : i32
    %mul3A_2 = arith.muli %arg1, %mul3A_1 : i32
    "tpu.region"() ({
      %run_scoped3A_436 = tpu.sem_alloc : memref<!tpu.dma_semaphore, #tpu.memory_space<semaphore_mem>>
      %dma_start3A_437 = arith.constant 0 : i32
      %dma_start3A_438 = tpu.memref_slice %arg17[%mul3A_2, %dma_start3A_437] : memref<10112x64xf32, #tpu.memory_space<vmem_shared>> -> memref<632x64xf32, #tpu.memory_space<vmem_shared>>
      %dma_start3A_439 = arith.constant 0 : i32
      %dma_start3A_440 = tpu.memref_slice %arg4[%mul3A_2, %dma_start3A_439] : memref<10112x64xf32, #tpu.memory_space<hbm>> -> memref<632x64xf32, #tpu.memory_space<hbm>>
      tpu.enqueue_dma source(%dma_start3A_440 : memref<632x64xf32, #tpu.memory_space<hbm>>) target(%dma_start3A_438 : memref<632x64xf32, #tpu.memory_space<vmem_shared>>) target_semaphore(%run_scoped3A_436 : memref<!tpu.dma_semaphore, #tpu.memory_space<semaphore_mem>>)
      %dma_wait3A_441 = arith.constant 0 : i32
      %dma_wait3A_442 = tpu.memref_slice %arg17[%mul3A_2, %dma_wait3A_441] : memref<10112x64xf32, #tpu.memory_space<vmem_shared>> -> memref<632x64xf32, #tpu.memory_space<vmem_shared>>
      %dma_wait3A_443 = arith.constant 0 : i32
      %dma_wait3A_444 = tpu.memref_slice %arg4[%mul3A_2, %dma_wait3A_443] : memref<10112x64xf32, #tpu.memory_space<hbm>> -> memref<632x64xf32, #tpu.memory_space<hbm>>
      tpu.wait_dma2 semaphore(%run_scoped3A_436 : memref<!tpu.dma_semaphore, #tpu.memory_space<semaphore_mem>>) src(%dma_wait3A_444 : memref<632x64xf32, #tpu.memory_space<hbm>>) dst(%dma_wait3A_442 : memref<632x64xf32, #tpu.memory_space<vmem_shared>>)
      tpu.yield
    }) : () -> ()
    "tpu.region"() ({
      %run_scoped3A_436 = tpu.sem_alloc : memref<!tpu.dma_semaphore, #tpu.memory_space<semaphore_mem>>
      %dma_start3A_437 = arith.constant 0 : i32
      %dma_start3A_438 = tpu.memref_slice %arg18[%mul3A_2, %dma_start3A_437] : memref<10112x16xf32, #tpu.memory_space<vmem_shared>> -> memref<632x16xf32, #tpu.memory_space<vmem_shared>>
      %dma_start3A_439 = arith.constant 0 : i32
      %dma_start3A_440 = tpu.memref_slice %arg5[%mul3A_2, %dma_start3A_439] : memref<10112x16xf32, #tpu.memory_space<hbm>> -> memref<632x16xf32, #tpu.memory_space<hbm>>
      tpu.enqueue_dma source(%dma_start3A_440 : memref<632x16xf32, #tpu.memory_space<hbm>>) target(%dma_start3A_438 : memref<632x16xf32, #tpu.memory_space<vmem_shared>>) target_semaphore(%run_scoped3A_436 : memref<!tpu.dma_semaphore, #tpu.memory_space<semaphore_mem>>)
      %dma_wait3A_441 = arith.constant 0 : i32
      %dma_wait3A_442 = tpu.memref_slice %arg18[%mul3A_2, %dma_wait3A_441] : memref<10112x16xf32, #tpu.memory_space<vmem_shared>> -> memref<632x16xf32, #tpu.memory_space<vmem_shared>>
      %dma_wait3A_443 = arith.constant 0 : i32
      %dma_wait3A_444 = tpu.memref_slice %arg5[%mul3A_2, %dma_wait3A_443] : memref<10112x16xf32, #tpu.memory_space<hbm>> -> memref<632x16xf32, #tpu.memory_space<hbm>>
      tpu.wait_dma2 semaphore(%run_scoped3A_436 : memref<!tpu.dma_semaphore, #tpu.memory_space<semaphore_mem>>) src(%dma_wait3A_444 : memref<632x16xf32, #tpu.memory_space<hbm>>) dst(%dma_wait3A_442 : memref<632x16xf32, #tpu.memory_space<vmem_shared>>)
      tpu.yield
    }) : () -> ()
    %scan3A = arith.constant 0 : i32
    %scan3A_3 = arith.constant 0 : i32
    %scan3A_4 = arith.constant 125 : i32
    %scan3A_5 = arith.addi %scan3A_3, %scan3A_4 : i32
    %scan3A_6 = arith.constant 1 : i32
    scf.for %scan3A_436 = %scan3A_3 to %scan3A_5 step %scan3A_6  : i32 {
      %broadcast_in_dim3A = arith.constant 1.000000e+00 : f32
      %broadcast_in_dim3A_437 = vector.broadcast %broadcast_in_dim3A : f32 to vector<16xf32>
      %swap3A = arith.index_cast %scan3A_436 : i32 to index
      %swap3A_438 = arith.constant 0 : index
      %swap3A_439 = tpu.vector_load %arg16[%swap3A, %swap3A_438] {strides = array<i32>} : memref<125x16xf32, #tpu.memory_space<vmem>>, vector<1x16xf32>,
      %swap3A_440 = vector.shape_cast %swap3A_439 : vector<1x16xf32> to vector<16xf32>
      %swap3A_441 = vector.shape_cast %broadcast_in_dim3A_437 : vector<16xf32> to vector<1x16xf32>
      tpu.vector_store %arg16[%swap3A, %swap3A_438], %swap3A_441 {strides = array<i32>} : memref<125x16xf32, #tpu.memory_space<vmem>>, vector<1x16xf32>,
    }
    %scan3A_7 = arith.constant 125 : i32
    %barrier3A = arith.constant 0 : index
    tpu.barrier barrier_id(%barrier3A)
    %run_scoped3A = arith.constant 0 : i32
    "tpu.region"() ({
      %run_scoped3A_436 = tpu.sem_alloc : memref<!tpu.dma_semaphore, #tpu.memory_space<semaphore_mem>>
      %dma_start3A_437 = arith.constant 0 : i32
      %dma_start3A_438 = arith.constant 0 : i32
      %dma_start3A_439 = tpu.memref_slice %arg3[%run_scoped3A, %add3A, %dma_start3A_437, %dma_start3A_438] : memref<2x32x80x125xi32, #tpu.memory_space<hbm>> -> memref<1x1x80x125xi32, #tpu.memory_space<hbm>>
      %dma_start3A_440 = tpu.memref_squeeze %dma_start3A_439 : memref<1x1x80x125xi32, #tpu.memory_space<hbm>> -> memref<80x125xi32, #tpu.memory_space<hbm>>
      %dma_start3A_441 = arith.constant 0 : i32
      %dma_start3A_442 = arith.constant 0 : i32
      %dma_start3A_443 = tpu.memref_slice %arg3[%run_scoped3A, %add3A, %dma_start3A_441, %dma_start3A_442] : memref<2x32x80x125xi32, #tpu.memory_space<hbm>> -> memref<1x1x80x125xi32, #tpu.memory_space<hbm>>
      %dma_start3A_444 = tpu.memref_squeeze %dma_start3A_443 : memref<1x1x80x125xi32, #tpu.memory_space<hbm>> -> memref<80x125xi32, #tpu.memory_space<hbm>>
      tpu.enqueue_dma source(%dma_start3A_444 : memref<80x125xi32, #tpu.memory_space<hbm>>) target(%arg8 : memref<80x125xi32, #tpu.memory_space<vmem>>) target_semaphore(%run_scoped3A_436 : memref<!tpu.dma_semaphore, #tpu.memory_space<semaphore_mem>>)
      %dma_wait3A_445 = arith.constant 0 : i32
      %dma_wait3A_446 = arith.constant 0 : i32
      %dma_wait3A_447 = tpu.memref_slice %arg3[%run_scoped3A, %add3A, %dma_wait3A_445, %dma_wait3A_446] : memref<2x32x80x125xi32, #tpu.memory_space<hbm>> -> memref<1x1x80x125xi32, #tpu.memory_space<hbm>>
      %dma_wait3A_448 = tpu.memref_squeeze %dma_wait3A_447 : memref<1x1x80x125xi32, #tpu.memory_space<hbm>> -> memref<80x125xi32, #tpu.memory_space<hbm>>
      %dma_wait3A_449 = arith.constant 0 : i32
      %dma_wait3A_450 = arith.constant 0 : i32
      %dma_wait3A_451 = tpu.memref_slice %arg3[%run_scoped3A, %add3A, %dma_wait3A_449, %dma_wait3A_450] : memref<2x32x80x125xi32, #tpu.memory_space<hbm>> -> memref<1x1x80x125xi32, #tpu.memory_space<hbm>>
      %dma_wait3A_452 = tpu.memref_squeeze %dma_wait3A_451 : memref<1x1x80x125xi32, #tpu.memory_space<hbm>> -> memref<80x125xi32, #tpu.memory_space<hbm>>
      tpu.wait_dma2 semaphore(%run_scoped3A_436 : memref<!tpu.dma_semaphore, #tpu.memory_space<semaphore_mem>>) src(%dma_wait3A_452 : memref<80x125xi32, #tpu.memory_space<hbm>>) dst(%arg8 : memref<80x125xi32, #tpu.memory_space<vmem>>)
      tpu.yield
    }) : () -> ()
    %run_scoped3A_8 = arith.constant 1 : i32
    "tpu.region"() ({
      %run_scoped3A_436 = tpu.sem_alloc : memref<!tpu.dma_semaphore, #tpu.memory_space<semaphore_mem>>
      %dma_start3A_437 = arith.constant 0 : i32
      %dma_start3A_438 = arith.constant 0 : i32
      %dma_start3A_439 = tpu.memref_slice %arg3[%run_scoped3A_8, %add3A, %dma_start3A_437, %dma_start3A_438] : memref<2x32x80x125xi32, #tpu.memory_space<hbm>> -> memref<1x1x80x125xi32, #tpu.memory_space<hbm>>
      %dma_start3A_440 = tpu.memref_squeeze %dma_start3A_439 : memref<1x1x80x125xi32, #tpu.memory_space<hbm>> -> memref<80x125xi32, #tpu.memory_space<hbm>>
      %dma_start3A_441 = arith.constant 0 : i32
      %dma_start3A_442 = arith.constant 0 : i32
      %dma_start3A_443 = tpu.memref_slice %arg3[%run_scoped3A_8, %add3A, %dma_start3A_441, %dma_start3A_442] : memref<2x32x80x125xi32, #tpu.memory_space<hbm>> -> memref<1x1x80x125xi32, #tpu.memory_space<hbm>>
      %dma_start3A_444 = tpu.memref_squeeze %dma_start3A_443 : memref<1x1x80x125xi32, #tpu.memory_space<hbm>> -> memref<80x125xi32, #tpu.memory_space<hbm>>
      tpu.enqueue_dma source(%dma_start3A_444 : memref<80x125xi32, #tpu.memory_space<hbm>>) target(%arg9 : memref<80x125xi32, #tpu.memory_space<vmem>>) target_semaphore(%run_scoped3A_436 : memref<!tpu.dma_semaphore, #tpu.memory_space<semaphore_mem>>)
      %dma_wait3A_445 = arith.constant 0 : i32
      %dma_wait3A_446 = arith.constant 0 : i32
      %dma_wait3A_447 = tpu.memref_slice %arg3[%run_scoped3A_8, %add3A, %dma_wait3A_445, %dma_wait3A_446] : memref<2x32x80x125xi32, #tpu.memory_space<hbm>> -> memref<1x1x80x125xi32, #tpu.memory_space<hbm>>
      %dma_wait3A_448 = tpu.memref_squeeze %dma_wait3A_447 : memref<1x1x80x125xi32, #tpu.memory_space<hbm>> -> memref<80x125xi32, #tpu.memory_space<hbm>>
      %dma_wait3A_449 = arith.constant 0 : i32
      %dma_wait3A_450 = arith.constant 0 : i32
      %dma_wait3A_451 = tpu.memref_slice %arg3[%run_scoped3A_8, %add3A, %dma_wait3A_449, %dma_wait3A_450] : memref<2x32x80x125xi32, #tpu.memory_space<hbm>> -> memref<1x1x80x125xi32, #tpu.memory_space<hbm>>
      %dma_wait3A_452 = tpu.memref_squeeze %dma_wait3A_451 : memref<1x1x80x125xi32, #tpu.memory_space<hbm>> -> memref<80x125xi32, #tpu.memory_space<hbm>>
      tpu.wait_dma2 semaphore(%run_scoped3A_436 : memref<!tpu.dma_semaphore, #tpu.memory_space<semaphore_mem>>) src(%dma_wait3A_452 : memref<80x125xi32, #tpu.memory_space<hbm>>) dst(%arg9 : memref<80x125xi32, #tpu.memory_space<vmem>>)
      tpu.yield
    }) : () -> ()
    %dma_start3A = arith.constant 0 : i32
    %dma_start3A_9 = arith.constant 0 : i32
    %dma_start3A_10 = tpu.memref_slice %arg8[%dma_start3A, %dma_start3A_9] : memref<80x125xi32, #tpu.memory_space<vmem>> -> memref<1x125xi32, #tpu.memory_space<vmem>>
    %dma_start3A_11 = tpu.memref_squeeze %dma_start3A_10 : memref<1x125xi32, #tpu.memory_space<vmem>> -> memref<125xi32, #tpu.memory_space<vmem>>
    %dma_start3A_12 = arith.constant 0 : i32
    %dma_start3A_13 = arith.constant 0 : i32
    %dma_start3A_14 = tpu.memref_slice %arg2[%dma_start3A_12, %dma_start3A_13] : memref<10000x64xf32, #tpu.memory_space<hbm>> -> memref<10000x64xf32, #tpu.memory_space<hbm>>
    tpu.enqueue_indirect_dma source(%dma_start3A_14 : memref<10000x64xf32, #tpu.memory_space<hbm>>) target(%arg10 : memref<125x64xf32, #tpu.memory_space<vmem>>) offsets(%dma_start3A_11 : memref<125xi32, #tpu.memory_space<vmem>>) semaphore(%arg19 : memref<!tpu.dma_semaphore, #tpu.memory_space<semaphore_mem>>)
    %dma_start3A_15 = arith.constant 1 : i32
    %dma_start3A_16 = arith.constant 0 : i32
    %dma_start3A_17 = tpu.memref_slice %arg8[%dma_start3A_15, %dma_start3A_16] : memref<80x125xi32, #tpu.memory_space<vmem>> -> memref<1x125xi32, #tpu.memory_space<vmem>>
    %dma_start3A_18 = tpu.memref_squeeze %dma_start3A_17 : memref<1x125xi32, #tpu.memory_space<vmem>> -> memref<125xi32, #tpu.memory_space<vmem>>
    %dma_start3A_19 = arith.constant 0 : i32
    %dma_start3A_20 = arith.constant 0 : i32
    %dma_start3A_21 = tpu.memref_slice %arg2[%dma_start3A_19, %dma_start3A_20] : memref<10000x64xf32, #tpu.memory_space<hbm>> -> memref<10000x64xf32, #tpu.memory_space<hbm>>
    tpu.enqueue_indirect_dma source(%dma_start3A_21 : memref<10000x64xf32, #tpu.memory_space<hbm>>) target(%arg11 : memref<125x64xf32, #tpu.memory_space<vmem>>) offsets(%dma_start3A_18 : memref<125xi32, #tpu.memory_space<vmem>>) semaphore(%arg20 : memref<!tpu.dma_semaphore, #tpu.memory_space<semaphore_mem>>)
    %dma_start3A_22 = arith.constant 2 : i32
    %dma_start3A_23 = arith.constant 0 : i32
    %dma_start3A_24 = tpu.memref_slice %arg8[%dma_start3A_22, %dma_start3A_23] : memref<80x125xi32, #tpu.memory_space<vmem>> -> memref<1x125xi32, #tpu.memory_space<vmem>>
    %dma_start3A_25 = tpu.memref_squeeze %dma_start3A_24 : memref<1x125xi32, #tpu.memory_space<vmem>> -> memref<125xi32, #tpu.memory_space<vmem>>
    %dma_start3A_26 = arith.constant 0 : i32
    %dma_start3A_27 = arith.constant 0 : i32
    %dma_start3A_28 = tpu.memref_slice %arg2[%dma_start3A_26, %dma_start3A_27] : memref<10000x64xf32, #tpu.memory_space<hbm>> -> memref<10000x64xf32, #tpu.memory_space<hbm>>
    tpu.enqueue_indirect_dma source(%dma_start3A_28 : memref<10000x64xf32, #tpu.memory_space<hbm>>) target(%arg12 : memref<125x64xf32, #tpu.memory_space<vmem>>) offsets(%dma_start3A_25 : memref<125xi32, #tpu.memory_space<vmem>>) semaphore(%arg21 : memref<!tpu.dma_semaphore, #tpu.memory_space<semaphore_mem>>)
    %dma_wait3A = arith.constant 0 : i32
    %dma_wait3A_29 = arith.constant 0 : i32
    %dma_wait3A_30 = tpu.memref_slice %arg8[%dma_wait3A, %dma_wait3A_29] : memref<80x125xi32, #tpu.memory_space<vmem>> -> memref<1x125xi32, #tpu.memory_space<vmem>>
    %dma_wait3A_31 = tpu.memref_squeeze %dma_wait3A_30 : memref<1x125xi32, #tpu.memory_space<vmem>> -> memref<125xi32, #tpu.memory_space<vmem>>
    %dma_wait3A_32 = arith.constant 0 : i32
    %dma_wait3A_33 = arith.constant 0 : i32
    %dma_wait3A_34 = tpu.memref_slice %arg2[%dma_wait3A_32, %dma_wait3A_33] : memref<10000x64xf32, #tpu.memory_space<hbm>> -> memref<10000x64xf32, #tpu.memory_space<hbm>>
    tpu.wait_indirect_dma semaphore(%arg19 : memref<!tpu.dma_semaphore, #tpu.memory_space<semaphore_mem>>) src(%dma_wait3A_34 : memref<10000x64xf32, #tpu.memory_space<hbm>>) dst(%arg10 : memref<125x64xf32, #tpu.memory_space<vmem>>)
    %dma_start3A_35 = arith.constant 0 : i32
    %dma_start3A_36 = arith.constant 0 : i32
    %dma_start3A_37 = tpu.memref_slice %arg9[%dma_start3A_35, %dma_start3A_36] : memref<80x125xi32, #tpu.memory_space<vmem>> -> memref<1x125xi32, #tpu.memory_space<vmem>>
    %dma_start3A_38 = tpu.memref_squeeze %dma_start3A_37 : memref<1x125xi32, #tpu.memory_space<vmem>> -> memref<125xi32, #tpu.memory_space<vmem>>
    %dma_start3A_39 = arith.constant 0 : i32
    %dma_start3A_40 = arith.constant 0 : i32
    %dma_start3A_41 = tpu.memref_slice %arg17[%dma_start3A_39, %dma_start3A_40] : memref<10112x64xf32, #tpu.memory_space<vmem_shared>> -> memref<10112x64xf32, #tpu.memory_space<vmem_shared>>
    tpu.enqueue_indirect_dma source(%arg10 : memref<125x64xf32, #tpu.memory_space<vmem>>) target(%dma_start3A_41 : memref<10112x64xf32, #tpu.memory_space<vmem_shared>>) offsets(%dma_start3A_38 : memref<125xi32, #tpu.memory_space<vmem>>) semaphore(%arg25 : memref<!tpu.dma_semaphore, #tpu.memory_space<semaphore_mem>>) {add = true}
    %run_scoped3A_42 = arith.constant 0 : i32
    "tpu.region"() ({
      %run_scoped3A_436 = tpu.sem_alloc : memref<!tpu.dma_semaphore, #tpu.memory_space<semaphore_mem>>
      %dma_start3A_437 = arith.constant 0 : i32
      %dma_start3A_438 = tpu.memref_slice %arg9[%run_scoped3A_42, %dma_start3A_437] : memref<80x125xi32, #tpu.memory_space<vmem>> -> memref<1x125xi32, #tpu.memory_space<vmem>>
      %dma_start3A_439 = tpu.memref_squeeze %dma_start3A_438 : memref<1x125xi32, #tpu.memory_space<vmem>> -> memref<125xi32, #tpu.memory_space<vmem>>
      %dma_start3A_440 = arith.constant 0 : i32
      %dma_start3A_441 = arith.constant 0 : i32
      %dma_start3A_442 = tpu.memref_slice %arg18[%dma_start3A_440, %dma_start3A_441] : memref<10112x16xf32, #tpu.memory_space<vmem_shared>> -> memref<10112x16xf32, #tpu.memory_space<vmem_shared>>
      tpu.enqueue_indirect_dma source(%arg16 : memref<125x16xf32, #tpu.memory_space<vmem>>) target(%dma_start3A_442 : memref<10112x16xf32, #tpu.memory_space<vmem_shared>>) offsets(%dma_start3A_439 : memref<125xi32, #tpu.memory_space<vmem>>) semaphore(%run_scoped3A_436 : memref<!tpu.dma_semaphore, #tpu.memory_space<semaphore_mem>>) {add = true}
      %dma_wait3A_443 = arith.constant 0 : i32
      %dma_wait3A_444 = tpu.memref_slice %arg9[%run_scoped3A_42, %dma_wait3A_443] : memref<80x125xi32, #tpu.memory_space<vmem>> -> memref<1x125xi32, #tpu.memory_space<vmem>>
      %dma_wait3A_445 = tpu.memref_squeeze %dma_wait3A_444 : memref<1x125xi32, #tpu.memory_space<vmem>> -> memref<125xi32, #tpu.memory_space<vmem>>
      %dma_wait3A_446 = arith.constant 0 : i32
      %dma_wait3A_447 = arith.constant 0 : i32
      %dma_wait3A_448 = tpu.memref_slice %arg18[%dma_wait3A_446, %dma_wait3A_447] : memref<10112x16xf32, #tpu.memory_space<vmem_shared>> -> memref<10112x16xf32, #tpu.memory_space<vmem_shared>>
      tpu.wait_indirect_dma semaphore(%run_scoped3A_436 : memref<!tpu.dma_semaphore, #tpu.memory_space<semaphore_mem>>) src(%arg16 : memref<125x16xf32, #tpu.memory_space<vmem>>) dst(%dma_wait3A_448 : memref<10112x16xf32, #tpu.memory_space<vmem_shared>>)
      tpu.yield
    }) : () -> ()
    %dma_start3A_43 = arith.constant 3 : i32
    %dma_start3A_44 = arith.constant 0 : i32
    %dma_start3A_45 = tpu.memref_slice %arg8[%dma_start3A_43, %dma_start3A_44] : memref<80x125xi32, #tpu.memory_space<vmem>> -> memref<1x125xi32, #tpu.memory_space<vmem>>
    %dma_start3A_46 = tpu.memref_squeeze %dma_start3A_45 : memref<1x125xi32, #tpu.memory_space<vmem>> -> memref<125xi32, #tpu.memory_space<vmem>>
    %dma_start3A_47 = arith.constant 0 : i32
    %dma_start3A_48 = arith.constant 0 : i32
    %dma_start3A_49 = tpu.memref_slice %arg2[%dma_start3A_47, %dma_start3A_48] : memref<10000x64xf32, #tpu.memory_space<hbm>> -> memref<10000x64xf32, #tpu.memory_space<hbm>>
    tpu.enqueue_indirect_dma source(%dma_start3A_49 : memref<10000x64xf32, #tpu.memory_space<hbm>>) target(%arg13 : memref<125x64xf32, #tpu.memory_space<vmem>>) offsets(%dma_start3A_46 : memref<125xi32, #tpu.memory_space<vmem>>) semaphore(%arg22 : memref<!tpu.dma_semaphore, #tpu.memory_space<semaphore_mem>>)
    %dma_wait3A_50 = arith.constant 0 : i32
    %dma_wait3A_51 = arith.constant 0 : i32
    %dma_wait3A_52 = tpu.memref_slice %arg8[%dma_wait3A_50, %dma_wait3A_51] : memref<80x125xi32, #tpu.memory_space<vmem>> -> memref<1x125xi32, #tpu.memory_space<vmem>>
    %dma_wait3A_53 = tpu.memref_squeeze %dma_wait3A_52 : memref<1x125xi32, #tpu.memory_space<vmem>> -> memref<125xi32, #tpu.memory_space<vmem>>
    %dma_wait3A_54 = arith.constant 0 : i32
    %dma_wait3A_55 = arith.constant 0 : i32
    %dma_wait3A_56 = tpu.memref_slice %arg2[%dma_wait3A_54, %dma_wait3A_55] : memref<10000x64xf32, #tpu.memory_space<hbm>> -> memref<10000x64xf32, #tpu.memory_space<hbm>>
    tpu.wait_indirect_dma semaphore(%arg20 : memref<!tpu.dma_semaphore, #tpu.memory_space<semaphore_mem>>) src(%dma_wait3A_56 : memref<10000x64xf32, #tpu.memory_space<hbm>>) dst(%arg11 : memref<125x64xf32, #tpu.memory_space<vmem>>)
    %dma_start3A_57 = arith.constant 1 : i32
    %dma_start3A_58 = arith.constant 0 : i32
    %dma_start3A_59 = tpu.memref_slice %arg9[%dma_start3A_57, %dma_start3A_58] : memref<80x125xi32, #tpu.memory_space<vmem>> -> memref<1x125xi32, #tpu.memory_space<vmem>>
    %dma_start3A_60 = tpu.memref_squeeze %dma_start3A_59 : memref<1x125xi32, #tpu.memory_space<vmem>> -> memref<125xi32, #tpu.memory_space<vmem>>
    %dma_start3A_61 = arith.constant 0 : i32
    %dma_start3A_62 = arith.constant 0 : i32
    %dma_start3A_63 = tpu.memref_slice %arg17[%dma_start3A_61, %dma_start3A_62] : memref<10112x64xf32, #tpu.memory_space<vmem_shared>> -> memref<10112x64xf32, #tpu.memory_space<vmem_shared>>
    tpu.enqueue_indirect_dma source(%arg11 : memref<125x64xf32, #tpu.memory_space<vmem>>) target(%dma_start3A_63 : memref<10112x64xf32, #tpu.memory_space<vmem_shared>>) offsets(%dma_start3A_60 : memref<125xi32, #tpu.memory_space<vmem>>) semaphore(%arg26 : memref<!tpu.dma_semaphore, #tpu.memory_space<semaphore_mem>>) {add = true}
    %run_scoped3A_64 = arith.constant 1 : i32
    "tpu.region"() ({
      %run_scoped3A_436 = tpu.sem_alloc : memref<!tpu.dma_semaphore, #tpu.memory_space<semaphore_mem>>
      %dma_start3A_437 = arith.constant 0 : i32
      %dma_start3A_438 = tpu.memref_slice %arg9[%run_scoped3A_64, %dma_start3A_437] : memref<80x125xi32, #tpu.memory_space<vmem>> -> memref<1x125xi32, #tpu.memory_space<vmem>>
      %dma_start3A_439 = tpu.memref_squeeze %dma_start3A_438 : memref<1x125xi32, #tpu.memory_space<vmem>> -> memref<125xi32, #tpu.memory_space<vmem>>
      %dma_start3A_440 = arith.constant 0 : i32
      %dma_start3A_441 = arith.constant 0 : i32
      %dma_start3A_442 = tpu.memref_slice %arg18[%dma_start3A_440, %dma_start3A_441] : memref<10112x16xf32, #tpu.memory_space<vmem_shared>> -> memref<10112x16xf32, #tpu.memory_space<vmem_shared>>
      tpu.enqueue_indirect_dma source(%arg16 : memref<125x16xf32, #tpu.memory_space<vmem>>) target(%dma_start3A_442 : memref<10112x16xf32, #tpu.memory_space<vmem_shared>>) offsets(%dma_start3A_439 : memref<125xi32, #tpu.memory_space<vmem>>) semaphore(%run_scoped3A_436 : memref<!tpu.dma_semaphore, #tpu.memory_space<semaphore_mem>>) {add = true}
      %dma_wait3A_443 = arith.constant 0 : i32
      %dma_wait3A_444 = tpu.memref_slice %arg9[%run_scoped3A_64, %dma_wait3A_443] : memref<80x125xi32, #tpu.memory_space<vmem>> -> memref<1x125xi32, #tpu.memory_space<vmem>>
      %dma_wait3A_445 = tpu.memref_squeeze %dma_wait3A_444 : memref<1x125xi32, #tpu.memory_space<vmem>> -> memref<125xi32, #tpu.memory_space<vmem>>
      %dma_wait3A_446 = arith.constant 0 : i32
      %dma_wait3A_447 = arith.constant 0 : i32
      %dma_wait3A_448 = tpu.memref_slice %arg18[%dma_wait3A_446, %dma_wait3A_447] : memref<10112x16xf32, #tpu.memory_space<vmem_shared>> -> memref<10112x16xf32, #tpu.memory_space<vmem_shared>>
      tpu.wait_indirect_dma semaphore(%run_scoped3A_436 : memref<!tpu.dma_semaphore, #tpu.memory_space<semaphore_mem>>) src(%arg16 : memref<125x16xf32, #tpu.memory_space<vmem>>) dst(%dma_wait3A_448 : memref<10112x16xf32, #tpu.memory_space<vmem_shared>>)
      tpu.yield
    }) : () -> ()
    %dma_start3A_65 = arith.constant 4 : i32
    %dma_start3A_66 = arith.constant 0 : i32
    %dma_start3A_67 = tpu.memref_slice %arg8[%dma_start3A_65, %dma_start3A_66] : memref<80x125xi32, #tpu.memory_space<vmem>> -> memref<1x125xi32, #tpu.memory_space<vmem>>
    %dma_start3A_68 = tpu.memref_squeeze %dma_start3A_67 : memref<1x125xi32, #tpu.memory_space<vmem>> -> memref<125xi32, #tpu.memory_space<vmem>>
    %dma_start3A_69 = arith.constant 0 : i32
    %dma_start3A_70 = arith.constant 0 : i32
    %dma_start3A_71 = tpu.memref_slice %arg2[%dma_start3A_69, %dma_start3A_70] : memref<10000x64xf32, #tpu.memory_space<hbm>> -> memref<10000x64xf32, #tpu.memory_space<hbm>>
    tpu.enqueue_indirect_dma source(%dma_start3A_71 : memref<10000x64xf32, #tpu.memory_space<hbm>>) target(%arg14 : memref<125x64xf32, #tpu.memory_space<vmem>>) offsets(%dma_start3A_68 : memref<125xi32, #tpu.memory_space<vmem>>) semaphore(%arg23 : memref<!tpu.dma_semaphore, #tpu.memory_space<semaphore_mem>>)
    %dma_wait3A_72 = arith.constant 0 : i32
    %dma_wait3A_73 = arith.constant 0 : i32
    %dma_wait3A_74 = tpu.memref_slice %arg8[%dma_wait3A_72, %dma_wait3A_73] : memref<80x125xi32, #tpu.memory_space<vmem>> -> memref<1x125xi32, #tpu.memory_space<vmem>>
    %dma_wait3A_75 = tpu.memref_squeeze %dma_wait3A_74 : memref<1x125xi32, #tpu.memory_space<vmem>> -> memref<125xi32, #tpu.memory_space<vmem>>
    %dma_wait3A_76 = arith.constant 0 : i32
    %dma_wait3A_77 = arith.constant 0 : i32
    %dma_wait3A_78 = tpu.memref_slice %arg2[%dma_wait3A_76, %dma_wait3A_77] : memref<10000x64xf32, #tpu.memory_space<hbm>> -> memref<10000x64xf32, #tpu.memory_space<hbm>>
    tpu.wait_indirect_dma semaphore(%arg21 : memref<!tpu.dma_semaphore, #tpu.memory_space<semaphore_mem>>) src(%dma_wait3A_78 : memref<10000x64xf32, #tpu.memory_space<hbm>>) dst(%arg12 : memref<125x64xf32, #tpu.memory_space<vmem>>)
    %dma_start3A_79 = arith.constant 2 : i32
    %dma_start3A_80 = arith.constant 0 : i32
    %dma_start3A_81 = tpu.memref_slice %arg9[%dma_start3A_79, %dma_start3A_80] : memref<80x125xi32, #tpu.memory_space<vmem>> -> memref<1x125xi32, #tpu.memory_space<vmem>>
    %dma_start3A_82 = tpu.memref_squeeze %dma_start3A_81 : memref<1x125xi32, #tpu.memory_space<vmem>> -> memref<125xi32, #tpu.memory_space<vmem>>
    %dma_start3A_83 = arith.constant 0 : i32
    %dma_start3A_84 = arith.constant 0 : i32
    %dma_start3A_85 = tpu.memref_slice %arg17[%dma_start3A_83, %dma_start3A_84] : memref<10112x64xf32, #tpu.memory_space<vmem_shared>> -> memref<10112x64xf32, #tpu.memory_space<vmem_shared>>
    tpu.enqueue_indirect_dma source(%arg12 : memref<125x64xf32, #tpu.memory_space<vmem>>) target(%dma_start3A_85 : memref<10112x64xf32, #tpu.memory_space<vmem_shared>>) offsets(%dma_start3A_82 : memref<125xi32, #tpu.memory_space<vmem>>) semaphore(%arg27 : memref<!tpu.dma_semaphore, #tpu.memory_space<semaphore_mem>>) {add = true}
    %run_scoped3A_86 = arith.constant 2 : i32
    "tpu.region"() ({
      %run_scoped3A_436 = tpu.sem_alloc : memref<!tpu.dma_semaphore, #tpu.memory_space<semaphore_mem>>
      %dma_start3A_437 = arith.constant 0 : i32
      %dma_start3A_438 = tpu.memref_slice %arg9[%run_scoped3A_86, %dma_start3A_437] : memref<80x125xi32, #tpu.memory_space<vmem>> -> memref<1x125xi32, #tpu.memory_space<vmem>>
      %dma_start3A_439 = tpu.memref_squeeze %dma_start3A_438 : memref<1x125xi32, #tpu.memory_space<vmem>> -> memref<125xi32, #tpu.memory_space<vmem>>
      %dma_start3A_440 = arith.constant 0 : i32
      %dma_start3A_441 = arith.constant 0 : i32
      %dma_start3A_442 = tpu.memref_slice %arg18[%dma_start3A_440, %dma_start3A_441] : memref<10112x16xf32, #tpu.memory_space<vmem_shared>> -> memref<10112x16xf32, #tpu.memory_space<vmem_shared>>
      tpu.enqueue_indirect_dma source(%arg16 : memref<125x16xf32, #tpu.memory_space<vmem>>) target(%dma_start3A_442 : memref<10112x16xf32, #tpu.memory_space<vmem_shared>>) offsets(%dma_start3A_439 : memref<125xi32, #tpu.memory_space<vmem>>) semaphore(%run_scoped3A_436 : memref<!tpu.dma_semaphore, #tpu.memory_space<semaphore_mem>>) {add = true}
      %dma_wait3A_443 = arith.constant 0 : i32
      %dma_wait3A_444 = tpu.memref_slice %arg9[%run_scoped3A_86, %dma_wait3A_443] : memref<80x125xi32, #tpu.memory_space<vmem>> -> memref<1x125xi32, #tpu.memory_space<vmem>>
      %dma_wait3A_445 = tpu.memref_squeeze %dma_wait3A_444 : memref<1x125xi32, #tpu.memory_space<vmem>> -> memref<125xi32, #tpu.memory_space<vmem>>
      %dma_wait3A_446 = arith.constant 0 : i32
      %dma_wait3A_447 = arith.constant 0 : i32
      %dma_wait3A_448 = tpu.memref_slice %arg18[%dma_wait3A_446, %dma_wait3A_447] : memref<10112x16xf32, #tpu.memory_space<vmem_shared>> -> memref<10112x16xf32, #tpu.memory_space<vmem_shared>>
      tpu.wait_indirect_dma semaphore(%run_scoped3A_436 : memref<!tpu.dma_semaphore, #tpu.memory_space<semaphore_mem>>) src(%arg16 : memref<125x16xf32, #tpu.memory_space<vmem>>) dst(%dma_wait3A_448 : memref<10112x16xf32, #tpu.memory_space<vmem_shared>>)
      tpu.yield
    }) : () -> ()
    %dma_start3A_87 = arith.constant 5 : i32
    %dma_start3A_88 = arith.constant 0 : i32
    %dma_start3A_89 = tpu.memref_slice %arg8[%dma_start3A_87, %dma_start3A_88] : memref<80x125xi32, #tpu.memory_space<vmem>> -> memref<1x125xi32, #tpu.memory_space<vmem>>
    %dma_start3A_90 = tpu.memref_squeeze %dma_start3A_89 : memref<1x125xi32, #tpu.memory_space<vmem>> -> memref<125xi32, #tpu.memory_space<vmem>>
    %dma_start3A_91 = arith.constant 0 : i32
    %dma_start3A_92 = arith.constant 0 : i32
    %dma_start3A_93 = tpu.memref_slice %arg2[%dma_start3A_91, %dma_start3A_92] : memref<10000x64xf32, #tpu.memory_space<hbm>> -> memref<10000x64xf32, #tpu.memory_space<hbm>>
    tpu.enqueue_indirect_dma source(%dma_start3A_93 : memref<10000x64xf32, #tpu.memory_space<hbm>>) target(%arg15 : memref<125x64xf32, #tpu.memory_space<vmem>>) offsets(%dma_start3A_90 : memref<125xi32, #tpu.memory_space<vmem>>) semaphore(%arg24 : memref<!tpu.dma_semaphore, #tpu.memory_space<semaphore_mem>>)
    %dma_wait3A_94 = arith.constant 0 : i32
    %dma_wait3A_95 = arith.constant 0 : i32
    %dma_wait3A_96 = tpu.memref_slice %arg8[%dma_wait3A_94, %dma_wait3A_95] : memref<80x125xi32, #tpu.memory_space<vmem>> -> memref<1x125xi32, #tpu.memory_space<vmem>>
    %dma_wait3A_97 = tpu.memref_squeeze %dma_wait3A_96 : memref<1x125xi32, #tpu.memory_space<vmem>> -> memref<125xi32, #tpu.memory_space<vmem>>
    %dma_wait3A_98 = arith.constant 0 : i32
    %dma_wait3A_99 = arith.constant 0 : i32
    %dma_wait3A_100 = tpu.memref_slice %arg2[%dma_wait3A_98, %dma_wait3A_99] : memref<10000x64xf32, #tpu.memory_space<hbm>> -> memref<10000x64xf32, #tpu.memory_space<hbm>>
    tpu.wait_indirect_dma semaphore(%arg22 : memref<!tpu.dma_semaphore, #tpu.memory_space<semaphore_mem>>) src(%dma_wait3A_100 : memref<10000x64xf32, #tpu.memory_space<hbm>>) dst(%arg13 : memref<125x64xf32, #tpu.memory_space<vmem>>)
    %dma_start3A_101 = arith.constant 3 : i32
    %dma_start3A_102 = arith.constant 0 : i32
    %dma_start3A_103 = tpu.memref_slice %arg9[%dma_start3A_101, %dma_start3A_102] : memref<80x125xi32, #tpu.memory_space<vmem>> -> memref<1x125xi32, #tpu.memory_space<vmem>>
    %dma_start3A_104 = tpu.memref_squeeze %dma_start3A_103 : memref<1x125xi32, #tpu.memory_space<vmem>> -> memref<125xi32, #tpu.memory_space<vmem>>
    %dma_start3A_105 = arith.constant 0 : i32
    %dma_start3A_106 = arith.constant 0 : i32
    %dma_start3A_107 = tpu.memref_slice %arg17[%dma_start3A_105, %dma_start3A_106] : memref<10112x64xf32, #tpu.memory_space<vmem_shared>> -> memref<10112x64xf32, #tpu.memory_space<vmem_shared>>
    tpu.enqueue_indirect_dma source(%arg13 : memref<125x64xf32, #tpu.memory_space<vmem>>) target(%dma_start3A_107 : memref<10112x64xf32, #tpu.memory_space<vmem_shared>>) offsets(%dma_start3A_104 : memref<125xi32, #tpu.memory_space<vmem>>) semaphore(%arg28 : memref<!tpu.dma_semaphore, #tpu.memory_space<semaphore_mem>>) {add = true}
    %run_scoped3A_108 = arith.constant 3 : i32
    "tpu.region"() ({
      %run_scoped3A_436 = tpu.sem_alloc : memref<!tpu.dma_semaphore, #tpu.memory_space<semaphore_mem>>
      %dma_start3A_437 = arith.constant 0 : i32
      %dma_start3A_438 = tpu.memref_slice %arg9[%run_scoped3A_108, %dma_start3A_437] : memref<80x125xi32, #tpu.memory_space<vmem>> -> memref<1x125xi32, #tpu.memory_space<vmem>>
      %dma_start3A_439 = tpu.memref_squeeze %dma_start3A_438 : memref<1x125xi32, #tpu.memory_space<vmem>> -> memref<125xi32, #tpu.memory_space<vmem>>
      %dma_start3A_440 = arith.constant 0 : i32
      %dma_start3A_441 = arith.constant 0 : i32
      %dma_start3A_442 = tpu.memref_slice %arg18[%dma_start3A_440, %dma_start3A_441] : memref<10112x16xf32, #tpu.memory_space<vmem_shared>> -> memref<10112x16xf32, #tpu.memory_space<vmem_shared>>
      tpu.enqueue_indirect_dma source(%arg16 : memref<125x16xf32, #tpu.memory_space<vmem>>) target(%dma_start3A_442 : memref<10112x16xf32, #tpu.memory_space<vmem_shared>>) offsets(%dma_start3A_439 : memref<125xi32, #tpu.memory_space<vmem>>) semaphore(%run_scoped3A_436 : memref<!tpu.dma_semaphore, #tpu.memory_space<semaphore_mem>>) {add = true}
      %dma_wait3A_443 = arith.constant 0 : i32
      %dma_wait3A_444 = tpu.memref_slice %arg9[%run_scoped3A_108, %dma_wait3A_443] : memref<80x125xi32, #tpu.memory_space<vmem>> -> memref<1x125xi32, #tpu.memory_space<vmem>>
      %dma_wait3A_445 = tpu.memref_squeeze %dma_wait3A_444 : memref<1x125xi32, #tpu.memory_space<vmem>> -> memref<125xi32, #tpu.memory_space<vmem>>
      %dma_wait3A_446 = arith.constant 0 : i32
      %dma_wait3A_447 = arith.constant 0 : i32
      %dma_wait3A_448 = tpu.memref_slice %arg18[%dma_wait3A_446, %dma_wait3A_447] : memref<10112x16xf32, #tpu.memory_space<vmem_shared>> -> memref<10112x16xf32, #tpu.memory_space<vmem_shared>>
      tpu.wait_indirect_dma semaphore(%run_scoped3A_436 : memref<!tpu.dma_semaphore, #tpu.memory_space<semaphore_mem>>) src(%arg16 : memref<125x16xf32, #tpu.memory_space<vmem>>) dst(%dma_wait3A_448 : memref<10112x16xf32, #tpu.memory_space<vmem_shared>>)
      tpu.yield
    }) : () -> ()
    %dma_wait3A_109 = arith.constant 0 : i32
    %dma_wait3A_110 = arith.constant 0 : i32
    %dma_wait3A_111 = tpu.memref_slice %arg9[%dma_wait3A_109, %dma_wait3A_110] : memref<80x125xi32, #tpu.memory_space<vmem>> -> memref<1x125xi32, #tpu.memory_space<vmem>>
    %dma_wait3A_112 = tpu.memref_squeeze %dma_wait3A_111 : memref<1x125xi32, #tpu.memory_space<vmem>> -> memref<125xi32, #tpu.memory_space<vmem>>
    %dma_wait3A_113 = arith.constant 0 : i32
    %dma_wait3A_114 = arith.constant 0 : i32
    %dma_wait3A_115 = tpu.memref_slice %arg17[%dma_wait3A_113, %dma_wait3A_114] : memref<10112x64xf32, #tpu.memory_space<vmem_shared>> -> memref<10112x64xf32, #tpu.memory_space<vmem_shared>>
    tpu.wait_indirect_dma semaphore(%arg25 : memref<!tpu.dma_semaphore, #tpu.memory_space<semaphore_mem>>) src(%arg10 : memref<125x64xf32, #tpu.memory_space<vmem>>) dst(%dma_wait3A_115 : memref<10112x64xf32, #tpu.memory_space<vmem_shared>>)
    %dma_start3A_116 = arith.constant 6 : i32
    %dma_start3A_117 = arith.constant 0 : i32
    %dma_start3A_118 = tpu.memref_slice %arg8[%dma_start3A_116, %dma_start3A_117] : memref<80x125xi32, #tpu.memory_space<vmem>> -> memref<1x125xi32, #tpu.memory_space<vmem>>
    %dma_start3A_119 = tpu.memref_squeeze %dma_start3A_118 : memref<1x125xi32, #tpu.memory_space<vmem>> -> memref<125xi32, #tpu.memory_space<vmem>>
    %dma_start3A_120 = arith.constant 0 : i32
    %dma_start3A_121 = arith.constant 0 : i32
    %dma_start3A_122 = tpu.memref_slice %arg2[%dma_start3A_120, %dma_start3A_121] : memref<10000x64xf32, #tpu.memory_space<hbm>> -> memref<10000x64xf32, #tpu.memory_space<hbm>>
    tpu.enqueue_indirect_dma source(%dma_start3A_122 : memref<10000x64xf32, #tpu.memory_space<hbm>>) target(%arg10 : memref<125x64xf32, #tpu.memory_space<vmem>>) offsets(%dma_start3A_119 : memref<125xi32, #tpu.memory_space<vmem>>) semaphore(%arg19 : memref<!tpu.dma_semaphore, #tpu.memory_space<semaphore_mem>>)
    %dma_wait3A_123 = arith.constant 0 : i32
    %dma_wait3A_124 = arith.constant 0 : i32
    %dma_wait3A_125 = tpu.memref_slice %arg8[%dma_wait3A_123, %dma_wait3A_124] : memref<80x125xi32, #tpu.memory_space<vmem>> -> memref<1x125xi32, #tpu.memory_space<vmem>>
    %dma_wait3A_126 = tpu.memref_squeeze %dma_wait3A_125 : memref<1x125xi32, #tpu.memory_space<vmem>> -> memref<125xi32, #tpu.memory_space<vmem>>
    %dma_wait3A_127 = arith.constant 0 : i32
    %dma_wait3A_128 = arith.constant 0 : i32
    %dma_wait3A_129 = tpu.memref_slice %arg2[%dma_wait3A_127, %dma_wait3A_128] : memref<10000x64xf32, #tpu.memory_space<hbm>> -> memref<10000x64xf32, #tpu.memory_space<hbm>>
    tpu.wait_indirect_dma semaphore(%arg23 : memref<!tpu.dma_semaphore, #tpu.memory_space<semaphore_mem>>) src(%dma_wait3A_129 : memref<10000x64xf32, #tpu.memory_space<hbm>>) dst(%arg14 : memref<125x64xf32, #tpu.memory_space<vmem>>)
    %dma_start3A_130 = arith.constant 4 : i32
    %dma_start3A_131 = arith.constant 0 : i32
    %dma_start3A_132 = tpu.memref_slice %arg9[%dma_start3A_130, %dma_start3A_131] : memref<80x125xi32, #tpu.memory_space<vmem>> -> memref<1x125xi32, #tpu.memory_space<vmem>>
    %dma_start3A_133 = tpu.memref_squeeze %dma_start3A_132 : memref<1x125xi32, #tpu.memory_space<vmem>> -> memref<125xi32, #tpu.memory_space<vmem>>
    %dma_start3A_134 = arith.constant 0 : i32
    %dma_start3A_135 = arith.constant 0 : i32
    %dma_start3A_136 = tpu.memref_slice %arg17[%dma_start3A_134, %dma_start3A_135] : memref<10112x64xf32, #tpu.memory_space<vmem_shared>> -> memref<10112x64xf32, #tpu.memory_space<vmem_shared>>
    tpu.enqueue_indirect_dma source(%arg14 : memref<125x64xf32, #tpu.memory_space<vmem>>) target(%dma_start3A_136 : memref<10112x64xf32, #tpu.memory_space<vmem_shared>>) offsets(%dma_start3A_133 : memref<125xi32, #tpu.memory_space<vmem>>) semaphore(%arg29 : memref<!tpu.dma_semaphore, #tpu.memory_space<semaphore_mem>>) {add = true}
    %run_scoped3A_137 = arith.constant 4 : i32
    "tpu.region"() ({
      %run_scoped3A_436 = tpu.sem_alloc : memref<!tpu.dma_semaphore, #tpu.memory_space<semaphore_mem>>
      %dma_start3A_437 = arith.constant 0 : i32
      %dma_start3A_438 = tpu.memref_slice %arg9[%run_scoped3A_137, %dma_start3A_437] : memref<80x125xi32, #tpu.memory_space<vmem>> -> memref<1x125xi32, #tpu.memory_space<vmem>>
      %dma_start3A_439 = tpu.memref_squeeze %dma_start3A_438 : memref<1x125xi32, #tpu.memory_space<vmem>> -> memref<125xi32, #tpu.memory_space<vmem>>
      %dma_start3A_440 = arith.constant 0 : i32
      %dma_start3A_441 = arith.constant 0 : i32
      %dma_start3A_442 = tpu.memref_slice %arg18[%dma_start3A_440, %dma_start3A_441] : memref<10112x16xf32, #tpu.memory_space<vmem_shared>> -> memref<10112x16xf32, #tpu.memory_space<vmem_shared>>
      tpu.enqueue_indirect_dma source(%arg16 : memref<125x16xf32, #tpu.memory_space<vmem>>) target(%dma_start3A_442 : memref<10112x16xf32, #tpu.memory_space<vmem_shared>>) offsets(%dma_start3A_439 : memref<125xi32, #tpu.memory_space<vmem>>) semaphore(%run_scoped3A_436 : memref<!tpu.dma_semaphore, #tpu.memory_space<semaphore_mem>>) {add = true}
      %dma_wait3A_443 = arith.constant 0 : i32
      %dma_wait3A_444 = tpu.memref_slice %arg9[%run_scoped3A_137, %dma_wait3A_443] : memref<80x125xi32, #tpu.memory_space<vmem>> -> memref<1x125xi32, #tpu.memory_space<vmem>>
      %dma_wait3A_445 = tpu.memref_squeeze %dma_wait3A_444 : memref<1x125xi32, #tpu.memory_space<vmem>> -> memref<125xi32, #tpu.memory_space<vmem>>
      %dma_wait3A_446 = arith.constant 0 : i32
      %dma_wait3A_447 = arith.constant 0 : i32
      %dma_wait3A_448 = tpu.memref_slice %arg18[%dma_wait3A_446, %dma_wait3A_447] : memref<10112x16xf32, #tpu.memory_space<vmem_shared>> -> memref<10112x16xf32, #tpu.memory_space<vmem_shared>>
      tpu.wait_indirect_dma semaphore(%run_scoped3A_436 : memref<!tpu.dma_semaphore, #tpu.memory_space<semaphore_mem>>) src(%arg16 : memref<125x16xf32, #tpu.memory_space<vmem>>) dst(%dma_wait3A_448 : memref<10112x16xf32, #tpu.memory_space<vmem_shared>>)
      tpu.yield
    }) : () -> ()
    %dma_wait3A_138 = arith.constant 0 : i32
    %dma_wait3A_139 = arith.constant 0 : i32
    %dma_wait3A_140 = tpu.memref_slice %arg9[%dma_wait3A_138, %dma_wait3A_139] : memref<80x125xi32, #tpu.memory_space<vmem>> -> memref<1x125xi32, #tpu.memory_space<vmem>>
    %dma_wait3A_141 = tpu.memref_squeeze %dma_wait3A_140 : memref<1x125xi32, #tpu.memory_space<vmem>> -> memref<125xi32, #tpu.memory_space<vmem>>
    %dma_wait3A_142 = arith.constant 0 : i32
    %dma_wait3A_143 = arith.constant 0 : i32
    %dma_wait3A_144 = tpu.memref_slice %arg17[%dma_wait3A_142, %dma_wait3A_143] : memref<10112x64xf32, #tpu.memory_space<vmem_shared>> -> memref<10112x64xf32, #tpu.memory_space<vmem_shared>>
    tpu.wait_indirect_dma semaphore(%arg26 : memref<!tpu.dma_semaphore, #tpu.memory_space<semaphore_mem>>) src(%arg11 : memref<125x64xf32, #tpu.memory_space<vmem>>) dst(%dma_wait3A_144 : memref<10112x64xf32, #tpu.memory_space<vmem_shared>>)
    %dma_start3A_145 = arith.constant 7 : i32
    %dma_start3A_146 = arith.constant 0 : i32
    %dma_start3A_147 = tpu.memref_slice %arg8[%dma_start3A_145, %dma_start3A_146] : memref<80x125xi32, #tpu.memory_space<vmem>> -> memref<1x125xi32, #tpu.memory_space<vmem>>
    %dma_start3A_148 = tpu.memref_squeeze %dma_start3A_147 : memref<1x125xi32, #tpu.memory_space<vmem>> -> memref<125xi32, #tpu.memory_space<vmem>>
    %dma_start3A_149 = arith.constant 0 : i32
    %dma_start3A_150 = arith.constant 0 : i32
    %dma_start3A_151 = tpu.memref_slice %arg2[%dma_start3A_149, %dma_start3A_150] : memref<10000x64xf32, #tpu.memory_space<hbm>> -> memref<10000x64xf32, #tpu.memory_space<hbm>>
    tpu.enqueue_indirect_dma source(%dma_start3A_151 : memref<10000x64xf32, #tpu.memory_space<hbm>>) target(%arg11 : memref<125x64xf32, #tpu.memory_space<vmem>>) offsets(%dma_start3A_148 : memref<125xi32, #tpu.memory_space<vmem>>) semaphore(%arg20 : memref<!tpu.dma_semaphore, #tpu.memory_space<semaphore_mem>>)
    %dma_wait3A_152 = arith.constant 0 : i32
    %dma_wait3A_153 = arith.constant 0 : i32
    %dma_wait3A_154 = tpu.memref_slice %arg8[%dma_wait3A_152, %dma_wait3A_153] : memref<80x125xi32, #tpu.memory_space<vmem>> -> memref<1x125xi32, #tpu.memory_space<vmem>>
    %dma_wait3A_155 = tpu.memref_squeeze %dma_wait3A_154 : memref<1x125xi32, #tpu.memory_space<vmem>> -> memref<125xi32, #tpu.memory_space<vmem>>
    %dma_wait3A_156 = arith.constant 0 : i32
    %dma_wait3A_157 = arith.constant 0 : i32
    %dma_wait3A_158 = tpu.memref_slice %arg2[%dma_wait3A_156, %dma_wait3A_157] : memref<10000x64xf32, #tpu.memory_space<hbm>> -> memref<10000x64xf32, #tpu.memory_space<hbm>>
    tpu.wait_indirect_dma semaphore(%arg24 : memref<!tpu.dma_semaphore, #tpu.memory_space<semaphore_mem>>) src(%dma_wait3A_158 : memref<10000x64xf32, #tpu.memory_space<hbm>>) dst(%arg15 : memref<125x64xf32, #tpu.memory_space<vmem>>)
    %dma_start3A_159 = arith.constant 5 : i32
    %dma_start3A_160 = arith.constant 0 : i32
    %dma_start3A_161 = tpu.memref_slice %arg9[%dma_start3A_159, %dma_start3A_160] : memref<80x125xi32, #tpu.memory_space<vmem>> -> memref<1x125xi32, #tpu.memory_space<vmem>>
    %dma_start3A_162 = tpu.memref_squeeze %dma_start3A_161 : memref<1x125xi32, #tpu.memory_space<vmem>> -> memref<125xi32, #tpu.memory_space<vmem>>
    %dma_start3A_163 = arith.constant 0 : i32
    %dma_start3A_164 = arith.constant 0 : i32
    %dma_start3A_165 = tpu.memref_slice %arg17[%dma_start3A_163, %dma_start3A_164] : memref<10112x64xf32, #tpu.memory_space<vmem_shared>> -> memref<10112x64xf32, #tpu.memory_space<vmem_shared>>
    tpu.enqueue_indirect_dma source(%arg15 : memref<125x64xf32, #tpu.memory_space<vmem>>) target(%dma_start3A_165 : memref<10112x64xf32, #tpu.memory_space<vmem_shared>>) offsets(%dma_start3A_162 : memref<125xi32, #tpu.memory_space<vmem>>) semaphore(%arg30 : memref<!tpu.dma_semaphore, #tpu.memory_space<semaphore_mem>>) {add = true}
    %run_scoped3A_166 = arith.constant 5 : i32
    "tpu.region"() ({
      %run_scoped3A_436 = tpu.sem_alloc : memref<!tpu.dma_semaphore, #tpu.memory_space<semaphore_mem>>
      %dma_start3A_437 = arith.constant 0 : i32
      %dma_start3A_438 = tpu.memref_slice %arg9[%run_scoped3A_166, %dma_start3A_437] : memref<80x125xi32, #tpu.memory_space<vmem>> -> memref<1x125xi32, #tpu.memory_space<vmem>>
      %dma_start3A_439 = tpu.memref_squeeze %dma_start3A_438 : memref<1x125xi32, #tpu.memory_space<vmem>> -> memref<125xi32, #tpu.memory_space<vmem>>
      %dma_start3A_440 = arith.constant 0 : i32
      %dma_start3A_441 = arith.constant 0 : i32
      %dma_start3A_442 = tpu.memref_slice %arg18[%dma_start3A_440, %dma_start3A_441] : memref<10112x16xf32, #tpu.memory_space<vmem_shared>> -> memref<10112x16xf32, #tpu.memory_space<vmem_shared>>
      tpu.enqueue_indirect_dma source(%arg16 : memref<125x16xf32, #tpu.memory_space<vmem>>) target(%dma_start3A_442 : memref<10112x16xf32, #tpu.memory_space<vmem_shared>>) offsets(%dma_start3A_439 : memref<125xi32, #tpu.memory_space<vmem>>) semaphore(%run_scoped3A_436 : memref<!tpu.dma_semaphore, #tpu.memory_space<semaphore_mem>>) {add = true}
      %dma_wait3A_443 = arith.constant 0 : i32
      %dma_wait3A_444 = tpu.memref_slice %arg9[%run_scoped3A_166, %dma_wait3A_443] : memref<80x125xi32, #tpu.memory_space<vmem>> -> memref<1x125xi32, #tpu.memory_space<vmem>>
      %dma_wait3A_445 = tpu.memref_squeeze %dma_wait3A_444 : memref<1x125xi32, #tpu.memory_space<vmem>> -> memref<125xi32, #tpu.memory_space<vmem>>
      %dma_wait3A_446 = arith.constant 0 : i32
      %dma_wait3A_447 = arith.constant 0 : i32
      %dma_wait3A_448 = tpu.memref_slice %arg18[%dma_wait3A_446, %dma_wait3A_447] : memref<10112x16xf32, #tpu.memory_space<vmem_shared>> -> memref<10112x16xf32, #tpu.memory_space<vmem_shared>>
      tpu.wait_indirect_dma semaphore(%run_scoped3A_436 : memref<!tpu.dma_semaphore, #tpu.memory_space<semaphore_mem>>) src(%arg16 : memref<125x16xf32, #tpu.memory_space<vmem>>) dst(%dma_wait3A_448 : memref<10112x16xf32, #tpu.memory_space<vmem_shared>>)
      tpu.yield
    }) : () -> ()
    %dma_wait3A_167 = arith.constant 0 : i32
    %dma_wait3A_168 = arith.constant 0 : i32
    %dma_wait3A_169 = tpu.memref_slice %arg9[%dma_wait3A_167, %dma_wait3A_168] : memref<80x125xi32, #tpu.memory_space<vmem>> -> memref<1x125xi32, #tpu.memory_space<vmem>>
    %dma_wait3A_170 = tpu.memref_squeeze %dma_wait3A_169 : memref<1x125xi32, #tpu.memory_space<vmem>> -> memref<125xi32, #tpu.memory_space<vmem>>
    %dma_wait3A_171 = arith.constant 0 : i32
    %dma_wait3A_172 = arith.constant 0 : i32
    %dma_wait3A_173 = tpu.memref_slice %arg17[%dma_wait3A_171, %dma_wait3A_172] : memref<10112x64xf32, #tpu.memory_space<vmem_shared>> -> memref<10112x64xf32, #tpu.memory_space<vmem_shared>>
    tpu.wait_indirect_dma semaphore(%arg27 : memref<!tpu.dma_semaphore, #tpu.memory_space<semaphore_mem>>) src(%arg12 : memref<125x64xf32, #tpu.memory_space<vmem>>) dst(%dma_wait3A_173 : memref<10112x64xf32, #tpu.memory_space<vmem_shared>>)
    %dma_start3A_174 = arith.constant 8 : i32
    %dma_start3A_175 = arith.constant 0 : i32
    %dma_start3A_176 = tpu.memref_slice %arg8[%dma_start3A_174, %dma_start3A_175] : memref<80x125xi32, #tpu.memory_space<vmem>> -> memref<1x125xi32, #tpu.memory_space<vmem>>
    %dma_start3A_177 = tpu.memref_squeeze %dma_start3A_176 : memref<1x125xi32, #tpu.memory_space<vmem>> -> memref<125xi32, #tpu.memory_space<vmem>>
    %dma_start3A_178 = arith.constant 0 : i32
    %dma_start3A_179 = arith.constant 0 : i32
    %dma_start3A_180 = tpu.memref_slice %arg2[%dma_start3A_178, %dma_start3A_179] : memref<10000x64xf32, #tpu.memory_space<hbm>> -> memref<10000x64xf32, #tpu.memory_space<hbm>>
    tpu.enqueue_indirect_dma source(%dma_start3A_180 : memref<10000x64xf32, #tpu.memory_space<hbm>>) target(%arg12 : memref<125x64xf32, #tpu.memory_space<vmem>>) offsets(%dma_start3A_177 : memref<125xi32, #tpu.memory_space<vmem>>) semaphore(%arg21 : memref<!tpu.dma_semaphore, #tpu.memory_space<semaphore_mem>>)
    %scan3A_181 = arith.constant 0 : i32
    %scan3A_182 = arith.constant 1 : i32
    %scan3A_183 = arith.constant 11 : i32
    %scan3A_184 = arith.addi %scan3A_182, %scan3A_183 : i32
    %scan3A_185 = arith.constant 1 : i32
    scf.for %scan3A_436 = %scan3A_182 to %scan3A_184 step %scan3A_185  : i32 {
      %mul3A_437 = arith.constant 6 : i32
      %mul3A_438 = arith.muli %mul3A_437, %scan3A_436 : i32
      %dma_wait3A_439 = arith.constant 0 : i32
      %dma_wait3A_440 = arith.constant 0 : i32
      %dma_wait3A_441 = tpu.memref_slice %arg8[%dma_wait3A_439, %dma_wait3A_440] : memref<80x125xi32, #tpu.memory_space<vmem>> -> memref<1x125xi32, #tpu.memory_space<vmem>>
      %dma_wait3A_442 = tpu.memref_squeeze %dma_wait3A_441 : memref<1x125xi32, #tpu.memory_space<vmem>> -> memref<125xi32, #tpu.memory_space<vmem>>
      %dma_wait3A_443 = arith.constant 0 : i32
      %dma_wait3A_444 = arith.constant 0 : i32
      %dma_wait3A_445 = tpu.memref_slice %arg2[%dma_wait3A_443, %dma_wait3A_444] : memref<10000x64xf32, #tpu.memory_space<hbm>> -> memref<10000x64xf32, #tpu.memory_space<hbm>>
      tpu.wait_indirect_dma semaphore(%arg19 : memref<!tpu.dma_semaphore, #tpu.memory_space<semaphore_mem>>) src(%dma_wait3A_445 : memref<10000x64xf32, #tpu.memory_space<hbm>>) dst(%arg10 : memref<125x64xf32, #tpu.memory_space<vmem>>)
      %add3A_446 = arith.constant 0 : i32
      %add3A_447 = arith.addi %mul3A_438, %add3A_446 : i32
      %dma_start3A_448 = arith.constant 0 : i32
      %dma_start3A_449 = tpu.memref_slice %arg9[%add3A_447, %dma_start3A_448] : memref<80x125xi32, #tpu.memory_space<vmem>> -> memref<1x125xi32, #tpu.memory_space<vmem>>
      %dma_start3A_450 = tpu.memref_squeeze %dma_start3A_449 : memref<1x125xi32, #tpu.memory_space<vmem>> -> memref<125xi32, #tpu.memory_space<vmem>>
      %dma_start3A_451 = arith.constant 0 : i32
      %dma_start3A_452 = arith.constant 0 : i32
      %dma_start3A_453 = tpu.memref_slice %arg17[%dma_start3A_451, %dma_start3A_452] : memref<10112x64xf32, #tpu.memory_space<vmem_shared>> -> memref<10112x64xf32, #tpu.memory_space<vmem_shared>>
      tpu.enqueue_indirect_dma source(%arg10 : memref<125x64xf32, #tpu.memory_space<vmem>>) target(%dma_start3A_453 : memref<10112x64xf32, #tpu.memory_space<vmem_shared>>) offsets(%dma_start3A_450 : memref<125xi32, #tpu.memory_space<vmem>>) semaphore(%arg25 : memref<!tpu.dma_semaphore, #tpu.memory_space<semaphore_mem>>) {add = true}
      "tpu.region"() ({
        %run_scoped3A_631 = tpu.sem_alloc : memref<!tpu.dma_semaphore, #tpu.memory_space<semaphore_mem>>
        %dma_start3A_632 = arith.constant 0 : i32
        %dma_start3A_633 = tpu.memref_slice %arg9[%add3A_447, %dma_start3A_632] : memref<80x125xi32, #tpu.memory_space<vmem>> -> memref<1x125xi32, #tpu.memory_space<vmem>>
        %dma_start3A_634 = tpu.memref_squeeze %dma_start3A_633 : memref<1x125xi32, #tpu.memory_space<vmem>> -> memref<125xi32, #tpu.memory_space<vmem>>
        %dma_start3A_635 = arith.constant 0 : i32
        %dma_start3A_636 = arith.constant 0 : i32
        %dma_start3A_637 = tpu.memref_slice %arg18[%dma_start3A_635, %dma_start3A_636] : memref<10112x16xf32, #tpu.memory_space<vmem_shared>> -> memref<10112x16xf32, #tpu.memory_space<vmem_shared>>
        tpu.enqueue_indirect_dma source(%arg16 : memref<125x16xf32, #tpu.memory_space<vmem>>) target(%dma_start3A_637 : memref<10112x16xf32, #tpu.memory_space<vmem_shared>>) offsets(%dma_start3A_634 : memref<125xi32, #tpu.memory_space<vmem>>) semaphore(%run_scoped3A_631 : memref<!tpu.dma_semaphore, #tpu.memory_space<semaphore_mem>>) {add = true}
        %dma_wait3A_638 = arith.constant 0 : i32
        %dma_wait3A_639 = tpu.memref_slice %arg9[%add3A_447, %dma_wait3A_638] : memref<80x125xi32, #tpu.memory_space<vmem>> -> memref<1x125xi32, #tpu.memory_space<vmem>>
        %dma_wait3A_640 = tpu.memref_squeeze %dma_wait3A_639 : memref<1x125xi32, #tpu.memory_space<vmem>> -> memref<125xi32, #tpu.memory_space<vmem>>
        %dma_wait3A_641 = arith.constant 0 : i32
        %dma_wait3A_642 = arith.constant 0 : i32
        %dma_wait3A_643 = tpu.memref_slice %arg18[%dma_wait3A_641, %dma_wait3A_642] : memref<10112x16xf32, #tpu.memory_space<vmem_shared>> -> memref<10112x16xf32, #tpu.memory_space<vmem_shared>>
        tpu.wait_indirect_dma semaphore(%run_scoped3A_631 : memref<!tpu.dma_semaphore, #tpu.memory_space<semaphore_mem>>) src(%arg16 : memref<125x16xf32, #tpu.memory_space<vmem>>) dst(%dma_wait3A_643 : memref<10112x16xf32, #tpu.memory_space<vmem_shared>>)
        tpu.yield
      }) : () -> ()
      %dma_wait3A_454 = arith.constant 0 : i32
      %dma_wait3A_455 = arith.constant 0 : i32
      %dma_wait3A_456 = tpu.memref_slice %arg9[%dma_wait3A_454, %dma_wait3A_455] : memref<80x125xi32, #tpu.memory_space<vmem>> -> memref<1x125xi32, #tpu.memory_space<vmem>>
      %dma_wait3A_457 = tpu.memref_squeeze %dma_wait3A_456 : memref<1x125xi32, #tpu.memory_space<vmem>> -> memref<125xi32, #tpu.memory_space<vmem>>
      %dma_wait3A_458 = arith.constant 0 : i32
      %dma_wait3A_459 = arith.constant 0 : i32
      %dma_wait3A_460 = tpu.memref_slice %arg17[%dma_wait3A_458, %dma_wait3A_459] : memref<10112x64xf32, #tpu.memory_space<vmem_shared>> -> memref<10112x64xf32, #tpu.memory_space<vmem_shared>>
      tpu.wait_indirect_dma semaphore(%arg28 : memref<!tpu.dma_semaphore, #tpu.memory_space<semaphore_mem>>) src(%arg13 : memref<125x64xf32, #tpu.memory_space<vmem>>) dst(%dma_wait3A_460 : memref<10112x64xf32, #tpu.memory_space<vmem_shared>>)
      %add3A_461 = arith.constant 0 : i32
      %add3A_462 = arith.addi %mul3A_438, %add3A_461 : i32
      %add3A_463 = arith.constant 3 : i32
      %add3A_464 = arith.addi %add3A_462, %add3A_463 : i32
      %dma_start3A_465 = arith.constant 0 : i32
      %dma_start3A_466 = tpu.memref_slice %arg8[%add3A_464, %dma_start3A_465] : memref<80x125xi32, #tpu.memory_space<vmem>> -> memref<1x125xi32, #tpu.memory_space<vmem>>
      %dma_start3A_467 = tpu.memref_squeeze %dma_start3A_466 : memref<1x125xi32, #tpu.memory_space<vmem>> -> memref<125xi32, #tpu.memory_space<vmem>>
      %dma_start3A_468 = arith.constant 0 : i32
      %dma_start3A_469 = arith.constant 0 : i32
      %dma_start3A_470 = tpu.memref_slice %arg2[%dma_start3A_468, %dma_start3A_469] : memref<10000x64xf32, #tpu.memory_space<hbm>> -> memref<10000x64xf32, #tpu.memory_space<hbm>>
      tpu.enqueue_indirect_dma source(%dma_start3A_470 : memref<10000x64xf32, #tpu.memory_space<hbm>>) target(%arg13 : memref<125x64xf32, #tpu.memory_space<vmem>>) offsets(%dma_start3A_467 : memref<125xi32, #tpu.memory_space<vmem>>) semaphore(%arg22 : memref<!tpu.dma_semaphore, #tpu.memory_space<semaphore_mem>>)
      %dma_wait3A_471 = arith.constant 0 : i32
      %dma_wait3A_472 = arith.constant 0 : i32
      %dma_wait3A_473 = tpu.memref_slice %arg8[%dma_wait3A_471, %dma_wait3A_472] : memref<80x125xi32, #tpu.memory_space<vmem>> -> memref<1x125xi32, #tpu.memory_space<vmem>>
      %dma_wait3A_474 = tpu.memref_squeeze %dma_wait3A_473 : memref<1x125xi32, #tpu.memory_space<vmem>> -> memref<125xi32, #tpu.memory_space<vmem>>
      %dma_wait3A_475 = arith.constant 0 : i32
      %dma_wait3A_476 = arith.constant 0 : i32
      %dma_wait3A_477 = tpu.memref_slice %arg2[%dma_wait3A_475, %dma_wait3A_476] : memref<10000x64xf32, #tpu.memory_space<hbm>> -> memref<10000x64xf32, #tpu.memory_space<hbm>>
      tpu.wait_indirect_dma semaphore(%arg20 : memref<!tpu.dma_semaphore, #tpu.memory_space<semaphore_mem>>) src(%dma_wait3A_477 : memref<10000x64xf32, #tpu.memory_space<hbm>>) dst(%arg11 : memref<125x64xf32, #tpu.memory_space<vmem>>)
      %add3A_478 = arith.constant 1 : i32
      %add3A_479 = arith.addi %mul3A_438, %add3A_478 : i32
      %dma_start3A_480 = arith.constant 0 : i32
      %dma_start3A_481 = tpu.memref_slice %arg9[%add3A_479, %dma_start3A_480] : memref<80x125xi32, #tpu.memory_space<vmem>> -> memref<1x125xi32, #tpu.memory_space<vmem>>
      %dma_start3A_482 = tpu.memref_squeeze %dma_start3A_481 : memref<1x125xi32, #tpu.memory_space<vmem>> -> memref<125xi32, #tpu.memory_space<vmem>>
      %dma_start3A_483 = arith.constant 0 : i32
      %dma_start3A_484 = arith.constant 0 : i32
      %dma_start3A_485 = tpu.memref_slice %arg17[%dma_start3A_483, %dma_start3A_484] : memref<10112x64xf32, #tpu.memory_space<vmem_shared>> -> memref<10112x64xf32, #tpu.memory_space<vmem_shared>>
      tpu.enqueue_indirect_dma source(%arg11 : memref<125x64xf32, #tpu.memory_space<vmem>>) target(%dma_start3A_485 : memref<10112x64xf32, #tpu.memory_space<vmem_shared>>) offsets(%dma_start3A_482 : memref<125xi32, #tpu.memory_space<vmem>>) semaphore(%arg26 : memref<!tpu.dma_semaphore, #tpu.memory_space<semaphore_mem>>) {add = true}
      "tpu.region"() ({
        %run_scoped3A_631 = tpu.sem_alloc : memref<!tpu.dma_semaphore, #tpu.memory_space<semaphore_mem>>
        %dma_start3A_632 = arith.constant 0 : i32
        %dma_start3A_633 = tpu.memref_slice %arg9[%add3A_479, %dma_start3A_632] : memref<80x125xi32, #tpu.memory_space<vmem>> -> memref<1x125xi32, #tpu.memory_space<vmem>>
        %dma_start3A_634 = tpu.memref_squeeze %dma_start3A_633 : memref<1x125xi32, #tpu.memory_space<vmem>> -> memref<125xi32, #tpu.memory_space<vmem>>
        %dma_start3A_635 = arith.constant 0 : i32
        %dma_start3A_636 = arith.constant 0 : i32
        %dma_start3A_637 = tpu.memref_slice %arg18[%dma_start3A_635, %dma_start3A_636] : memref<10112x16xf32, #tpu.memory_space<vmem_shared>> -> memref<10112x16xf32, #tpu.memory_space<vmem_shared>>
        tpu.enqueue_indirect_dma source(%arg16 : memref<125x16xf32, #tpu.memory_space<vmem>>) target(%dma_start3A_637 : memref<10112x16xf32, #tpu.memory_space<vmem_shared>>) offsets(%dma_start3A_634 : memref<125xi32, #tpu.memory_space<vmem>>) semaphore(%run_scoped3A_631 : memref<!tpu.dma_semaphore, #tpu.memory_space<semaphore_mem>>) {add = true}
        %dma_wait3A_638 = arith.constant 0 : i32
        %dma_wait3A_639 = tpu.memref_slice %arg9[%add3A_479, %dma_wait3A_638] : memref<80x125xi32, #tpu.memory_space<vmem>> -> memref<1x125xi32, #tpu.memory_space<vmem>>
        %dma_wait3A_640 = tpu.memref_squeeze %dma_wait3A_639 : memref<1x125xi32, #tpu.memory_space<vmem>> -> memref<125xi32, #tpu.memory_space<vmem>>
        %dma_wait3A_641 = arith.constant 0 : i32
        %dma_wait3A_642 = arith.constant 0 : i32
        %dma_wait3A_643 = tpu.memref_slice %arg18[%dma_wait3A_641, %dma_wait3A_642] : memref<10112x16xf32, #tpu.memory_space<vmem_shared>> -> memref<10112x16xf32, #tpu.memory_space<vmem_shared>>
        tpu.wait_indirect_dma semaphore(%run_scoped3A_631 : memref<!tpu.dma_semaphore, #tpu.memory_space<semaphore_mem>>) src(%arg16 : memref<125x16xf32, #tpu.memory_space<vmem>>) dst(%dma_wait3A_643 : memref<10112x16xf32, #tpu.memory_space<vmem_shared>>)
        tpu.yield
      }) : () -> ()
      %dma_wait3A_486 = arith.constant 0 : i32
      %dma_wait3A_487 = arith.constant 0 : i32
      %dma_wait3A_488 = tpu.memref_slice %arg9[%dma_wait3A_486, %dma_wait3A_487] : memref<80x125xi32, #tpu.memory_space<vmem>> -> memref<1x125xi32, #tpu.memory_space<vmem>>
      %dma_wait3A_489 = tpu.memref_squeeze %dma_wait3A_488 : memref<1x125xi32, #tpu.memory_space<vmem>> -> memref<125xi32, #tpu.memory_space<vmem>>
      %dma_wait3A_490 = arith.constant 0 : i32
      %dma_wait3A_491 = arith.constant 0 : i32
      %dma_wait3A_492 = tpu.memref_slice %arg17[%dma_wait3A_490, %dma_wait3A_491] : memref<10112x64xf32, #tpu.memory_space<vmem_shared>> -> memref<10112x64xf32, #tpu.memory_space<vmem_shared>>
      tpu.wait_indirect_dma semaphore(%arg29 : memref<!tpu.dma_semaphore, #tpu.memory_space<semaphore_mem>>) src(%arg14 : memref<125x64xf32, #tpu.memory_space<vmem>>) dst(%dma_wait3A_492 : memref<10112x64xf32, #tpu.memory_space<vmem_shared>>)
      %add3A_493 = arith.constant 1 : i32
      %add3A_494 = arith.addi %mul3A_438, %add3A_493 : i32
      %add3A_495 = arith.constant 3 : i32
      %add3A_496 = arith.addi %add3A_494, %add3A_495 : i32
      %dma_start3A_497 = arith.constant 0 : i32
      %dma_start3A_498 = tpu.memref_slice %arg8[%add3A_496, %dma_start3A_497] : memref<80x125xi32, #tpu.memory_space<vmem>> -> memref<1x125xi32, #tpu.memory_space<vmem>>
      %dma_start3A_499 = tpu.memref_squeeze %dma_start3A_498 : memref<1x125xi32, #tpu.memory_space<vmem>> -> memref<125xi32, #tpu.memory_space<vmem>>
      %dma_start3A_500 = arith.constant 0 : i32
      %dma_start3A_501 = arith.constant 0 : i32
      %dma_start3A_502 = tpu.memref_slice %arg2[%dma_start3A_500, %dma_start3A_501] : memref<10000x64xf32, #tpu.memory_space<hbm>> -> memref<10000x64xf32, #tpu.memory_space<hbm>>
      tpu.enqueue_indirect_dma source(%dma_start3A_502 : memref<10000x64xf32, #tpu.memory_space<hbm>>) target(%arg14 : memref<125x64xf32, #tpu.memory_space<vmem>>) offsets(%dma_start3A_499 : memref<125xi32, #tpu.memory_space<vmem>>) semaphore(%arg23 : memref<!tpu.dma_semaphore, #tpu.memory_space<semaphore_mem>>)
      %dma_wait3A_503 = arith.constant 0 : i32
      %dma_wait3A_504 = arith.constant 0 : i32
      %dma_wait3A_505 = tpu.memref_slice %arg8[%dma_wait3A_503, %dma_wait3A_504] : memref<80x125xi32, #tpu.memory_space<vmem>> -> memref<1x125xi32, #tpu.memory_space<vmem>>
      %dma_wait3A_506 = tpu.memref_squeeze %dma_wait3A_505 : memref<1x125xi32, #tpu.memory_space<vmem>> -> memref<125xi32, #tpu.memory_space<vmem>>
      %dma_wait3A_507 = arith.constant 0 : i32
      %dma_wait3A_508 = arith.constant 0 : i32
      %dma_wait3A_509 = tpu.memref_slice %arg2[%dma_wait3A_507, %dma_wait3A_508] : memref<10000x64xf32, #tpu.memory_space<hbm>> -> memref<10000x64xf32, #tpu.memory_space<hbm>>
      tpu.wait_indirect_dma semaphore(%arg21 : memref<!tpu.dma_semaphore, #tpu.memory_space<semaphore_mem>>) src(%dma_wait3A_509 : memref<10000x64xf32, #tpu.memory_space<hbm>>) dst(%arg12 : memref<125x64xf32, #tpu.memory_space<vmem>>)
      %add3A_510 = arith.constant 2 : i32
      %add3A_511 = arith.addi %mul3A_438, %add3A_510 : i32
      %dma_start3A_512 = arith.constant 0 : i32
      %dma_start3A_513 = tpu.memref_slice %arg9[%add3A_511, %dma_start3A_512] : memref<80x125xi32, #tpu.memory_space<vmem>> -> memref<1x125xi32, #tpu.memory_space<vmem>>
      %dma_start3A_514 = tpu.memref_squeeze %dma_start3A_513 : memref<1x125xi32, #tpu.memory_space<vmem>> -> memref<125xi32, #tpu.memory_space<vmem>>
      %dma_start3A_515 = arith.constant 0 : i32
      %dma_start3A_516 = arith.constant 0 : i32
      %dma_start3A_517 = tpu.memref_slice %arg17[%dma_start3A_515, %dma_start3A_516] : memref<10112x64xf32, #tpu.memory_space<vmem_shared>> -> memref<10112x64xf32, #tpu.memory_space<vmem_shared>>
      tpu.enqueue_indirect_dma source(%arg12 : memref<125x64xf32, #tpu.memory_space<vmem>>) target(%dma_start3A_517 : memref<10112x64xf32, #tpu.memory_space<vmem_shared>>) offsets(%dma_start3A_514 : memref<125xi32, #tpu.memory_space<vmem>>) semaphore(%arg27 : memref<!tpu.dma_semaphore, #tpu.memory_space<semaphore_mem>>) {add = true}
      "tpu.region"() ({
        %run_scoped3A_631 = tpu.sem_alloc : memref<!tpu.dma_semaphore, #tpu.memory_space<semaphore_mem>>
        %dma_start3A_632 = arith.constant 0 : i32
        %dma_start3A_633 = tpu.memref_slice %arg9[%add3A_511, %dma_start3A_632] : memref<80x125xi32, #tpu.memory_space<vmem>> -> memref<1x125xi32, #tpu.memory_space<vmem>>
        %dma_start3A_634 = tpu.memref_squeeze %dma_start3A_633 : memref<1x125xi32, #tpu.memory_space<vmem>> -> memref<125xi32, #tpu.memory_space<vmem>>
        %dma_start3A_635 = arith.constant 0 : i32
        %dma_start3A_636 = arith.constant 0 : i32
        %dma_start3A_637 = tpu.memref_slice %arg18[%dma_start3A_635, %dma_start3A_636] : memref<10112x16xf32, #tpu.memory_space<vmem_shared>> -> memref<10112x16xf32, #tpu.memory_space<vmem_shared>>
        tpu.enqueue_indirect_dma source(%arg16 : memref<125x16xf32, #tpu.memory_space<vmem>>) target(%dma_start3A_637 : memref<10112x16xf32, #tpu.memory_space<vmem_shared>>) offsets(%dma_start3A_634 : memref<125xi32, #tpu.memory_space<vmem>>) semaphore(%run_scoped3A_631 : memref<!tpu.dma_semaphore, #tpu.memory_space<semaphore_mem>>) {add = true}
        %dma_wait3A_638 = arith.constant 0 : i32
        %dma_wait3A_639 = tpu.memref_slice %arg9[%add3A_511, %dma_wait3A_638] : memref<80x125xi32, #tpu.memory_space<vmem>> -> memref<1x125xi32, #tpu.memory_space<vmem>>
        %dma_wait3A_640 = tpu.memref_squeeze %dma_wait3A_639 : memref<1x125xi32, #tpu.memory_space<vmem>> -> memref<125xi32, #tpu.memory_space<vmem>>
        %dma_wait3A_641 = arith.constant 0 : i32
        %dma_wait3A_642 = arith.constant 0 : i32
        %dma_wait3A_643 = tpu.memref_slice %arg18[%dma_wait3A_641, %dma_wait3A_642] : memref<10112x16xf32, #tpu.memory_space<vmem_shared>> -> memref<10112x16xf32, #tpu.memory_space<vmem_shared>>
        tpu.wait_indirect_dma semaphore(%run_scoped3A_631 : memref<!tpu.dma_semaphore, #tpu.memory_space<semaphore_mem>>) src(%arg16 : memref<125x16xf32, #tpu.memory_space<vmem>>) dst(%dma_wait3A_643 : memref<10112x16xf32, #tpu.memory_space<vmem_shared>>)
        tpu.yield
      }) : () -> ()
      %dma_wait3A_518 = arith.constant 0 : i32
      %dma_wait3A_519 = arith.constant 0 : i32
      %dma_wait3A_520 = tpu.memref_slice %arg9[%dma_wait3A_518, %dma_wait3A_519] : memref<80x125xi32, #tpu.memory_space<vmem>> -> memref<1x125xi32, #tpu.memory_space<vmem>>
      %dma_wait3A_521 = tpu.memref_squeeze %dma_wait3A_520 : memref<1x125xi32, #tpu.memory_space<vmem>> -> memref<125xi32, #tpu.memory_space<vmem>>
      %dma_wait3A_522 = arith.constant 0 : i32
      %dma_wait3A_523 = arith.constant 0 : i32
      %dma_wait3A_524 = tpu.memref_slice %arg17[%dma_wait3A_522, %dma_wait3A_523] : memref<10112x64xf32, #tpu.memory_space<vmem_shared>> -> memref<10112x64xf32, #tpu.memory_space<vmem_shared>>
      tpu.wait_indirect_dma semaphore(%arg30 : memref<!tpu.dma_semaphore, #tpu.memory_space<semaphore_mem>>) src(%arg15 : memref<125x64xf32, #tpu.memory_space<vmem>>) dst(%dma_wait3A_524 : memref<10112x64xf32, #tpu.memory_space<vmem_shared>>)
      %add3A_525 = arith.constant 2 : i32
      %add3A_526 = arith.addi %mul3A_438, %add3A_525 : i32
      %add3A_527 = arith.constant 3 : i32
      %add3A_528 = arith.addi %add3A_526, %add3A_527 : i32
      %dma_start3A_529 = arith.constant 0 : i32
      %dma_start3A_530 = tpu.memref_slice %arg8[%add3A_528, %dma_start3A_529] : memref<80x125xi32, #tpu.memory_space<vmem>> -> memref<1x125xi32, #tpu.memory_space<vmem>>
      %dma_start3A_531 = tpu.memref_squeeze %dma_start3A_530 : memref<1x125xi32, #tpu.memory_space<vmem>> -> memref<125xi32, #tpu.memory_space<vmem>>
      %dma_start3A_532 = arith.constant 0 : i32
      %dma_start3A_533 = arith.constant 0 : i32
      %dma_start3A_534 = tpu.memref_slice %arg2[%dma_start3A_532, %dma_start3A_533] : memref<10000x64xf32, #tpu.memory_space<hbm>> -> memref<10000x64xf32, #tpu.memory_space<hbm>>
      tpu.enqueue_indirect_dma source(%dma_start3A_534 : memref<10000x64xf32, #tpu.memory_space<hbm>>) target(%arg15 : memref<125x64xf32, #tpu.memory_space<vmem>>) offsets(%dma_start3A_531 : memref<125xi32, #tpu.memory_space<vmem>>) semaphore(%arg24 : memref<!tpu.dma_semaphore, #tpu.memory_space<semaphore_mem>>)
      %dma_wait3A_535 = arith.constant 0 : i32
      %dma_wait3A_536 = arith.constant 0 : i32
      %dma_wait3A_537 = tpu.memref_slice %arg8[%dma_wait3A_535, %dma_wait3A_536] : memref<80x125xi32, #tpu.memory_space<vmem>> -> memref<1x125xi32, #tpu.memory_space<vmem>>
      %dma_wait3A_538 = tpu.memref_squeeze %dma_wait3A_537 : memref<1x125xi32, #tpu.memory_space<vmem>> -> memref<125xi32, #tpu.memory_space<vmem>>
      %dma_wait3A_539 = arith.constant 0 : i32
      %dma_wait3A_540 = arith.constant 0 : i32
      %dma_wait3A_541 = tpu.memref_slice %arg2[%dma_wait3A_539, %dma_wait3A_540] : memref<10000x64xf32, #tpu.memory_space<hbm>> -> memref<10000x64xf32, #tpu.memory_space<hbm>>
      tpu.wait_indirect_dma semaphore(%arg22 : memref<!tpu.dma_semaphore, #tpu.memory_space<semaphore_mem>>) src(%dma_wait3A_541 : memref<10000x64xf32, #tpu.memory_space<hbm>>) dst(%arg13 : memref<125x64xf32, #tpu.memory_space<vmem>>)
      %add3A_542 = arith.constant 3 : i32
      %add3A_543 = arith.addi %mul3A_438, %add3A_542 : i32
      %dma_start3A_544 = arith.constant 0 : i32
      %dma_start3A_545 = tpu.memref_slice %arg9[%add3A_543, %dma_start3A_544] : memref<80x125xi32, #tpu.memory_space<vmem>> -> memref<1x125xi32, #tpu.memory_space<vmem>>
      %dma_start3A_546 = tpu.memref_squeeze %dma_start3A_545 : memref<1x125xi32, #tpu.memory_space<vmem>> -> memref<125xi32, #tpu.memory_space<vmem>>
      %dma_start3A_547 = arith.constant 0 : i32
      %dma_start3A_548 = arith.constant 0 : i32
      %dma_start3A_549 = tpu.memref_slice %arg17[%dma_start3A_547, %dma_start3A_548] : memref<10112x64xf32, #tpu.memory_space<vmem_shared>> -> memref<10112x64xf32, #tpu.memory_space<vmem_shared>>
      tpu.enqueue_indirect_dma source(%arg13 : memref<125x64xf32, #tpu.memory_space<vmem>>) target(%dma_start3A_549 : memref<10112x64xf32, #tpu.memory_space<vmem_shared>>) offsets(%dma_start3A_546 : memref<125xi32, #tpu.memory_space<vmem>>) semaphore(%arg28 : memref<!tpu.dma_semaphore, #tpu.memory_space<semaphore_mem>>) {add = true}
      "tpu.region"() ({
        %run_scoped3A_631 = tpu.sem_alloc : memref<!tpu.dma_semaphore, #tpu.memory_space<semaphore_mem>>
        %dma_start3A_632 = arith.constant 0 : i32
        %dma_start3A_633 = tpu.memref_slice %arg9[%add3A_543, %dma_start3A_632] : memref<80x125xi32, #tpu.memory_space<vmem>> -> memref<1x125xi32, #tpu.memory_space<vmem>>
        %dma_start3A_634 = tpu.memref_squeeze %dma_start3A_633 : memref<1x125xi32, #tpu.memory_space<vmem>> -> memref<125xi32, #tpu.memory_space<vmem>>
        %dma_start3A_635 = arith.constant 0 : i32
        %dma_start3A_636 = arith.constant 0 : i32
        %dma_start3A_637 = tpu.memref_slice %arg18[%dma_start3A_635, %dma_start3A_636] : memref<10112x16xf32, #tpu.memory_space<vmem_shared>> -> memref<10112x16xf32, #tpu.memory_space<vmem_shared>>
        tpu.enqueue_indirect_dma source(%arg16 : memref<125x16xf32, #tpu.memory_space<vmem>>) target(%dma_start3A_637 : memref<10112x16xf32, #tpu.memory_space<vmem_shared>>) offsets(%dma_start3A_634 : memref<125xi32, #tpu.memory_space<vmem>>) semaphore(%run_scoped3A_631 : memref<!tpu.dma_semaphore, #tpu.memory_space<semaphore_mem>>) {add = true}
        %dma_wait3A_638 = arith.constant 0 : i32
        %dma_wait3A_639 = tpu.memref_slice %arg9[%add3A_543, %dma_wait3A_638] : memref<80x125xi32, #tpu.memory_space<vmem>> -> memref<1x125xi32, #tpu.memory_space<vmem>>
        %dma_wait3A_640 = tpu.memref_squeeze %dma_wait3A_639 : memref<1x125xi32, #tpu.memory_space<vmem>> -> memref<125xi32, #tpu.memory_space<vmem>>
        %dma_wait3A_641 = arith.constant 0 : i32
        %dma_wait3A_642 = arith.constant 0 : i32
        %dma_wait3A_643 = tpu.memref_slice %arg18[%dma_wait3A_641, %dma_wait3A_642] : memref<10112x16xf32, #tpu.memory_space<vmem_shared>> -> memref<10112x16xf32, #tpu.memory_space<vmem_shared>>
        tpu.wait_indirect_dma semaphore(%run_scoped3A_631 : memref<!tpu.dma_semaphore, #tpu.memory_space<semaphore_mem>>) src(%arg16 : memref<125x16xf32, #tpu.memory_space<vmem>>) dst(%dma_wait3A_643 : memref<10112x16xf32, #tpu.memory_space<vmem_shared>>)
        tpu.yield
      }) : () -> ()
      %dma_wait3A_550 = arith.constant 0 : i32
      %dma_wait3A_551 = arith.constant 0 : i32
      %dma_wait3A_552 = tpu.memref_slice %arg9[%dma_wait3A_550, %dma_wait3A_551] : memref<80x125xi32, #tpu.memory_space<vmem>> -> memref<1x125xi32, #tpu.memory_space<vmem>>
      %dma_wait3A_553 = tpu.memref_squeeze %dma_wait3A_552 : memref<1x125xi32, #tpu.memory_space<vmem>> -> memref<125xi32, #tpu.memory_space<vmem>>
      %dma_wait3A_554 = arith.constant 0 : i32
      %dma_wait3A_555 = arith.constant 0 : i32
      %dma_wait3A_556 = tpu.memref_slice %arg17[%dma_wait3A_554, %dma_wait3A_555] : memref<10112x64xf32, #tpu.memory_space<vmem_shared>> -> memref<10112x64xf32, #tpu.memory_space<vmem_shared>>
      tpu.wait_indirect_dma semaphore(%arg25 : memref<!tpu.dma_semaphore, #tpu.memory_space<semaphore_mem>>) src(%arg10 : memref<125x64xf32, #tpu.memory_space<vmem>>) dst(%dma_wait3A_556 : memref<10112x64xf32, #tpu.memory_space<vmem_shared>>)
      %add3A_557 = arith.constant 3 : i32
      %add3A_558 = arith.addi %mul3A_438, %add3A_557 : i32
      %add3A_559 = arith.constant 3 : i32
      %add3A_560 = arith.addi %add3A_558, %add3A_559 : i32
      %dma_start3A_561 = arith.constant 0 : i32
      %dma_start3A_562 = tpu.memref_slice %arg8[%add3A_560, %dma_start3A_561] : memref<80x125xi32, #tpu.memory_space<vmem>> -> memref<1x125xi32, #tpu.memory_space<vmem>>
      %dma_start3A_563 = tpu.memref_squeeze %dma_start3A_562 : memref<1x125xi32, #tpu.memory_space<vmem>> -> memref<125xi32, #tpu.memory_space<vmem>>
      %dma_start3A_564 = arith.constant 0 : i32
      %dma_start3A_565 = arith.constant 0 : i32
      %dma_start3A_566 = tpu.memref_slice %arg2[%dma_start3A_564, %dma_start3A_565] : memref<10000x64xf32, #tpu.memory_space<hbm>> -> memref<10000x64xf32, #tpu.memory_space<hbm>>
      tpu.enqueue_indirect_dma source(%dma_start3A_566 : memref<10000x64xf32, #tpu.memory_space<hbm>>) target(%arg10 : memref<125x64xf32, #tpu.memory_space<vmem>>) offsets(%dma_start3A_563 : memref<125xi32, #tpu.memory_space<vmem>>) semaphore(%arg19 : memref<!tpu.dma_semaphore, #tpu.memory_space<semaphore_mem>>)
      %dma_wait3A_567 = arith.constant 0 : i32
      %dma_wait3A_568 = arith.constant 0 : i32
      %dma_wait3A_569 = tpu.memref_slice %arg8[%dma_wait3A_567, %dma_wait3A_568] : memref<80x125xi32, #tpu.memory_space<vmem>> -> memref<1x125xi32, #tpu.memory_space<vmem>>
      %dma_wait3A_570 = tpu.memref_squeeze %dma_wait3A_569 : memref<1x125xi32, #tpu.memory_space<vmem>> -> memref<125xi32, #tpu.memory_space<vmem>>
      %dma_wait3A_571 = arith.constant 0 : i32
      %dma_wait3A_572 = arith.constant 0 : i32
      %dma_wait3A_573 = tpu.memref_slice %arg2[%dma_wait3A_571, %dma_wait3A_572] : memref<10000x64xf32, #tpu.memory_space<hbm>> -> memref<10000x64xf32, #tpu.memory_space<hbm>>
      tpu.wait_indirect_dma semaphore(%arg23 : memref<!tpu.dma_semaphore, #tpu.memory_space<semaphore_mem>>) src(%dma_wait3A_573 : memref<10000x64xf32, #tpu.memory_space<hbm>>) dst(%arg14 : memref<125x64xf32, #tpu.memory_space<vmem>>)
      %add3A_574 = arith.constant 4 : i32
      %add3A_575 = arith.addi %mul3A_438, %add3A_574 : i32
      %dma_start3A_576 = arith.constant 0 : i32
      %dma_start3A_577 = tpu.memref_slice %arg9[%add3A_575, %dma_start3A_576] : memref<80x125xi32, #tpu.memory_space<vmem>> -> memref<1x125xi32, #tpu.memory_space<vmem>>
      %dma_start3A_578 = tpu.memref_squeeze %dma_start3A_577 : memref<1x125xi32, #tpu.memory_space<vmem>> -> memref<125xi32, #tpu.memory_space<vmem>>
      %dma_start3A_579 = arith.constant 0 : i32
      %dma_start3A_580 = arith.constant 0 : i32
      %dma_start3A_581 = tpu.memref_slice %arg17[%dma_start3A_579, %dma_start3A_580] : memref<10112x64xf32, #tpu.memory_space<vmem_shared>> -> memref<10112x64xf32, #tpu.memory_space<vmem_shared>>
      tpu.enqueue_indirect_dma source(%arg14 : memref<125x64xf32, #tpu.memory_space<vmem>>) target(%dma_start3A_581 : memref<10112x64xf32, #tpu.memory_space<vmem_shared>>) offsets(%dma_start3A_578 : memref<125xi32, #tpu.memory_space<vmem>>) semaphore(%arg29 : memref<!tpu.dma_semaphore, #tpu.memory_space<semaphore_mem>>) {add = true}
      "tpu.region"() ({
        %run_scoped3A_631 = tpu.sem_alloc : memref<!tpu.dma_semaphore, #tpu.memory_space<semaphore_mem>>
        %dma_start3A_632 = arith.constant 0 : i32
        %dma_start3A_633 = tpu.memref_slice %arg9[%add3A_575, %dma_start3A_632] : memref<80x125xi32, #tpu.memory_space<vmem>> -> memref<1x125xi32, #tpu.memory_space<vmem>>
        %dma_start3A_634 = tpu.memref_squeeze %dma_start3A_633 : memref<1x125xi32, #tpu.memory_space<vmem>> -> memref<125xi32, #tpu.memory_space<vmem>>
        %dma_start3A_635 = arith.constant 0 : i32
        %dma_start3A_636 = arith.constant 0 : i32
        %dma_start3A_637 = tpu.memref_slice %arg18[%dma_start3A_635, %dma_start3A_636] : memref<10112x16xf32, #tpu.memory_space<vmem_shared>> -> memref<10112x16xf32, #tpu.memory_space<vmem_shared>>
        tpu.enqueue_indirect_dma source(%arg16 : memref<125x16xf32, #tpu.memory_space<vmem>>) target(%dma_start3A_637 : memref<10112x16xf32, #tpu.memory_space<vmem_shared>>) offsets(%dma_start3A_634 : memref<125xi32, #tpu.memory_space<vmem>>) semaphore(%run_scoped3A_631 : memref<!tpu.dma_semaphore, #tpu.memory_space<semaphore_mem>>) {add = true}
        %dma_wait3A_638 = arith.constant 0 : i32
        %dma_wait3A_639 = tpu.memref_slice %arg9[%add3A_575, %dma_wait3A_638] : memref<80x125xi32, #tpu.memory_space<vmem>> -> memref<1x125xi32, #tpu.memory_space<vmem>>
        %dma_wait3A_640 = tpu.memref_squeeze %dma_wait3A_639 : memref<1x125xi32, #tpu.memory_space<vmem>> -> memref<125xi32, #tpu.memory_space<vmem>>
        %dma_wait3A_641 = arith.constant 0 : i32
        %dma_wait3A_642 = arith.constant 0 : i32
        %dma_wait3A_643 = tpu.memref_slice %arg18[%dma_wait3A_641, %dma_wait3A_642] : memref<10112x16xf32, #tpu.memory_space<vmem_shared>> -> memref<10112x16xf32, #tpu.memory_space<vmem_shared>>
        tpu.wait_indirect_dma semaphore(%run_scoped3A_631 : memref<!tpu.dma_semaphore, #tpu.memory_space<semaphore_mem>>) src(%arg16 : memref<125x16xf32, #tpu.memory_space<vmem>>) dst(%dma_wait3A_643 : memref<10112x16xf32, #tpu.memory_space<vmem_shared>>)
        tpu.yield
      }) : () -> ()
      %dma_wait3A_582 = arith.constant 0 : i32
      %dma_wait3A_583 = arith.constant 0 : i32
      %dma_wait3A_584 = tpu.memref_slice %arg9[%dma_wait3A_582, %dma_wait3A_583] : memref<80x125xi32, #tpu.memory_space<vmem>> -> memref<1x125xi32, #tpu.memory_space<vmem>>
      %dma_wait3A_585 = tpu.memref_squeeze %dma_wait3A_584 : memref<1x125xi32, #tpu.memory_space<vmem>> -> memref<125xi32, #tpu.memory_space<vmem>>
      %dma_wait3A_586 = arith.constant 0 : i32
      %dma_wait3A_587 = arith.constant 0 : i32
      %dma_wait3A_588 = tpu.memref_slice %arg17[%dma_wait3A_586, %dma_wait3A_587] : memref<10112x64xf32, #tpu.memory_space<vmem_shared>> -> memref<10112x64xf32, #tpu.memory_space<vmem_shared>>
      tpu.wait_indirect_dma semaphore(%arg26 : memref<!tpu.dma_semaphore, #tpu.memory_space<semaphore_mem>>) src(%arg11 : memref<125x64xf32, #tpu.memory_space<vmem>>) dst(%dma_wait3A_588 : memref<10112x64xf32, #tpu.memory_space<vmem_shared>>)
      %add3A_589 = arith.constant 4 : i32
      %add3A_590 = arith.addi %mul3A_438, %add3A_589 : i32
      %add3A_591 = arith.constant 3 : i32
      %add3A_592 = arith.addi %add3A_590, %add3A_591 : i32
      %dma_start3A_593 = arith.constant 0 : i32
      %dma_start3A_594 = tpu.memref_slice %arg8[%add3A_592, %dma_start3A_593] : memref<80x125xi32, #tpu.memory_space<vmem>> -> memref<1x125xi32, #tpu.memory_space<vmem>>
      %dma_start3A_595 = tpu.memref_squeeze %dma_start3A_594 : memref<1x125xi32, #tpu.memory_space<vmem>> -> memref<125xi32, #tpu.memory_space<vmem>>
      %dma_start3A_596 = arith.constant 0 : i32
      %dma_start3A_597 = arith.constant 0 : i32
      %dma_start3A_598 = tpu.memref_slice %arg2[%dma_start3A_596, %dma_start3A_597] : memref<10000x64xf32, #tpu.memory_space<hbm>> -> memref<10000x64xf32, #tpu.memory_space<hbm>>
      tpu.enqueue_indirect_dma source(%dma_start3A_598 : memref<10000x64xf32, #tpu.memory_space<hbm>>) target(%arg11 : memref<125x64xf32, #tpu.memory_space<vmem>>) offsets(%dma_start3A_595 : memref<125xi32, #tpu.memory_space<vmem>>) semaphore(%arg20 : memref<!tpu.dma_semaphore, #tpu.memory_space<semaphore_mem>>)
      %dma_wait3A_599 = arith.constant 0 : i32
      %dma_wait3A_600 = arith.constant 0 : i32
      %dma_wait3A_601 = tpu.memref_slice %arg8[%dma_wait3A_599, %dma_wait3A_600] : memref<80x125xi32, #tpu.memory_space<vmem>> -> memref<1x125xi32, #tpu.memory_space<vmem>>
      %dma_wait3A_602 = tpu.memref_squeeze %dma_wait3A_601 : memref<1x125xi32, #tpu.memory_space<vmem>> -> memref<125xi32, #tpu.memory_space<vmem>>
      %dma_wait3A_603 = arith.constant 0 : i32
      %dma_wait3A_604 = arith.constant 0 : i32
      %dma_wait3A_605 = tpu.memref_slice %arg2[%dma_wait3A_603, %dma_wait3A_604] : memref<10000x64xf32, #tpu.memory_space<hbm>> -> memref<10000x64xf32, #tpu.memory_space<hbm>>
      tpu.wait_indirect_dma semaphore(%arg24 : memref<!tpu.dma_semaphore, #tpu.memory_space<semaphore_mem>>) src(%dma_wait3A_605 : memref<10000x64xf32, #tpu.memory_space<hbm>>) dst(%arg15 : memref<125x64xf32, #tpu.memory_space<vmem>>)
      %add3A_606 = arith.constant 5 : i32
      %add3A_607 = arith.addi %mul3A_438, %add3A_606 : i32
      %dma_start3A_608 = arith.constant 0 : i32
      %dma_start3A_609 = tpu.memref_slice %arg9[%add3A_607, %dma_start3A_608] : memref<80x125xi32, #tpu.memory_space<vmem>> -> memref<1x125xi32, #tpu.memory_space<vmem>>
      %dma_start3A_610 = tpu.memref_squeeze %dma_start3A_609 : memref<1x125xi32, #tpu.memory_space<vmem>> -> memref<125xi32, #tpu.memory_space<vmem>>
      %dma_start3A_611 = arith.constant 0 : i32
      %dma_start3A_612 = arith.constant 0 : i32
      %dma_start3A_613 = tpu.memref_slice %arg17[%dma_start3A_611, %dma_start3A_612] : memref<10112x64xf32, #tpu.memory_space<vmem_shared>> -> memref<10112x64xf32, #tpu.memory_space<vmem_shared>>
      tpu.enqueue_indirect_dma source(%arg15 : memref<125x64xf32, #tpu.memory_space<vmem>>) target(%dma_start3A_613 : memref<10112x64xf32, #tpu.memory_space<vmem_shared>>) offsets(%dma_start3A_610 : memref<125xi32, #tpu.memory_space<vmem>>) semaphore(%arg30 : memref<!tpu.dma_semaphore, #tpu.memory_space<semaphore_mem>>) {add = true}
      "tpu.region"() ({
        %run_scoped3A_631 = tpu.sem_alloc : memref<!tpu.dma_semaphore, #tpu.memory_space<semaphore_mem>>
        %dma_start3A_632 = arith.constant 0 : i32
        %dma_start3A_633 = tpu.memref_slice %arg9[%add3A_607, %dma_start3A_632] : memref<80x125xi32, #tpu.memory_space<vmem>> -> memref<1x125xi32, #tpu.memory_space<vmem>>
        %dma_start3A_634 = tpu.memref_squeeze %dma_start3A_633 : memref<1x125xi32, #tpu.memory_space<vmem>> -> memref<125xi32, #tpu.memory_space<vmem>>
        %dma_start3A_635 = arith.constant 0 : i32
        %dma_start3A_636 = arith.constant 0 : i32
        %dma_start3A_637 = tpu.memref_slice %arg18[%dma_start3A_635, %dma_start3A_636] : memref<10112x16xf32, #tpu.memory_space<vmem_shared>> -> memref<10112x16xf32, #tpu.memory_space<vmem_shared>>
        tpu.enqueue_indirect_dma source(%arg16 : memref<125x16xf32, #tpu.memory_space<vmem>>) target(%dma_start3A_637 : memref<10112x16xf32, #tpu.memory_space<vmem_shared>>) offsets(%dma_start3A_634 : memref<125xi32, #tpu.memory_space<vmem>>) semaphore(%run_scoped3A_631 : memref<!tpu.dma_semaphore, #tpu.memory_space<semaphore_mem>>) {add = true}
        %dma_wait3A_638 = arith.constant 0 : i32
        %dma_wait3A_639 = tpu.memref_slice %arg9[%add3A_607, %dma_wait3A_638] : memref<80x125xi32, #tpu.memory_space<vmem>> -> memref<1x125xi32, #tpu.memory_space<vmem>>
        %dma_wait3A_640 = tpu.memref_squeeze %dma_wait3A_639 : memref<1x125xi32, #tpu.memory_space<vmem>> -> memref<125xi32, #tpu.memory_space<vmem>>
        %dma_wait3A_641 = arith.constant 0 : i32
        %dma_wait3A_642 = arith.constant 0 : i32
        %dma_wait3A_643 = tpu.memref_slice %arg18[%dma_wait3A_641, %dma_wait3A_642] : memref<10112x16xf32, #tpu.memory_space<vmem_shared>> -> memref<10112x16xf32, #tpu.memory_space<vmem_shared>>
        tpu.wait_indirect_dma semaphore(%run_scoped3A_631 : memref<!tpu.dma_semaphore, #tpu.memory_space<semaphore_mem>>) src(%arg16 : memref<125x16xf32, #tpu.memory_space<vmem>>) dst(%dma_wait3A_643 : memref<10112x16xf32, #tpu.memory_space<vmem_shared>>)
        tpu.yield
      }) : () -> ()
      %dma_wait3A_614 = arith.constant 0 : i32
      %dma_wait3A_615 = arith.constant 0 : i32
      %dma_wait3A_616 = tpu.memref_slice %arg9[%dma_wait3A_614, %dma_wait3A_615] : memref<80x125xi32, #tpu.memory_space<vmem>> -> memref<1x125xi32, #tpu.memory_space<vmem>>
      %dma_wait3A_617 = tpu.memref_squeeze %dma_wait3A_616 : memref<1x125xi32, #tpu.memory_space<vmem>> -> memref<125xi32, #tpu.memory_space<vmem>>
      %dma_wait3A_618 = arith.constant 0 : i32
      %dma_wait3A_619 = arith.constant 0 : i32
      %dma_wait3A_620 = tpu.memref_slice %arg17[%dma_wait3A_618, %dma_wait3A_619] : memref<10112x64xf32, #tpu.memory_space<vmem_shared>> -> memref<10112x64xf32, #tpu.memory_space<vmem_shared>>
      tpu.wait_indirect_dma semaphore(%arg27 : memref<!tpu.dma_semaphore, #tpu.memory_space<semaphore_mem>>) src(%arg12 : memref<125x64xf32, #tpu.memory_space<vmem>>) dst(%dma_wait3A_620 : memref<10112x64xf32, #tpu.memory_space<vmem_shared>>)
      %add3A_621 = arith.constant 5 : i32
      %add3A_622 = arith.addi %mul3A_438, %add3A_621 : i32
      %add3A_623 = arith.constant 3 : i32
      %add3A_624 = arith.addi %add3A_622, %add3A_623 : i32
      %dma_start3A_625 = arith.constant 0 : i32
      %dma_start3A_626 = tpu.memref_slice %arg8[%add3A_624, %dma_start3A_625] : memref<80x125xi32, #tpu.memory_space<vmem>> -> memref<1x125xi32, #tpu.memory_space<vmem>>
      %dma_start3A_627 = tpu.memref_squeeze %dma_start3A_626 : memref<1x125xi32, #tpu.memory_space<vmem>> -> memref<125xi32, #tpu.memory_space<vmem>>
      %dma_start3A_628 = arith.constant 0 : i32
      %dma_start3A_629 = arith.constant 0 : i32
      %dma_start3A_630 = tpu.memref_slice %arg2[%dma_start3A_628, %dma_start3A_629] : memref<10000x64xf32, #tpu.memory_space<hbm>> -> memref<10000x64xf32, #tpu.memory_space<hbm>>
      tpu.enqueue_indirect_dma source(%dma_start3A_630 : memref<10000x64xf32, #tpu.memory_space<hbm>>) target(%arg12 : memref<125x64xf32, #tpu.memory_space<vmem>>) offsets(%dma_start3A_627 : memref<125xi32, #tpu.memory_space<vmem>>) semaphore(%arg21 : memref<!tpu.dma_semaphore, #tpu.memory_space<semaphore_mem>>)
    }
    %scan3A_186 = arith.constant 11 : i32
    %dma_wait3A_187 = arith.constant 0 : i32
    %dma_wait3A_188 = arith.constant 0 : i32
    %dma_wait3A_189 = tpu.memref_slice %arg8[%dma_wait3A_187, %dma_wait3A_188] : memref<80x125xi32, #tpu.memory_space<vmem>> -> memref<1x125xi32, #tpu.memory_space<vmem>>
    %dma_wait3A_190 = tpu.memref_squeeze %dma_wait3A_189 : memref<1x125xi32, #tpu.memory_space<vmem>> -> memref<125xi32, #tpu.memory_space<vmem>>
    %dma_wait3A_191 = arith.constant 0 : i32
    %dma_wait3A_192 = arith.constant 0 : i32
    %dma_wait3A_193 = tpu.memref_slice %arg2[%dma_wait3A_191, %dma_wait3A_192] : memref<10000x64xf32, #tpu.memory_space<hbm>> -> memref<10000x64xf32, #tpu.memory_space<hbm>>
    tpu.wait_indirect_dma semaphore(%arg19 : memref<!tpu.dma_semaphore, #tpu.memory_space<semaphore_mem>>) src(%dma_wait3A_193 : memref<10000x64xf32, #tpu.memory_space<hbm>>) dst(%arg10 : memref<125x64xf32, #tpu.memory_space<vmem>>)
    %dma_start3A_194 = arith.constant 72 : i32
    %dma_start3A_195 = arith.constant 0 : i32
    %dma_start3A_196 = tpu.memref_slice %arg9[%dma_start3A_194, %dma_start3A_195] : memref<80x125xi32, #tpu.memory_space<vmem>> -> memref<1x125xi32, #tpu.memory_space<vmem>>
    %dma_start3A_197 = tpu.memref_squeeze %dma_start3A_196 : memref<1x125xi32, #tpu.memory_space<vmem>> -> memref<125xi32, #tpu.memory_space<vmem>>
    %dma_start3A_198 = arith.constant 0 : i32
    %dma_start3A_199 = arith.constant 0 : i32
    %dma_start3A_200 = tpu.memref_slice %arg17[%dma_start3A_198, %dma_start3A_199] : memref<10112x64xf32, #tpu.memory_space<vmem_shared>> -> memref<10112x64xf32, #tpu.memory_space<vmem_shared>>
    tpu.enqueue_indirect_dma source(%arg10 : memref<125x64xf32, #tpu.memory_space<vmem>>) target(%dma_start3A_200 : memref<10112x64xf32, #tpu.memory_space<vmem_shared>>) offsets(%dma_start3A_197 : memref<125xi32, #tpu.memory_space<vmem>>) semaphore(%arg25 : memref<!tpu.dma_semaphore, #tpu.memory_space<semaphore_mem>>) {add = true}
    %run_scoped3A_201 = arith.constant 72 : i32
    "tpu.region"() ({
      %run_scoped3A_436 = tpu.sem_alloc : memref<!tpu.dma_semaphore, #tpu.memory_space<semaphore_mem>>
      %dma_start3A_437 = arith.constant 0 : i32
      %dma_start3A_438 = tpu.memref_slice %arg9[%run_scoped3A_201, %dma_start3A_437] : memref<80x125xi32, #tpu.memory_space<vmem>> -> memref<1x125xi32, #tpu.memory_space<vmem>>
      %dma_start3A_439 = tpu.memref_squeeze %dma_start3A_438 : memref<1x125xi32, #tpu.memory_space<vmem>> -> memref<125xi32, #tpu.memory_space<vmem>>
      %dma_start3A_440 = arith.constant 0 : i32
      %dma_start3A_441 = arith.constant 0 : i32
      %dma_start3A_442 = tpu.memref_slice %arg18[%dma_start3A_440, %dma_start3A_441] : memref<10112x16xf32, #tpu.memory_space<vmem_shared>> -> memref<10112x16xf32, #tpu.memory_space<vmem_shared>>
      tpu.enqueue_indirect_dma source(%arg16 : memref<125x16xf32, #tpu.memory_space<vmem>>) target(%dma_start3A_442 : memref<10112x16xf32, #tpu.memory_space<vmem_shared>>) offsets(%dma_start3A_439 : memref<125xi32, #tpu.memory_space<vmem>>) semaphore(%run_scoped3A_436 : memref<!tpu.dma_semaphore, #tpu.memory_space<semaphore_mem>>) {add = true}
      %dma_wait3A_443 = arith.constant 0 : i32
      %dma_wait3A_444 = tpu.memref_slice %arg9[%run_scoped3A_201, %dma_wait3A_443] : memref<80x125xi32, #tpu.memory_space<vmem>> -> memref<1x125xi32, #tpu.memory_space<vmem>>
      %dma_wait3A_445 = tpu.memref_squeeze %dma_wait3A_444 : memref<1x125xi32, #tpu.memory_space<vmem>> -> memref<125xi32, #tpu.memory_space<vmem>>
      %dma_wait3A_446 = arith.constant 0 : i32
      %dma_wait3A_447 = arith.constant 0 : i32
      %dma_wait3A_448 = tpu.memref_slice %arg18[%dma_wait3A_446, %dma_wait3A_447] : memref<10112x16xf32, #tpu.memory_space<vmem_shared>> -> memref<10112x16xf32, #tpu.memory_space<vmem_shared>>
      tpu.wait_indirect_dma semaphore(%run_scoped3A_436 : memref<!tpu.dma_semaphore, #tpu.memory_space<semaphore_mem>>) src(%arg16 : memref<125x16xf32, #tpu.memory_space<vmem>>) dst(%dma_wait3A_448 : memref<10112x16xf32, #tpu.memory_space<vmem_shared>>)
      tpu.yield
    }) : () -> ()
    %dma_wait3A_202 = arith.constant 0 : i32
    %dma_wait3A_203 = arith.constant 0 : i32
    %dma_wait3A_204 = tpu.memref_slice %arg9[%dma_wait3A_202, %dma_wait3A_203] : memref<80x125xi32, #tpu.memory_space<vmem>> -> memref<1x125xi32, #tpu.memory_space<vmem>>
    %dma_wait3A_205 = tpu.memref_squeeze %dma_wait3A_204 : memref<1x125xi32, #tpu.memory_space<vmem>> -> memref<125xi32, #tpu.memory_space<vmem>>
    %dma_wait3A_206 = arith.constant 0 : i32
    %dma_wait3A_207 = arith.constant 0 : i32
    %dma_wait3A_208 = tpu.memref_slice %arg17[%dma_wait3A_206, %dma_wait3A_207] : memref<10112x64xf32, #tpu.memory_space<vmem_shared>> -> memref<10112x64xf32, #tpu.memory_space<vmem_shared>>
    tpu.wait_indirect_dma semaphore(%arg28 : memref<!tpu.dma_semaphore, #tpu.memory_space<semaphore_mem>>) src(%arg13 : memref<125x64xf32, #tpu.memory_space<vmem>>) dst(%dma_wait3A_208 : memref<10112x64xf32, #tpu.memory_space<vmem_shared>>)
    %dma_start3A_209 = arith.constant 75 : i32
    %dma_start3A_210 = arith.constant 0 : i32
    %dma_start3A_211 = tpu.memref_slice %arg8[%dma_start3A_209, %dma_start3A_210] : memref<80x125xi32, #tpu.memory_space<vmem>> -> memref<1x125xi32, #tpu.memory_space<vmem>>
    %dma_start3A_212 = tpu.memref_squeeze %dma_start3A_211 : memref<1x125xi32, #tpu.memory_space<vmem>> -> memref<125xi32, #tpu.memory_space<vmem>>
    %dma_start3A_213 = arith.constant 0 : i32
    %dma_start3A_214 = arith.constant 0 : i32
    %dma_start3A_215 = tpu.memref_slice %arg2[%dma_start3A_213, %dma_start3A_214] : memref<10000x64xf32, #tpu.memory_space<hbm>> -> memref<10000x64xf32, #tpu.memory_space<hbm>>
    tpu.enqueue_indirect_dma source(%dma_start3A_215 : memref<10000x64xf32, #tpu.memory_space<hbm>>) target(%arg13 : memref<125x64xf32, #tpu.memory_space<vmem>>) offsets(%dma_start3A_212 : memref<125xi32, #tpu.memory_space<vmem>>) semaphore(%arg22 : memref<!tpu.dma_semaphore, #tpu.memory_space<semaphore_mem>>)
    %dma_wait3A_216 = arith.constant 0 : i32
    %dma_wait3A_217 = arith.constant 0 : i32
    %dma_wait3A_218 = tpu.memref_slice %arg8[%dma_wait3A_216, %dma_wait3A_217] : memref<80x125xi32, #tpu.memory_space<vmem>> -> memref<1x125xi32, #tpu.memory_space<vmem>>
    %dma_wait3A_219 = tpu.memref_squeeze %dma_wait3A_218 : memref<1x125xi32, #tpu.memory_space<vmem>> -> memref<125xi32, #tpu.memory_space<vmem>>
    %dma_wait3A_220 = arith.constant 0 : i32
    %dma_wait3A_221 = arith.constant 0 : i32
    %dma_wait3A_222 = tpu.memref_slice %arg2[%dma_wait3A_220, %dma_wait3A_221] : memref<10000x64xf32, #tpu.memory_space<hbm>> -> memref<10000x64xf32, #tpu.memory_space<hbm>>
    tpu.wait_indirect_dma semaphore(%arg20 : memref<!tpu.dma_semaphore, #tpu.memory_space<semaphore_mem>>) src(%dma_wait3A_222 : memref<10000x64xf32, #tpu.memory_space<hbm>>) dst(%arg11 : memref<125x64xf32, #tpu.memory_space<vmem>>)
    %dma_start3A_223 = arith.constant 73 : i32
    %dma_start3A_224 = arith.constant 0 : i32
    %dma_start3A_225 = tpu.memref_slice %arg9[%dma_start3A_223, %dma_start3A_224] : memref<80x125xi32, #tpu.memory_space<vmem>> -> memref<1x125xi32, #tpu.memory_space<vmem>>
    %dma_start3A_226 = tpu.memref_squeeze %dma_start3A_225 : memref<1x125xi32, #tpu.memory_space<vmem>> -> memref<125xi32, #tpu.memory_space<vmem>>
    %dma_start3A_227 = arith.constant 0 : i32
    %dma_start3A_228 = arith.constant 0 : i32
    %dma_start3A_229 = tpu.memref_slice %arg17[%dma_start3A_227, %dma_start3A_228] : memref<10112x64xf32, #tpu.memory_space<vmem_shared>> -> memref<10112x64xf32, #tpu.memory_space<vmem_shared>>
    tpu.enqueue_indirect_dma source(%arg11 : memref<125x64xf32, #tpu.memory_space<vmem>>) target(%dma_start3A_229 : memref<10112x64xf32, #tpu.memory_space<vmem_shared>>) offsets(%dma_start3A_226 : memref<125xi32, #tpu.memory_space<vmem>>) semaphore(%arg26 : memref<!tpu.dma_semaphore, #tpu.memory_space<semaphore_mem>>) {add = true}
    %run_scoped3A_230 = arith.constant 73 : i32
    "tpu.region"() ({
      %run_scoped3A_436 = tpu.sem_alloc : memref<!tpu.dma_semaphore, #tpu.memory_space<semaphore_mem>>
      %dma_start3A_437 = arith.constant 0 : i32
      %dma_start3A_438 = tpu.memref_slice %arg9[%run_scoped3A_230, %dma_start3A_437] : memref<80x125xi32, #tpu.memory_space<vmem>> -> memref<1x125xi32, #tpu.memory_space<vmem>>
      %dma_start3A_439 = tpu.memref_squeeze %dma_start3A_438 : memref<1x125xi32, #tpu.memory_space<vmem>> -> memref<125xi32, #tpu.memory_space<vmem>>
      %dma_start3A_440 = arith.constant 0 : i32
      %dma_start3A_441 = arith.constant 0 : i32
      %dma_start3A_442 = tpu.memref_slice %arg18[%dma_start3A_440, %dma_start3A_441] : memref<10112x16xf32, #tpu.memory_space<vmem_shared>> -> memref<10112x16xf32, #tpu.memory_space<vmem_shared>>
      tpu.enqueue_indirect_dma source(%arg16 : memref<125x16xf32, #tpu.memory_space<vmem>>) target(%dma_start3A_442 : memref<10112x16xf32, #tpu.memory_space<vmem_shared>>) offsets(%dma_start3A_439 : memref<125xi32, #tpu.memory_space<vmem>>) semaphore(%run_scoped3A_436 : memref<!tpu.dma_semaphore, #tpu.memory_space<semaphore_mem>>) {add = true}
      %dma_wait3A_443 = arith.constant 0 : i32
      %dma_wait3A_444 = tpu.memref_slice %arg9[%run_scoped3A_230, %dma_wait3A_443] : memref<80x125xi32, #tpu.memory_space<vmem>> -> memref<1x125xi32, #tpu.memory_space<vmem>>
      %dma_wait3A_445 = tpu.memref_squeeze %dma_wait3A_444 : memref<1x125xi32, #tpu.memory_space<vmem>> -> memref<125xi32, #tpu.memory_space<vmem>>
      %dma_wait3A_446 = arith.constant 0 : i32
      %dma_wait3A_447 = arith.constant 0 : i32
      %dma_wait3A_448 = tpu.memref_slice %arg18[%dma_wait3A_446, %dma_wait3A_447] : memref<10112x16xf32, #tpu.memory_space<vmem_shared>> -> memref<10112x16xf32, #tpu.memory_space<vmem_shared>>
      tpu.wait_indirect_dma semaphore(%run_scoped3A_436 : memref<!tpu.dma_semaphore, #tpu.memory_space<semaphore_mem>>) src(%arg16 : memref<125x16xf32, #tpu.memory_space<vmem>>) dst(%dma_wait3A_448 : memref<10112x16xf32, #tpu.memory_space<vmem_shared>>)
      tpu.yield
    }) : () -> ()
    %dma_wait3A_231 = arith.constant 0 : i32
    %dma_wait3A_232 = arith.constant 0 : i32
    %dma_wait3A_233 = tpu.memref_slice %arg9[%dma_wait3A_231, %dma_wait3A_232] : memref<80x125xi32, #tpu.memory_space<vmem>> -> memref<1x125xi32, #tpu.memory_space<vmem>>
    %dma_wait3A_234 = tpu.memref_squeeze %dma_wait3A_233 : memref<1x125xi32, #tpu.memory_space<vmem>> -> memref<125xi32, #tpu.memory_space<vmem>>
    %dma_wait3A_235 = arith.constant 0 : i32
    %dma_wait3A_236 = arith.constant 0 : i32
    %dma_wait3A_237 = tpu.memref_slice %arg17[%dma_wait3A_235, %dma_wait3A_236] : memref<10112x64xf32, #tpu.memory_space<vmem_shared>> -> memref<10112x64xf32, #tpu.memory_space<vmem_shared>>
    tpu.wait_indirect_dma semaphore(%arg29 : memref<!tpu.dma_semaphore, #tpu.memory_space<semaphore_mem>>) src(%arg14 : memref<125x64xf32, #tpu.memory_space<vmem>>) dst(%dma_wait3A_237 : memref<10112x64xf32, #tpu.memory_space<vmem_shared>>)
    %dma_start3A_238 = arith.constant 76 : i32
    %dma_start3A_239 = arith.constant 0 : i32
    %dma_start3A_240 = tpu.memref_slice %arg8[%dma_start3A_238, %dma_start3A_239] : memref<80x125xi32, #tpu.memory_space<vmem>> -> memref<1x125xi32, #tpu.memory_space<vmem>>
    %dma_start3A_241 = tpu.memref_squeeze %dma_start3A_240 : memref<1x125xi32, #tpu.memory_space<vmem>> -> memref<125xi32, #tpu.memory_space<vmem>>
    %dma_start3A_242 = arith.constant 0 : i32
    %dma_start3A_243 = arith.constant 0 : i32
    %dma_start3A_244 = tpu.memref_slice %arg2[%dma_start3A_242, %dma_start3A_243] : memref<10000x64xf32, #tpu.memory_space<hbm>> -> memref<10000x64xf32, #tpu.memory_space<hbm>>
    tpu.enqueue_indirect_dma source(%dma_start3A_244 : memref<10000x64xf32, #tpu.memory_space<hbm>>) target(%arg14 : memref<125x64xf32, #tpu.memory_space<vmem>>) offsets(%dma_start3A_241 : memref<125xi32, #tpu.memory_space<vmem>>) semaphore(%arg23 : memref<!tpu.dma_semaphore, #tpu.memory_space<semaphore_mem>>)
    %dma_wait3A_245 = arith.constant 0 : i32
    %dma_wait3A_246 = arith.constant 0 : i32
    %dma_wait3A_247 = tpu.memref_slice %arg8[%dma_wait3A_245, %dma_wait3A_246] : memref<80x125xi32, #tpu.memory_space<vmem>> -> memref<1x125xi32, #tpu.memory_space<vmem>>
    %dma_wait3A_248 = tpu.memref_squeeze %dma_wait3A_247 : memref<1x125xi32, #tpu.memory_space<vmem>> -> memref<125xi32, #tpu.memory_space<vmem>>
    %dma_wait3A_249 = arith.constant 0 : i32
    %dma_wait3A_250 = arith.constant 0 : i32
    %dma_wait3A_251 = tpu.memref_slice %arg2[%dma_wait3A_249, %dma_wait3A_250] : memref<10000x64xf32, #tpu.memory_space<hbm>> -> memref<10000x64xf32, #tpu.memory_space<hbm>>
    tpu.wait_indirect_dma semaphore(%arg21 : memref<!tpu.dma_semaphore, #tpu.memory_space<semaphore_mem>>) src(%dma_wait3A_251 : memref<10000x64xf32, #tpu.memory_space<hbm>>) dst(%arg12 : memref<125x64xf32, #tpu.memory_space<vmem>>)
    %dma_start3A_252 = arith.constant 74 : i32
    %dma_start3A_253 = arith.constant 0 : i32
    %dma_start3A_254 = tpu.memref_slice %arg9[%dma_start3A_252, %dma_start3A_253] : memref<80x125xi32, #tpu.memory_space<vmem>> -> memref<1x125xi32, #tpu.memory_space<vmem>>
    %dma_start3A_255 = tpu.memref_squeeze %dma_start3A_254 : memref<1x125xi32, #tpu.memory_space<vmem>> -> memref<125xi32, #tpu.memory_space<vmem>>
    %dma_start3A_256 = arith.constant 0 : i32
    %dma_start3A_257 = arith.constant 0 : i32
    %dma_start3A_258 = tpu.memref_slice %arg17[%dma_start3A_256, %dma_start3A_257] : memref<10112x64xf32, #tpu.memory_space<vmem_shared>> -> memref<10112x64xf32, #tpu.memory_space<vmem_shared>>
    tpu.enqueue_indirect_dma source(%arg12 : memref<125x64xf32, #tpu.memory_space<vmem>>) target(%dma_start3A_258 : memref<10112x64xf32, #tpu.memory_space<vmem_shared>>) offsets(%dma_start3A_255 : memref<125xi32, #tpu.memory_space<vmem>>) semaphore(%arg27 : memref<!tpu.dma_semaphore, #tpu.memory_space<semaphore_mem>>) {add = true}
    %run_scoped3A_259 = arith.constant 74 : i32
    "tpu.region"() ({
      %run_scoped3A_436 = tpu.sem_alloc : memref<!tpu.dma_semaphore, #tpu.memory_space<semaphore_mem>>
      %dma_start3A_437 = arith.constant 0 : i32
      %dma_start3A_438 = tpu.memref_slice %arg9[%run_scoped3A_259, %dma_start3A_437] : memref<80x125xi32, #tpu.memory_space<vmem>> -> memref<1x125xi32, #tpu.memory_space<vmem>>
      %dma_start3A_439 = tpu.memref_squeeze %dma_start3A_438 : memref<1x125xi32, #tpu.memory_space<vmem>> -> memref<125xi32, #tpu.memory_space<vmem>>
      %dma_start3A_440 = arith.constant 0 : i32
      %dma_start3A_441 = arith.constant 0 : i32
      %dma_start3A_442 = tpu.memref_slice %arg18[%dma_start3A_440, %dma_start3A_441] : memref<10112x16xf32, #tpu.memory_space<vmem_shared>> -> memref<10112x16xf32, #tpu.memory_space<vmem_shared>>
      tpu.enqueue_indirect_dma source(%arg16 : memref<125x16xf32, #tpu.memory_space<vmem>>) target(%dma_start3A_442 : memref<10112x16xf32, #tpu.memory_space<vmem_shared>>) offsets(%dma_start3A_439 : memref<125xi32, #tpu.memory_space<vmem>>) semaphore(%run_scoped3A_436 : memref<!tpu.dma_semaphore, #tpu.memory_space<semaphore_mem>>) {add = true}
      %dma_wait3A_443 = arith.constant 0 : i32
      %dma_wait3A_444 = tpu.memref_slice %arg9[%run_scoped3A_259, %dma_wait3A_443] : memref<80x125xi32, #tpu.memory_space<vmem>> -> memref<1x125xi32, #tpu.memory_space<vmem>>
      %dma_wait3A_445 = tpu.memref_squeeze %dma_wait3A_444 : memref<1x125xi32, #tpu.memory_space<vmem>> -> memref<125xi32, #tpu.memory_space<vmem>>
      %dma_wait3A_446 = arith.constant 0 : i32
      %dma_wait3A_447 = arith.constant 0 : i32
      %dma_wait3A_448 = tpu.memref_slice %arg18[%dma_wait3A_446, %dma_wait3A_447] : memref<10112x16xf32, #tpu.memory_space<vmem_shared>> -> memref<10112x16xf32, #tpu.memory_space<vmem_shared>>
      tpu.wait_indirect_dma semaphore(%run_scoped3A_436 : memref<!tpu.dma_semaphore, #tpu.memory_space<semaphore_mem>>) src(%arg16 : memref<125x16xf32, #tpu.memory_space<vmem>>) dst(%dma_wait3A_448 : memref<10112x16xf32, #tpu.memory_space<vmem_shared>>)
      tpu.yield
    }) : () -> ()
    %dma_wait3A_260 = arith.constant 0 : i32
    %dma_wait3A_261 = arith.constant 0 : i32
    %dma_wait3A_262 = tpu.memref_slice %arg9[%dma_wait3A_260, %dma_wait3A_261] : memref<80x125xi32, #tpu.memory_space<vmem>> -> memref<1x125xi32, #tpu.memory_space<vmem>>
    %dma_wait3A_263 = tpu.memref_squeeze %dma_wait3A_262 : memref<1x125xi32, #tpu.memory_space<vmem>> -> memref<125xi32, #tpu.memory_space<vmem>>
    %dma_wait3A_264 = arith.constant 0 : i32
    %dma_wait3A_265 = arith.constant 0 : i32
    %dma_wait3A_266 = tpu.memref_slice %arg17[%dma_wait3A_264, %dma_wait3A_265] : memref<10112x64xf32, #tpu.memory_space<vmem_shared>> -> memref<10112x64xf32, #tpu.memory_space<vmem_shared>>
    tpu.wait_indirect_dma semaphore(%arg30 : memref<!tpu.dma_semaphore, #tpu.memory_space<semaphore_mem>>) src(%arg15 : memref<125x64xf32, #tpu.memory_space<vmem>>) dst(%dma_wait3A_266 : memref<10112x64xf32, #tpu.memory_space<vmem_shared>>)
    %dma_start3A_267 = arith.constant 77 : i32
    %dma_start3A_268 = arith.constant 0 : i32
    %dma_start3A_269 = tpu.memref_slice %arg8[%dma_start3A_267, %dma_start3A_268] : memref<80x125xi32, #tpu.memory_space<vmem>> -> memref<1x125xi32, #tpu.memory_space<vmem>>
    %dma_start3A_270 = tpu.memref_squeeze %dma_start3A_269 : memref<1x125xi32, #tpu.memory_space<vmem>> -> memref<125xi32, #tpu.memory_space<vmem>>
    %dma_start3A_271 = arith.constant 0 : i32
    %dma_start3A_272 = arith.constant 0 : i32
    %dma_start3A_273 = tpu.memref_slice %arg2[%dma_start3A_271, %dma_start3A_272] : memref<10000x64xf32, #tpu.memory_space<hbm>> -> memref<10000x64xf32, #tpu.memory_space<hbm>>
    tpu.enqueue_indirect_dma source(%dma_start3A_273 : memref<10000x64xf32, #tpu.memory_space<hbm>>) target(%arg15 : memref<125x64xf32, #tpu.memory_space<vmem>>) offsets(%dma_start3A_270 : memref<125xi32, #tpu.memory_space<vmem>>) semaphore(%arg24 : memref<!tpu.dma_semaphore, #tpu.memory_space<semaphore_mem>>)
    %dma_wait3A_274 = arith.constant 0 : i32
    %dma_wait3A_275 = arith.constant 0 : i32
    %dma_wait3A_276 = tpu.memref_slice %arg8[%dma_wait3A_274, %dma_wait3A_275] : memref<80x125xi32, #tpu.memory_space<vmem>> -> memref<1x125xi32, #tpu.memory_space<vmem>>
    %dma_wait3A_277 = tpu.memref_squeeze %dma_wait3A_276 : memref<1x125xi32, #tpu.memory_space<vmem>> -> memref<125xi32, #tpu.memory_space<vmem>>
    %dma_wait3A_278 = arith.constant 0 : i32
    %dma_wait3A_279 = arith.constant 0 : i32
    %dma_wait3A_280 = tpu.memref_slice %arg2[%dma_wait3A_278, %dma_wait3A_279] : memref<10000x64xf32, #tpu.memory_space<hbm>> -> memref<10000x64xf32, #tpu.memory_space<hbm>>
    tpu.wait_indirect_dma semaphore(%arg22 : memref<!tpu.dma_semaphore, #tpu.memory_space<semaphore_mem>>) src(%dma_wait3A_280 : memref<10000x64xf32, #tpu.memory_space<hbm>>) dst(%arg13 : memref<125x64xf32, #tpu.memory_space<vmem>>)
    %dma_start3A_281 = arith.constant 75 : i32
    %dma_start3A_282 = arith.constant 0 : i32
    %dma_start3A_283 = tpu.memref_slice %arg9[%dma_start3A_281, %dma_start3A_282] : memref<80x125xi32, #tpu.memory_space<vmem>> -> memref<1x125xi32, #tpu.memory_space<vmem>>
    %dma_start3A_284 = tpu.memref_squeeze %dma_start3A_283 : memref<1x125xi32, #tpu.memory_space<vmem>> -> memref<125xi32, #tpu.memory_space<vmem>>
    %dma_start3A_285 = arith.constant 0 : i32
    %dma_start3A_286 = arith.constant 0 : i32
    %dma_start3A_287 = tpu.memref_slice %arg17[%dma_start3A_285, %dma_start3A_286] : memref<10112x64xf32, #tpu.memory_space<vmem_shared>> -> memref<10112x64xf32, #tpu.memory_space<vmem_shared>>
    tpu.enqueue_indirect_dma source(%arg13 : memref<125x64xf32, #tpu.memory_space<vmem>>) target(%dma_start3A_287 : memref<10112x64xf32, #tpu.memory_space<vmem_shared>>) offsets(%dma_start3A_284 : memref<125xi32, #tpu.memory_space<vmem>>) semaphore(%arg28 : memref<!tpu.dma_semaphore, #tpu.memory_space<semaphore_mem>>) {add = true}
    %run_scoped3A_288 = arith.constant 75 : i32
    "tpu.region"() ({
      %run_scoped3A_436 = tpu.sem_alloc : memref<!tpu.dma_semaphore, #tpu.memory_space<semaphore_mem>>
      %dma_start3A_437 = arith.constant 0 : i32
      %dma_start3A_438 = tpu.memref_slice %arg9[%run_scoped3A_288, %dma_start3A_437] : memref<80x125xi32, #tpu.memory_space<vmem>> -> memref<1x125xi32, #tpu.memory_space<vmem>>
      %dma_start3A_439 = tpu.memref_squeeze %dma_start3A_438 : memref<1x125xi32, #tpu.memory_space<vmem>> -> memref<125xi32, #tpu.memory_space<vmem>>
      %dma_start3A_440 = arith.constant 0 : i32
      %dma_start3A_441 = arith.constant 0 : i32
      %dma_start3A_442 = tpu.memref_slice %arg18[%dma_start3A_440, %dma_start3A_441] : memref<10112x16xf32, #tpu.memory_space<vmem_shared>> -> memref<10112x16xf32, #tpu.memory_space<vmem_shared>>
      tpu.enqueue_indirect_dma source(%arg16 : memref<125x16xf32, #tpu.memory_space<vmem>>) target(%dma_start3A_442 : memref<10112x16xf32, #tpu.memory_space<vmem_shared>>) offsets(%dma_start3A_439 : memref<125xi32, #tpu.memory_space<vmem>>) semaphore(%run_scoped3A_436 : memref<!tpu.dma_semaphore, #tpu.memory_space<semaphore_mem>>) {add = true}
      %dma_wait3A_443 = arith.constant 0 : i32
      %dma_wait3A_444 = tpu.memref_slice %arg9[%run_scoped3A_288, %dma_wait3A_443] : memref<80x125xi32, #tpu.memory_space<vmem>> -> memref<1x125xi32, #tpu.memory_space<vmem>>
      %dma_wait3A_445 = tpu.memref_squeeze %dma_wait3A_444 : memref<1x125xi32, #tpu.memory_space<vmem>> -> memref<125xi32, #tpu.memory_space<vmem>>
      %dma_wait3A_446 = arith.constant 0 : i32
      %dma_wait3A_447 = arith.constant 0 : i32
      %dma_wait3A_448 = tpu.memref_slice %arg18[%dma_wait3A_446, %dma_wait3A_447] : memref<10112x16xf32, #tpu.memory_space<vmem_shared>> -> memref<10112x16xf32, #tpu.memory_space<vmem_shared>>
      tpu.wait_indirect_dma semaphore(%run_scoped3A_436 : memref<!tpu.dma_semaphore, #tpu.memory_space<semaphore_mem>>) src(%arg16 : memref<125x16xf32, #tpu.memory_space<vmem>>) dst(%dma_wait3A_448 : memref<10112x16xf32, #tpu.memory_space<vmem_shared>>)
      tpu.yield
    }) : () -> ()
    %dma_wait3A_289 = arith.constant 0 : i32
    %dma_wait3A_290 = arith.constant 0 : i32
    %dma_wait3A_291 = tpu.memref_slice %arg9[%dma_wait3A_289, %dma_wait3A_290] : memref<80x125xi32, #tpu.memory_space<vmem>> -> memref<1x125xi32, #tpu.memory_space<vmem>>
    %dma_wait3A_292 = tpu.memref_squeeze %dma_wait3A_291 : memref<1x125xi32, #tpu.memory_space<vmem>> -> memref<125xi32, #tpu.memory_space<vmem>>
    %dma_wait3A_293 = arith.constant 0 : i32
    %dma_wait3A_294 = arith.constant 0 : i32
    %dma_wait3A_295 = tpu.memref_slice %arg17[%dma_wait3A_293, %dma_wait3A_294] : memref<10112x64xf32, #tpu.memory_space<vmem_shared>> -> memref<10112x64xf32, #tpu.memory_space<vmem_shared>>
    tpu.wait_indirect_dma semaphore(%arg25 : memref<!tpu.dma_semaphore, #tpu.memory_space<semaphore_mem>>) src(%arg10 : memref<125x64xf32, #tpu.memory_space<vmem>>) dst(%dma_wait3A_295 : memref<10112x64xf32, #tpu.memory_space<vmem_shared>>)
    %dma_start3A_296 = arith.constant 78 : i32
    %dma_start3A_297 = arith.constant 0 : i32
    %dma_start3A_298 = tpu.memref_slice %arg8[%dma_start3A_296, %dma_start3A_297] : memref<80x125xi32, #tpu.memory_space<vmem>> -> memref<1x125xi32, #tpu.memory_space<vmem>>
    %dma_start3A_299 = tpu.memref_squeeze %dma_start3A_298 : memref<1x125xi32, #tpu.memory_space<vmem>> -> memref<125xi32, #tpu.memory_space<vmem>>
    %dma_start3A_300 = arith.constant 0 : i32
    %dma_start3A_301 = arith.constant 0 : i32
    %dma_start3A_302 = tpu.memref_slice %arg2[%dma_start3A_300, %dma_start3A_301] : memref<10000x64xf32, #tpu.memory_space<hbm>> -> memref<10000x64xf32, #tpu.memory_space<hbm>>
    tpu.enqueue_indirect_dma source(%dma_start3A_302 : memref<10000x64xf32, #tpu.memory_space<hbm>>) target(%arg10 : memref<125x64xf32, #tpu.memory_space<vmem>>) offsets(%dma_start3A_299 : memref<125xi32, #tpu.memory_space<vmem>>) semaphore(%arg19 : memref<!tpu.dma_semaphore, #tpu.memory_space<semaphore_mem>>)
    %dma_wait3A_303 = arith.constant 0 : i32
    %dma_wait3A_304 = arith.constant 0 : i32
    %dma_wait3A_305 = tpu.memref_slice %arg8[%dma_wait3A_303, %dma_wait3A_304] : memref<80x125xi32, #tpu.memory_space<vmem>> -> memref<1x125xi32, #tpu.memory_space<vmem>>
    %dma_wait3A_306 = tpu.memref_squeeze %dma_wait3A_305 : memref<1x125xi32, #tpu.memory_space<vmem>> -> memref<125xi32, #tpu.memory_space<vmem>>
    %dma_wait3A_307 = arith.constant 0 : i32
    %dma_wait3A_308 = arith.constant 0 : i32
    %dma_wait3A_309 = tpu.memref_slice %arg2[%dma_wait3A_307, %dma_wait3A_308] : memref<10000x64xf32, #tpu.memory_space<hbm>> -> memref<10000x64xf32, #tpu.memory_space<hbm>>
    tpu.wait_indirect_dma semaphore(%arg23 : memref<!tpu.dma_semaphore, #tpu.memory_space<semaphore_mem>>) src(%dma_wait3A_309 : memref<10000x64xf32, #tpu.memory_space<hbm>>) dst(%arg14 : memref<125x64xf32, #tpu.memory_space<vmem>>)
    %dma_start3A_310 = arith.constant 76 : i32
    %dma_start3A_311 = arith.constant 0 : i32
    %dma_start3A_312 = tpu.memref_slice %arg9[%dma_start3A_310, %dma_start3A_311] : memref<80x125xi32, #tpu.memory_space<vmem>> -> memref<1x125xi32, #tpu.memory_space<vmem>>
    %dma_start3A_313 = tpu.memref_squeeze %dma_start3A_312 : memref<1x125xi32, #tpu.memory_space<vmem>> -> memref<125xi32, #tpu.memory_space<vmem>>
    %dma_start3A_314 = arith.constant 0 : i32
    %dma_start3A_315 = arith.constant 0 : i32
    %dma_start3A_316 = tpu.memref_slice %arg17[%dma_start3A_314, %dma_start3A_315] : memref<10112x64xf32, #tpu.memory_space<vmem_shared>> -> memref<10112x64xf32, #tpu.memory_space<vmem_shared>>
    tpu.enqueue_indirect_dma source(%arg14 : memref<125x64xf32, #tpu.memory_space<vmem>>) target(%dma_start3A_316 : memref<10112x64xf32, #tpu.memory_space<vmem_shared>>) offsets(%dma_start3A_313 : memref<125xi32, #tpu.memory_space<vmem>>) semaphore(%arg29 : memref<!tpu.dma_semaphore, #tpu.memory_space<semaphore_mem>>) {add = true}
    %run_scoped3A_317 = arith.constant 76 : i32
    "tpu.region"() ({
      %run_scoped3A_436 = tpu.sem_alloc : memref<!tpu.dma_semaphore, #tpu.memory_space<semaphore_mem>>
      %dma_start3A_437 = arith.constant 0 : i32
      %dma_start3A_438 = tpu.memref_slice %arg9[%run_scoped3A_317, %dma_start3A_437] : memref<80x125xi32, #tpu.memory_space<vmem>> -> memref<1x125xi32, #tpu.memory_space<vmem>>
      %dma_start3A_439 = tpu.memref_squeeze %dma_start3A_438 : memref<1x125xi32, #tpu.memory_space<vmem>> -> memref<125xi32, #tpu.memory_space<vmem>>
      %dma_start3A_440 = arith.constant 0 : i32
      %dma_start3A_441 = arith.constant 0 : i32
      %dma_start3A_442 = tpu.memref_slice %arg18[%dma_start3A_440, %dma_start3A_441] : memref<10112x16xf32, #tpu.memory_space<vmem_shared>> -> memref<10112x16xf32, #tpu.memory_space<vmem_shared>>
      tpu.enqueue_indirect_dma source(%arg16 : memref<125x16xf32, #tpu.memory_space<vmem>>) target(%dma_start3A_442 : memref<10112x16xf32, #tpu.memory_space<vmem_shared>>) offsets(%dma_start3A_439 : memref<125xi32, #tpu.memory_space<vmem>>) semaphore(%run_scoped3A_436 : memref<!tpu.dma_semaphore, #tpu.memory_space<semaphore_mem>>) {add = true}
      %dma_wait3A_443 = arith.constant 0 : i32
      %dma_wait3A_444 = tpu.memref_slice %arg9[%run_scoped3A_317, %dma_wait3A_443] : memref<80x125xi32, #tpu.memory_space<vmem>> -> memref<1x125xi32, #tpu.memory_space<vmem>>
      %dma_wait3A_445 = tpu.memref_squeeze %dma_wait3A_444 : memref<1x125xi32, #tpu.memory_space<vmem>> -> memref<125xi32, #tpu.memory_space<vmem>>
      %dma_wait3A_446 = arith.constant 0 : i32
      %dma_wait3A_447 = arith.constant 0 : i32
      %dma_wait3A_448 = tpu.memref_slice %arg18[%dma_wait3A_446, %dma_wait3A_447] : memref<10112x16xf32, #tpu.memory_space<vmem_shared>> -> memref<10112x16xf32, #tpu.memory_space<vmem_shared>>
      tpu.wait_indirect_dma semaphore(%run_scoped3A_436 : memref<!tpu.dma_semaphore, #tpu.memory_space<semaphore_mem>>) src(%arg16 : memref<125x16xf32, #tpu.memory_space<vmem>>) dst(%dma_wait3A_448 : memref<10112x16xf32, #tpu.memory_space<vmem_shared>>)
      tpu.yield
    }) : () -> ()
    %dma_wait3A_318 = arith.constant 0 : i32
    %dma_wait3A_319 = arith.constant 0 : i32
    %dma_wait3A_320 = tpu.memref_slice %arg9[%dma_wait3A_318, %dma_wait3A_319] : memref<80x125xi32, #tpu.memory_space<vmem>> -> memref<1x125xi32, #tpu.memory_space<vmem>>
    %dma_wait3A_321 = tpu.memref_squeeze %dma_wait3A_320 : memref<1x125xi32, #tpu.memory_space<vmem>> -> memref<125xi32, #tpu.memory_space<vmem>>
    %dma_wait3A_322 = arith.constant 0 : i32
    %dma_wait3A_323 = arith.constant 0 : i32
    %dma_wait3A_324 = tpu.memref_slice %arg17[%dma_wait3A_322, %dma_wait3A_323] : memref<10112x64xf32, #tpu.memory_space<vmem_shared>> -> memref<10112x64xf32, #tpu.memory_space<vmem_shared>>
    tpu.wait_indirect_dma semaphore(%arg26 : memref<!tpu.dma_semaphore, #tpu.memory_space<semaphore_mem>>) src(%arg11 : memref<125x64xf32, #tpu.memory_space<vmem>>) dst(%dma_wait3A_324 : memref<10112x64xf32, #tpu.memory_space<vmem_shared>>)
    %dma_start3A_325 = arith.constant 79 : i32
    %dma_start3A_326 = arith.constant 0 : i32
    %dma_start3A_327 = tpu.memref_slice %arg8[%dma_start3A_325, %dma_start3A_326] : memref<80x125xi32, #tpu.memory_space<vmem>> -> memref<1x125xi32, #tpu.memory_space<vmem>>
    %dma_start3A_328 = tpu.memref_squeeze %dma_start3A_327 : memref<1x125xi32, #tpu.memory_space<vmem>> -> memref<125xi32, #tpu.memory_space<vmem>>
    %dma_start3A_329 = arith.constant 0 : i32
    %dma_start3A_330 = arith.constant 0 : i32
    %dma_start3A_331 = tpu.memref_slice %arg2[%dma_start3A_329, %dma_start3A_330] : memref<10000x64xf32, #tpu.memory_space<hbm>> -> memref<10000x64xf32, #tpu.memory_space<hbm>>
    tpu.enqueue_indirect_dma source(%dma_start3A_331 : memref<10000x64xf32, #tpu.memory_space<hbm>>) target(%arg11 : memref<125x64xf32, #tpu.memory_space<vmem>>) offsets(%dma_start3A_328 : memref<125xi32, #tpu.memory_space<vmem>>) semaphore(%arg20 : memref<!tpu.dma_semaphore, #tpu.memory_space<semaphore_mem>>)
    %dma_wait3A_332 = arith.constant 0 : i32
    %dma_wait3A_333 = arith.constant 0 : i32
    %dma_wait3A_334 = tpu.memref_slice %arg8[%dma_wait3A_332, %dma_wait3A_333] : memref<80x125xi32, #tpu.memory_space<vmem>> -> memref<1x125xi32, #tpu.memory_space<vmem>>
    %dma_wait3A_335 = tpu.memref_squeeze %dma_wait3A_334 : memref<1x125xi32, #tpu.memory_space<vmem>> -> memref<125xi32, #tpu.memory_space<vmem>>
    %dma_wait3A_336 = arith.constant 0 : i32
    %dma_wait3A_337 = arith.constant 0 : i32
    %dma_wait3A_338 = tpu.memref_slice %arg2[%dma_wait3A_336, %dma_wait3A_337] : memref<10000x64xf32, #tpu.memory_space<hbm>> -> memref<10000x64xf32, #tpu.memory_space<hbm>>
    tpu.wait_indirect_dma semaphore(%arg24 : memref<!tpu.dma_semaphore, #tpu.memory_space<semaphore_mem>>) src(%dma_wait3A_338 : memref<10000x64xf32, #tpu.memory_space<hbm>>) dst(%arg15 : memref<125x64xf32, #tpu.memory_space<vmem>>)
    %dma_start3A_339 = arith.constant 77 : i32
    %dma_start3A_340 = arith.constant 0 : i32
    %dma_start3A_341 = tpu.memref_slice %arg9[%dma_start3A_339, %dma_start3A_340] : memref<80x125xi32, #tpu.memory_space<vmem>> -> memref<1x125xi32, #tpu.memory_space<vmem>>
    %dma_start3A_342 = tpu.memref_squeeze %dma_start3A_341 : memref<1x125xi32, #tpu.memory_space<vmem>> -> memref<125xi32, #tpu.memory_space<vmem>>
    %dma_start3A_343 = arith.constant 0 : i32
    %dma_start3A_344 = arith.constant 0 : i32
    %dma_start3A_345 = tpu.memref_slice %arg17[%dma_start3A_343, %dma_start3A_344] : memref<10112x64xf32, #tpu.memory_space<vmem_shared>> -> memref<10112x64xf32, #tpu.memory_space<vmem_shared>>
    tpu.enqueue_indirect_dma source(%arg15 : memref<125x64xf32, #tpu.memory_space<vmem>>) target(%dma_start3A_345 : memref<10112x64xf32, #tpu.memory_space<vmem_shared>>) offsets(%dma_start3A_342 : memref<125xi32, #tpu.memory_space<vmem>>) semaphore(%arg30 : memref<!tpu.dma_semaphore, #tpu.memory_space<semaphore_mem>>) {add = true}
    %run_scoped3A_346 = arith.constant 77 : i32
    "tpu.region"() ({
      %run_scoped3A_436 = tpu.sem_alloc : memref<!tpu.dma_semaphore, #tpu.memory_space<semaphore_mem>>
      %dma_start3A_437 = arith.constant 0 : i32
      %dma_start3A_438 = tpu.memref_slice %arg9[%run_scoped3A_346, %dma_start3A_437] : memref<80x125xi32, #tpu.memory_space<vmem>> -> memref<1x125xi32, #tpu.memory_space<vmem>>
      %dma_start3A_439 = tpu.memref_squeeze %dma_start3A_438 : memref<1x125xi32, #tpu.memory_space<vmem>> -> memref<125xi32, #tpu.memory_space<vmem>>
      %dma_start3A_440 = arith.constant 0 : i32
      %dma_start3A_441 = arith.constant 0 : i32
      %dma_start3A_442 = tpu.memref_slice %arg18[%dma_start3A_440, %dma_start3A_441] : memref<10112x16xf32, #tpu.memory_space<vmem_shared>> -> memref<10112x16xf32, #tpu.memory_space<vmem_shared>>
      tpu.enqueue_indirect_dma source(%arg16 : memref<125x16xf32, #tpu.memory_space<vmem>>) target(%dma_start3A_442 : memref<10112x16xf32, #tpu.memory_space<vmem_shared>>) offsets(%dma_start3A_439 : memref<125xi32, #tpu.memory_space<vmem>>) semaphore(%run_scoped3A_436 : memref<!tpu.dma_semaphore, #tpu.memory_space<semaphore_mem>>) {add = true}
      %dma_wait3A_443 = arith.constant 0 : i32
      %dma_wait3A_444 = tpu.memref_slice %arg9[%run_scoped3A_346, %dma_wait3A_443] : memref<80x125xi32, #tpu.memory_space<vmem>> -> memref<1x125xi32, #tpu.memory_space<vmem>>
      %dma_wait3A_445 = tpu.memref_squeeze %dma_wait3A_444 : memref<1x125xi32, #tpu.memory_space<vmem>> -> memref<125xi32, #tpu.memory_space<vmem>>
      %dma_wait3A_446 = arith.constant 0 : i32
      %dma_wait3A_447 = arith.constant 0 : i32
      %dma_wait3A_448 = tpu.memref_slice %arg18[%dma_wait3A_446, %dma_wait3A_447] : memref<10112x16xf32, #tpu.memory_space<vmem_shared>> -> memref<10112x16xf32, #tpu.memory_space<vmem_shared>>
      tpu.wait_indirect_dma semaphore(%run_scoped3A_436 : memref<!tpu.dma_semaphore, #tpu.memory_space<semaphore_mem>>) src(%arg16 : memref<125x16xf32, #tpu.memory_space<vmem>>) dst(%dma_wait3A_448 : memref<10112x16xf32, #tpu.memory_space<vmem_shared>>)
      tpu.yield
    }) : () -> ()
    %dma_wait3A_347 = arith.constant 0 : i32
    %dma_wait3A_348 = arith.constant 0 : i32
    %dma_wait3A_349 = tpu.memref_slice %arg8[%dma_wait3A_347, %dma_wait3A_348] : memref<80x125xi32, #tpu.memory_space<vmem>> -> memref<1x125xi32, #tpu.memory_space<vmem>>
    %dma_wait3A_350 = tpu.memref_squeeze %dma_wait3A_349 : memref<1x125xi32, #tpu.memory_space<vmem>> -> memref<125xi32, #tpu.memory_space<vmem>>
    %dma_wait3A_351 = arith.constant 0 : i32
    %dma_wait3A_352 = arith.constant 0 : i32
    %dma_wait3A_353 = tpu.memref_slice %arg2[%dma_wait3A_351, %dma_wait3A_352] : memref<10000x64xf32, #tpu.memory_space<hbm>> -> memref<10000x64xf32, #tpu.memory_space<hbm>>
    tpu.wait_indirect_dma semaphore(%arg19 : memref<!tpu.dma_semaphore, #tpu.memory_space<semaphore_mem>>) src(%dma_wait3A_353 : memref<10000x64xf32, #tpu.memory_space<hbm>>) dst(%arg10 : memref<125x64xf32, #tpu.memory_space<vmem>>)
    %dma_start3A_354 = arith.constant 78 : i32
    %dma_start3A_355 = arith.constant 0 : i32
    %dma_start3A_356 = tpu.memref_slice %arg9[%dma_start3A_354, %dma_start3A_355] : memref<80x125xi32, #tpu.memory_space<vmem>> -> memref<1x125xi32, #tpu.memory_space<vmem>>
    %dma_start3A_357 = tpu.memref_squeeze %dma_start3A_356 : memref<1x125xi32, #tpu.memory_space<vmem>> -> memref<125xi32, #tpu.memory_space<vmem>>
    %dma_start3A_358 = arith.constant 0 : i32
    %dma_start3A_359 = arith.constant 0 : i32
    %dma_start3A_360 = tpu.memref_slice %arg17[%dma_start3A_358, %dma_start3A_359] : memref<10112x64xf32, #tpu.memory_space<vmem_shared>> -> memref<10112x64xf32, #tpu.memory_space<vmem_shared>>
    tpu.enqueue_indirect_dma source(%arg10 : memref<125x64xf32, #tpu.memory_space<vmem>>) target(%dma_start3A_360 : memref<10112x64xf32, #tpu.memory_space<vmem_shared>>) offsets(%dma_start3A_357 : memref<125xi32, #tpu.memory_space<vmem>>) semaphore(%arg25 : memref<!tpu.dma_semaphore, #tpu.memory_space<semaphore_mem>>) {add = true}
    %run_scoped3A_361 = arith.constant 78 : i32
    "tpu.region"() ({
      %run_scoped3A_436 = tpu.sem_alloc : memref<!tpu.dma_semaphore, #tpu.memory_space<semaphore_mem>>
      %dma_start3A_437 = arith.constant 0 : i32
      %dma_start3A_438 = tpu.memref_slice %arg9[%run_scoped3A_361, %dma_start3A_437] : memref<80x125xi32, #tpu.memory_space<vmem>> -> memref<1x125xi32, #tpu.memory_space<vmem>>
      %dma_start3A_439 = tpu.memref_squeeze %dma_start3A_438 : memref<1x125xi32, #tpu.memory_space<vmem>> -> memref<125xi32, #tpu.memory_space<vmem>>
      %dma_start3A_440 = arith.constant 0 : i32
      %dma_start3A_441 = arith.constant 0 : i32
      %dma_start3A_442 = tpu.memref_slice %arg18[%dma_start3A_440, %dma_start3A_441] : memref<10112x16xf32, #tpu.memory_space<vmem_shared>> -> memref<10112x16xf32, #tpu.memory_space<vmem_shared>>
      tpu.enqueue_indirect_dma source(%arg16 : memref<125x16xf32, #tpu.memory_space<vmem>>) target(%dma_start3A_442 : memref<10112x16xf32, #tpu.memory_space<vmem_shared>>) offsets(%dma_start3A_439 : memref<125xi32, #tpu.memory_space<vmem>>) semaphore(%run_scoped3A_436 : memref<!tpu.dma_semaphore, #tpu.memory_space<semaphore_mem>>) {add = true}
      %dma_wait3A_443 = arith.constant 0 : i32
      %dma_wait3A_444 = tpu.memref_slice %arg9[%run_scoped3A_361, %dma_wait3A_443] : memref<80x125xi32, #tpu.memory_space<vmem>> -> memref<1x125xi32, #tpu.memory_space<vmem>>
      %dma_wait3A_445 = tpu.memref_squeeze %dma_wait3A_444 : memref<1x125xi32, #tpu.memory_space<vmem>> -> memref<125xi32, #tpu.memory_space<vmem>>
      %dma_wait3A_446 = arith.constant 0 : i32
      %dma_wait3A_447 = arith.constant 0 : i32
      %dma_wait3A_448 = tpu.memref_slice %arg18[%dma_wait3A_446, %dma_wait3A_447] : memref<10112x16xf32, #tpu.memory_space<vmem_shared>> -> memref<10112x16xf32, #tpu.memory_space<vmem_shared>>
      tpu.wait_indirect_dma semaphore(%run_scoped3A_436 : memref<!tpu.dma_semaphore, #tpu.memory_space<semaphore_mem>>) src(%arg16 : memref<125x16xf32, #tpu.memory_space<vmem>>) dst(%dma_wait3A_448 : memref<10112x16xf32, #tpu.memory_space<vmem_shared>>)
      tpu.yield
    }) : () -> ()
    %dma_wait3A_362 = arith.constant 0 : i32
    %dma_wait3A_363 = arith.constant 0 : i32
    %dma_wait3A_364 = tpu.memref_slice %arg8[%dma_wait3A_362, %dma_wait3A_363] : memref<80x125xi32, #tpu.memory_space<vmem>> -> memref<1x125xi32, #tpu.memory_space<vmem>>
    %dma_wait3A_365 = tpu.memref_squeeze %dma_wait3A_364 : memref<1x125xi32, #tpu.memory_space<vmem>> -> memref<125xi32, #tpu.memory_space<vmem>>
    %dma_wait3A_366 = arith.constant 0 : i32
    %dma_wait3A_367 = arith.constant 0 : i32
    %dma_wait3A_368 = tpu.memref_slice %arg2[%dma_wait3A_366, %dma_wait3A_367] : memref<10000x64xf32, #tpu.memory_space<hbm>> -> memref<10000x64xf32, #tpu.memory_space<hbm>>
    tpu.wait_indirect_dma semaphore(%arg20 : memref<!tpu.dma_semaphore, #tpu.memory_space<semaphore_mem>>) src(%dma_wait3A_368 : memref<10000x64xf32, #tpu.memory_space<hbm>>) dst(%arg11 : memref<125x64xf32, #tpu.memory_space<vmem>>)
    %dma_start3A_369 = arith.constant 79 : i32
    %dma_start3A_370 = arith.constant 0 : i32
    %dma_start3A_371 = tpu.memref_slice %arg9[%dma_start3A_369, %dma_start3A_370] : memref<80x125xi32, #tpu.memory_space<vmem>> -> memref<1x125xi32, #tpu.memory_space<vmem>>
    %dma_start3A_372 = tpu.memref_squeeze %dma_start3A_371 : memref<1x125xi32, #tpu.memory_space<vmem>> -> memref<125xi32, #tpu.memory_space<vmem>>
    %dma_start3A_373 = arith.constant 0 : i32
    %dma_start3A_374 = arith.constant 0 : i32
    %dma_start3A_375 = tpu.memref_slice %arg17[%dma_start3A_373, %dma_start3A_374] : memref<10112x64xf32, #tpu.memory_space<vmem_shared>> -> memref<10112x64xf32, #tpu.memory_space<vmem_shared>>
    tpu.enqueue_indirect_dma source(%arg11 : memref<125x64xf32, #tpu.memory_space<vmem>>) target(%dma_start3A_375 : memref<10112x64xf32, #tpu.memory_space<vmem_shared>>) offsets(%dma_start3A_372 : memref<125xi32, #tpu.memory_space<vmem>>) semaphore(%arg26 : memref<!tpu.dma_semaphore, #tpu.memory_space<semaphore_mem>>) {add = true}
    %run_scoped3A_376 = arith.constant 79 : i32
    "tpu.region"() ({
      %run_scoped3A_436 = tpu.sem_alloc : memref<!tpu.dma_semaphore, #tpu.memory_space<semaphore_mem>>
      %dma_start3A_437 = arith.constant 0 : i32
      %dma_start3A_438 = tpu.memref_slice %arg9[%run_scoped3A_376, %dma_start3A_437] : memref<80x125xi32, #tpu.memory_space<vmem>> -> memref<1x125xi32, #tpu.memory_space<vmem>>
      %dma_start3A_439 = tpu.memref_squeeze %dma_start3A_438 : memref<1x125xi32, #tpu.memory_space<vmem>> -> memref<125xi32, #tpu.memory_space<vmem>>
      %dma_start3A_440 = arith.constant 0 : i32
      %dma_start3A_441 = arith.constant 0 : i32
      %dma_start3A_442 = tpu.memref_slice %arg18[%dma_start3A_440, %dma_start3A_441] : memref<10112x16xf32, #tpu.memory_space<vmem_shared>> -> memref<10112x16xf32, #tpu.memory_space<vmem_shared>>
      tpu.enqueue_indirect_dma source(%arg16 : memref<125x16xf32, #tpu.memory_space<vmem>>) target(%dma_start3A_442 : memref<10112x16xf32, #tpu.memory_space<vmem_shared>>) offsets(%dma_start3A_439 : memref<125xi32, #tpu.memory_space<vmem>>) semaphore(%run_scoped3A_436 : memref<!tpu.dma_semaphore, #tpu.memory_space<semaphore_mem>>) {add = true}
      %dma_wait3A_443 = arith.constant 0 : i32
      %dma_wait3A_444 = tpu.memref_slice %arg9[%run_scoped3A_376, %dma_wait3A_443] : memref<80x125xi32, #tpu.memory_space<vmem>> -> memref<1x125xi32, #tpu.memory_space<vmem>>
      %dma_wait3A_445 = tpu.memref_squeeze %dma_wait3A_444 : memref<1x125xi32, #tpu.memory_space<vmem>> -> memref<125xi32, #tpu.memory_space<vmem>>
      %dma_wait3A_446 = arith.constant 0 : i32
      %dma_wait3A_447 = arith.constant 0 : i32
      %dma_wait3A_448 = tpu.memref_slice %arg18[%dma_wait3A_446, %dma_wait3A_447] : memref<10112x16xf32, #tpu.memory_space<vmem_shared>> -> memref<10112x16xf32, #tpu.memory_space<vmem_shared>>
      tpu.wait_indirect_dma semaphore(%run_scoped3A_436 : memref<!tpu.dma_semaphore, #tpu.memory_space<semaphore_mem>>) src(%arg16 : memref<125x16xf32, #tpu.memory_space<vmem>>) dst(%dma_wait3A_448 : memref<10112x16xf32, #tpu.memory_space<vmem_shared>>)
      tpu.yield
    }) : () -> ()
    %dma_wait3A_377 = arith.constant 0 : i32
    %dma_wait3A_378 = arith.constant 0 : i32
    %dma_wait3A_379 = tpu.memref_slice %arg9[%dma_wait3A_377, %dma_wait3A_378] : memref<80x125xi32, #tpu.memory_space<vmem>> -> memref<1x125xi32, #tpu.memory_space<vmem>>
    %dma_wait3A_380 = tpu.memref_squeeze %dma_wait3A_379 : memref<1x125xi32, #tpu.memory_space<vmem>> -> memref<125xi32, #tpu.memory_space<vmem>>
    %dma_wait3A_381 = arith.constant 0 : i32
    %dma_wait3A_382 = arith.constant 0 : i32
    %dma_wait3A_383 = tpu.memref_slice %arg17[%dma_wait3A_381, %dma_wait3A_382] : memref<10112x64xf32, #tpu.memory_space<vmem_shared>> -> memref<10112x64xf32, #tpu.memory_space<vmem_shared>>
    tpu.wait_indirect_dma semaphore(%arg25 : memref<!tpu.dma_semaphore, #tpu.memory_space<semaphore_mem>>) src(%arg10 : memref<125x64xf32, #tpu.memory_space<vmem>>) dst(%dma_wait3A_383 : memref<10112x64xf32, #tpu.memory_space<vmem_shared>>)
    %dma_wait3A_384 = arith.constant 0 : i32
    %dma_wait3A_385 = arith.constant 0 : i32
    %dma_wait3A_386 = tpu.memref_slice %arg9[%dma_wait3A_384, %dma_wait3A_385] : memref<80x125xi32, #tpu.memory_space<vmem>> -> memref<1x125xi32, #tpu.memory_space<vmem>>
    %dma_wait3A_387 = tpu.memref_squeeze %dma_wait3A_386 : memref<1x125xi32, #tpu.memory_space<vmem>> -> memref<125xi32, #tpu.memory_space<vmem>>
    %dma_wait3A_388 = arith.constant 0 : i32
    %dma_wait3A_389 = arith.constant 0 : i32
    %dma_wait3A_390 = tpu.memref_slice %arg17[%dma_wait3A_388, %dma_wait3A_389] : memref<10112x64xf32, #tpu.memory_space<vmem_shared>> -> memref<10112x64xf32, #tpu.memory_space<vmem_shared>>
    tpu.wait_indirect_dma semaphore(%arg26 : memref<!tpu.dma_semaphore, #tpu.memory_space<semaphore_mem>>) src(%arg11 : memref<125x64xf32, #tpu.memory_space<vmem>>) dst(%dma_wait3A_390 : memref<10112x64xf32, #tpu.memory_space<vmem_shared>>)
    %dma_wait3A_391 = arith.constant 0 : i32
    %dma_wait3A_392 = arith.constant 0 : i32
    %dma_wait3A_393 = tpu.memref_slice %arg9[%dma_wait3A_391, %dma_wait3A_392] : memref<80x125xi32, #tpu.memory_space<vmem>> -> memref<1x125xi32, #tpu.memory_space<vmem>>
    %dma_wait3A_394 = tpu.memref_squeeze %dma_wait3A_393 : memref<1x125xi32, #tpu.memory_space<vmem>> -> memref<125xi32, #tpu.memory_space<vmem>>
    %dma_wait3A_395 = arith.constant 0 : i32
    %dma_wait3A_396 = arith.constant 0 : i32
    %dma_wait3A_397 = tpu.memref_slice %arg17[%dma_wait3A_395, %dma_wait3A_396] : memref<10112x64xf32, #tpu.memory_space<vmem_shared>> -> memref<10112x64xf32, #tpu.memory_space<vmem_shared>>
    tpu.wait_indirect_dma semaphore(%arg27 : memref<!tpu.dma_semaphore, #tpu.memory_space<semaphore_mem>>) src(%arg12 : memref<125x64xf32, #tpu.memory_space<vmem>>) dst(%dma_wait3A_397 : memref<10112x64xf32, #tpu.memory_space<vmem_shared>>)
    %dma_wait3A_398 = arith.constant 0 : i32
    %dma_wait3A_399 = arith.constant 0 : i32
    %dma_wait3A_400 = tpu.memref_slice %arg9[%dma_wait3A_398, %dma_wait3A_399] : memref<80x125xi32, #tpu.memory_space<vmem>> -> memref<1x125xi32, #tpu.memory_space<vmem>>
    %dma_wait3A_401 = tpu.memref_squeeze %dma_wait3A_400 : memref<1x125xi32, #tpu.memory_space<vmem>> -> memref<125xi32, #tpu.memory_space<vmem>>
    %dma_wait3A_402 = arith.constant 0 : i32
    %dma_wait3A_403 = arith.constant 0 : i32
    %dma_wait3A_404 = tpu.memref_slice %arg17[%dma_wait3A_402, %dma_wait3A_403] : memref<10112x64xf32, #tpu.memory_space<vmem_shared>> -> memref<10112x64xf32, #tpu.memory_space<vmem_shared>>
    tpu.wait_indirect_dma semaphore(%arg28 : memref<!tpu.dma_semaphore, #tpu.memory_space<semaphore_mem>>) src(%arg13 : memref<125x64xf32, #tpu.memory_space<vmem>>) dst(%dma_wait3A_404 : memref<10112x64xf32, #tpu.memory_space<vmem_shared>>)
    %dma_wait3A_405 = arith.constant 0 : i32
    %dma_wait3A_406 = arith.constant 0 : i32
    %dma_wait3A_407 = tpu.memref_slice %arg9[%dma_wait3A_405, %dma_wait3A_406] : memref<80x125xi32, #tpu.memory_space<vmem>> -> memref<1x125xi32, #tpu.memory_space<vmem>>
    %dma_wait3A_408 = tpu.memref_squeeze %dma_wait3A_407 : memref<1x125xi32, #tpu.memory_space<vmem>> -> memref<125xi32, #tpu.memory_space<vmem>>
    %dma_wait3A_409 = arith.constant 0 : i32
    %dma_wait3A_410 = arith.constant 0 : i32
    %dma_wait3A_411 = tpu.memref_slice %arg17[%dma_wait3A_409, %dma_wait3A_410] : memref<10112x64xf32, #tpu.memory_space<vmem_shared>> -> memref<10112x64xf32, #tpu.memory_space<vmem_shared>>
    tpu.wait_indirect_dma semaphore(%arg29 : memref<!tpu.dma_semaphore, #tpu.memory_space<semaphore_mem>>) src(%arg14 : memref<125x64xf32, #tpu.memory_space<vmem>>) dst(%dma_wait3A_411 : memref<10112x64xf32, #tpu.memory_space<vmem_shared>>)
    %dma_wait3A_412 = arith.constant 0 : i32
    %dma_wait3A_413 = arith.constant 0 : i32
    %dma_wait3A_414 = tpu.memref_slice %arg9[%dma_wait3A_412, %dma_wait3A_413] : memref<80x125xi32, #tpu.memory_space<vmem>> -> memref<1x125xi32, #tpu.memory_space<vmem>>
    %dma_wait3A_415 = tpu.memref_squeeze %dma_wait3A_414 : memref<1x125xi32, #tpu.memory_space<vmem>> -> memref<125xi32, #tpu.memory_space<vmem>>
    %dma_wait3A_416 = arith.constant 0 : i32
    %dma_wait3A_417 = arith.constant 0 : i32
    %dma_wait3A_418 = tpu.memref_slice %arg17[%dma_wait3A_416, %dma_wait3A_417] : memref<10112x64xf32, #tpu.memory_space<vmem_shared>> -> memref<10112x64xf32, #tpu.memory_space<vmem_shared>>
    tpu.wait_indirect_dma semaphore(%arg30 : memref<!tpu.dma_semaphore, #tpu.memory_space<semaphore_mem>>) src(%arg15 : memref<125x64xf32, #tpu.memory_space<vmem>>) dst(%dma_wait3A_418 : memref<10112x64xf32, #tpu.memory_space<vmem_shared>>)
    %barrier3A_419 = arith.constant 0 : index
    tpu.barrier barrier_id(%barrier3A_419)
    %lt3A = arith.constant 15 : i32
    %lt3A_420 = arith.cmpi slt, %arg1, %lt3A : i32
    %convert_element_type3A = arith.extui %lt3A_420 : i1 to i32
    %cond3A = arith.constant 0 : i32
    %cond3A_421 = arith.cmpi ne, %convert_element_type3A, %cond3A : i32
    scf.if %cond3A_421 {
      %mul3A_436 = arith.constant 632 : i32
      %mul3A_437 = arith.muli %arg1, %mul3A_436 : i32
      "tpu.region"() ({
        %run_scoped3A_438 = tpu.sem_alloc : memref<!tpu.dma_semaphore, #tpu.memory_space<semaphore_mem>>
        %dma_start3A_439 = arith.constant 0 : i32
        %dma_start3A_440 = tpu.memref_slice %arg6[%arg0, %mul3A_437, %dma_start3A_439] : memref<2x10000x64xf32, #tpu.memory_space<hbm>> -> memref<1x632x64xf32, #tpu.memory_space<hbm>>
        %dma_start3A_441 = tpu.memref_squeeze %dma_start3A_440 : memref<1x632x64xf32, #tpu.memory_space<hbm>> -> memref<632x64xf32, #tpu.memory_space<hbm>>
        %dma_start3A_442 = arith.constant 0 : i32
        %dma_start3A_443 = tpu.memref_slice %arg17[%mul3A_437, %dma_start3A_442] : memref<10112x64xf32, #tpu.memory_space<vmem_shared>> -> memref<632x64xf32, #tpu.memory_space<vmem_shared>>
        tpu.enqueue_dma source(%dma_start3A_443 : memref<632x64xf32, #tpu.memory_space<vmem_shared>>) target(%dma_start3A_441 : memref<632x64xf32, #tpu.memory_space<hbm>>) target_semaphore(%run_scoped3A_438 : memref<!tpu.dma_semaphore, #tpu.memory_space<semaphore_mem>>)
        %dma_wait3A_444 = arith.constant 0 : i32
        %dma_wait3A_445 = tpu.memref_slice %arg6[%arg0, %mul3A_437, %dma_wait3A_444] : memref<2x10000x64xf32, #tpu.memory_space<hbm>> -> memref<1x632x64xf32, #tpu.memory_space<hbm>>
        %dma_wait3A_446 = tpu.memref_squeeze %dma_wait3A_445 : memref<1x632x64xf32, #tpu.memory_space<hbm>> -> memref<632x64xf32, #tpu.memory_space<hbm>>
        %dma_wait3A_447 = arith.constant 0 : i32
        %dma_wait3A_448 = tpu.memref_slice %arg17[%mul3A_437, %dma_wait3A_447] : memref<10112x64xf32, #tpu.memory_space<vmem_shared>> -> memref<632x64xf32, #tpu.memory_space<vmem_shared>>
        tpu.wait_dma2 semaphore(%run_scoped3A_438 : memref<!tpu.dma_semaphore, #tpu.memory_space<semaphore_mem>>) src(%dma_wait3A_448 : memref<632x64xf32, #tpu.memory_space<vmem_shared>>) dst(%dma_wait3A_446 : memref<632x64xf32, #tpu.memory_space<hbm>>)
        tpu.yield
      }) : () -> ()
    } else {
    }
    %eq3A = arith.constant 15 : i32
    %eq3A_422 = arith.cmpi eq, %arg1, %eq3A : i32
    %convert_element_type3A_423 = arith.extui %eq3A_422 : i1 to i32
    %cond3A_424 = arith.constant 0 : i32
    %cond3A_425 = arith.cmpi ne, %convert_element_type3A_423, %cond3A_424 : i32
    scf.if %cond3A_425 {
      %mul3A_436 = arith.constant 632 : i32
      %mul3A_437 = arith.muli %arg1, %mul3A_436 : i32
      "tpu.region"() ({
        %run_scoped3A_438 = tpu.sem_alloc : memref<!tpu.dma_semaphore, #tpu.memory_space<semaphore_mem>>
        %dma_start3A_439 = arith.constant 0 : i32
        %dma_start3A_440 = tpu.memref_slice %arg6[%arg0, %mul3A_437, %dma_start3A_439] : memref<2x10000x64xf32, #tpu.memory_space<hbm>> -> memref<1x520x64xf32, #tpu.memory_space<hbm>>
        %dma_start3A_441 = tpu.memref_squeeze %dma_start3A_440 : memref<1x520x64xf32, #tpu.memory_space<hbm>> -> memref<520x64xf32, #tpu.memory_space<hbm>>
        %dma_start3A_442 = arith.constant 0 : i32
        %dma_start3A_443 = tpu.memref_slice %arg17[%mul3A_437, %dma_start3A_442] : memref<10112x64xf32, #tpu.memory_space<vmem_shared>> -> memref<520x64xf32, #tpu.memory_space<vmem_shared>>
        tpu.enqueue_dma source(%dma_start3A_443 : memref<520x64xf32, #tpu.memory_space<vmem_shared>>) target(%dma_start3A_441 : memref<520x64xf32, #tpu.memory_space<hbm>>) target_semaphore(%run_scoped3A_438 : memref<!tpu.dma_semaphore, #tpu.memory_space<semaphore_mem>>)
        %dma_wait3A_444 = arith.constant 0 : i32
        %dma_wait3A_445 = tpu.memref_slice %arg6[%arg0, %mul3A_437, %dma_wait3A_444] : memref<2x10000x64xf32, #tpu.memory_space<hbm>> -> memref<1x520x64xf32, #tpu.memory_space<hbm>>
        %dma_wait3A_446 = tpu.memref_squeeze %dma_wait3A_445 : memref<1x520x64xf32, #tpu.memory_space<hbm>> -> memref<520x64xf32, #tpu.memory_space<hbm>>
        %dma_wait3A_447 = arith.constant 0 : i32
        %dma_wait3A_448 = tpu.memref_slice %arg17[%mul3A_437, %dma_wait3A_447] : memref<10112x64xf32, #tpu.memory_space<vmem_shared>> -> memref<520x64xf32, #tpu.memory_space<vmem_shared>>
        tpu.wait_dma2 semaphore(%run_scoped3A_438 : memref<!tpu.dma_semaphore, #tpu.memory_space<semaphore_mem>>) src(%dma_wait3A_448 : memref<520x64xf32, #tpu.memory_space<vmem_shared>>) dst(%dma_wait3A_446 : memref<520x64xf32, #tpu.memory_space<hbm>>)
        tpu.yield
      }) : () -> ()
    } else {
    }
    %lt3A_426 = arith.constant 15 : i32
    %lt3A_427 = arith.cmpi slt, %arg1, %lt3A_426 : i32
    %convert_element_type3A_428 = arith.extui %lt3A_427 : i1 to i32
    %cond3A_429 = arith.constant 0 : i32
    %cond3A_430 = arith.cmpi ne, %convert_element_type3A_428, %cond3A_429 : i32
    scf.if %cond3A_430 {
      %mul3A_436 = arith.constant 632 : i32
      %mul3A_437 = arith.muli %arg1, %mul3A_436 : i32
      "tpu.region"() ({
        %run_scoped3A_438 = tpu.sem_alloc : memref<!tpu.dma_semaphore, #tpu.memory_space<semaphore_mem>>
        %dma_start3A_439 = arith.constant 0 : i32
        %dma_start3A_440 = tpu.memref_slice %arg7[%arg0, %mul3A_437, %dma_start3A_439] : memref<2x10000x16xf32, #tpu.memory_space<hbm>> -> memref<1x632x16xf32, #tpu.memory_space<hbm>>
        %dma_start3A_441 = tpu.memref_squeeze %dma_start3A_440 : memref<1x632x16xf32, #tpu.memory_space<hbm>> -> memref<632x16xf32, #tpu.memory_space<hbm>>
        %dma_start3A_442 = arith.constant 0 : i32
        %dma_start3A_443 = tpu.memref_slice %arg18[%mul3A_437, %dma_start3A_442] : memref<10112x16xf32, #tpu.memory_space<vmem_shared>> -> memref<632x16xf32, #tpu.memory_space<vmem_shared>>
        tpu.enqueue_dma source(%dma_start3A_443 : memref<632x16xf32, #tpu.memory_space<vmem_shared>>) target(%dma_start3A_441 : memref<632x16xf32, #tpu.memory_space<hbm>>) target_semaphore(%run_scoped3A_438 : memref<!tpu.dma_semaphore, #tpu.memory_space<semaphore_mem>>)
        %dma_wait3A_444 = arith.constant 0 : i32
        %dma_wait3A_445 = tpu.memref_slice %arg7[%arg0, %mul3A_437, %dma_wait3A_444] : memref<2x10000x16xf32, #tpu.memory_space<hbm>> -> memref<1x632x16xf32, #tpu.memory_space<hbm>>
        %dma_wait3A_446 = tpu.memref_squeeze %dma_wait3A_445 : memref<1x632x16xf32, #tpu.memory_space<hbm>> -> memref<632x16xf32, #tpu.memory_space<hbm>>
        %dma_wait3A_447 = arith.constant 0 : i32
        %dma_wait3A_448 = tpu.memref_slice %arg18[%mul3A_437, %dma_wait3A_447] : memref<10112x16xf32, #tpu.memory_space<vmem_shared>> -> memref<632x16xf32, #tpu.memory_space<vmem_shared>>
        tpu.wait_dma2 semaphore(%run_scoped3A_438 : memref<!tpu.dma_semaphore, #tpu.memory_space<semaphore_mem>>) src(%dma_wait3A_448 : memref<632x16xf32, #tpu.memory_space<vmem_shared>>) dst(%dma_wait3A_446 : memref<632x16xf32, #tpu.memory_space<hbm>>)
        tpu.yield
      }) : () -> ()
    } else {
    }
    %eq3A_431 = arith.constant 15 : i32
    %eq3A_432 = arith.cmpi eq, %arg1, %eq3A_431 : i32
    %convert_element_type3A_433 = arith.extui %eq3A_432 : i1 to i32
    %cond3A_434 = arith.constant 0 : i32
    %cond3A_435 = arith.cmpi ne, %convert_element_type3A_433, %cond3A_434 : i32
    scf.if %cond3A_435 {
      %mul3A_436 = arith.constant 632 : i32
      %mul3A_437 = arith.muli %arg1, %mul3A_436 : i32
      "tpu.region"() ({
        %run_scoped3A_438 = tpu.sem_alloc : memref<!tpu.dma_semaphore, #tpu.memory_space<semaphore_mem>>
        %dma_start3A_439 = arith.constant 0 : i32
        %dma_start3A_440 = tpu.memref_slice %arg7[%arg0, %mul3A_437, %dma_start3A_439] : memref<2x10000x16xf32, #tpu.memory_space<hbm>> -> memref<1x520x16xf32, #tpu.memory_space<hbm>>
        %dma_start3A_441 = tpu.memref_squeeze %dma_start3A_440 : memref<1x520x16xf32, #tpu.memory_space<hbm>> -> memref<520x16xf32, #tpu.memory_space<hbm>>
        %dma_start3A_442 = arith.constant 0 : i32
        %dma_start3A_443 = tpu.memref_slice %arg18[%mul3A_437, %dma_start3A_442] : memref<10112x16xf32, #tpu.memory_space<vmem_shared>> -> memref<520x16xf32, #tpu.memory_space<vmem_shared>>
        tpu.enqueue_dma source(%dma_start3A_443 : memref<520x16xf32, #tpu.memory_space<vmem_shared>>) target(%dma_start3A_441 : memref<520x16xf32, #tpu.memory_space<hbm>>) target_semaphore(%run_scoped3A_438 : memref<!tpu.dma_semaphore, #tpu.memory_space<semaphore_mem>>)
        %dma_wait3A_444 = arith.constant 0 : i32
        %dma_wait3A_445 = tpu.memref_slice %arg7[%arg0, %mul3A_437, %dma_wait3A_444] : memref<2x10000x16xf32, #tpu.memory_space<hbm>> -> memref<1x520x16xf32, #tpu.memory_space<hbm>>
        %dma_wait3A_446 = tpu.memref_squeeze %dma_wait3A_445 : memref<1x520x16xf32, #tpu.memory_space<hbm>> -> memref<520x16xf32, #tpu.memory_space<hbm>>
        %dma_wait3A_447 = arith.constant 0 : i32
        %dma_wait3A_448 = tpu.memref_slice %arg18[%mul3A_437, %dma_wait3A_447] : memref<10112x16xf32, #tpu.memory_space<vmem_shared>> -> memref<520x16xf32, #tpu.memory_space<vmem_shared>>
        tpu.wait_dma2 semaphore(%run_scoped3A_438 : memref<!tpu.dma_semaphore, #tpu.memory_space<semaphore_mem>>) src(%dma_wait3A_448 : memref<520x16xf32, #tpu.memory_space<vmem_shared>>) dst(%dma_wait3A_446 : memref<520x16xf32, #tpu.memory_space<hbm>>)
        tpu.yield
      }) : () -> ()
    } else {
    }
    return
  }
}

#map = affine_map<(d0, d1) -> (0, 0)>
#map1 = affine_map<(d0, d1) -> (0, 0, 0, 0)>
#map2 = affine_map<(d0, d1) -> (0, 0, 0)>
module attributes {stable_mosaic.version = 14 : i64} {
  func.func @_sc_body(%arg0: i32, %arg1: i32, %arg2: memref<10000x64xf32, #tpu.memory_space<hbm>>, %arg3: memref<2x32x80x125xi32, #tpu.memory_space<hbm>>, %arg4: memref<10112x64xf32, #tpu.memory_space<hbm>>, %arg5: memref<2x10000x64xf32, #tpu.memory_space<hbm>>, %arg6: memref<80x125xi32, #tpu.memory_space<vmem>>, %arg7: memref<80x125xi32, #tpu.memory_space<vmem>>, %arg8: memref<125x64xf32, #tpu.memory_space<vmem>>, %arg9: memref<125x64xf32, #tpu.memory_space<vmem>>, %arg10: memref<125x64xf32, #tpu.memory_space<vmem>>, %arg11: memref<125x64xf32, #tpu.memory_space<vmem>>, %arg12: memref<125x64xf32, #tpu.memory_space<vmem>>, %arg13: memref<125x64xf32, #tpu.memory_space<vmem>>, %arg14: memref<125x64xf32, #tpu.memory_space<vmem>>, %arg15: memref<125x64xf32, #tpu.memory_space<vmem>>, %arg16: memref<10112x64xf32, #tpu.memory_space<vmem_shared>>, %arg17: memref<!tpu.dma_semaphore, #tpu.memory_space<semaphore_mem>>, %arg18: memref<!tpu.dma_semaphore, #tpu.memory_space<semaphore_mem>>, %arg19: memref<!tpu.dma_semaphore, #tpu.memory_space<semaphore_mem>>, %arg20: memref<!tpu.dma_semaphore, #tpu.memory_space<semaphore_mem>>, %arg21: memref<!tpu.dma_semaphore, #tpu.memory_space<semaphore_mem>>, %arg22: memref<!tpu.dma_semaphore, #tpu.memory_space<semaphore_mem>>, %arg23: memref<!tpu.dma_semaphore, #tpu.memory_space<semaphore_mem>>, %arg24: memref<!tpu.dma_semaphore, #tpu.memory_space<semaphore_mem>>, %arg25: memref<!tpu.dma_semaphore, #tpu.memory_space<semaphore_mem>>, %arg26: memref<!tpu.dma_semaphore, #tpu.memory_space<semaphore_mem>>, %arg27: memref<!tpu.dma_semaphore, #tpu.memory_space<semaphore_mem>>, %arg28: memref<!tpu.dma_semaphore, #tpu.memory_space<semaphore_mem>>, %arg29: memref<!tpu.dma_semaphore, #tpu.memory_space<semaphore_mem>>, %arg30: memref<!tpu.dma_semaphore, #tpu.memory_space<semaphore_mem>>, %arg31: memref<!tpu.dma_semaphore, #tpu.memory_space<semaphore_mem>>, %arg32: memref<!tpu.dma_semaphore, #tpu.memory_space<semaphore_mem>>) attributes {dimension_semantics = [#tpu.dimension_semantics<core_parallel>, #tpu.dimension_semantics<subcore_parallel>], iteration_bounds = array<i64: 2, 16>, scalar_prefetch = 0 : i64, scratch_operands = 27 : i64, tpu.core_type = #tpu.core_type<sc_vector_subcore>, window_params = [{transform_indices = #map}, {transform_indices = #map1}, {transform_indices = #map}, {transform_indices = #map2}]} {
    %mul3A = arith.constant 2 : i32
    %mul3A_0 = arith.muli %arg1, %mul3A : i32
    %add3A = arith.addi %mul3A_0, %arg0 : i32
    %mul3A_1 = arith.constant 632 : i32
    %mul3A_2 = arith.muli %arg1, %mul3A_1 : i32
    "tpu.region"() ({
      %run_scoped3A_462 = tpu.sem_alloc : memref<!tpu.dma_semaphore, #tpu.memory_space<semaphore_mem>>
      %dma_start3A_463 = arith.constant 0 : i32
      %dma_start3A_464 = tpu.memref_slice %arg16[%mul3A_2, %dma_start3A_463] : memref<10112x64xf32, #tpu.memory_space<vmem_shared>> -> memref<632x64xf32, #tpu.memory_space<vmem_shared>>
      %dma_start3A_465 = arith.constant 0 : i32
      %dma_start3A_466 = tpu.memref_slice %arg4[%mul3A_2, %dma_start3A_465] : memref<10112x64xf32, #tpu.memory_space<hbm>> -> memref<632x64xf32, #tpu.memory_space<hbm>>
      tpu.enqueue_dma source(%dma_start3A_466 : memref<632x64xf32, #tpu.memory_space<hbm>>) target(%dma_start3A_464 : memref<632x64xf32, #tpu.memory_space<vmem_shared>>) target_semaphore(%run_scoped3A_462 : memref<!tpu.dma_semaphore, #tpu.memory_space<semaphore_mem>>)
      %dma_wait3A_467 = arith.constant 0 : i32
      %dma_wait3A_468 = tpu.memref_slice %arg16[%mul3A_2, %dma_wait3A_467] : memref<10112x64xf32, #tpu.memory_space<vmem_shared>> -> memref<632x64xf32, #tpu.memory_space<vmem_shared>>
      %dma_wait3A_469 = arith.constant 0 : i32
      %dma_wait3A_470 = tpu.memref_slice %arg4[%mul3A_2, %dma_wait3A_469] : memref<10112x64xf32, #tpu.memory_space<hbm>> -> memref<632x64xf32, #tpu.memory_space<hbm>>
      tpu.wait_dma2 semaphore(%run_scoped3A_462 : memref<!tpu.dma_semaphore, #tpu.memory_space<semaphore_mem>>) src(%dma_wait3A_470 : memref<632x64xf32, #tpu.memory_space<hbm>>) dst(%dma_wait3A_468 : memref<632x64xf32, #tpu.memory_space<vmem_shared>>)
      tpu.yield
    }) : () -> ()
    %barrier3A = arith.constant 0 : index
    tpu.barrier barrier_id(%barrier3A)
    %run_scoped3A = arith.constant 0 : i32
    "tpu.region"() ({
      %run_scoped3A_462 = tpu.sem_alloc : memref<!tpu.dma_semaphore, #tpu.memory_space<semaphore_mem>>
      %dma_start3A_463 = arith.constant 0 : i32
      %dma_start3A_464 = arith.constant 0 : i32
      %dma_start3A_465 = tpu.memref_slice %arg3[%run_scoped3A, %add3A, %dma_start3A_463, %dma_start3A_464] : memref<2x32x80x125xi32, #tpu.memory_space<hbm>> -> memref<1x1x80x125xi32, #tpu.memory_space<hbm>>
      %dma_start3A_466 = tpu.memref_squeeze %dma_start3A_465 : memref<1x1x80x125xi32, #tpu.memory_space<hbm>> -> memref<80x125xi32, #tpu.memory_space<hbm>>
      %dma_start3A_467 = arith.constant 0 : i32
      %dma_start3A_468 = arith.constant 0 : i32
      %dma_start3A_469 = tpu.memref_slice %arg3[%run_scoped3A, %add3A, %dma_start3A_467, %dma_start3A_468] : memref<2x32x80x125xi32, #tpu.memory_space<hbm>> -> memref<1x1x80x125xi32, #tpu.memory_space<hbm>>
      %dma_start3A_470 = tpu.memref_squeeze %dma_start3A_469 : memref<1x1x80x125xi32, #tpu.memory_space<hbm>> -> memref<80x125xi32, #tpu.memory_space<hbm>>
      tpu.enqueue_dma source(%dma_start3A_470 : memref<80x125xi32, #tpu.memory_space<hbm>>) target(%arg6 : memref<80x125xi32, #tpu.memory_space<vmem>>) target_semaphore(%run_scoped3A_462 : memref<!tpu.dma_semaphore, #tpu.memory_space<semaphore_mem>>)
      %dma_wait3A_471 = arith.constant 0 : i32
      %dma_wait3A_472 = arith.constant 0 : i32
      %dma_wait3A_473 = tpu.memref_slice %arg3[%run_scoped3A, %add3A, %dma_wait3A_471, %dma_wait3A_472] : memref<2x32x80x125xi32, #tpu.memory_space<hbm>> -> memref<1x1x80x125xi32, #tpu.memory_space<hbm>>
      %dma_wait3A_474 = tpu.memref_squeeze %dma_wait3A_473 : memref<1x1x80x125xi32, #tpu.memory_space<hbm>> -> memref<80x125xi32, #tpu.memory_space<hbm>>
      %dma_wait3A_475 = arith.constant 0 : i32
      %dma_wait3A_476 = arith.constant 0 : i32
      %dma_wait3A_477 = tpu.memref_slice %arg3[%run_scoped3A, %add3A, %dma_wait3A_475, %dma_wait3A_476] : memref<2x32x80x125xi32, #tpu.memory_space<hbm>> -> memref<1x1x80x125xi32, #tpu.memory_space<hbm>>
      %dma_wait3A_478 = tpu.memref_squeeze %dma_wait3A_477 : memref<1x1x80x125xi32, #tpu.memory_space<hbm>> -> memref<80x125xi32, #tpu.memory_space<hbm>>
      tpu.wait_dma2 semaphore(%run_scoped3A_462 : memref<!tpu.dma_semaphore, #tpu.memory_space<semaphore_mem>>) src(%dma_wait3A_478 : memref<80x125xi32, #tpu.memory_space<hbm>>) dst(%arg6 : memref<80x125xi32, #tpu.memory_space<vmem>>)
      tpu.yield
    }) : () -> ()
    %run_scoped3A_3 = arith.constant 1 : i32
    "tpu.region"() ({
      %run_scoped3A_462 = tpu.sem_alloc : memref<!tpu.dma_semaphore, #tpu.memory_space<semaphore_mem>>
      %dma_start3A_463 = arith.constant 0 : i32
      %dma_start3A_464 = arith.constant 0 : i32
      %dma_start3A_465 = tpu.memref_slice %arg3[%run_scoped3A_3, %add3A, %dma_start3A_463, %dma_start3A_464] : memref<2x32x80x125xi32, #tpu.memory_space<hbm>> -> memref<1x1x80x125xi32, #tpu.memory_space<hbm>>
      %dma_start3A_466 = tpu.memref_squeeze %dma_start3A_465 : memref<1x1x80x125xi32, #tpu.memory_space<hbm>> -> memref<80x125xi32, #tpu.memory_space<hbm>>
      %dma_start3A_467 = arith.constant 0 : i32
      %dma_start3A_468 = arith.constant 0 : i32
      %dma_start3A_469 = tpu.memref_slice %arg3[%run_scoped3A_3, %add3A, %dma_start3A_467, %dma_start3A_468] : memref<2x32x80x125xi32, #tpu.memory_space<hbm>> -> memref<1x1x80x125xi32, #tpu.memory_space<hbm>>
      %dma_start3A_470 = tpu.memref_squeeze %dma_start3A_469 : memref<1x1x80x125xi32, #tpu.memory_space<hbm>> -> memref<80x125xi32, #tpu.memory_space<hbm>>
      tpu.enqueue_dma source(%dma_start3A_470 : memref<80x125xi32, #tpu.memory_space<hbm>>) target(%arg7 : memref<80x125xi32, #tpu.memory_space<vmem>>) target_semaphore(%run_scoped3A_462 : memref<!tpu.dma_semaphore, #tpu.memory_space<semaphore_mem>>)
      %dma_wait3A_471 = arith.constant 0 : i32
      %dma_wait3A_472 = arith.constant 0 : i32
      %dma_wait3A_473 = tpu.memref_slice %arg3[%run_scoped3A_3, %add3A, %dma_wait3A_471, %dma_wait3A_472] : memref<2x32x80x125xi32, #tpu.memory_space<hbm>> -> memref<1x1x80x125xi32, #tpu.memory_space<hbm>>
      %dma_wait3A_474 = tpu.memref_squeeze %dma_wait3A_473 : memref<1x1x80x125xi32, #tpu.memory_space<hbm>> -> memref<80x125xi32, #tpu.memory_space<hbm>>
      %dma_wait3A_475 = arith.constant 0 : i32
      %dma_wait3A_476 = arith.constant 0 : i32
      %dma_wait3A_477 = tpu.memref_slice %arg3[%run_scoped3A_3, %add3A, %dma_wait3A_475, %dma_wait3A_476] : memref<2x32x80x125xi32, #tpu.memory_space<hbm>> -> memref<1x1x80x125xi32, #tpu.memory_space<hbm>>
      %dma_wait3A_478 = tpu.memref_squeeze %dma_wait3A_477 : memref<1x1x80x125xi32, #tpu.memory_space<hbm>> -> memref<80x125xi32, #tpu.memory_space<hbm>>
      tpu.wait_dma2 semaphore(%run_scoped3A_462 : memref<!tpu.dma_semaphore, #tpu.memory_space<semaphore_mem>>) src(%dma_wait3A_478 : memref<80x125xi32, #tpu.memory_space<hbm>>) dst(%arg7 : memref<80x125xi32, #tpu.memory_space<vmem>>)
      tpu.yield
    }) : () -> ()
    %dma_start3A = arith.constant 0 : i32
    %dma_start3A_4 = arith.constant 0 : i32
    %dma_start3A_5 = tpu.memref_slice %arg6[%dma_start3A, %dma_start3A_4] : memref<80x125xi32, #tpu.memory_space<vmem>> -> memref<1x125xi32, #tpu.memory_space<vmem>>
    %dma_start3A_6 = tpu.memref_squeeze %dma_start3A_5 : memref<1x125xi32, #tpu.memory_space<vmem>> -> memref<125xi32, #tpu.memory_space<vmem>>
    %dma_start3A_7 = arith.constant 0 : i32
    %dma_start3A_8 = arith.constant 0 : i32
    %dma_start3A_9 = tpu.memref_slice %arg2[%dma_start3A_7, %dma_start3A_8] : memref<10000x64xf32, #tpu.memory_space<hbm>> -> memref<10000x64xf32, #tpu.memory_space<hbm>>
    tpu.enqueue_indirect_dma source(%dma_start3A_9 : memref<10000x64xf32, #tpu.memory_space<hbm>>) target(%arg8 : memref<125x64xf32, #tpu.memory_space<vmem>>) offsets(%dma_start3A_6 : memref<125xi32, #tpu.memory_space<vmem>>) semaphore(%arg17 : memref<!tpu.dma_semaphore, #tpu.memory_space<semaphore_mem>>)
    %dma_start3A_10 = arith.constant 1 : i32
    %dma_start3A_11 = arith.constant 0 : i32
    %dma_start3A_12 = tpu.memref_slice %arg6[%dma_start3A_10, %dma_start3A_11] : memref<80x125xi32, #tpu.memory_space<vmem>> -> memref<1x125xi32, #tpu.memory_space<vmem>>
    %dma_start3A_13 = tpu.memref_squeeze %dma_start3A_12 : memref<1x125xi32, #tpu.memory_space<vmem>> -> memref<125xi32, #tpu.memory_space<vmem>>
    %dma_start3A_14 = arith.constant 0 : i32
    %dma_start3A_15 = arith.constant 0 : i32
    %dma_start3A_16 = tpu.memref_slice %arg2[%dma_start3A_14, %dma_start3A_15] : memref<10000x64xf32, #tpu.memory_space<hbm>> -> memref<10000x64xf32, #tpu.memory_space<hbm>>
    tpu.enqueue_indirect_dma source(%dma_start3A_16 : memref<10000x64xf32, #tpu.memory_space<hbm>>) target(%arg9 : memref<125x64xf32, #tpu.memory_space<vmem>>) offsets(%dma_start3A_13 : memref<125xi32, #tpu.memory_space<vmem>>) semaphore(%arg18 : memref<!tpu.dma_semaphore, #tpu.memory_space<semaphore_mem>>)
    %dma_start3A_17 = arith.constant 2 : i32
    %dma_start3A_18 = arith.constant 0 : i32
    %dma_start3A_19 = tpu.memref_slice %arg6[%dma_start3A_17, %dma_start3A_18] : memref<80x125xi32, #tpu.memory_space<vmem>> -> memref<1x125xi32, #tpu.memory_space<vmem>>
    %dma_start3A_20 = tpu.memref_squeeze %dma_start3A_19 : memref<1x125xi32, #tpu.memory_space<vmem>> -> memref<125xi32, #tpu.memory_space<vmem>>
    %dma_start3A_21 = arith.constant 0 : i32
    %dma_start3A_22 = arith.constant 0 : i32
    %dma_start3A_23 = tpu.memref_slice %arg2[%dma_start3A_21, %dma_start3A_22] : memref<10000x64xf32, #tpu.memory_space<hbm>> -> memref<10000x64xf32, #tpu.memory_space<hbm>>
    tpu.enqueue_indirect_dma source(%dma_start3A_23 : memref<10000x64xf32, #tpu.memory_space<hbm>>) target(%arg10 : memref<125x64xf32, #tpu.memory_space<vmem>>) offsets(%dma_start3A_20 : memref<125xi32, #tpu.memory_space<vmem>>) semaphore(%arg19 : memref<!tpu.dma_semaphore, #tpu.memory_space<semaphore_mem>>)
    %dma_start3A_24 = arith.constant 3 : i32
    %dma_start3A_25 = arith.constant 0 : i32
    %dma_start3A_26 = tpu.memref_slice %arg6[%dma_start3A_24, %dma_start3A_25] : memref<80x125xi32, #tpu.memory_space<vmem>> -> memref<1x125xi32, #tpu.memory_space<vmem>>
    %dma_start3A_27 = tpu.memref_squeeze %dma_start3A_26 : memref<1x125xi32, #tpu.memory_space<vmem>> -> memref<125xi32, #tpu.memory_space<vmem>>
    %dma_start3A_28 = arith.constant 0 : i32
    %dma_start3A_29 = arith.constant 0 : i32
    %dma_start3A_30 = tpu.memref_slice %arg2[%dma_start3A_28, %dma_start3A_29] : memref<10000x64xf32, #tpu.memory_space<hbm>> -> memref<10000x64xf32, #tpu.memory_space<hbm>>
    tpu.enqueue_indirect_dma source(%dma_start3A_30 : memref<10000x64xf32, #tpu.memory_space<hbm>>) target(%arg11 : memref<125x64xf32, #tpu.memory_space<vmem>>) offsets(%dma_start3A_27 : memref<125xi32, #tpu.memory_space<vmem>>) semaphore(%arg20 : memref<!tpu.dma_semaphore, #tpu.memory_space<semaphore_mem>>)
    %dma_wait3A = arith.constant 0 : i32
    %dma_wait3A_31 = arith.constant 0 : i32
    %dma_wait3A_32 = tpu.memref_slice %arg6[%dma_wait3A, %dma_wait3A_31] : memref<80x125xi32, #tpu.memory_space<vmem>> -> memref<1x125xi32, #tpu.memory_space<vmem>>
    %dma_wait3A_33 = tpu.memref_squeeze %dma_wait3A_32 : memref<1x125xi32, #tpu.memory_space<vmem>> -> memref<125xi32, #tpu.memory_space<vmem>>
    %dma_wait3A_34 = arith.constant 0 : i32
    %dma_wait3A_35 = arith.constant 0 : i32
    %dma_wait3A_36 = tpu.memref_slice %arg2[%dma_wait3A_34, %dma_wait3A_35] : memref<10000x64xf32, #tpu.memory_space<hbm>> -> memref<10000x64xf32, #tpu.memory_space<hbm>>
    tpu.wait_indirect_dma semaphore(%arg17 : memref<!tpu.dma_semaphore, #tpu.memory_space<semaphore_mem>>) src(%dma_wait3A_36 : memref<10000x64xf32, #tpu.memory_space<hbm>>) dst(%arg8 : memref<125x64xf32, #tpu.memory_space<vmem>>)
    %dma_start3A_37 = arith.constant 0 : i32
    %dma_start3A_38 = arith.constant 0 : i32
    %dma_start3A_39 = tpu.memref_slice %arg7[%dma_start3A_37, %dma_start3A_38] : memref<80x125xi32, #tpu.memory_space<vmem>> -> memref<1x125xi32, #tpu.memory_space<vmem>>
    %dma_start3A_40 = tpu.memref_squeeze %dma_start3A_39 : memref<1x125xi32, #tpu.memory_space<vmem>> -> memref<125xi32, #tpu.memory_space<vmem>>
    %dma_start3A_41 = arith.constant 0 : i32
    %dma_start3A_42 = arith.constant 0 : i32
    %dma_start3A_43 = tpu.memref_slice %arg16[%dma_start3A_41, %dma_start3A_42] : memref<10112x64xf32, #tpu.memory_space<vmem_shared>> -> memref<10112x64xf32, #tpu.memory_space<vmem_shared>>
    tpu.enqueue_indirect_dma source(%arg8 : memref<125x64xf32, #tpu.memory_space<vmem>>) target(%dma_start3A_43 : memref<10112x64xf32, #tpu.memory_space<vmem_shared>>) offsets(%dma_start3A_40 : memref<125xi32, #tpu.memory_space<vmem>>) semaphore(%arg25 : memref<!tpu.dma_semaphore, #tpu.memory_space<semaphore_mem>>) {add = true}
    %dma_start3A_44 = arith.constant 4 : i32
    %dma_start3A_45 = arith.constant 0 : i32
    %dma_start3A_46 = tpu.memref_slice %arg6[%dma_start3A_44, %dma_start3A_45] : memref<80x125xi32, #tpu.memory_space<vmem>> -> memref<1x125xi32, #tpu.memory_space<vmem>>
    %dma_start3A_47 = tpu.memref_squeeze %dma_start3A_46 : memref<1x125xi32, #tpu.memory_space<vmem>> -> memref<125xi32, #tpu.memory_space<vmem>>
    %dma_start3A_48 = arith.constant 0 : i32
    %dma_start3A_49 = arith.constant 0 : i32
    %dma_start3A_50 = tpu.memref_slice %arg2[%dma_start3A_48, %dma_start3A_49] : memref<10000x64xf32, #tpu.memory_space<hbm>> -> memref<10000x64xf32, #tpu.memory_space<hbm>>
    tpu.enqueue_indirect_dma source(%dma_start3A_50 : memref<10000x64xf32, #tpu.memory_space<hbm>>) target(%arg12 : memref<125x64xf32, #tpu.memory_space<vmem>>) offsets(%dma_start3A_47 : memref<125xi32, #tpu.memory_space<vmem>>) semaphore(%arg21 : memref<!tpu.dma_semaphore, #tpu.memory_space<semaphore_mem>>)
    %dma_wait3A_51 = arith.constant 0 : i32
    %dma_wait3A_52 = arith.constant 0 : i32
    %dma_wait3A_53 = tpu.memref_slice %arg6[%dma_wait3A_51, %dma_wait3A_52] : memref<80x125xi32, #tpu.memory_space<vmem>> -> memref<1x125xi32, #tpu.memory_space<vmem>>
    %dma_wait3A_54 = tpu.memref_squeeze %dma_wait3A_53 : memref<1x125xi32, #tpu.memory_space<vmem>> -> memref<125xi32, #tpu.memory_space<vmem>>
    %dma_wait3A_55 = arith.constant 0 : i32
    %dma_wait3A_56 = arith.constant 0 : i32
    %dma_wait3A_57 = tpu.memref_slice %arg2[%dma_wait3A_55, %dma_wait3A_56] : memref<10000x64xf32, #tpu.memory_space<hbm>> -> memref<10000x64xf32, #tpu.memory_space<hbm>>
    tpu.wait_indirect_dma semaphore(%arg18 : memref<!tpu.dma_semaphore, #tpu.memory_space<semaphore_mem>>) src(%dma_wait3A_57 : memref<10000x64xf32, #tpu.memory_space<hbm>>) dst(%arg9 : memref<125x64xf32, #tpu.memory_space<vmem>>)
    %dma_start3A_58 = arith.constant 1 : i32
    %dma_start3A_59 = arith.constant 0 : i32
    %dma_start3A_60 = tpu.memref_slice %arg7[%dma_start3A_58, %dma_start3A_59] : memref<80x125xi32, #tpu.memory_space<vmem>> -> memref<1x125xi32, #tpu.memory_space<vmem>>
    %dma_start3A_61 = tpu.memref_squeeze %dma_start3A_60 : memref<1x125xi32, #tpu.memory_space<vmem>> -> memref<125xi32, #tpu.memory_space<vmem>>
    %dma_start3A_62 = arith.constant 0 : i32
    %dma_start3A_63 = arith.constant 0 : i32
    %dma_start3A_64 = tpu.memref_slice %arg16[%dma_start3A_62, %dma_start3A_63] : memref<10112x64xf32, #tpu.memory_space<vmem_shared>> -> memref<10112x64xf32, #tpu.memory_space<vmem_shared>>
    tpu.enqueue_indirect_dma source(%arg9 : memref<125x64xf32, #tpu.memory_space<vmem>>) target(%dma_start3A_64 : memref<10112x64xf32, #tpu.memory_space<vmem_shared>>) offsets(%dma_start3A_61 : memref<125xi32, #tpu.memory_space<vmem>>) semaphore(%arg26 : memref<!tpu.dma_semaphore, #tpu.memory_space<semaphore_mem>>) {add = true}
    %dma_start3A_65 = arith.constant 5 : i32
    %dma_start3A_66 = arith.constant 0 : i32
    %dma_start3A_67 = tpu.memref_slice %arg6[%dma_start3A_65, %dma_start3A_66] : memref<80x125xi32, #tpu.memory_space<vmem>> -> memref<1x125xi32, #tpu.memory_space<vmem>>
    %dma_start3A_68 = tpu.memref_squeeze %dma_start3A_67 : memref<1x125xi32, #tpu.memory_space<vmem>> -> memref<125xi32, #tpu.memory_space<vmem>>
    %dma_start3A_69 = arith.constant 0 : i32
    %dma_start3A_70 = arith.constant 0 : i32
    %dma_start3A_71 = tpu.memref_slice %arg2[%dma_start3A_69, %dma_start3A_70] : memref<10000x64xf32, #tpu.memory_space<hbm>> -> memref<10000x64xf32, #tpu.memory_space<hbm>>
    tpu.enqueue_indirect_dma source(%dma_start3A_71 : memref<10000x64xf32, #tpu.memory_space<hbm>>) target(%arg13 : memref<125x64xf32, #tpu.memory_space<vmem>>) offsets(%dma_start3A_68 : memref<125xi32, #tpu.memory_space<vmem>>) semaphore(%arg22 : memref<!tpu.dma_semaphore, #tpu.memory_space<semaphore_mem>>)
    %dma_wait3A_72 = arith.constant 0 : i32
    %dma_wait3A_73 = arith.constant 0 : i32
    %dma_wait3A_74 = tpu.memref_slice %arg6[%dma_wait3A_72, %dma_wait3A_73] : memref<80x125xi32, #tpu.memory_space<vmem>> -> memref<1x125xi32, #tpu.memory_space<vmem>>
    %dma_wait3A_75 = tpu.memref_squeeze %dma_wait3A_74 : memref<1x125xi32, #tpu.memory_space<vmem>> -> memref<125xi32, #tpu.memory_space<vmem>>
    %dma_wait3A_76 = arith.constant 0 : i32
    %dma_wait3A_77 = arith.constant 0 : i32
    %dma_wait3A_78 = tpu.memref_slice %arg2[%dma_wait3A_76, %dma_wait3A_77] : memref<10000x64xf32, #tpu.memory_space<hbm>> -> memref<10000x64xf32, #tpu.memory_space<hbm>>
    tpu.wait_indirect_dma semaphore(%arg19 : memref<!tpu.dma_semaphore, #tpu.memory_space<semaphore_mem>>) src(%dma_wait3A_78 : memref<10000x64xf32, #tpu.memory_space<hbm>>) dst(%arg10 : memref<125x64xf32, #tpu.memory_space<vmem>>)
    %dma_start3A_79 = arith.constant 2 : i32
    %dma_start3A_80 = arith.constant 0 : i32
    %dma_start3A_81 = tpu.memref_slice %arg7[%dma_start3A_79, %dma_start3A_80] : memref<80x125xi32, #tpu.memory_space<vmem>> -> memref<1x125xi32, #tpu.memory_space<vmem>>
    %dma_start3A_82 = tpu.memref_squeeze %dma_start3A_81 : memref<1x125xi32, #tpu.memory_space<vmem>> -> memref<125xi32, #tpu.memory_space<vmem>>
    %dma_start3A_83 = arith.constant 0 : i32
    %dma_start3A_84 = arith.constant 0 : i32
    %dma_start3A_85 = tpu.memref_slice %arg16[%dma_start3A_83, %dma_start3A_84] : memref<10112x64xf32, #tpu.memory_space<vmem_shared>> -> memref<10112x64xf32, #tpu.memory_space<vmem_shared>>
    tpu.enqueue_indirect_dma source(%arg10 : memref<125x64xf32, #tpu.memory_space<vmem>>) target(%dma_start3A_85 : memref<10112x64xf32, #tpu.memory_space<vmem_shared>>) offsets(%dma_start3A_82 : memref<125xi32, #tpu.memory_space<vmem>>) semaphore(%arg27 : memref<!tpu.dma_semaphore, #tpu.memory_space<semaphore_mem>>) {add = true}
    %dma_start3A_86 = arith.constant 6 : i32
    %dma_start3A_87 = arith.constant 0 : i32
    %dma_start3A_88 = tpu.memref_slice %arg6[%dma_start3A_86, %dma_start3A_87] : memref<80x125xi32, #tpu.memory_space<vmem>> -> memref<1x125xi32, #tpu.memory_space<vmem>>
    %dma_start3A_89 = tpu.memref_squeeze %dma_start3A_88 : memref<1x125xi32, #tpu.memory_space<vmem>> -> memref<125xi32, #tpu.memory_space<vmem>>
    %dma_start3A_90 = arith.constant 0 : i32
    %dma_start3A_91 = arith.constant 0 : i32
    %dma_start3A_92 = tpu.memref_slice %arg2[%dma_start3A_90, %dma_start3A_91] : memref<10000x64xf32, #tpu.memory_space<hbm>> -> memref<10000x64xf32, #tpu.memory_space<hbm>>
    tpu.enqueue_indirect_dma source(%dma_start3A_92 : memref<10000x64xf32, #tpu.memory_space<hbm>>) target(%arg14 : memref<125x64xf32, #tpu.memory_space<vmem>>) offsets(%dma_start3A_89 : memref<125xi32, #tpu.memory_space<vmem>>) semaphore(%arg23 : memref<!tpu.dma_semaphore, #tpu.memory_space<semaphore_mem>>)
    %dma_wait3A_93 = arith.constant 0 : i32
    %dma_wait3A_94 = arith.constant 0 : i32
    %dma_wait3A_95 = tpu.memref_slice %arg6[%dma_wait3A_93, %dma_wait3A_94] : memref<80x125xi32, #tpu.memory_space<vmem>> -> memref<1x125xi32, #tpu.memory_space<vmem>>
    %dma_wait3A_96 = tpu.memref_squeeze %dma_wait3A_95 : memref<1x125xi32, #tpu.memory_space<vmem>> -> memref<125xi32, #tpu.memory_space<vmem>>
    %dma_wait3A_97 = arith.constant 0 : i32
    %dma_wait3A_98 = arith.constant 0 : i32
    %dma_wait3A_99 = tpu.memref_slice %arg2[%dma_wait3A_97, %dma_wait3A_98] : memref<10000x64xf32, #tpu.memory_space<hbm>> -> memref<10000x64xf32, #tpu.memory_space<hbm>>
    tpu.wait_indirect_dma semaphore(%arg20 : memref<!tpu.dma_semaphore, #tpu.memory_space<semaphore_mem>>) src(%dma_wait3A_99 : memref<10000x64xf32, #tpu.memory_space<hbm>>) dst(%arg11 : memref<125x64xf32, #tpu.memory_space<vmem>>)
    %dma_start3A_100 = arith.constant 3 : i32
    %dma_start3A_101 = arith.constant 0 : i32
    %dma_start3A_102 = tpu.memref_slice %arg7[%dma_start3A_100, %dma_start3A_101] : memref<80x125xi32, #tpu.memory_space<vmem>> -> memref<1x125xi32, #tpu.memory_space<vmem>>
    %dma_start3A_103 = tpu.memref_squeeze %dma_start3A_102 : memref<1x125xi32, #tpu.memory_space<vmem>> -> memref<125xi32, #tpu.memory_space<vmem>>
    %dma_start3A_104 = arith.constant 0 : i32
    %dma_start3A_105 = arith.constant 0 : i32
    %dma_start3A_106 = tpu.memref_slice %arg16[%dma_start3A_104, %dma_start3A_105] : memref<10112x64xf32, #tpu.memory_space<vmem_shared>> -> memref<10112x64xf32, #tpu.memory_space<vmem_shared>>
    tpu.enqueue_indirect_dma source(%arg11 : memref<125x64xf32, #tpu.memory_space<vmem>>) target(%dma_start3A_106 : memref<10112x64xf32, #tpu.memory_space<vmem_shared>>) offsets(%dma_start3A_103 : memref<125xi32, #tpu.memory_space<vmem>>) semaphore(%arg28 : memref<!tpu.dma_semaphore, #tpu.memory_space<semaphore_mem>>) {add = true}
    %dma_start3A_107 = arith.constant 7 : i32
    %dma_start3A_108 = arith.constant 0 : i32
    %dma_start3A_109 = tpu.memref_slice %arg6[%dma_start3A_107, %dma_start3A_108] : memref<80x125xi32, #tpu.memory_space<vmem>> -> memref<1x125xi32, #tpu.memory_space<vmem>>
    %dma_start3A_110 = tpu.memref_squeeze %dma_start3A_109 : memref<1x125xi32, #tpu.memory_space<vmem>> -> memref<125xi32, #tpu.memory_space<vmem>>
    %dma_start3A_111 = arith.constant 0 : i32
    %dma_start3A_112 = arith.constant 0 : i32
    %dma_start3A_113 = tpu.memref_slice %arg2[%dma_start3A_111, %dma_start3A_112] : memref<10000x64xf32, #tpu.memory_space<hbm>> -> memref<10000x64xf32, #tpu.memory_space<hbm>>
    tpu.enqueue_indirect_dma source(%dma_start3A_113 : memref<10000x64xf32, #tpu.memory_space<hbm>>) target(%arg15 : memref<125x64xf32, #tpu.memory_space<vmem>>) offsets(%dma_start3A_110 : memref<125xi32, #tpu.memory_space<vmem>>) semaphore(%arg24 : memref<!tpu.dma_semaphore, #tpu.memory_space<semaphore_mem>>)
    %dma_wait3A_114 = arith.constant 0 : i32
    %dma_wait3A_115 = arith.constant 0 : i32
    %dma_wait3A_116 = tpu.memref_slice %arg6[%dma_wait3A_114, %dma_wait3A_115] : memref<80x125xi32, #tpu.memory_space<vmem>> -> memref<1x125xi32, #tpu.memory_space<vmem>>
    %dma_wait3A_117 = tpu.memref_squeeze %dma_wait3A_116 : memref<1x125xi32, #tpu.memory_space<vmem>> -> memref<125xi32, #tpu.memory_space<vmem>>
    %dma_wait3A_118 = arith.constant 0 : i32
    %dma_wait3A_119 = arith.constant 0 : i32
    %dma_wait3A_120 = tpu.memref_slice %arg2[%dma_wait3A_118, %dma_wait3A_119] : memref<10000x64xf32, #tpu.memory_space<hbm>> -> memref<10000x64xf32, #tpu.memory_space<hbm>>
    tpu.wait_indirect_dma semaphore(%arg21 : memref<!tpu.dma_semaphore, #tpu.memory_space<semaphore_mem>>) src(%dma_wait3A_120 : memref<10000x64xf32, #tpu.memory_space<hbm>>) dst(%arg12 : memref<125x64xf32, #tpu.memory_space<vmem>>)
    %dma_start3A_121 = arith.constant 4 : i32
    %dma_start3A_122 = arith.constant 0 : i32
    %dma_start3A_123 = tpu.memref_slice %arg7[%dma_start3A_121, %dma_start3A_122] : memref<80x125xi32, #tpu.memory_space<vmem>> -> memref<1x125xi32, #tpu.memory_space<vmem>>
    %dma_start3A_124 = tpu.memref_squeeze %dma_start3A_123 : memref<1x125xi32, #tpu.memory_space<vmem>> -> memref<125xi32, #tpu.memory_space<vmem>>
    %dma_start3A_125 = arith.constant 0 : i32
    %dma_start3A_126 = arith.constant 0 : i32
    %dma_start3A_127 = tpu.memref_slice %arg16[%dma_start3A_125, %dma_start3A_126] : memref<10112x64xf32, #tpu.memory_space<vmem_shared>> -> memref<10112x64xf32, #tpu.memory_space<vmem_shared>>
    tpu.enqueue_indirect_dma source(%arg12 : memref<125x64xf32, #tpu.memory_space<vmem>>) target(%dma_start3A_127 : memref<10112x64xf32, #tpu.memory_space<vmem_shared>>) offsets(%dma_start3A_124 : memref<125xi32, #tpu.memory_space<vmem>>) semaphore(%arg29 : memref<!tpu.dma_semaphore, #tpu.memory_space<semaphore_mem>>) {add = true}
    %dma_wait3A_128 = arith.constant 0 : i32
    %dma_wait3A_129 = arith.constant 0 : i32
    %dma_wait3A_130 = tpu.memref_slice %arg7[%dma_wait3A_128, %dma_wait3A_129] : memref<80x125xi32, #tpu.memory_space<vmem>> -> memref<1x125xi32, #tpu.memory_space<vmem>>
    %dma_wait3A_131 = tpu.memref_squeeze %dma_wait3A_130 : memref<1x125xi32, #tpu.memory_space<vmem>> -> memref<125xi32, #tpu.memory_space<vmem>>
    %dma_wait3A_132 = arith.constant 0 : i32
    %dma_wait3A_133 = arith.constant 0 : i32
    %dma_wait3A_134 = tpu.memref_slice %arg16[%dma_wait3A_132, %dma_wait3A_133] : memref<10112x64xf32, #tpu.memory_space<vmem_shared>> -> memref<10112x64xf32, #tpu.memory_space<vmem_shared>>
    tpu.wait_indirect_dma semaphore(%arg25 : memref<!tpu.dma_semaphore, #tpu.memory_space<semaphore_mem>>) src(%arg8 : memref<125x64xf32, #tpu.memory_space<vmem>>) dst(%dma_wait3A_134 : memref<10112x64xf32, #tpu.memory_space<vmem_shared>>)
    %dma_start3A_135 = arith.constant 8 : i32
    %dma_start3A_136 = arith.constant 0 : i32
    %dma_start3A_137 = tpu.memref_slice %arg6[%dma_start3A_135, %dma_start3A_136] : memref<80x125xi32, #tpu.memory_space<vmem>> -> memref<1x125xi32, #tpu.memory_space<vmem>>
    %dma_start3A_138 = tpu.memref_squeeze %dma_start3A_137 : memref<1x125xi32, #tpu.memory_space<vmem>> -> memref<125xi32, #tpu.memory_space<vmem>>
    %dma_start3A_139 = arith.constant 0 : i32
    %dma_start3A_140 = arith.constant 0 : i32
    %dma_start3A_141 = tpu.memref_slice %arg2[%dma_start3A_139, %dma_start3A_140] : memref<10000x64xf32, #tpu.memory_space<hbm>> -> memref<10000x64xf32, #tpu.memory_space<hbm>>
    tpu.enqueue_indirect_dma source(%dma_start3A_141 : memref<10000x64xf32, #tpu.memory_space<hbm>>) target(%arg8 : memref<125x64xf32, #tpu.memory_space<vmem>>) offsets(%dma_start3A_138 : memref<125xi32, #tpu.memory_space<vmem>>) semaphore(%arg17 : memref<!tpu.dma_semaphore, #tpu.memory_space<semaphore_mem>>)
    %dma_wait3A_142 = arith.constant 0 : i32
    %dma_wait3A_143 = arith.constant 0 : i32
    %dma_wait3A_144 = tpu.memref_slice %arg6[%dma_wait3A_142, %dma_wait3A_143] : memref<80x125xi32, #tpu.memory_space<vmem>> -> memref<1x125xi32, #tpu.memory_space<vmem>>
    %dma_wait3A_145 = tpu.memref_squeeze %dma_wait3A_144 : memref<1x125xi32, #tpu.memory_space<vmem>> -> memref<125xi32, #tpu.memory_space<vmem>>
    %dma_wait3A_146 = arith.constant 0 : i32
    %dma_wait3A_147 = arith.constant 0 : i32
    %dma_wait3A_148 = tpu.memref_slice %arg2[%dma_wait3A_146, %dma_wait3A_147] : memref<10000x64xf32, #tpu.memory_space<hbm>> -> memref<10000x64xf32, #tpu.memory_space<hbm>>
    tpu.wait_indirect_dma semaphore(%arg22 : memref<!tpu.dma_semaphore, #tpu.memory_space<semaphore_mem>>) src(%dma_wait3A_148 : memref<10000x64xf32, #tpu.memory_space<hbm>>) dst(%arg13 : memref<125x64xf32, #tpu.memory_space<vmem>>)
    %dma_start3A_149 = arith.constant 5 : i32
    %dma_start3A_150 = arith.constant 0 : i32
    %dma_start3A_151 = tpu.memref_slice %arg7[%dma_start3A_149, %dma_start3A_150] : memref<80x125xi32, #tpu.memory_space<vmem>> -> memref<1x125xi32, #tpu.memory_space<vmem>>
    %dma_start3A_152 = tpu.memref_squeeze %dma_start3A_151 : memref<1x125xi32, #tpu.memory_space<vmem>> -> memref<125xi32, #tpu.memory_space<vmem>>
    %dma_start3A_153 = arith.constant 0 : i32
    %dma_start3A_154 = arith.constant 0 : i32
    %dma_start3A_155 = tpu.memref_slice %arg16[%dma_start3A_153, %dma_start3A_154] : memref<10112x64xf32, #tpu.memory_space<vmem_shared>> -> memref<10112x64xf32, #tpu.memory_space<vmem_shared>>
    tpu.enqueue_indirect_dma source(%arg13 : memref<125x64xf32, #tpu.memory_space<vmem>>) target(%dma_start3A_155 : memref<10112x64xf32, #tpu.memory_space<vmem_shared>>) offsets(%dma_start3A_152 : memref<125xi32, #tpu.memory_space<vmem>>) semaphore(%arg30 : memref<!tpu.dma_semaphore, #tpu.memory_space<semaphore_mem>>) {add = true}
    %dma_wait3A_156 = arith.constant 0 : i32
    %dma_wait3A_157 = arith.constant 0 : i32
    %dma_wait3A_158 = tpu.memref_slice %arg7[%dma_wait3A_156, %dma_wait3A_157] : memref<80x125xi32, #tpu.memory_space<vmem>> -> memref<1x125xi32, #tpu.memory_space<vmem>>
    %dma_wait3A_159 = tpu.memref_squeeze %dma_wait3A_158 : memref<1x125xi32, #tpu.memory_space<vmem>> -> memref<125xi32, #tpu.memory_space<vmem>>
    %dma_wait3A_160 = arith.constant 0 : i32
    %dma_wait3A_161 = arith.constant 0 : i32
    %dma_wait3A_162 = tpu.memref_slice %arg16[%dma_wait3A_160, %dma_wait3A_161] : memref<10112x64xf32, #tpu.memory_space<vmem_shared>> -> memref<10112x64xf32, #tpu.memory_space<vmem_shared>>
    tpu.wait_indirect_dma semaphore(%arg26 : memref<!tpu.dma_semaphore, #tpu.memory_space<semaphore_mem>>) src(%arg9 : memref<125x64xf32, #tpu.memory_space<vmem>>) dst(%dma_wait3A_162 : memref<10112x64xf32, #tpu.memory_space<vmem_shared>>)
    %dma_start3A_163 = arith.constant 9 : i32
    %dma_start3A_164 = arith.constant 0 : i32
    %dma_start3A_165 = tpu.memref_slice %arg6[%dma_start3A_163, %dma_start3A_164] : memref<80x125xi32, #tpu.memory_space<vmem>> -> memref<1x125xi32, #tpu.memory_space<vmem>>
    %dma_start3A_166 = tpu.memref_squeeze %dma_start3A_165 : memref<1x125xi32, #tpu.memory_space<vmem>> -> memref<125xi32, #tpu.memory_space<vmem>>
    %dma_start3A_167 = arith.constant 0 : i32
    %dma_start3A_168 = arith.constant 0 : i32
    %dma_start3A_169 = tpu.memref_slice %arg2[%dma_start3A_167, %dma_start3A_168] : memref<10000x64xf32, #tpu.memory_space<hbm>> -> memref<10000x64xf32, #tpu.memory_space<hbm>>
    tpu.enqueue_indirect_dma source(%dma_start3A_169 : memref<10000x64xf32, #tpu.memory_space<hbm>>) target(%arg9 : memref<125x64xf32, #tpu.memory_space<vmem>>) offsets(%dma_start3A_166 : memref<125xi32, #tpu.memory_space<vmem>>) semaphore(%arg18 : memref<!tpu.dma_semaphore, #tpu.memory_space<semaphore_mem>>)
    %dma_wait3A_170 = arith.constant 0 : i32
    %dma_wait3A_171 = arith.constant 0 : i32
    %dma_wait3A_172 = tpu.memref_slice %arg6[%dma_wait3A_170, %dma_wait3A_171] : memref<80x125xi32, #tpu.memory_space<vmem>> -> memref<1x125xi32, #tpu.memory_space<vmem>>
    %dma_wait3A_173 = tpu.memref_squeeze %dma_wait3A_172 : memref<1x125xi32, #tpu.memory_space<vmem>> -> memref<125xi32, #tpu.memory_space<vmem>>
    %dma_wait3A_174 = arith.constant 0 : i32
    %dma_wait3A_175 = arith.constant 0 : i32
    %dma_wait3A_176 = tpu.memref_slice %arg2[%dma_wait3A_174, %dma_wait3A_175] : memref<10000x64xf32, #tpu.memory_space<hbm>> -> memref<10000x64xf32, #tpu.memory_space<hbm>>
    tpu.wait_indirect_dma semaphore(%arg23 : memref<!tpu.dma_semaphore, #tpu.memory_space<semaphore_mem>>) src(%dma_wait3A_176 : memref<10000x64xf32, #tpu.memory_space<hbm>>) dst(%arg14 : memref<125x64xf32, #tpu.memory_space<vmem>>)
    %dma_start3A_177 = arith.constant 6 : i32
    %dma_start3A_178 = arith.constant 0 : i32
    %dma_start3A_179 = tpu.memref_slice %arg7[%dma_start3A_177, %dma_start3A_178] : memref<80x125xi32, #tpu.memory_space<vmem>> -> memref<1x125xi32, #tpu.memory_space<vmem>>
    %dma_start3A_180 = tpu.memref_squeeze %dma_start3A_179 : memref<1x125xi32, #tpu.memory_space<vmem>> -> memref<125xi32, #tpu.memory_space<vmem>>
    %dma_start3A_181 = arith.constant 0 : i32
    %dma_start3A_182 = arith.constant 0 : i32
    %dma_start3A_183 = tpu.memref_slice %arg16[%dma_start3A_181, %dma_start3A_182] : memref<10112x64xf32, #tpu.memory_space<vmem_shared>> -> memref<10112x64xf32, #tpu.memory_space<vmem_shared>>
    tpu.enqueue_indirect_dma source(%arg14 : memref<125x64xf32, #tpu.memory_space<vmem>>) target(%dma_start3A_183 : memref<10112x64xf32, #tpu.memory_space<vmem_shared>>) offsets(%dma_start3A_180 : memref<125xi32, #tpu.memory_space<vmem>>) semaphore(%arg31 : memref<!tpu.dma_semaphore, #tpu.memory_space<semaphore_mem>>) {add = true}
    %dma_wait3A_184 = arith.constant 0 : i32
    %dma_wait3A_185 = arith.constant 0 : i32
    %dma_wait3A_186 = tpu.memref_slice %arg7[%dma_wait3A_184, %dma_wait3A_185] : memref<80x125xi32, #tpu.memory_space<vmem>> -> memref<1x125xi32, #tpu.memory_space<vmem>>
    %dma_wait3A_187 = tpu.memref_squeeze %dma_wait3A_186 : memref<1x125xi32, #tpu.memory_space<vmem>> -> memref<125xi32, #tpu.memory_space<vmem>>
    %dma_wait3A_188 = arith.constant 0 : i32
    %dma_wait3A_189 = arith.constant 0 : i32
    %dma_wait3A_190 = tpu.memref_slice %arg16[%dma_wait3A_188, %dma_wait3A_189] : memref<10112x64xf32, #tpu.memory_space<vmem_shared>> -> memref<10112x64xf32, #tpu.memory_space<vmem_shared>>
    tpu.wait_indirect_dma semaphore(%arg27 : memref<!tpu.dma_semaphore, #tpu.memory_space<semaphore_mem>>) src(%arg10 : memref<125x64xf32, #tpu.memory_space<vmem>>) dst(%dma_wait3A_190 : memref<10112x64xf32, #tpu.memory_space<vmem_shared>>)
    %dma_start3A_191 = arith.constant 10 : i32
    %dma_start3A_192 = arith.constant 0 : i32
    %dma_start3A_193 = tpu.memref_slice %arg6[%dma_start3A_191, %dma_start3A_192] : memref<80x125xi32, #tpu.memory_space<vmem>> -> memref<1x125xi32, #tpu.memory_space<vmem>>
    %dma_start3A_194 = tpu.memref_squeeze %dma_start3A_193 : memref<1x125xi32, #tpu.memory_space<vmem>> -> memref<125xi32, #tpu.memory_space<vmem>>
    %dma_start3A_195 = arith.constant 0 : i32
    %dma_start3A_196 = arith.constant 0 : i32
    %dma_start3A_197 = tpu.memref_slice %arg2[%dma_start3A_195, %dma_start3A_196] : memref<10000x64xf32, #tpu.memory_space<hbm>> -> memref<10000x64xf32, #tpu.memory_space<hbm>>
    tpu.enqueue_indirect_dma source(%dma_start3A_197 : memref<10000x64xf32, #tpu.memory_space<hbm>>) target(%arg10 : memref<125x64xf32, #tpu.memory_space<vmem>>) offsets(%dma_start3A_194 : memref<125xi32, #tpu.memory_space<vmem>>) semaphore(%arg19 : memref<!tpu.dma_semaphore, #tpu.memory_space<semaphore_mem>>)
    %dma_wait3A_198 = arith.constant 0 : i32
    %dma_wait3A_199 = arith.constant 0 : i32
    %dma_wait3A_200 = tpu.memref_slice %arg6[%dma_wait3A_198, %dma_wait3A_199] : memref<80x125xi32, #tpu.memory_space<vmem>> -> memref<1x125xi32, #tpu.memory_space<vmem>>
    %dma_wait3A_201 = tpu.memref_squeeze %dma_wait3A_200 : memref<1x125xi32, #tpu.memory_space<vmem>> -> memref<125xi32, #tpu.memory_space<vmem>>
    %dma_wait3A_202 = arith.constant 0 : i32
    %dma_wait3A_203 = arith.constant 0 : i32
    %dma_wait3A_204 = tpu.memref_slice %arg2[%dma_wait3A_202, %dma_wait3A_203] : memref<10000x64xf32, #tpu.memory_space<hbm>> -> memref<10000x64xf32, #tpu.memory_space<hbm>>
    tpu.wait_indirect_dma semaphore(%arg24 : memref<!tpu.dma_semaphore, #tpu.memory_space<semaphore_mem>>) src(%dma_wait3A_204 : memref<10000x64xf32, #tpu.memory_space<hbm>>) dst(%arg15 : memref<125x64xf32, #tpu.memory_space<vmem>>)
    %dma_start3A_205 = arith.constant 7 : i32
    %dma_start3A_206 = arith.constant 0 : i32
    %dma_start3A_207 = tpu.memref_slice %arg7[%dma_start3A_205, %dma_start3A_206] : memref<80x125xi32, #tpu.memory_space<vmem>> -> memref<1x125xi32, #tpu.memory_space<vmem>>
    %dma_start3A_208 = tpu.memref_squeeze %dma_start3A_207 : memref<1x125xi32, #tpu.memory_space<vmem>> -> memref<125xi32, #tpu.memory_space<vmem>>
    %dma_start3A_209 = arith.constant 0 : i32
    %dma_start3A_210 = arith.constant 0 : i32
    %dma_start3A_211 = tpu.memref_slice %arg16[%dma_start3A_209, %dma_start3A_210] : memref<10112x64xf32, #tpu.memory_space<vmem_shared>> -> memref<10112x64xf32, #tpu.memory_space<vmem_shared>>
    tpu.enqueue_indirect_dma source(%arg15 : memref<125x64xf32, #tpu.memory_space<vmem>>) target(%dma_start3A_211 : memref<10112x64xf32, #tpu.memory_space<vmem_shared>>) offsets(%dma_start3A_208 : memref<125xi32, #tpu.memory_space<vmem>>) semaphore(%arg32 : memref<!tpu.dma_semaphore, #tpu.memory_space<semaphore_mem>>) {add = true}
    %dma_wait3A_212 = arith.constant 0 : i32
    %dma_wait3A_213 = arith.constant 0 : i32
    %dma_wait3A_214 = tpu.memref_slice %arg7[%dma_wait3A_212, %dma_wait3A_213] : memref<80x125xi32, #tpu.memory_space<vmem>> -> memref<1x125xi32, #tpu.memory_space<vmem>>
    %dma_wait3A_215 = tpu.memref_squeeze %dma_wait3A_214 : memref<1x125xi32, #tpu.memory_space<vmem>> -> memref<125xi32, #tpu.memory_space<vmem>>
    %dma_wait3A_216 = arith.constant 0 : i32
    %dma_wait3A_217 = arith.constant 0 : i32
    %dma_wait3A_218 = tpu.memref_slice %arg16[%dma_wait3A_216, %dma_wait3A_217] : memref<10112x64xf32, #tpu.memory_space<vmem_shared>> -> memref<10112x64xf32, #tpu.memory_space<vmem_shared>>
    tpu.wait_indirect_dma semaphore(%arg28 : memref<!tpu.dma_semaphore, #tpu.memory_space<semaphore_mem>>) src(%arg11 : memref<125x64xf32, #tpu.memory_space<vmem>>) dst(%dma_wait3A_218 : memref<10112x64xf32, #tpu.memory_space<vmem_shared>>)
    %dma_start3A_219 = arith.constant 11 : i32
    %dma_start3A_220 = arith.constant 0 : i32
    %dma_start3A_221 = tpu.memref_slice %arg6[%dma_start3A_219, %dma_start3A_220] : memref<80x125xi32, #tpu.memory_space<vmem>> -> memref<1x125xi32, #tpu.memory_space<vmem>>
    %dma_start3A_222 = tpu.memref_squeeze %dma_start3A_221 : memref<1x125xi32, #tpu.memory_space<vmem>> -> memref<125xi32, #tpu.memory_space<vmem>>
    %dma_start3A_223 = arith.constant 0 : i32
    %dma_start3A_224 = arith.constant 0 : i32
    %dma_start3A_225 = tpu.memref_slice %arg2[%dma_start3A_223, %dma_start3A_224] : memref<10000x64xf32, #tpu.memory_space<hbm>> -> memref<10000x64xf32, #tpu.memory_space<hbm>>
    tpu.enqueue_indirect_dma source(%dma_start3A_225 : memref<10000x64xf32, #tpu.memory_space<hbm>>) target(%arg11 : memref<125x64xf32, #tpu.memory_space<vmem>>) offsets(%dma_start3A_222 : memref<125xi32, #tpu.memory_space<vmem>>) semaphore(%arg20 : memref<!tpu.dma_semaphore, #tpu.memory_space<semaphore_mem>>)
    %scan3A = arith.constant 0 : i32
    %scan3A_226 = arith.constant 1 : i32
    %scan3A_227 = arith.constant 8 : i32
    %scan3A_228 = arith.addi %scan3A_226, %scan3A_227 : i32
    %scan3A_229 = arith.constant 1 : i32
    scf.for %scan3A_462 = %scan3A_226 to %scan3A_228 step %scan3A_229  : i32 {
      %mul3A_463 = arith.constant 8 : i32
      %mul3A_464 = arith.muli %mul3A_463, %scan3A_462 : i32
      %dma_wait3A_465 = arith.constant 0 : i32
      %dma_wait3A_466 = arith.constant 0 : i32
      %dma_wait3A_467 = tpu.memref_slice %arg6[%dma_wait3A_465, %dma_wait3A_466] : memref<80x125xi32, #tpu.memory_space<vmem>> -> memref<1x125xi32, #tpu.memory_space<vmem>>
      %dma_wait3A_468 = tpu.memref_squeeze %dma_wait3A_467 : memref<1x125xi32, #tpu.memory_space<vmem>> -> memref<125xi32, #tpu.memory_space<vmem>>
      %dma_wait3A_469 = arith.constant 0 : i32
      %dma_wait3A_470 = arith.constant 0 : i32
      %dma_wait3A_471 = tpu.memref_slice %arg2[%dma_wait3A_469, %dma_wait3A_470] : memref<10000x64xf32, #tpu.memory_space<hbm>> -> memref<10000x64xf32, #tpu.memory_space<hbm>>
      tpu.wait_indirect_dma semaphore(%arg17 : memref<!tpu.dma_semaphore, #tpu.memory_space<semaphore_mem>>) src(%dma_wait3A_471 : memref<10000x64xf32, #tpu.memory_space<hbm>>) dst(%arg8 : memref<125x64xf32, #tpu.memory_space<vmem>>)
      %add3A_472 = arith.constant 0 : i32
      %add3A_473 = arith.addi %mul3A_464, %add3A_472 : i32
      %dma_start3A_474 = arith.constant 0 : i32
      %dma_start3A_475 = tpu.memref_slice %arg7[%add3A_473, %dma_start3A_474] : memref<80x125xi32, #tpu.memory_space<vmem>> -> memref<1x125xi32, #tpu.memory_space<vmem>>
      %dma_start3A_476 = tpu.memref_squeeze %dma_start3A_475 : memref<1x125xi32, #tpu.memory_space<vmem>> -> memref<125xi32, #tpu.memory_space<vmem>>
      %dma_start3A_477 = arith.constant 0 : i32
      %dma_start3A_478 = arith.constant 0 : i32
      %dma_start3A_479 = tpu.memref_slice %arg16[%dma_start3A_477, %dma_start3A_478] : memref<10112x64xf32, #tpu.memory_space<vmem_shared>> -> memref<10112x64xf32, #tpu.memory_space<vmem_shared>>
      tpu.enqueue_indirect_dma source(%arg8 : memref<125x64xf32, #tpu.memory_space<vmem>>) target(%dma_start3A_479 : memref<10112x64xf32, #tpu.memory_space<vmem_shared>>) offsets(%dma_start3A_476 : memref<125xi32, #tpu.memory_space<vmem>>) semaphore(%arg25 : memref<!tpu.dma_semaphore, #tpu.memory_space<semaphore_mem>>) {add = true}
      %dma_wait3A_480 = arith.constant 0 : i32
      %dma_wait3A_481 = arith.constant 0 : i32
      %dma_wait3A_482 = tpu.memref_slice %arg7[%dma_wait3A_480, %dma_wait3A_481] : memref<80x125xi32, #tpu.memory_space<vmem>> -> memref<1x125xi32, #tpu.memory_space<vmem>>
      %dma_wait3A_483 = tpu.memref_squeeze %dma_wait3A_482 : memref<1x125xi32, #tpu.memory_space<vmem>> -> memref<125xi32, #tpu.memory_space<vmem>>
      %dma_wait3A_484 = arith.constant 0 : i32
      %dma_wait3A_485 = arith.constant 0 : i32
      %dma_wait3A_486 = tpu.memref_slice %arg16[%dma_wait3A_484, %dma_wait3A_485] : memref<10112x64xf32, #tpu.memory_space<vmem_shared>> -> memref<10112x64xf32, #tpu.memory_space<vmem_shared>>
      tpu.wait_indirect_dma semaphore(%arg29 : memref<!tpu.dma_semaphore, #tpu.memory_space<semaphore_mem>>) src(%arg12 : memref<125x64xf32, #tpu.memory_space<vmem>>) dst(%dma_wait3A_486 : memref<10112x64xf32, #tpu.memory_space<vmem_shared>>)
      %add3A_487 = arith.constant 0 : i32
      %add3A_488 = arith.addi %mul3A_464, %add3A_487 : i32
      %add3A_489 = arith.constant 4 : i32
      %add3A_490 = arith.addi %add3A_488, %add3A_489 : i32
      %dma_start3A_491 = arith.constant 0 : i32
      %dma_start3A_492 = tpu.memref_slice %arg6[%add3A_490, %dma_start3A_491] : memref<80x125xi32, #tpu.memory_space<vmem>> -> memref<1x125xi32, #tpu.memory_space<vmem>>
      %dma_start3A_493 = tpu.memref_squeeze %dma_start3A_492 : memref<1x125xi32, #tpu.memory_space<vmem>> -> memref<125xi32, #tpu.memory_space<vmem>>
      %dma_start3A_494 = arith.constant 0 : i32
      %dma_start3A_495 = arith.constant 0 : i32
      %dma_start3A_496 = tpu.memref_slice %arg2[%dma_start3A_494, %dma_start3A_495] : memref<10000x64xf32, #tpu.memory_space<hbm>> -> memref<10000x64xf32, #tpu.memory_space<hbm>>
      tpu.enqueue_indirect_dma source(%dma_start3A_496 : memref<10000x64xf32, #tpu.memory_space<hbm>>) target(%arg12 : memref<125x64xf32, #tpu.memory_space<vmem>>) offsets(%dma_start3A_493 : memref<125xi32, #tpu.memory_space<vmem>>) semaphore(%arg21 : memref<!tpu.dma_semaphore, #tpu.memory_space<semaphore_mem>>)
      %dma_wait3A_497 = arith.constant 0 : i32
      %dma_wait3A_498 = arith.constant 0 : i32
      %dma_wait3A_499 = tpu.memref_slice %arg6[%dma_wait3A_497, %dma_wait3A_498] : memref<80x125xi32, #tpu.memory_space<vmem>> -> memref<1x125xi32, #tpu.memory_space<vmem>>
      %dma_wait3A_500 = tpu.memref_squeeze %dma_wait3A_499 : memref<1x125xi32, #tpu.memory_space<vmem>> -> memref<125xi32, #tpu.memory_space<vmem>>
      %dma_wait3A_501 = arith.constant 0 : i32
      %dma_wait3A_502 = arith.constant 0 : i32
      %dma_wait3A_503 = tpu.memref_slice %arg2[%dma_wait3A_501, %dma_wait3A_502] : memref<10000x64xf32, #tpu.memory_space<hbm>> -> memref<10000x64xf32, #tpu.memory_space<hbm>>
      tpu.wait_indirect_dma semaphore(%arg18 : memref<!tpu.dma_semaphore, #tpu.memory_space<semaphore_mem>>) src(%dma_wait3A_503 : memref<10000x64xf32, #tpu.memory_space<hbm>>) dst(%arg9 : memref<125x64xf32, #tpu.memory_space<vmem>>)
      %add3A_504 = arith.constant 1 : i32
      %add3A_505 = arith.addi %mul3A_464, %add3A_504 : i32
      %dma_start3A_506 = arith.constant 0 : i32
      %dma_start3A_507 = tpu.memref_slice %arg7[%add3A_505, %dma_start3A_506] : memref<80x125xi32, #tpu.memory_space<vmem>> -> memref<1x125xi32, #tpu.memory_space<vmem>>
      %dma_start3A_508 = tpu.memref_squeeze %dma_start3A_507 : memref<1x125xi32, #tpu.memory_space<vmem>> -> memref<125xi32, #tpu.memory_space<vmem>>
      %dma_start3A_509 = arith.constant 0 : i32
      %dma_start3A_510 = arith.constant 0 : i32
      %dma_start3A_511 = tpu.memref_slice %arg16[%dma_start3A_509, %dma_start3A_510] : memref<10112x64xf32, #tpu.memory_space<vmem_shared>> -> memref<10112x64xf32, #tpu.memory_space<vmem_shared>>
      tpu.enqueue_indirect_dma source(%arg9 : memref<125x64xf32, #tpu.memory_space<vmem>>) target(%dma_start3A_511 : memref<10112x64xf32, #tpu.memory_space<vmem_shared>>) offsets(%dma_start3A_508 : memref<125xi32, #tpu.memory_space<vmem>>) semaphore(%arg26 : memref<!tpu.dma_semaphore, #tpu.memory_space<semaphore_mem>>) {add = true}
      %dma_wait3A_512 = arith.constant 0 : i32
      %dma_wait3A_513 = arith.constant 0 : i32
      %dma_wait3A_514 = tpu.memref_slice %arg7[%dma_wait3A_512, %dma_wait3A_513] : memref<80x125xi32, #tpu.memory_space<vmem>> -> memref<1x125xi32, #tpu.memory_space<vmem>>
      %dma_wait3A_515 = tpu.memref_squeeze %dma_wait3A_514 : memref<1x125xi32, #tpu.memory_space<vmem>> -> memref<125xi32, #tpu.memory_space<vmem>>
      %dma_wait3A_516 = arith.constant 0 : i32
      %dma_wait3A_517 = arith.constant 0 : i32
      %dma_wait3A_518 = tpu.memref_slice %arg16[%dma_wait3A_516, %dma_wait3A_517] : memref<10112x64xf32, #tpu.memory_space<vmem_shared>> -> memref<10112x64xf32, #tpu.memory_space<vmem_shared>>
      tpu.wait_indirect_dma semaphore(%arg30 : memref<!tpu.dma_semaphore, #tpu.memory_space<semaphore_mem>>) src(%arg13 : memref<125x64xf32, #tpu.memory_space<vmem>>) dst(%dma_wait3A_518 : memref<10112x64xf32, #tpu.memory_space<vmem_shared>>)
      %add3A_519 = arith.constant 1 : i32
      %add3A_520 = arith.addi %mul3A_464, %add3A_519 : i32
      %add3A_521 = arith.constant 4 : i32
      %add3A_522 = arith.addi %add3A_520, %add3A_521 : i32
      %dma_start3A_523 = arith.constant 0 : i32
      %dma_start3A_524 = tpu.memref_slice %arg6[%add3A_522, %dma_start3A_523] : memref<80x125xi32, #tpu.memory_space<vmem>> -> memref<1x125xi32, #tpu.memory_space<vmem>>
      %dma_start3A_525 = tpu.memref_squeeze %dma_start3A_524 : memref<1x125xi32, #tpu.memory_space<vmem>> -> memref<125xi32, #tpu.memory_space<vmem>>
      %dma_start3A_526 = arith.constant 0 : i32
      %dma_start3A_527 = arith.constant 0 : i32
      %dma_start3A_528 = tpu.memref_slice %arg2[%dma_start3A_526, %dma_start3A_527] : memref<10000x64xf32, #tpu.memory_space<hbm>> -> memref<10000x64xf32, #tpu.memory_space<hbm>>
      tpu.enqueue_indirect_dma source(%dma_start3A_528 : memref<10000x64xf32, #tpu.memory_space<hbm>>) target(%arg13 : memref<125x64xf32, #tpu.memory_space<vmem>>) offsets(%dma_start3A_525 : memref<125xi32, #tpu.memory_space<vmem>>) semaphore(%arg22 : memref<!tpu.dma_semaphore, #tpu.memory_space<semaphore_mem>>)
      %dma_wait3A_529 = arith.constant 0 : i32
      %dma_wait3A_530 = arith.constant 0 : i32
      %dma_wait3A_531 = tpu.memref_slice %arg6[%dma_wait3A_529, %dma_wait3A_530] : memref<80x125xi32, #tpu.memory_space<vmem>> -> memref<1x125xi32, #tpu.memory_space<vmem>>
      %dma_wait3A_532 = tpu.memref_squeeze %dma_wait3A_531 : memref<1x125xi32, #tpu.memory_space<vmem>> -> memref<125xi32, #tpu.memory_space<vmem>>
      %dma_wait3A_533 = arith.constant 0 : i32
      %dma_wait3A_534 = arith.constant 0 : i32
      %dma_wait3A_535 = tpu.memref_slice %arg2[%dma_wait3A_533, %dma_wait3A_534] : memref<10000x64xf32, #tpu.memory_space<hbm>> -> memref<10000x64xf32, #tpu.memory_space<hbm>>
      tpu.wait_indirect_dma semaphore(%arg19 : memref<!tpu.dma_semaphore, #tpu.memory_space<semaphore_mem>>) src(%dma_wait3A_535 : memref<10000x64xf32, #tpu.memory_space<hbm>>) dst(%arg10 : memref<125x64xf32, #tpu.memory_space<vmem>>)
      %add3A_536 = arith.constant 2 : i32
      %add3A_537 = arith.addi %mul3A_464, %add3A_536 : i32
      %dma_start3A_538 = arith.constant 0 : i32
      %dma_start3A_539 = tpu.memref_slice %arg7[%add3A_537, %dma_start3A_538] : memref<80x125xi32, #tpu.memory_space<vmem>> -> memref<1x125xi32, #tpu.memory_space<vmem>>
      %dma_start3A_540 = tpu.memref_squeeze %dma_start3A_539 : memref<1x125xi32, #tpu.memory_space<vmem>> -> memref<125xi32, #tpu.memory_space<vmem>>
      %dma_start3A_541 = arith.constant 0 : i32
      %dma_start3A_542 = arith.constant 0 : i32
      %dma_start3A_543 = tpu.memref_slice %arg16[%dma_start3A_541, %dma_start3A_542] : memref<10112x64xf32, #tpu.memory_space<vmem_shared>> -> memref<10112x64xf32, #tpu.memory_space<vmem_shared>>
      tpu.enqueue_indirect_dma source(%arg10 : memref<125x64xf32, #tpu.memory_space<vmem>>) target(%dma_start3A_543 : memref<10112x64xf32, #tpu.memory_space<vmem_shared>>) offsets(%dma_start3A_540 : memref<125xi32, #tpu.memory_space<vmem>>) semaphore(%arg27 : memref<!tpu.dma_semaphore, #tpu.memory_space<semaphore_mem>>) {add = true}
      %dma_wait3A_544 = arith.constant 0 : i32
      %dma_wait3A_545 = arith.constant 0 : i32
      %dma_wait3A_546 = tpu.memref_slice %arg7[%dma_wait3A_544, %dma_wait3A_545] : memref<80x125xi32, #tpu.memory_space<vmem>> -> memref<1x125xi32, #tpu.memory_space<vmem>>
      %dma_wait3A_547 = tpu.memref_squeeze %dma_wait3A_546 : memref<1x125xi32, #tpu.memory_space<vmem>> -> memref<125xi32, #tpu.memory_space<vmem>>
      %dma_wait3A_548 = arith.constant 0 : i32
      %dma_wait3A_549 = arith.constant 0 : i32
      %dma_wait3A_550 = tpu.memref_slice %arg16[%dma_wait3A_548, %dma_wait3A_549] : memref<10112x64xf32, #tpu.memory_space<vmem_shared>> -> memref<10112x64xf32, #tpu.memory_space<vmem_shared>>
      tpu.wait_indirect_dma semaphore(%arg31 : memref<!tpu.dma_semaphore, #tpu.memory_space<semaphore_mem>>) src(%arg14 : memref<125x64xf32, #tpu.memory_space<vmem>>) dst(%dma_wait3A_550 : memref<10112x64xf32, #tpu.memory_space<vmem_shared>>)
      %add3A_551 = arith.constant 2 : i32
      %add3A_552 = arith.addi %mul3A_464, %add3A_551 : i32
      %add3A_553 = arith.constant 4 : i32
      %add3A_554 = arith.addi %add3A_552, %add3A_553 : i32
      %dma_start3A_555 = arith.constant 0 : i32
      %dma_start3A_556 = tpu.memref_slice %arg6[%add3A_554, %dma_start3A_555] : memref<80x125xi32, #tpu.memory_space<vmem>> -> memref<1x125xi32, #tpu.memory_space<vmem>>
      %dma_start3A_557 = tpu.memref_squeeze %dma_start3A_556 : memref<1x125xi32, #tpu.memory_space<vmem>> -> memref<125xi32, #tpu.memory_space<vmem>>
      %dma_start3A_558 = arith.constant 0 : i32
      %dma_start3A_559 = arith.constant 0 : i32
      %dma_start3A_560 = tpu.memref_slice %arg2[%dma_start3A_558, %dma_start3A_559] : memref<10000x64xf32, #tpu.memory_space<hbm>> -> memref<10000x64xf32, #tpu.memory_space<hbm>>
      tpu.enqueue_indirect_dma source(%dma_start3A_560 : memref<10000x64xf32, #tpu.memory_space<hbm>>) target(%arg14 : memref<125x64xf32, #tpu.memory_space<vmem>>) offsets(%dma_start3A_557 : memref<125xi32, #tpu.memory_space<vmem>>) semaphore(%arg23 : memref<!tpu.dma_semaphore, #tpu.memory_space<semaphore_mem>>)
      %dma_wait3A_561 = arith.constant 0 : i32
      %dma_wait3A_562 = arith.constant 0 : i32
      %dma_wait3A_563 = tpu.memref_slice %arg6[%dma_wait3A_561, %dma_wait3A_562] : memref<80x125xi32, #tpu.memory_space<vmem>> -> memref<1x125xi32, #tpu.memory_space<vmem>>
      %dma_wait3A_564 = tpu.memref_squeeze %dma_wait3A_563 : memref<1x125xi32, #tpu.memory_space<vmem>> -> memref<125xi32, #tpu.memory_space<vmem>>
      %dma_wait3A_565 = arith.constant 0 : i32
      %dma_wait3A_566 = arith.constant 0 : i32
      %dma_wait3A_567 = tpu.memref_slice %arg2[%dma_wait3A_565, %dma_wait3A_566] : memref<10000x64xf32, #tpu.memory_space<hbm>> -> memref<10000x64xf32, #tpu.memory_space<hbm>>
      tpu.wait_indirect_dma semaphore(%arg20 : memref<!tpu.dma_semaphore, #tpu.memory_space<semaphore_mem>>) src(%dma_wait3A_567 : memref<10000x64xf32, #tpu.memory_space<hbm>>) dst(%arg11 : memref<125x64xf32, #tpu.memory_space<vmem>>)
      %add3A_568 = arith.constant 3 : i32
      %add3A_569 = arith.addi %mul3A_464, %add3A_568 : i32
      %dma_start3A_570 = arith.constant 0 : i32
      %dma_start3A_571 = tpu.memref_slice %arg7[%add3A_569, %dma_start3A_570] : memref<80x125xi32, #tpu.memory_space<vmem>> -> memref<1x125xi32, #tpu.memory_space<vmem>>
      %dma_start3A_572 = tpu.memref_squeeze %dma_start3A_571 : memref<1x125xi32, #tpu.memory_space<vmem>> -> memref<125xi32, #tpu.memory_space<vmem>>
      %dma_start3A_573 = arith.constant 0 : i32
      %dma_start3A_574 = arith.constant 0 : i32
      %dma_start3A_575 = tpu.memref_slice %arg16[%dma_start3A_573, %dma_start3A_574] : memref<10112x64xf32, #tpu.memory_space<vmem_shared>> -> memref<10112x64xf32, #tpu.memory_space<vmem_shared>>
      tpu.enqueue_indirect_dma source(%arg11 : memref<125x64xf32, #tpu.memory_space<vmem>>) target(%dma_start3A_575 : memref<10112x64xf32, #tpu.memory_space<vmem_shared>>) offsets(%dma_start3A_572 : memref<125xi32, #tpu.memory_space<vmem>>) semaphore(%arg28 : memref<!tpu.dma_semaphore, #tpu.memory_space<semaphore_mem>>) {add = true}
      %dma_wait3A_576 = arith.constant 0 : i32
      %dma_wait3A_577 = arith.constant 0 : i32
      %dma_wait3A_578 = tpu.memref_slice %arg7[%dma_wait3A_576, %dma_wait3A_577] : memref<80x125xi32, #tpu.memory_space<vmem>> -> memref<1x125xi32, #tpu.memory_space<vmem>>
      %dma_wait3A_579 = tpu.memref_squeeze %dma_wait3A_578 : memref<1x125xi32, #tpu.memory_space<vmem>> -> memref<125xi32, #tpu.memory_space<vmem>>
      %dma_wait3A_580 = arith.constant 0 : i32
      %dma_wait3A_581 = arith.constant 0 : i32
      %dma_wait3A_582 = tpu.memref_slice %arg16[%dma_wait3A_580, %dma_wait3A_581] : memref<10112x64xf32, #tpu.memory_space<vmem_shared>> -> memref<10112x64xf32, #tpu.memory_space<vmem_shared>>
      tpu.wait_indirect_dma semaphore(%arg32 : memref<!tpu.dma_semaphore, #tpu.memory_space<semaphore_mem>>) src(%arg15 : memref<125x64xf32, #tpu.memory_space<vmem>>) dst(%dma_wait3A_582 : memref<10112x64xf32, #tpu.memory_space<vmem_shared>>)
      %add3A_583 = arith.constant 3 : i32
      %add3A_584 = arith.addi %mul3A_464, %add3A_583 : i32
      %add3A_585 = arith.constant 4 : i32
      %add3A_586 = arith.addi %add3A_584, %add3A_585 : i32
      %dma_start3A_587 = arith.constant 0 : i32
      %dma_start3A_588 = tpu.memref_slice %arg6[%add3A_586, %dma_start3A_587] : memref<80x125xi32, #tpu.memory_space<vmem>> -> memref<1x125xi32, #tpu.memory_space<vmem>>
      %dma_start3A_589 = tpu.memref_squeeze %dma_start3A_588 : memref<1x125xi32, #tpu.memory_space<vmem>> -> memref<125xi32, #tpu.memory_space<vmem>>
      %dma_start3A_590 = arith.constant 0 : i32
      %dma_start3A_591 = arith.constant 0 : i32
      %dma_start3A_592 = tpu.memref_slice %arg2[%dma_start3A_590, %dma_start3A_591] : memref<10000x64xf32, #tpu.memory_space<hbm>> -> memref<10000x64xf32, #tpu.memory_space<hbm>>
      tpu.enqueue_indirect_dma source(%dma_start3A_592 : memref<10000x64xf32, #tpu.memory_space<hbm>>) target(%arg15 : memref<125x64xf32, #tpu.memory_space<vmem>>) offsets(%dma_start3A_589 : memref<125xi32, #tpu.memory_space<vmem>>) semaphore(%arg24 : memref<!tpu.dma_semaphore, #tpu.memory_space<semaphore_mem>>)
      %dma_wait3A_593 = arith.constant 0 : i32
      %dma_wait3A_594 = arith.constant 0 : i32
      %dma_wait3A_595 = tpu.memref_slice %arg6[%dma_wait3A_593, %dma_wait3A_594] : memref<80x125xi32, #tpu.memory_space<vmem>> -> memref<1x125xi32, #tpu.memory_space<vmem>>
      %dma_wait3A_596 = tpu.memref_squeeze %dma_wait3A_595 : memref<1x125xi32, #tpu.memory_space<vmem>> -> memref<125xi32, #tpu.memory_space<vmem>>
      %dma_wait3A_597 = arith.constant 0 : i32
      %dma_wait3A_598 = arith.constant 0 : i32
      %dma_wait3A_599 = tpu.memref_slice %arg2[%dma_wait3A_597, %dma_wait3A_598] : memref<10000x64xf32, #tpu.memory_space<hbm>> -> memref<10000x64xf32, #tpu.memory_space<hbm>>
      tpu.wait_indirect_dma semaphore(%arg21 : memref<!tpu.dma_semaphore, #tpu.memory_space<semaphore_mem>>) src(%dma_wait3A_599 : memref<10000x64xf32, #tpu.memory_space<hbm>>) dst(%arg12 : memref<125x64xf32, #tpu.memory_space<vmem>>)
      %add3A_600 = arith.constant 4 : i32
      %add3A_601 = arith.addi %mul3A_464, %add3A_600 : i32
      %dma_start3A_602 = arith.constant 0 : i32
      %dma_start3A_603 = tpu.memref_slice %arg7[%add3A_601, %dma_start3A_602] : memref<80x125xi32, #tpu.memory_space<vmem>> -> memref<1x125xi32, #tpu.memory_space<vmem>>
      %dma_start3A_604 = tpu.memref_squeeze %dma_start3A_603 : memref<1x125xi32, #tpu.memory_space<vmem>> -> memref<125xi32, #tpu.memory_space<vmem>>
      %dma_start3A_605 = arith.constant 0 : i32
      %dma_start3A_606 = arith.constant 0 : i32
      %dma_start3A_607 = tpu.memref_slice %arg16[%dma_start3A_605, %dma_start3A_606] : memref<10112x64xf32, #tpu.memory_space<vmem_shared>> -> memref<10112x64xf32, #tpu.memory_space<vmem_shared>>
      tpu.enqueue_indirect_dma source(%arg12 : memref<125x64xf32, #tpu.memory_space<vmem>>) target(%dma_start3A_607 : memref<10112x64xf32, #tpu.memory_space<vmem_shared>>) offsets(%dma_start3A_604 : memref<125xi32, #tpu.memory_space<vmem>>) semaphore(%arg29 : memref<!tpu.dma_semaphore, #tpu.memory_space<semaphore_mem>>) {add = true}
      %dma_wait3A_608 = arith.constant 0 : i32
      %dma_wait3A_609 = arith.constant 0 : i32
      %dma_wait3A_610 = tpu.memref_slice %arg7[%dma_wait3A_608, %dma_wait3A_609] : memref<80x125xi32, #tpu.memory_space<vmem>> -> memref<1x125xi32, #tpu.memory_space<vmem>>
      %dma_wait3A_611 = tpu.memref_squeeze %dma_wait3A_610 : memref<1x125xi32, #tpu.memory_space<vmem>> -> memref<125xi32, #tpu.memory_space<vmem>>
      %dma_wait3A_612 = arith.constant 0 : i32
      %dma_wait3A_613 = arith.constant 0 : i32
      %dma_wait3A_614 = tpu.memref_slice %arg16[%dma_wait3A_612, %dma_wait3A_613] : memref<10112x64xf32, #tpu.memory_space<vmem_shared>> -> memref<10112x64xf32, #tpu.memory_space<vmem_shared>>
      tpu.wait_indirect_dma semaphore(%arg25 : memref<!tpu.dma_semaphore, #tpu.memory_space<semaphore_mem>>) src(%arg8 : memref<125x64xf32, #tpu.memory_space<vmem>>) dst(%dma_wait3A_614 : memref<10112x64xf32, #tpu.memory_space<vmem_shared>>)
      %add3A_615 = arith.constant 4 : i32
      %add3A_616 = arith.addi %mul3A_464, %add3A_615 : i32
      %add3A_617 = arith.constant 4 : i32
      %add3A_618 = arith.addi %add3A_616, %add3A_617 : i32
      %dma_start3A_619 = arith.constant 0 : i32
      %dma_start3A_620 = tpu.memref_slice %arg6[%add3A_618, %dma_start3A_619] : memref<80x125xi32, #tpu.memory_space<vmem>> -> memref<1x125xi32, #tpu.memory_space<vmem>>
      %dma_start3A_621 = tpu.memref_squeeze %dma_start3A_620 : memref<1x125xi32, #tpu.memory_space<vmem>> -> memref<125xi32, #tpu.memory_space<vmem>>
      %dma_start3A_622 = arith.constant 0 : i32
      %dma_start3A_623 = arith.constant 0 : i32
      %dma_start3A_624 = tpu.memref_slice %arg2[%dma_start3A_622, %dma_start3A_623] : memref<10000x64xf32, #tpu.memory_space<hbm>> -> memref<10000x64xf32, #tpu.memory_space<hbm>>
      tpu.enqueue_indirect_dma source(%dma_start3A_624 : memref<10000x64xf32, #tpu.memory_space<hbm>>) target(%arg8 : memref<125x64xf32, #tpu.memory_space<vmem>>) offsets(%dma_start3A_621 : memref<125xi32, #tpu.memory_space<vmem>>) semaphore(%arg17 : memref<!tpu.dma_semaphore, #tpu.memory_space<semaphore_mem>>)
      %dma_wait3A_625 = arith.constant 0 : i32
      %dma_wait3A_626 = arith.constant 0 : i32
      %dma_wait3A_627 = tpu.memref_slice %arg6[%dma_wait3A_625, %dma_wait3A_626] : memref<80x125xi32, #tpu.memory_space<vmem>> -> memref<1x125xi32, #tpu.memory_space<vmem>>
      %dma_wait3A_628 = tpu.memref_squeeze %dma_wait3A_627 : memref<1x125xi32, #tpu.memory_space<vmem>> -> memref<125xi32, #tpu.memory_space<vmem>>
      %dma_wait3A_629 = arith.constant 0 : i32
      %dma_wait3A_630 = arith.constant 0 : i32
      %dma_wait3A_631 = tpu.memref_slice %arg2[%dma_wait3A_629, %dma_wait3A_630] : memref<10000x64xf32, #tpu.memory_space<hbm>> -> memref<10000x64xf32, #tpu.memory_space<hbm>>
      tpu.wait_indirect_dma semaphore(%arg22 : memref<!tpu.dma_semaphore, #tpu.memory_space<semaphore_mem>>) src(%dma_wait3A_631 : memref<10000x64xf32, #tpu.memory_space<hbm>>) dst(%arg13 : memref<125x64xf32, #tpu.memory_space<vmem>>)
      %add3A_632 = arith.constant 5 : i32
      %add3A_633 = arith.addi %mul3A_464, %add3A_632 : i32
      %dma_start3A_634 = arith.constant 0 : i32
      %dma_start3A_635 = tpu.memref_slice %arg7[%add3A_633, %dma_start3A_634] : memref<80x125xi32, #tpu.memory_space<vmem>> -> memref<1x125xi32, #tpu.memory_space<vmem>>
      %dma_start3A_636 = tpu.memref_squeeze %dma_start3A_635 : memref<1x125xi32, #tpu.memory_space<vmem>> -> memref<125xi32, #tpu.memory_space<vmem>>
      %dma_start3A_637 = arith.constant 0 : i32
      %dma_start3A_638 = arith.constant 0 : i32
      %dma_start3A_639 = tpu.memref_slice %arg16[%dma_start3A_637, %dma_start3A_638] : memref<10112x64xf32, #tpu.memory_space<vmem_shared>> -> memref<10112x64xf32, #tpu.memory_space<vmem_shared>>
      tpu.enqueue_indirect_dma source(%arg13 : memref<125x64xf32, #tpu.memory_space<vmem>>) target(%dma_start3A_639 : memref<10112x64xf32, #tpu.memory_space<vmem_shared>>) offsets(%dma_start3A_636 : memref<125xi32, #tpu.memory_space<vmem>>) semaphore(%arg30 : memref<!tpu.dma_semaphore, #tpu.memory_space<semaphore_mem>>) {add = true}
      %dma_wait3A_640 = arith.constant 0 : i32
      %dma_wait3A_641 = arith.constant 0 : i32
      %dma_wait3A_642 = tpu.memref_slice %arg7[%dma_wait3A_640, %dma_wait3A_641] : memref<80x125xi32, #tpu.memory_space<vmem>> -> memref<1x125xi32, #tpu.memory_space<vmem>>
      %dma_wait3A_643 = tpu.memref_squeeze %dma_wait3A_642 : memref<1x125xi32, #tpu.memory_space<vmem>> -> memref<125xi32, #tpu.memory_space<vmem>>
      %dma_wait3A_644 = arith.constant 0 : i32
      %dma_wait3A_645 = arith.constant 0 : i32
      %dma_wait3A_646 = tpu.memref_slice %arg16[%dma_wait3A_644, %dma_wait3A_645] : memref<10112x64xf32, #tpu.memory_space<vmem_shared>> -> memref<10112x64xf32, #tpu.memory_space<vmem_shared>>
      tpu.wait_indirect_dma semaphore(%arg26 : memref<!tpu.dma_semaphore, #tpu.memory_space<semaphore_mem>>) src(%arg9 : memref<125x64xf32, #tpu.memory_space<vmem>>) dst(%dma_wait3A_646 : memref<10112x64xf32, #tpu.memory_space<vmem_shared>>)
      %add3A_647 = arith.constant 5 : i32
      %add3A_648 = arith.addi %mul3A_464, %add3A_647 : i32
      %add3A_649 = arith.constant 4 : i32
      %add3A_650 = arith.addi %add3A_648, %add3A_649 : i32
      %dma_start3A_651 = arith.constant 0 : i32
      %dma_start3A_652 = tpu.memref_slice %arg6[%add3A_650, %dma_start3A_651] : memref<80x125xi32, #tpu.memory_space<vmem>> -> memref<1x125xi32, #tpu.memory_space<vmem>>
      %dma_start3A_653 = tpu.memref_squeeze %dma_start3A_652 : memref<1x125xi32, #tpu.memory_space<vmem>> -> memref<125xi32, #tpu.memory_space<vmem>>
      %dma_start3A_654 = arith.constant 0 : i32
      %dma_start3A_655 = arith.constant 0 : i32
      %dma_start3A_656 = tpu.memref_slice %arg2[%dma_start3A_654, %dma_start3A_655] : memref<10000x64xf32, #tpu.memory_space<hbm>> -> memref<10000x64xf32, #tpu.memory_space<hbm>>
      tpu.enqueue_indirect_dma source(%dma_start3A_656 : memref<10000x64xf32, #tpu.memory_space<hbm>>) target(%arg9 : memref<125x64xf32, #tpu.memory_space<vmem>>) offsets(%dma_start3A_653 : memref<125xi32, #tpu.memory_space<vmem>>) semaphore(%arg18 : memref<!tpu.dma_semaphore, #tpu.memory_space<semaphore_mem>>)
      %dma_wait3A_657 = arith.constant 0 : i32
      %dma_wait3A_658 = arith.constant 0 : i32
      %dma_wait3A_659 = tpu.memref_slice %arg6[%dma_wait3A_657, %dma_wait3A_658] : memref<80x125xi32, #tpu.memory_space<vmem>> -> memref<1x125xi32, #tpu.memory_space<vmem>>
      %dma_wait3A_660 = tpu.memref_squeeze %dma_wait3A_659 : memref<1x125xi32, #tpu.memory_space<vmem>> -> memref<125xi32, #tpu.memory_space<vmem>>
      %dma_wait3A_661 = arith.constant 0 : i32
      %dma_wait3A_662 = arith.constant 0 : i32
      %dma_wait3A_663 = tpu.memref_slice %arg2[%dma_wait3A_661, %dma_wait3A_662] : memref<10000x64xf32, #tpu.memory_space<hbm>> -> memref<10000x64xf32, #tpu.memory_space<hbm>>
      tpu.wait_indirect_dma semaphore(%arg23 : memref<!tpu.dma_semaphore, #tpu.memory_space<semaphore_mem>>) src(%dma_wait3A_663 : memref<10000x64xf32, #tpu.memory_space<hbm>>) dst(%arg14 : memref<125x64xf32, #tpu.memory_space<vmem>>)
      %add3A_664 = arith.constant 6 : i32
      %add3A_665 = arith.addi %mul3A_464, %add3A_664 : i32
      %dma_start3A_666 = arith.constant 0 : i32
      %dma_start3A_667 = tpu.memref_slice %arg7[%add3A_665, %dma_start3A_666] : memref<80x125xi32, #tpu.memory_space<vmem>> -> memref<1x125xi32, #tpu.memory_space<vmem>>
      %dma_start3A_668 = tpu.memref_squeeze %dma_start3A_667 : memref<1x125xi32, #tpu.memory_space<vmem>> -> memref<125xi32, #tpu.memory_space<vmem>>
      %dma_start3A_669 = arith.constant 0 : i32
      %dma_start3A_670 = arith.constant 0 : i32
      %dma_start3A_671 = tpu.memref_slice %arg16[%dma_start3A_669, %dma_start3A_670] : memref<10112x64xf32, #tpu.memory_space<vmem_shared>> -> memref<10112x64xf32, #tpu.memory_space<vmem_shared>>
      tpu.enqueue_indirect_dma source(%arg14 : memref<125x64xf32, #tpu.memory_space<vmem>>) target(%dma_start3A_671 : memref<10112x64xf32, #tpu.memory_space<vmem_shared>>) offsets(%dma_start3A_668 : memref<125xi32, #tpu.memory_space<vmem>>) semaphore(%arg31 : memref<!tpu.dma_semaphore, #tpu.memory_space<semaphore_mem>>) {add = true}
      %dma_wait3A_672 = arith.constant 0 : i32
      %dma_wait3A_673 = arith.constant 0 : i32
      %dma_wait3A_674 = tpu.memref_slice %arg7[%dma_wait3A_672, %dma_wait3A_673] : memref<80x125xi32, #tpu.memory_space<vmem>> -> memref<1x125xi32, #tpu.memory_space<vmem>>
      %dma_wait3A_675 = tpu.memref_squeeze %dma_wait3A_674 : memref<1x125xi32, #tpu.memory_space<vmem>> -> memref<125xi32, #tpu.memory_space<vmem>>
      %dma_wait3A_676 = arith.constant 0 : i32
      %dma_wait3A_677 = arith.constant 0 : i32
      %dma_wait3A_678 = tpu.memref_slice %arg16[%dma_wait3A_676, %dma_wait3A_677] : memref<10112x64xf32, #tpu.memory_space<vmem_shared>> -> memref<10112x64xf32, #tpu.memory_space<vmem_shared>>
      tpu.wait_indirect_dma semaphore(%arg27 : memref<!tpu.dma_semaphore, #tpu.memory_space<semaphore_mem>>) src(%arg10 : memref<125x64xf32, #tpu.memory_space<vmem>>) dst(%dma_wait3A_678 : memref<10112x64xf32, #tpu.memory_space<vmem_shared>>)
      %add3A_679 = arith.constant 6 : i32
      %add3A_680 = arith.addi %mul3A_464, %add3A_679 : i32
      %add3A_681 = arith.constant 4 : i32
      %add3A_682 = arith.addi %add3A_680, %add3A_681 : i32
      %dma_start3A_683 = arith.constant 0 : i32
      %dma_start3A_684 = tpu.memref_slice %arg6[%add3A_682, %dma_start3A_683] : memref<80x125xi32, #tpu.memory_space<vmem>> -> memref<1x125xi32, #tpu.memory_space<vmem>>
      %dma_start3A_685 = tpu.memref_squeeze %dma_start3A_684 : memref<1x125xi32, #tpu.memory_space<vmem>> -> memref<125xi32, #tpu.memory_space<vmem>>
      %dma_start3A_686 = arith.constant 0 : i32
      %dma_start3A_687 = arith.constant 0 : i32
      %dma_start3A_688 = tpu.memref_slice %arg2[%dma_start3A_686, %dma_start3A_687] : memref<10000x64xf32, #tpu.memory_space<hbm>> -> memref<10000x64xf32, #tpu.memory_space<hbm>>
      tpu.enqueue_indirect_dma source(%dma_start3A_688 : memref<10000x64xf32, #tpu.memory_space<hbm>>) target(%arg10 : memref<125x64xf32, #tpu.memory_space<vmem>>) offsets(%dma_start3A_685 : memref<125xi32, #tpu.memory_space<vmem>>) semaphore(%arg19 : memref<!tpu.dma_semaphore, #tpu.memory_space<semaphore_mem>>)
      %dma_wait3A_689 = arith.constant 0 : i32
      %dma_wait3A_690 = arith.constant 0 : i32
      %dma_wait3A_691 = tpu.memref_slice %arg6[%dma_wait3A_689, %dma_wait3A_690] : memref<80x125xi32, #tpu.memory_space<vmem>> -> memref<1x125xi32, #tpu.memory_space<vmem>>
      %dma_wait3A_692 = tpu.memref_squeeze %dma_wait3A_691 : memref<1x125xi32, #tpu.memory_space<vmem>> -> memref<125xi32, #tpu.memory_space<vmem>>
      %dma_wait3A_693 = arith.constant 0 : i32
      %dma_wait3A_694 = arith.constant 0 : i32
      %dma_wait3A_695 = tpu.memref_slice %arg2[%dma_wait3A_693, %dma_wait3A_694] : memref<10000x64xf32, #tpu.memory_space<hbm>> -> memref<10000x64xf32, #tpu.memory_space<hbm>>
      tpu.wait_indirect_dma semaphore(%arg24 : memref<!tpu.dma_semaphore, #tpu.memory_space<semaphore_mem>>) src(%dma_wait3A_695 : memref<10000x64xf32, #tpu.memory_space<hbm>>) dst(%arg15 : memref<125x64xf32, #tpu.memory_space<vmem>>)
      %add3A_696 = arith.constant 7 : i32
      %add3A_697 = arith.addi %mul3A_464, %add3A_696 : i32
      %dma_start3A_698 = arith.constant 0 : i32
      %dma_start3A_699 = tpu.memref_slice %arg7[%add3A_697, %dma_start3A_698] : memref<80x125xi32, #tpu.memory_space<vmem>> -> memref<1x125xi32, #tpu.memory_space<vmem>>
      %dma_start3A_700 = tpu.memref_squeeze %dma_start3A_699 : memref<1x125xi32, #tpu.memory_space<vmem>> -> memref<125xi32, #tpu.memory_space<vmem>>
      %dma_start3A_701 = arith.constant 0 : i32
      %dma_start3A_702 = arith.constant 0 : i32
      %dma_start3A_703 = tpu.memref_slice %arg16[%dma_start3A_701, %dma_start3A_702] : memref<10112x64xf32, #tpu.memory_space<vmem_shared>> -> memref<10112x64xf32, #tpu.memory_space<vmem_shared>>
      tpu.enqueue_indirect_dma source(%arg15 : memref<125x64xf32, #tpu.memory_space<vmem>>) target(%dma_start3A_703 : memref<10112x64xf32, #tpu.memory_space<vmem_shared>>) offsets(%dma_start3A_700 : memref<125xi32, #tpu.memory_space<vmem>>) semaphore(%arg32 : memref<!tpu.dma_semaphore, #tpu.memory_space<semaphore_mem>>) {add = true}
      %dma_wait3A_704 = arith.constant 0 : i32
      %dma_wait3A_705 = arith.constant 0 : i32
      %dma_wait3A_706 = tpu.memref_slice %arg7[%dma_wait3A_704, %dma_wait3A_705] : memref<80x125xi32, #tpu.memory_space<vmem>> -> memref<1x125xi32, #tpu.memory_space<vmem>>
      %dma_wait3A_707 = tpu.memref_squeeze %dma_wait3A_706 : memref<1x125xi32, #tpu.memory_space<vmem>> -> memref<125xi32, #tpu.memory_space<vmem>>
      %dma_wait3A_708 = arith.constant 0 : i32
      %dma_wait3A_709 = arith.constant 0 : i32
      %dma_wait3A_710 = tpu.memref_slice %arg16[%dma_wait3A_708, %dma_wait3A_709] : memref<10112x64xf32, #tpu.memory_space<vmem_shared>> -> memref<10112x64xf32, #tpu.memory_space<vmem_shared>>
      tpu.wait_indirect_dma semaphore(%arg28 : memref<!tpu.dma_semaphore, #tpu.memory_space<semaphore_mem>>) src(%arg11 : memref<125x64xf32, #tpu.memory_space<vmem>>) dst(%dma_wait3A_710 : memref<10112x64xf32, #tpu.memory_space<vmem_shared>>)
      %add3A_711 = arith.constant 7 : i32
      %add3A_712 = arith.addi %mul3A_464, %add3A_711 : i32
      %add3A_713 = arith.constant 4 : i32
      %add3A_714 = arith.addi %add3A_712, %add3A_713 : i32
      %dma_start3A_715 = arith.constant 0 : i32
      %dma_start3A_716 = tpu.memref_slice %arg6[%add3A_714, %dma_start3A_715] : memref<80x125xi32, #tpu.memory_space<vmem>> -> memref<1x125xi32, #tpu.memory_space<vmem>>
      %dma_start3A_717 = tpu.memref_squeeze %dma_start3A_716 : memref<1x125xi32, #tpu.memory_space<vmem>> -> memref<125xi32, #tpu.memory_space<vmem>>
      %dma_start3A_718 = arith.constant 0 : i32
      %dma_start3A_719 = arith.constant 0 : i32
      %dma_start3A_720 = tpu.memref_slice %arg2[%dma_start3A_718, %dma_start3A_719] : memref<10000x64xf32, #tpu.memory_space<hbm>> -> memref<10000x64xf32, #tpu.memory_space<hbm>>
      tpu.enqueue_indirect_dma source(%dma_start3A_720 : memref<10000x64xf32, #tpu.memory_space<hbm>>) target(%arg11 : memref<125x64xf32, #tpu.memory_space<vmem>>) offsets(%dma_start3A_717 : memref<125xi32, #tpu.memory_space<vmem>>) semaphore(%arg20 : memref<!tpu.dma_semaphore, #tpu.memory_space<semaphore_mem>>)
    }
    %scan3A_230 = arith.constant 8 : i32
    %dma_wait3A_231 = arith.constant 0 : i32
    %dma_wait3A_232 = arith.constant 0 : i32
    %dma_wait3A_233 = tpu.memref_slice %arg6[%dma_wait3A_231, %dma_wait3A_232] : memref<80x125xi32, #tpu.memory_space<vmem>> -> memref<1x125xi32, #tpu.memory_space<vmem>>
    %dma_wait3A_234 = tpu.memref_squeeze %dma_wait3A_233 : memref<1x125xi32, #tpu.memory_space<vmem>> -> memref<125xi32, #tpu.memory_space<vmem>>
    %dma_wait3A_235 = arith.constant 0 : i32
    %dma_wait3A_236 = arith.constant 0 : i32
    %dma_wait3A_237 = tpu.memref_slice %arg2[%dma_wait3A_235, %dma_wait3A_236] : memref<10000x64xf32, #tpu.memory_space<hbm>> -> memref<10000x64xf32, #tpu.memory_space<hbm>>
    tpu.wait_indirect_dma semaphore(%arg17 : memref<!tpu.dma_semaphore, #tpu.memory_space<semaphore_mem>>) src(%dma_wait3A_237 : memref<10000x64xf32, #tpu.memory_space<hbm>>) dst(%arg8 : memref<125x64xf32, #tpu.memory_space<vmem>>)
    %dma_start3A_238 = arith.constant 72 : i32
    %dma_start3A_239 = arith.constant 0 : i32
    %dma_start3A_240 = tpu.memref_slice %arg7[%dma_start3A_238, %dma_start3A_239] : memref<80x125xi32, #tpu.memory_space<vmem>> -> memref<1x125xi32, #tpu.memory_space<vmem>>
    %dma_start3A_241 = tpu.memref_squeeze %dma_start3A_240 : memref<1x125xi32, #tpu.memory_space<vmem>> -> memref<125xi32, #tpu.memory_space<vmem>>
    %dma_start3A_242 = arith.constant 0 : i32
    %dma_start3A_243 = arith.constant 0 : i32
    %dma_start3A_244 = tpu.memref_slice %arg16[%dma_start3A_242, %dma_start3A_243] : memref<10112x64xf32, #tpu.memory_space<vmem_shared>> -> memref<10112x64xf32, #tpu.memory_space<vmem_shared>>
    tpu.enqueue_indirect_dma source(%arg8 : memref<125x64xf32, #tpu.memory_space<vmem>>) target(%dma_start3A_244 : memref<10112x64xf32, #tpu.memory_space<vmem_shared>>) offsets(%dma_start3A_241 : memref<125xi32, #tpu.memory_space<vmem>>) semaphore(%arg25 : memref<!tpu.dma_semaphore, #tpu.memory_space<semaphore_mem>>) {add = true}
    %dma_wait3A_245 = arith.constant 0 : i32
    %dma_wait3A_246 = arith.constant 0 : i32
    %dma_wait3A_247 = tpu.memref_slice %arg7[%dma_wait3A_245, %dma_wait3A_246] : memref<80x125xi32, #tpu.memory_space<vmem>> -> memref<1x125xi32, #tpu.memory_space<vmem>>
    %dma_wait3A_248 = tpu.memref_squeeze %dma_wait3A_247 : memref<1x125xi32, #tpu.memory_space<vmem>> -> memref<125xi32, #tpu.memory_space<vmem>>
    %dma_wait3A_249 = arith.constant 0 : i32
    %dma_wait3A_250 = arith.constant 0 : i32
    %dma_wait3A_251 = tpu.memref_slice %arg16[%dma_wait3A_249, %dma_wait3A_250] : memref<10112x64xf32, #tpu.memory_space<vmem_shared>> -> memref<10112x64xf32, #tpu.memory_space<vmem_shared>>
    tpu.wait_indirect_dma semaphore(%arg29 : memref<!tpu.dma_semaphore, #tpu.memory_space<semaphore_mem>>) src(%arg12 : memref<125x64xf32, #tpu.memory_space<vmem>>) dst(%dma_wait3A_251 : memref<10112x64xf32, #tpu.memory_space<vmem_shared>>)
    %dma_start3A_252 = arith.constant 76 : i32
    %dma_start3A_253 = arith.constant 0 : i32
    %dma_start3A_254 = tpu.memref_slice %arg6[%dma_start3A_252, %dma_start3A_253] : memref<80x125xi32, #tpu.memory_space<vmem>> -> memref<1x125xi32, #tpu.memory_space<vmem>>
    %dma_start3A_255 = tpu.memref_squeeze %dma_start3A_254 : memref<1x125xi32, #tpu.memory_space<vmem>> -> memref<125xi32, #tpu.memory_space<vmem>>
    %dma_start3A_256 = arith.constant 0 : i32
    %dma_start3A_257 = arith.constant 0 : i32
    %dma_start3A_258 = tpu.memref_slice %arg2[%dma_start3A_256, %dma_start3A_257] : memref<10000x64xf32, #tpu.memory_space<hbm>> -> memref<10000x64xf32, #tpu.memory_space<hbm>>
    tpu.enqueue_indirect_dma source(%dma_start3A_258 : memref<10000x64xf32, #tpu.memory_space<hbm>>) target(%arg12 : memref<125x64xf32, #tpu.memory_space<vmem>>) offsets(%dma_start3A_255 : memref<125xi32, #tpu.memory_space<vmem>>) semaphore(%arg21 : memref<!tpu.dma_semaphore, #tpu.memory_space<semaphore_mem>>)
    %dma_wait3A_259 = arith.constant 0 : i32
    %dma_wait3A_260 = arith.constant 0 : i32
    %dma_wait3A_261 = tpu.memref_slice %arg6[%dma_wait3A_259, %dma_wait3A_260] : memref<80x125xi32, #tpu.memory_space<vmem>> -> memref<1x125xi32, #tpu.memory_space<vmem>>
    %dma_wait3A_262 = tpu.memref_squeeze %dma_wait3A_261 : memref<1x125xi32, #tpu.memory_space<vmem>> -> memref<125xi32, #tpu.memory_space<vmem>>
    %dma_wait3A_263 = arith.constant 0 : i32
    %dma_wait3A_264 = arith.constant 0 : i32
    %dma_wait3A_265 = tpu.memref_slice %arg2[%dma_wait3A_263, %dma_wait3A_264] : memref<10000x64xf32, #tpu.memory_space<hbm>> -> memref<10000x64xf32, #tpu.memory_space<hbm>>
    tpu.wait_indirect_dma semaphore(%arg18 : memref<!tpu.dma_semaphore, #tpu.memory_space<semaphore_mem>>) src(%dma_wait3A_265 : memref<10000x64xf32, #tpu.memory_space<hbm>>) dst(%arg9 : memref<125x64xf32, #tpu.memory_space<vmem>>)
    %dma_start3A_266 = arith.constant 73 : i32
    %dma_start3A_267 = arith.constant 0 : i32
    %dma_start3A_268 = tpu.memref_slice %arg7[%dma_start3A_266, %dma_start3A_267] : memref<80x125xi32, #tpu.memory_space<vmem>> -> memref<1x125xi32, #tpu.memory_space<vmem>>
    %dma_start3A_269 = tpu.memref_squeeze %dma_start3A_268 : memref<1x125xi32, #tpu.memory_space<vmem>> -> memref<125xi32, #tpu.memory_space<vmem>>
    %dma_start3A_270 = arith.constant 0 : i32
    %dma_start3A_271 = arith.constant 0 : i32
    %dma_start3A_272 = tpu.memref_slice %arg16[%dma_start3A_270, %dma_start3A_271] : memref<10112x64xf32, #tpu.memory_space<vmem_shared>> -> memref<10112x64xf32, #tpu.memory_space<vmem_shared>>
    tpu.enqueue_indirect_dma source(%arg9 : memref<125x64xf32, #tpu.memory_space<vmem>>) target(%dma_start3A_272 : memref<10112x64xf32, #tpu.memory_space<vmem_shared>>) offsets(%dma_start3A_269 : memref<125xi32, #tpu.memory_space<vmem>>) semaphore(%arg26 : memref<!tpu.dma_semaphore, #tpu.memory_space<semaphore_mem>>) {add = true}
    %dma_wait3A_273 = arith.constant 0 : i32
    %dma_wait3A_274 = arith.constant 0 : i32
    %dma_wait3A_275 = tpu.memref_slice %arg7[%dma_wait3A_273, %dma_wait3A_274] : memref<80x125xi32, #tpu.memory_space<vmem>> -> memref<1x125xi32, #tpu.memory_space<vmem>>
    %dma_wait3A_276 = tpu.memref_squeeze %dma_wait3A_275 : memref<1x125xi32, #tpu.memory_space<vmem>> -> memref<125xi32, #tpu.memory_space<vmem>>
    %dma_wait3A_277 = arith.constant 0 : i32
    %dma_wait3A_278 = arith.constant 0 : i32
    %dma_wait3A_279 = tpu.memref_slice %arg16[%dma_wait3A_277, %dma_wait3A_278] : memref<10112x64xf32, #tpu.memory_space<vmem_shared>> -> memref<10112x64xf32, #tpu.memory_space<vmem_shared>>
    tpu.wait_indirect_dma semaphore(%arg30 : memref<!tpu.dma_semaphore, #tpu.memory_space<semaphore_mem>>) src(%arg13 : memref<125x64xf32, #tpu.memory_space<vmem>>) dst(%dma_wait3A_279 : memref<10112x64xf32, #tpu.memory_space<vmem_shared>>)
    %dma_start3A_280 = arith.constant 77 : i32
    %dma_start3A_281 = arith.constant 0 : i32
    %dma_start3A_282 = tpu.memref_slice %arg6[%dma_start3A_280, %dma_start3A_281] : memref<80x125xi32, #tpu.memory_space<vmem>> -> memref<1x125xi32, #tpu.memory_space<vmem>>
    %dma_start3A_283 = tpu.memref_squeeze %dma_start3A_282 : memref<1x125xi32, #tpu.memory_space<vmem>> -> memref<125xi32, #tpu.memory_space<vmem>>
    %dma_start3A_284 = arith.constant 0 : i32
    %dma_start3A_285 = arith.constant 0 : i32
    %dma_start3A_286 = tpu.memref_slice %arg2[%dma_start3A_284, %dma_start3A_285] : memref<10000x64xf32, #tpu.memory_space<hbm>> -> memref<10000x64xf32, #tpu.memory_space<hbm>>
    tpu.enqueue_indirect_dma source(%dma_start3A_286 : memref<10000x64xf32, #tpu.memory_space<hbm>>) target(%arg13 : memref<125x64xf32, #tpu.memory_space<vmem>>) offsets(%dma_start3A_283 : memref<125xi32, #tpu.memory_space<vmem>>) semaphore(%arg22 : memref<!tpu.dma_semaphore, #tpu.memory_space<semaphore_mem>>)
    %dma_wait3A_287 = arith.constant 0 : i32
    %dma_wait3A_288 = arith.constant 0 : i32
    %dma_wait3A_289 = tpu.memref_slice %arg6[%dma_wait3A_287, %dma_wait3A_288] : memref<80x125xi32, #tpu.memory_space<vmem>> -> memref<1x125xi32, #tpu.memory_space<vmem>>
    %dma_wait3A_290 = tpu.memref_squeeze %dma_wait3A_289 : memref<1x125xi32, #tpu.memory_space<vmem>> -> memref<125xi32, #tpu.memory_space<vmem>>
    %dma_wait3A_291 = arith.constant 0 : i32
    %dma_wait3A_292 = arith.constant 0 : i32
    %dma_wait3A_293 = tpu.memref_slice %arg2[%dma_wait3A_291, %dma_wait3A_292] : memref<10000x64xf32, #tpu.memory_space<hbm>> -> memref<10000x64xf32, #tpu.memory_space<hbm>>
    tpu.wait_indirect_dma semaphore(%arg19 : memref<!tpu.dma_semaphore, #tpu.memory_space<semaphore_mem>>) src(%dma_wait3A_293 : memref<10000x64xf32, #tpu.memory_space<hbm>>) dst(%arg10 : memref<125x64xf32, #tpu.memory_space<vmem>>)
    %dma_start3A_294 = arith.constant 74 : i32
    %dma_start3A_295 = arith.constant 0 : i32
    %dma_start3A_296 = tpu.memref_slice %arg7[%dma_start3A_294, %dma_start3A_295] : memref<80x125xi32, #tpu.memory_space<vmem>> -> memref<1x125xi32, #tpu.memory_space<vmem>>
    %dma_start3A_297 = tpu.memref_squeeze %dma_start3A_296 : memref<1x125xi32, #tpu.memory_space<vmem>> -> memref<125xi32, #tpu.memory_space<vmem>>
    %dma_start3A_298 = arith.constant 0 : i32
    %dma_start3A_299 = arith.constant 0 : i32
    %dma_start3A_300 = tpu.memref_slice %arg16[%dma_start3A_298, %dma_start3A_299] : memref<10112x64xf32, #tpu.memory_space<vmem_shared>> -> memref<10112x64xf32, #tpu.memory_space<vmem_shared>>
    tpu.enqueue_indirect_dma source(%arg10 : memref<125x64xf32, #tpu.memory_space<vmem>>) target(%dma_start3A_300 : memref<10112x64xf32, #tpu.memory_space<vmem_shared>>) offsets(%dma_start3A_297 : memref<125xi32, #tpu.memory_space<vmem>>) semaphore(%arg27 : memref<!tpu.dma_semaphore, #tpu.memory_space<semaphore_mem>>) {add = true}
    %dma_wait3A_301 = arith.constant 0 : i32
    %dma_wait3A_302 = arith.constant 0 : i32
    %dma_wait3A_303 = tpu.memref_slice %arg7[%dma_wait3A_301, %dma_wait3A_302] : memref<80x125xi32, #tpu.memory_space<vmem>> -> memref<1x125xi32, #tpu.memory_space<vmem>>
    %dma_wait3A_304 = tpu.memref_squeeze %dma_wait3A_303 : memref<1x125xi32, #tpu.memory_space<vmem>> -> memref<125xi32, #tpu.memory_space<vmem>>
    %dma_wait3A_305 = arith.constant 0 : i32
    %dma_wait3A_306 = arith.constant 0 : i32
    %dma_wait3A_307 = tpu.memref_slice %arg16[%dma_wait3A_305, %dma_wait3A_306] : memref<10112x64xf32, #tpu.memory_space<vmem_shared>> -> memref<10112x64xf32, #tpu.memory_space<vmem_shared>>
    tpu.wait_indirect_dma semaphore(%arg31 : memref<!tpu.dma_semaphore, #tpu.memory_space<semaphore_mem>>) src(%arg14 : memref<125x64xf32, #tpu.memory_space<vmem>>) dst(%dma_wait3A_307 : memref<10112x64xf32, #tpu.memory_space<vmem_shared>>)
    %dma_start3A_308 = arith.constant 78 : i32
    %dma_start3A_309 = arith.constant 0 : i32
    %dma_start3A_310 = tpu.memref_slice %arg6[%dma_start3A_308, %dma_start3A_309] : memref<80x125xi32, #tpu.memory_space<vmem>> -> memref<1x125xi32, #tpu.memory_space<vmem>>
    %dma_start3A_311 = tpu.memref_squeeze %dma_start3A_310 : memref<1x125xi32, #tpu.memory_space<vmem>> -> memref<125xi32, #tpu.memory_space<vmem>>
    %dma_start3A_312 = arith.constant 0 : i32
    %dma_start3A_313 = arith.constant 0 : i32
    %dma_start3A_314 = tpu.memref_slice %arg2[%dma_start3A_312, %dma_start3A_313] : memref<10000x64xf32, #tpu.memory_space<hbm>> -> memref<10000x64xf32, #tpu.memory_space<hbm>>
    tpu.enqueue_indirect_dma source(%dma_start3A_314 : memref<10000x64xf32, #tpu.memory_space<hbm>>) target(%arg14 : memref<125x64xf32, #tpu.memory_space<vmem>>) offsets(%dma_start3A_311 : memref<125xi32, #tpu.memory_space<vmem>>) semaphore(%arg23 : memref<!tpu.dma_semaphore, #tpu.memory_space<semaphore_mem>>)
    %dma_wait3A_315 = arith.constant 0 : i32
    %dma_wait3A_316 = arith.constant 0 : i32
    %dma_wait3A_317 = tpu.memref_slice %arg6[%dma_wait3A_315, %dma_wait3A_316] : memref<80x125xi32, #tpu.memory_space<vmem>> -> memref<1x125xi32, #tpu.memory_space<vmem>>
    %dma_wait3A_318 = tpu.memref_squeeze %dma_wait3A_317 : memref<1x125xi32, #tpu.memory_space<vmem>> -> memref<125xi32, #tpu.memory_space<vmem>>
    %dma_wait3A_319 = arith.constant 0 : i32
    %dma_wait3A_320 = arith.constant 0 : i32
    %dma_wait3A_321 = tpu.memref_slice %arg2[%dma_wait3A_319, %dma_wait3A_320] : memref<10000x64xf32, #tpu.memory_space<hbm>> -> memref<10000x64xf32, #tpu.memory_space<hbm>>
    tpu.wait_indirect_dma semaphore(%arg20 : memref<!tpu.dma_semaphore, #tpu.memory_space<semaphore_mem>>) src(%dma_wait3A_321 : memref<10000x64xf32, #tpu.memory_space<hbm>>) dst(%arg11 : memref<125x64xf32, #tpu.memory_space<vmem>>)
    %dma_start3A_322 = arith.constant 75 : i32
    %dma_start3A_323 = arith.constant 0 : i32
    %dma_start3A_324 = tpu.memref_slice %arg7[%dma_start3A_322, %dma_start3A_323] : memref<80x125xi32, #tpu.memory_space<vmem>> -> memref<1x125xi32, #tpu.memory_space<vmem>>
    %dma_start3A_325 = tpu.memref_squeeze %dma_start3A_324 : memref<1x125xi32, #tpu.memory_space<vmem>> -> memref<125xi32, #tpu.memory_space<vmem>>
    %dma_start3A_326 = arith.constant 0 : i32
    %dma_start3A_327 = arith.constant 0 : i32
    %dma_start3A_328 = tpu.memref_slice %arg16[%dma_start3A_326, %dma_start3A_327] : memref<10112x64xf32, #tpu.memory_space<vmem_shared>> -> memref<10112x64xf32, #tpu.memory_space<vmem_shared>>
    tpu.enqueue_indirect_dma source(%arg11 : memref<125x64xf32, #tpu.memory_space<vmem>>) target(%dma_start3A_328 : memref<10112x64xf32, #tpu.memory_space<vmem_shared>>) offsets(%dma_start3A_325 : memref<125xi32, #tpu.memory_space<vmem>>) semaphore(%arg28 : memref<!tpu.dma_semaphore, #tpu.memory_space<semaphore_mem>>) {add = true}
    %dma_wait3A_329 = arith.constant 0 : i32
    %dma_wait3A_330 = arith.constant 0 : i32
    %dma_wait3A_331 = tpu.memref_slice %arg7[%dma_wait3A_329, %dma_wait3A_330] : memref<80x125xi32, #tpu.memory_space<vmem>> -> memref<1x125xi32, #tpu.memory_space<vmem>>
    %dma_wait3A_332 = tpu.memref_squeeze %dma_wait3A_331 : memref<1x125xi32, #tpu.memory_space<vmem>> -> memref<125xi32, #tpu.memory_space<vmem>>
    %dma_wait3A_333 = arith.constant 0 : i32
    %dma_wait3A_334 = arith.constant 0 : i32
    %dma_wait3A_335 = tpu.memref_slice %arg16[%dma_wait3A_333, %dma_wait3A_334] : memref<10112x64xf32, #tpu.memory_space<vmem_shared>> -> memref<10112x64xf32, #tpu.memory_space<vmem_shared>>
    tpu.wait_indirect_dma semaphore(%arg32 : memref<!tpu.dma_semaphore, #tpu.memory_space<semaphore_mem>>) src(%arg15 : memref<125x64xf32, #tpu.memory_space<vmem>>) dst(%dma_wait3A_335 : memref<10112x64xf32, #tpu.memory_space<vmem_shared>>)
    %dma_start3A_336 = arith.constant 79 : i32
    %dma_start3A_337 = arith.constant 0 : i32
    %dma_start3A_338 = tpu.memref_slice %arg6[%dma_start3A_336, %dma_start3A_337] : memref<80x125xi32, #tpu.memory_space<vmem>> -> memref<1x125xi32, #tpu.memory_space<vmem>>
    %dma_start3A_339 = tpu.memref_squeeze %dma_start3A_338 : memref<1x125xi32, #tpu.memory_space<vmem>> -> memref<125xi32, #tpu.memory_space<vmem>>
    %dma_start3A_340 = arith.constant 0 : i32
    %dma_start3A_341 = arith.constant 0 : i32
    %dma_start3A_342 = tpu.memref_slice %arg2[%dma_start3A_340, %dma_start3A_341] : memref<10000x64xf32, #tpu.memory_space<hbm>> -> memref<10000x64xf32, #tpu.memory_space<hbm>>
    tpu.enqueue_indirect_dma source(%dma_start3A_342 : memref<10000x64xf32, #tpu.memory_space<hbm>>) target(%arg15 : memref<125x64xf32, #tpu.memory_space<vmem>>) offsets(%dma_start3A_339 : memref<125xi32, #tpu.memory_space<vmem>>) semaphore(%arg24 : memref<!tpu.dma_semaphore, #tpu.memory_space<semaphore_mem>>)
    %dma_wait3A_343 = arith.constant 0 : i32
    %dma_wait3A_344 = arith.constant 0 : i32
    %dma_wait3A_345 = tpu.memref_slice %arg6[%dma_wait3A_343, %dma_wait3A_344] : memref<80x125xi32, #tpu.memory_space<vmem>> -> memref<1x125xi32, #tpu.memory_space<vmem>>
    %dma_wait3A_346 = tpu.memref_squeeze %dma_wait3A_345 : memref<1x125xi32, #tpu.memory_space<vmem>> -> memref<125xi32, #tpu.memory_space<vmem>>
    %dma_wait3A_347 = arith.constant 0 : i32
    %dma_wait3A_348 = arith.constant 0 : i32
    %dma_wait3A_349 = tpu.memref_slice %arg2[%dma_wait3A_347, %dma_wait3A_348] : memref<10000x64xf32, #tpu.memory_space<hbm>> -> memref<10000x64xf32, #tpu.memory_space<hbm>>
    tpu.wait_indirect_dma semaphore(%arg21 : memref<!tpu.dma_semaphore, #tpu.memory_space<semaphore_mem>>) src(%dma_wait3A_349 : memref<10000x64xf32, #tpu.memory_space<hbm>>) dst(%arg12 : memref<125x64xf32, #tpu.memory_space<vmem>>)
    %dma_start3A_350 = arith.constant 76 : i32
    %dma_start3A_351 = arith.constant 0 : i32
    %dma_start3A_352 = tpu.memref_slice %arg7[%dma_start3A_350, %dma_start3A_351] : memref<80x125xi32, #tpu.memory_space<vmem>> -> memref<1x125xi32, #tpu.memory_space<vmem>>
    %dma_start3A_353 = tpu.memref_squeeze %dma_start3A_352 : memref<1x125xi32, #tpu.memory_space<vmem>> -> memref<125xi32, #tpu.memory_space<vmem>>
    %dma_start3A_354 = arith.constant 0 : i32
    %dma_start3A_355 = arith.constant 0 : i32
    %dma_start3A_356 = tpu.memref_slice %arg16[%dma_start3A_354, %dma_start3A_355] : memref<10112x64xf32, #tpu.memory_space<vmem_shared>> -> memref<10112x64xf32, #tpu.memory_space<vmem_shared>>
    tpu.enqueue_indirect_dma source(%arg12 : memref<125x64xf32, #tpu.memory_space<vmem>>) target(%dma_start3A_356 : memref<10112x64xf32, #tpu.memory_space<vmem_shared>>) offsets(%dma_start3A_353 : memref<125xi32, #tpu.memory_space<vmem>>) semaphore(%arg29 : memref<!tpu.dma_semaphore, #tpu.memory_space<semaphore_mem>>) {add = true}
    %dma_wait3A_357 = arith.constant 0 : i32
    %dma_wait3A_358 = arith.constant 0 : i32
    %dma_wait3A_359 = tpu.memref_slice %arg6[%dma_wait3A_357, %dma_wait3A_358] : memref<80x125xi32, #tpu.memory_space<vmem>> -> memref<1x125xi32, #tpu.memory_space<vmem>>
    %dma_wait3A_360 = tpu.memref_squeeze %dma_wait3A_359 : memref<1x125xi32, #tpu.memory_space<vmem>> -> memref<125xi32, #tpu.memory_space<vmem>>
    %dma_wait3A_361 = arith.constant 0 : i32
    %dma_wait3A_362 = arith.constant 0 : i32
    %dma_wait3A_363 = tpu.memref_slice %arg2[%dma_wait3A_361, %dma_wait3A_362] : memref<10000x64xf32, #tpu.memory_space<hbm>> -> memref<10000x64xf32, #tpu.memory_space<hbm>>
    tpu.wait_indirect_dma semaphore(%arg22 : memref<!tpu.dma_semaphore, #tpu.memory_space<semaphore_mem>>) src(%dma_wait3A_363 : memref<10000x64xf32, #tpu.memory_space<hbm>>) dst(%arg13 : memref<125x64xf32, #tpu.memory_space<vmem>>)
    %dma_start3A_364 = arith.constant 77 : i32
    %dma_start3A_365 = arith.constant 0 : i32
    %dma_start3A_366 = tpu.memref_slice %arg7[%dma_start3A_364, %dma_start3A_365] : memref<80x125xi32, #tpu.memory_space<vmem>> -> memref<1x125xi32, #tpu.memory_space<vmem>>
    %dma_start3A_367 = tpu.memref_squeeze %dma_start3A_366 : memref<1x125xi32, #tpu.memory_space<vmem>> -> memref<125xi32, #tpu.memory_space<vmem>>
    %dma_start3A_368 = arith.constant 0 : i32
    %dma_start3A_369 = arith.constant 0 : i32
    %dma_start3A_370 = tpu.memref_slice %arg16[%dma_start3A_368, %dma_start3A_369] : memref<10112x64xf32, #tpu.memory_space<vmem_shared>> -> memref<10112x64xf32, #tpu.memory_space<vmem_shared>>
    tpu.enqueue_indirect_dma source(%arg13 : memref<125x64xf32, #tpu.memory_space<vmem>>) target(%dma_start3A_370 : memref<10112x64xf32, #tpu.memory_space<vmem_shared>>) offsets(%dma_start3A_367 : memref<125xi32, #tpu.memory_space<vmem>>) semaphore(%arg30 : memref<!tpu.dma_semaphore, #tpu.memory_space<semaphore_mem>>) {add = true}
    %dma_wait3A_371 = arith.constant 0 : i32
    %dma_wait3A_372 = arith.constant 0 : i32
    %dma_wait3A_373 = tpu.memref_slice %arg6[%dma_wait3A_371, %dma_wait3A_372] : memref<80x125xi32, #tpu.memory_space<vmem>> -> memref<1x125xi32, #tpu.memory_space<vmem>>
    %dma_wait3A_374 = tpu.memref_squeeze %dma_wait3A_373 : memref<1x125xi32, #tpu.memory_space<vmem>> -> memref<125xi32, #tpu.memory_space<vmem>>
    %dma_wait3A_375 = arith.constant 0 : i32
    %dma_wait3A_376 = arith.constant 0 : i32
    %dma_wait3A_377 = tpu.memref_slice %arg2[%dma_wait3A_375, %dma_wait3A_376] : memref<10000x64xf32, #tpu.memory_space<hbm>> -> memref<10000x64xf32, #tpu.memory_space<hbm>>
    tpu.wait_indirect_dma semaphore(%arg23 : memref<!tpu.dma_semaphore, #tpu.memory_space<semaphore_mem>>) src(%dma_wait3A_377 : memref<10000x64xf32, #tpu.memory_space<hbm>>) dst(%arg14 : memref<125x64xf32, #tpu.memory_space<vmem>>)
    %dma_start3A_378 = arith.constant 78 : i32
    %dma_start3A_379 = arith.constant 0 : i32
    %dma_start3A_380 = tpu.memref_slice %arg7[%dma_start3A_378, %dma_start3A_379] : memref<80x125xi32, #tpu.memory_space<vmem>> -> memref<1x125xi32, #tpu.memory_space<vmem>>
    %dma_start3A_381 = tpu.memref_squeeze %dma_start3A_380 : memref<1x125xi32, #tpu.memory_space<vmem>> -> memref<125xi32, #tpu.memory_space<vmem>>
    %dma_start3A_382 = arith.constant 0 : i32
    %dma_start3A_383 = arith.constant 0 : i32
    %dma_start3A_384 = tpu.memref_slice %arg16[%dma_start3A_382, %dma_start3A_383] : memref<10112x64xf32, #tpu.memory_space<vmem_shared>> -> memref<10112x64xf32, #tpu.memory_space<vmem_shared>>
    tpu.enqueue_indirect_dma source(%arg14 : memref<125x64xf32, #tpu.memory_space<vmem>>) target(%dma_start3A_384 : memref<10112x64xf32, #tpu.memory_space<vmem_shared>>) offsets(%dma_start3A_381 : memref<125xi32, #tpu.memory_space<vmem>>) semaphore(%arg31 : memref<!tpu.dma_semaphore, #tpu.memory_space<semaphore_mem>>) {add = true}
    %dma_wait3A_385 = arith.constant 0 : i32
    %dma_wait3A_386 = arith.constant 0 : i32
    %dma_wait3A_387 = tpu.memref_slice %arg6[%dma_wait3A_385, %dma_wait3A_386] : memref<80x125xi32, #tpu.memory_space<vmem>> -> memref<1x125xi32, #tpu.memory_space<vmem>>
    %dma_wait3A_388 = tpu.memref_squeeze %dma_wait3A_387 : memref<1x125xi32, #tpu.memory_space<vmem>> -> memref<125xi32, #tpu.memory_space<vmem>>
    %dma_wait3A_389 = arith.constant 0 : i32
    %dma_wait3A_390 = arith.constant 0 : i32
    %dma_wait3A_391 = tpu.memref_slice %arg2[%dma_wait3A_389, %dma_wait3A_390] : memref<10000x64xf32, #tpu.memory_space<hbm>> -> memref<10000x64xf32, #tpu.memory_space<hbm>>
    tpu.wait_indirect_dma semaphore(%arg24 : memref<!tpu.dma_semaphore, #tpu.memory_space<semaphore_mem>>) src(%dma_wait3A_391 : memref<10000x64xf32, #tpu.memory_space<hbm>>) dst(%arg15 : memref<125x64xf32, #tpu.memory_space<vmem>>)
    %dma_start3A_392 = arith.constant 79 : i32
    %dma_start3A_393 = arith.constant 0 : i32
    %dma_start3A_394 = tpu.memref_slice %arg7[%dma_start3A_392, %dma_start3A_393] : memref<80x125xi32, #tpu.memory_space<vmem>> -> memref<1x125xi32, #tpu.memory_space<vmem>>
    %dma_start3A_395 = tpu.memref_squeeze %dma_start3A_394 : memref<1x125xi32, #tpu.memory_space<vmem>> -> memref<125xi32, #tpu.memory_space<vmem>>
    %dma_start3A_396 = arith.constant 0 : i32
    %dma_start3A_397 = arith.constant 0 : i32
    %dma_start3A_398 = tpu.memref_slice %arg16[%dma_start3A_396, %dma_start3A_397] : memref<10112x64xf32, #tpu.memory_space<vmem_shared>> -> memref<10112x64xf32, #tpu.memory_space<vmem_shared>>
    tpu.enqueue_indirect_dma source(%arg15 : memref<125x64xf32, #tpu.memory_space<vmem>>) target(%dma_start3A_398 : memref<10112x64xf32, #tpu.memory_space<vmem_shared>>) offsets(%dma_start3A_395 : memref<125xi32, #tpu.memory_space<vmem>>) semaphore(%arg32 : memref<!tpu.dma_semaphore, #tpu.memory_space<semaphore_mem>>) {add = true}
    %dma_wait3A_399 = arith.constant 0 : i32
    %dma_wait3A_400 = arith.constant 0 : i32
    %dma_wait3A_401 = tpu.memref_slice %arg7[%dma_wait3A_399, %dma_wait3A_400] : memref<80x125xi32, #tpu.memory_space<vmem>> -> memref<1x125xi32, #tpu.memory_space<vmem>>
    %dma_wait3A_402 = tpu.memref_squeeze %dma_wait3A_401 : memref<1x125xi32, #tpu.memory_space<vmem>> -> memref<125xi32, #tpu.memory_space<vmem>>
    %dma_wait3A_403 = arith.constant 0 : i32
    %dma_wait3A_404 = arith.constant 0 : i32
    %dma_wait3A_405 = tpu.memref_slice %arg16[%dma_wait3A_403, %dma_wait3A_404] : memref<10112x64xf32, #tpu.memory_space<vmem_shared>> -> memref<10112x64xf32, #tpu.memory_space<vmem_shared>>
    tpu.wait_indirect_dma semaphore(%arg25 : memref<!tpu.dma_semaphore, #tpu.memory_space<semaphore_mem>>) src(%arg8 : memref<125x64xf32, #tpu.memory_space<vmem>>) dst(%dma_wait3A_405 : memref<10112x64xf32, #tpu.memory_space<vmem_shared>>)
    %dma_wait3A_406 = arith.constant 0 : i32
    %dma_wait3A_407 = arith.constant 0 : i32
    %dma_wait3A_408 = tpu.memref_slice %arg7[%dma_wait3A_406, %dma_wait3A_407] : memref<80x125xi32, #tpu.memory_space<vmem>> -> memref<1x125xi32, #tpu.memory_space<vmem>>
    %dma_wait3A_409 = tpu.memref_squeeze %dma_wait3A_408 : memref<1x125xi32, #tpu.memory_space<vmem>> -> memref<125xi32, #tpu.memory_space<vmem>>
    %dma_wait3A_410 = arith.constant 0 : i32
    %dma_wait3A_411 = arith.constant 0 : i32
    %dma_wait3A_412 = tpu.memref_slice %arg16[%dma_wait3A_410, %dma_wait3A_411] : memref<10112x64xf32, #tpu.memory_space<vmem_shared>> -> memref<10112x64xf32, #tpu.memory_space<vmem_shared>>
    tpu.wait_indirect_dma semaphore(%arg26 : memref<!tpu.dma_semaphore, #tpu.memory_space<semaphore_mem>>) src(%arg9 : memref<125x64xf32, #tpu.memory_space<vmem>>) dst(%dma_wait3A_412 : memref<10112x64xf32, #tpu.memory_space<vmem_shared>>)
    %dma_wait3A_413 = arith.constant 0 : i32
    %dma_wait3A_414 = arith.constant 0 : i32
    %dma_wait3A_415 = tpu.memref_slice %arg7[%dma_wait3A_413, %dma_wait3A_414] : memref<80x125xi32, #tpu.memory_space<vmem>> -> memref<1x125xi32, #tpu.memory_space<vmem>>
    %dma_wait3A_416 = tpu.memref_squeeze %dma_wait3A_415 : memref<1x125xi32, #tpu.memory_space<vmem>> -> memref<125xi32, #tpu.memory_space<vmem>>
    %dma_wait3A_417 = arith.constant 0 : i32
    %dma_wait3A_418 = arith.constant 0 : i32
    %dma_wait3A_419 = tpu.memref_slice %arg16[%dma_wait3A_417, %dma_wait3A_418] : memref<10112x64xf32, #tpu.memory_space<vmem_shared>> -> memref<10112x64xf32, #tpu.memory_space<vmem_shared>>
    tpu.wait_indirect_dma semaphore(%arg27 : memref<!tpu.dma_semaphore, #tpu.memory_space<semaphore_mem>>) src(%arg10 : memref<125x64xf32, #tpu.memory_space<vmem>>) dst(%dma_wait3A_419 : memref<10112x64xf32, #tpu.memory_space<vmem_shared>>)
    %dma_wait3A_420 = arith.constant 0 : i32
    %dma_wait3A_421 = arith.constant 0 : i32
    %dma_wait3A_422 = tpu.memref_slice %arg7[%dma_wait3A_420, %dma_wait3A_421] : memref<80x125xi32, #tpu.memory_space<vmem>> -> memref<1x125xi32, #tpu.memory_space<vmem>>
    %dma_wait3A_423 = tpu.memref_squeeze %dma_wait3A_422 : memref<1x125xi32, #tpu.memory_space<vmem>> -> memref<125xi32, #tpu.memory_space<vmem>>
    %dma_wait3A_424 = arith.constant 0 : i32
    %dma_wait3A_425 = arith.constant 0 : i32
    %dma_wait3A_426 = tpu.memref_slice %arg16[%dma_wait3A_424, %dma_wait3A_425] : memref<10112x64xf32, #tpu.memory_space<vmem_shared>> -> memref<10112x64xf32, #tpu.memory_space<vmem_shared>>
    tpu.wait_indirect_dma semaphore(%arg28 : memref<!tpu.dma_semaphore, #tpu.memory_space<semaphore_mem>>) src(%arg11 : memref<125x64xf32, #tpu.memory_space<vmem>>) dst(%dma_wait3A_426 : memref<10112x64xf32, #tpu.memory_space<vmem_shared>>)
    %dma_wait3A_427 = arith.constant 0 : i32
    %dma_wait3A_428 = arith.constant 0 : i32
    %dma_wait3A_429 = tpu.memref_slice %arg7[%dma_wait3A_427, %dma_wait3A_428] : memref<80x125xi32, #tpu.memory_space<vmem>> -> memref<1x125xi32, #tpu.memory_space<vmem>>
    %dma_wait3A_430 = tpu.memref_squeeze %dma_wait3A_429 : memref<1x125xi32, #tpu.memory_space<vmem>> -> memref<125xi32, #tpu.memory_space<vmem>>
    %dma_wait3A_431 = arith.constant 0 : i32
    %dma_wait3A_432 = arith.constant 0 : i32
    %dma_wait3A_433 = tpu.memref_slice %arg16[%dma_wait3A_431, %dma_wait3A_432] : memref<10112x64xf32, #tpu.memory_space<vmem_shared>> -> memref<10112x64xf32, #tpu.memory_space<vmem_shared>>
    tpu.wait_indirect_dma semaphore(%arg29 : memref<!tpu.dma_semaphore, #tpu.memory_space<semaphore_mem>>) src(%arg12 : memref<125x64xf32, #tpu.memory_space<vmem>>) dst(%dma_wait3A_433 : memref<10112x64xf32, #tpu.memory_space<vmem_shared>>)
    %dma_wait3A_434 = arith.constant 0 : i32
    %dma_wait3A_435 = arith.constant 0 : i32
    %dma_wait3A_436 = tpu.memref_slice %arg7[%dma_wait3A_434, %dma_wait3A_435] : memref<80x125xi32, #tpu.memory_space<vmem>> -> memref<1x125xi32, #tpu.memory_space<vmem>>
    %dma_wait3A_437 = tpu.memref_squeeze %dma_wait3A_436 : memref<1x125xi32, #tpu.memory_space<vmem>> -> memref<125xi32, #tpu.memory_space<vmem>>
    %dma_wait3A_438 = arith.constant 0 : i32
    %dma_wait3A_439 = arith.constant 0 : i32
    %dma_wait3A_440 = tpu.memref_slice %arg16[%dma_wait3A_438, %dma_wait3A_439] : memref<10112x64xf32, #tpu.memory_space<vmem_shared>> -> memref<10112x64xf32, #tpu.memory_space<vmem_shared>>
    tpu.wait_indirect_dma semaphore(%arg30 : memref<!tpu.dma_semaphore, #tpu.memory_space<semaphore_mem>>) src(%arg13 : memref<125x64xf32, #tpu.memory_space<vmem>>) dst(%dma_wait3A_440 : memref<10112x64xf32, #tpu.memory_space<vmem_shared>>)
    %dma_wait3A_441 = arith.constant 0 : i32
    %dma_wait3A_442 = arith.constant 0 : i32
    %dma_wait3A_443 = tpu.memref_slice %arg7[%dma_wait3A_441, %dma_wait3A_442] : memref<80x125xi32, #tpu.memory_space<vmem>> -> memref<1x125xi32, #tpu.memory_space<vmem>>
    %dma_wait3A_444 = tpu.memref_squeeze %dma_wait3A_443 : memref<1x125xi32, #tpu.memory_space<vmem>> -> memref<125xi32, #tpu.memory_space<vmem>>
    %dma_wait3A_445 = arith.constant 0 : i32
    %dma_wait3A_446 = arith.constant 0 : i32
    %dma_wait3A_447 = tpu.memref_slice %arg16[%dma_wait3A_445, %dma_wait3A_446] : memref<10112x64xf32, #tpu.memory_space<vmem_shared>> -> memref<10112x64xf32, #tpu.memory_space<vmem_shared>>
    tpu.wait_indirect_dma semaphore(%arg31 : memref<!tpu.dma_semaphore, #tpu.memory_space<semaphore_mem>>) src(%arg14 : memref<125x64xf32, #tpu.memory_space<vmem>>) dst(%dma_wait3A_447 : memref<10112x64xf32, #tpu.memory_space<vmem_shared>>)
    %dma_wait3A_448 = arith.constant 0 : i32
    %dma_wait3A_449 = arith.constant 0 : i32
    %dma_wait3A_450 = tpu.memref_slice %arg7[%dma_wait3A_448, %dma_wait3A_449] : memref<80x125xi32, #tpu.memory_space<vmem>> -> memref<1x125xi32, #tpu.memory_space<vmem>>
    %dma_wait3A_451 = tpu.memref_squeeze %dma_wait3A_450 : memref<1x125xi32, #tpu.memory_space<vmem>> -> memref<125xi32, #tpu.memory_space<vmem>>
    %dma_wait3A_452 = arith.constant 0 : i32
    %dma_wait3A_453 = arith.constant 0 : i32
    %dma_wait3A_454 = tpu.memref_slice %arg16[%dma_wait3A_452, %dma_wait3A_453] : memref<10112x64xf32, #tpu.memory_space<vmem_shared>> -> memref<10112x64xf32, #tpu.memory_space<vmem_shared>>
    tpu.wait_indirect_dma semaphore(%arg32 : memref<!tpu.dma_semaphore, #tpu.memory_space<semaphore_mem>>) src(%arg15 : memref<125x64xf32, #tpu.memory_space<vmem>>) dst(%dma_wait3A_454 : memref<10112x64xf32, #tpu.memory_space<vmem_shared>>)
    %barrier3A_455 = arith.constant 0 : index
    tpu.barrier barrier_id(%barrier3A_455)
    %lt3A = arith.constant 15 : i32
    %lt3A_456 = arith.cmpi slt, %arg1, %lt3A : i32
    %convert_element_type3A = arith.extui %lt3A_456 : i1 to i32
    %cond3A = arith.constant 0 : i32
    %cond3A_457 = arith.cmpi ne, %convert_element_type3A, %cond3A : i32
    scf.if %cond3A_457 {
      %mul3A_462 = arith.constant 632 : i32
      %mul3A_463 = arith.muli %arg1, %mul3A_462 : i32
      "tpu.region"() ({
        %run_scoped3A_464 = tpu.sem_alloc : memref<!tpu.dma_semaphore, #tpu.memory_space<semaphore_mem>>
        %dma_start3A_465 = arith.constant 0 : i32
        %dma_start3A_466 = tpu.memref_slice %arg5[%arg0, %mul3A_463, %dma_start3A_465] : memref<2x10000x64xf32, #tpu.memory_space<hbm>> -> memref<1x632x64xf32, #tpu.memory_space<hbm>>
        %dma_start3A_467 = tpu.memref_squeeze %dma_start3A_466 : memref<1x632x64xf32, #tpu.memory_space<hbm>> -> memref<632x64xf32, #tpu.memory_space<hbm>>
        %dma_start3A_468 = arith.constant 0 : i32
        %dma_start3A_469 = tpu.memref_slice %arg16[%mul3A_463, %dma_start3A_468] : memref<10112x64xf32, #tpu.memory_space<vmem_shared>> -> memref<632x64xf32, #tpu.memory_space<vmem_shared>>
        tpu.enqueue_dma source(%dma_start3A_469 : memref<632x64xf32, #tpu.memory_space<vmem_shared>>) target(%dma_start3A_467 : memref<632x64xf32, #tpu.memory_space<hbm>>) target_semaphore(%run_scoped3A_464 : memref<!tpu.dma_semaphore, #tpu.memory_space<semaphore_mem>>)
        %dma_wait3A_470 = arith.constant 0 : i32
        %dma_wait3A_471 = tpu.memref_slice %arg5[%arg0, %mul3A_463, %dma_wait3A_470] : memref<2x10000x64xf32, #tpu.memory_space<hbm>> -> memref<1x632x64xf32, #tpu.memory_space<hbm>>
        %dma_wait3A_472 = tpu.memref_squeeze %dma_wait3A_471 : memref<1x632x64xf32, #tpu.memory_space<hbm>> -> memref<632x64xf32, #tpu.memory_space<hbm>>
        %dma_wait3A_473 = arith.constant 0 : i32
        %dma_wait3A_474 = tpu.memref_slice %arg16[%mul3A_463, %dma_wait3A_473] : memref<10112x64xf32, #tpu.memory_space<vmem_shared>> -> memref<632x64xf32, #tpu.memory_space<vmem_shared>>
        tpu.wait_dma2 semaphore(%run_scoped3A_464 : memref<!tpu.dma_semaphore, #tpu.memory_space<semaphore_mem>>) src(%dma_wait3A_474 : memref<632x64xf32, #tpu.memory_space<vmem_shared>>) dst(%dma_wait3A_472 : memref<632x64xf32, #tpu.memory_space<hbm>>)
        tpu.yield
      }) : () -> ()
    } else {
    }
    %eq3A = arith.constant 15 : i32
    %eq3A_458 = arith.cmpi eq, %arg1, %eq3A : i32
    %convert_element_type3A_459 = arith.extui %eq3A_458 : i1 to i32
    %cond3A_460 = arith.constant 0 : i32
    %cond3A_461 = arith.cmpi ne, %convert_element_type3A_459, %cond3A_460 : i32
    scf.if %cond3A_461 {
      %mul3A_462 = arith.constant 632 : i32
      %mul3A_463 = arith.muli %arg1, %mul3A_462 : i32
      "tpu.region"() ({
        %run_scoped3A_464 = tpu.sem_alloc : memref<!tpu.dma_semaphore, #tpu.memory_space<semaphore_mem>>
        %dma_start3A_465 = arith.constant 0 : i32
        %dma_start3A_466 = tpu.memref_slice %arg5[%arg0, %mul3A_463, %dma_start3A_465] : memref<2x10000x64xf32, #tpu.memory_space<hbm>> -> memref<1x520x64xf32, #tpu.memory_space<hbm>>
        %dma_start3A_467 = tpu.memref_squeeze %dma_start3A_466 : memref<1x520x64xf32, #tpu.memory_space<hbm>> -> memref<520x64xf32, #tpu.memory_space<hbm>>
        %dma_start3A_468 = arith.constant 0 : i32
        %dma_start3A_469 = tpu.memref_slice %arg16[%mul3A_463, %dma_start3A_468] : memref<10112x64xf32, #tpu.memory_space<vmem_shared>> -> memref<520x64xf32, #tpu.memory_space<vmem_shared>>
        tpu.enqueue_dma source(%dma_start3A_469 : memref<520x64xf32, #tpu.memory_space<vmem_shared>>) target(%dma_start3A_467 : memref<520x64xf32, #tpu.memory_space<hbm>>) target_semaphore(%run_scoped3A_464 : memref<!tpu.dma_semaphore, #tpu.memory_space<semaphore_mem>>)
        %dma_wait3A_470 = arith.constant 0 : i32
        %dma_wait3A_471 = tpu.memref_slice %arg5[%arg0, %mul3A_463, %dma_wait3A_470] : memref<2x10000x64xf32, #tpu.memory_space<hbm>> -> memref<1x520x64xf32, #tpu.memory_space<hbm>>
        %dma_wait3A_472 = tpu.memref_squeeze %dma_wait3A_471 : memref<1x520x64xf32, #tpu.memory_space<hbm>> -> memref<520x64xf32, #tpu.memory_space<hbm>>
        %dma_wait3A_473 = arith.constant 0 : i32
        %dma_wait3A_474 = tpu.memref_slice %arg16[%mul3A_463, %dma_wait3A_473] : memref<10112x64xf32, #tpu.memory_space<vmem_shared>> -> memref<520x64xf32, #tpu.memory_space<vmem_shared>>
        tpu.wait_dma2 semaphore(%run_scoped3A_464 : memref<!tpu.dma_semaphore, #tpu.memory_space<semaphore_mem>>) src(%dma_wait3A_474 : memref<520x64xf32, #tpu.memory_space<vmem_shared>>) dst(%dma_wait3A_472 : memref<520x64xf32, #tpu.memory_space<hbm>>)
        tpu.yield
      }) : () -> ()
    } else {
    }
    return
  }
}

module attributes {stable_mosaic.version = 14 : i64} {
  func.func @_proj_body(%arg0: i32, %arg1: memref<2000x128xf32, #tpu.memory_space<vmem>>, %arg2: memref<2000x3xf32, #tpu.memory_space<vmem>>, %arg3: memref<128x64xf32, #tpu.memory_space<vmem>>, %arg4: memref<3x64xf32, #tpu.memory_space<vmem>>, %arg5: memref<1x64xf32, #tpu.memory_space<vmem>>, %arg6: memref<2000x64xf32, #tpu.memory_space<vmem>>) attributes {dimension_semantics = [#tpu.dimension_semantics<arbitrary>], iteration_bounds = array<i64: 5>, scalar_prefetch = 0 : i64, scratch_operands = 0 : i64, tpu.core_type = #tpu.core_type<tc>, window_params = [{transform_indices = @transform_0, window_bounds = array<i64: 2000, 128>}, {transform_indices = @transform_1, window_bounds = array<i64: 2000, 3>}, {pipeline_mode = #tpu.pipeline_mode<synchronous>, transform_indices = @transform_2, window_bounds = array<i64: 128, 64>}, {pipeline_mode = #tpu.pipeline_mode<synchronous>, transform_indices = @transform_3, window_bounds = array<i64: 3, 64>}, {pipeline_mode = #tpu.pipeline_mode<synchronous>, transform_indices = @transform_4, window_bounds = array<i64: 1, 64>}, {transform_indices = @transform_5, window_bounds = array<i64: 2000, 64>}]} {
    %get3A = arith.constant 0 : index
    %get3A_0 = arith.constant 0 : index
    %get3A_1 = vector.load %arg1[%get3A, %get3A_0] : memref<2000x128xf32, #tpu.memory_space<vmem>>, vector<2000x128xf32>
    %get3A_2 = arith.constant 0 : index
    %get3A_3 = arith.constant 0 : index
    %get3A_4 = vector.load %arg3[%get3A_2, %get3A_3] : memref<128x64xf32, #tpu.memory_space<vmem>>, vector<128x64xf32>
    %dot_general3A = arith.constant dense<0.000000e+00> : vector<2000x64xf32>
    %dot_general3A_5 = tpu.matmul %get3A_1, %get3A_4, %dot_general3A {dimension_numbers = #tpu.dot_dimension_numbers<[1], [0], [0], [1], [0, 0, 1, 1], [], []>, precision = #tpu.contract_precision<fp32>, transpose_lhs_hint = false} : vector<2000x128xf32>, vector<128x64xf32>, vector<2000x64xf32> -> vector<2000x64xf32>
    %get3A_6 = arith.constant 0 : index
    %get3A_7 = arith.constant 0 : index
    %get3A_8 = vector.load %arg2[%get3A_6, %get3A_7] : memref<2000x3xf32, #tpu.memory_space<vmem>>, vector<2000x3xf32>
    %get3A_9 = arith.constant 0 : index
    %get3A_10 = arith.constant 0 : index
    %get3A_11 = vector.load %arg4[%get3A_9, %get3A_10] : memref<3x64xf32, #tpu.memory_space<vmem>>, vector<3x64xf32>
    %dot_general3A_12 = arith.constant dense<0.000000e+00> : vector<2000x64xf32>
    %dot_general3A_13 = tpu.matmul %get3A_8, %get3A_11, %dot_general3A_12 {dimension_numbers = #tpu.dot_dimension_numbers<[1], [0], [0], [1], [0, 0, 1, 1], [], []>, precision = #tpu.contract_precision<fp32>, transpose_lhs_hint = false} : vector<2000x3xf32>, vector<3x64xf32>, vector<2000x64xf32> -> vector<2000x64xf32>
    %add3A = arith.addf %dot_general3A_5, %dot_general3A_13 : vector<2000x64xf32>
    %get3A_14 = arith.constant 0 : index
    %get3A_15 = arith.constant 0 : index
    %get3A_16 = vector.load %arg5[%get3A_14, %get3A_15] : memref<1x64xf32, #tpu.memory_space<vmem>>, vector<1x64xf32>
    %add3A_17 = vector.broadcast %get3A_16 : vector<1x64xf32> to vector<2000x64xf32>
    %add3A_18 = arith.addf %add3A, %add3A_17 : vector<2000x64xf32>
    %swap3A = arith.constant 0 : index
    %swap3A_19 = arith.constant 0 : index
    %swap3A_20 = vector.load %arg6[%swap3A, %swap3A_19] : memref<2000x64xf32, #tpu.memory_space<vmem>>, vector<2000x64xf32>
    tpu.vector_store %arg6[%swap3A, %swap3A_19], %add3A_18 {strides = array<i32>} : memref<2000x64xf32, #tpu.memory_space<vmem>>, vector<2000x64xf32>,
    return
  }
  func.func @transform_0(%arg0: i32) -> (i32, i32) {
    %c0_i32 = arith.constant 0 : i32
    %c0_i32_0 = arith.constant 0 : i32
    return %arg0, %c0_i32 : i32, i32
  }
  func.func @transform_1(%arg0: i32) -> (i32, i32) {
    %c0_i32 = arith.constant 0 : i32
    %c0_i32_0 = arith.constant 0 : i32
    return %arg0, %c0_i32 : i32, i32
  }
  func.func @transform_2(%arg0: i32) -> (i32, i32) {
    %c0_i32 = arith.constant 0 : i32
    %c0_i32_0 = arith.constant 0 : i32
    %c0_i32_1 = arith.constant 0 : i32
    return %c0_i32, %c0_i32_0 : i32, i32
  }
  func.func @transform_3(%arg0: i32) -> (i32, i32) {
    %c0_i32 = arith.constant 0 : i32
    %c0_i32_0 = arith.constant 0 : i32
    %c0_i32_1 = arith.constant 0 : i32
    return %c0_i32, %c0_i32_0 : i32, i32
  }
  func.func @transform_4(%arg0: i32) -> (i32, i32) {
    %c0_i32 = arith.constant 0 : i32
    %c0_i32_0 = arith.constant 0 : i32
    %c0_i32_1 = arith.constant 0 : i32
    return %c0_i32, %c0_i32_0 : i32, i32
  }
  func.func @transform_5(%arg0: i32) -> (i32, i32) {
    %c0_i32 = arith.constant 0 : i32
    %c0_i32_0 = arith.constant 0 : i32
    return %arg0, %c0_i32 : i32, i32
  }
}

module attributes {stable_mosaic.version = 14 : i64} {
  func.func @body(%arg0: i32, %arg1: memref<2000x64xf32, #tpu.memory_space<vmem>>, %arg2: memref<2x2000x64xf32, #tpu.memory_space<vmem>>, %arg3: memref<2x2000x16xf32, #tpu.memory_space<vmem>>, %arg4: memref<64x64xf32, #tpu.memory_space<vmem>>, %arg5: memref<1x64xf32, #tpu.memory_space<vmem>>, %arg6: memref<2000x64xf32, #tpu.memory_space<vmem>>, %arg7: memref<2000x192xf32, #tpu.memory_space<vmem>>) attributes {dimension_semantics = [#tpu.dimension_semantics<arbitrary>], iteration_bounds = array<i64: 5>, scalar_prefetch = 0 : i64, scratch_operands = 0 : i64, tpu.core_type = #tpu.core_type<tc>, window_params = [{transform_indices = @transform_0, window_bounds = array<i64: 2000, 64>}, {transform_indices = @transform_1, window_bounds = array<i64: 2, 2000, 64>}, {transform_indices = @transform_2, window_bounds = array<i64: 2, 2000, 16>}, {pipeline_mode = #tpu.pipeline_mode<synchronous>, transform_indices = @transform_3, window_bounds = array<i64: 64, 64>}, {pipeline_mode = #tpu.pipeline_mode<synchronous>, transform_indices = @transform_4, window_bounds = array<i64: 1, 64>}, {transform_indices = @transform_5, window_bounds = array<i64: 2000, 64>}, {transform_indices = @transform_6, window_bounds = array<i64: 2000, 192>}]} {
    %get3A = arith.constant 0 : index
    %get3A_0 = arith.constant 0 : index
    %get3A_1 = arith.constant 0 : index
    %get3A_2 = vector.load %arg2[%get3A, %get3A_0, %get3A_1] : memref<2x2000x64xf32, #tpu.memory_space<vmem>>, vector<1x2000x64xf32>
    %get3A_3 = vector.shape_cast %get3A_2 : vector<1x2000x64xf32> to vector<2000x64xf32>
    %get3A_4 = arith.constant 1 : index
    %get3A_5 = arith.constant 0 : index
    %get3A_6 = arith.constant 0 : index
    %get3A_7 = vector.load %arg2[%get3A_4, %get3A_5, %get3A_6] : memref<2x2000x64xf32, #tpu.memory_space<vmem>>, vector<1x2000x64xf32>
    %get3A_8 = vector.shape_cast %get3A_7 : vector<1x2000x64xf32> to vector<2000x64xf32>
    %add3A = arith.addf %get3A_3, %get3A_8 : vector<2000x64xf32>
    %get3A_9 = arith.constant 0 : index
    %get3A_10 = arith.constant 0 : index
    %get3A_11 = arith.constant 0 : index
    %get3A_12 = vector.load %arg3[%get3A_9, %get3A_10, %get3A_11] : memref<2x2000x16xf32, #tpu.memory_space<vmem>>, vector<1x2000x1xf32>
    %get3A_13 = vector.shape_cast %get3A_12 : vector<1x2000x1xf32> to vector<2000x1xf32>
    %get3A_14 = arith.constant 1 : index
    %get3A_15 = arith.constant 0 : index
    %get3A_16 = arith.constant 0 : index
    %get3A_17 = vector.load %arg3[%get3A_14, %get3A_15, %get3A_16] : memref<2x2000x16xf32, #tpu.memory_space<vmem>>, vector<1x2000x1xf32>
    %get3A_18 = vector.shape_cast %get3A_17 : vector<1x2000x1xf32> to vector<2000x1xf32>
    %add3A_19 = arith.addf %get3A_13, %get3A_18 : vector<2000x1xf32>
    %max3A = arith.constant 1.000000e+00 : f32
    %max3A_20 = vector.broadcast %max3A : f32 to vector<2000x1xf32>
    %max3A_21 = arith.maximumf %add3A_19, %max3A_20 : vector<2000x1xf32>
    %get3A_22 = arith.constant 0 : index
    %get3A_23 = arith.constant 0 : index
    %get3A_24 = vector.load %arg1[%get3A_22, %get3A_23] : memref<2000x64xf32, #tpu.memory_space<vmem>>, vector<2000x64xf32>
    %div3A = vector.broadcast %max3A_21 : vector<2000x1xf32> to vector<2000x64xf32>
    %div3A_25 = arith.divf %add3A, %div3A : vector<2000x64xf32>
    %add3A_26 = arith.addf %get3A_24, %div3A_25 : vector<2000x64xf32>
    %get3A_27 = arith.constant 0 : index
    %get3A_28 = arith.constant 0 : index
    %get3A_29 = vector.load %arg4[%get3A_27, %get3A_28] : memref<64x64xf32, #tpu.memory_space<vmem>>, vector<64x64xf32>
    %dot_general3A = arith.constant dense<0.000000e+00> : vector<2000x64xf32>
    %dot_general3A_30 = tpu.matmul %add3A_26, %get3A_29, %dot_general3A {dimension_numbers = #tpu.dot_dimension_numbers<[1], [0], [0], [1], [0, 0, 1, 1], [], []>, precision = #tpu.contract_precision<fp32>, transpose_lhs_hint = false} : vector<2000x64xf32>, vector<64x64xf32>, vector<2000x64xf32> -> vector<2000x64xf32>
    %get3A_31 = arith.constant 0 : index
    %get3A_32 = arith.constant 0 : index
    %get3A_33 = vector.load %arg5[%get3A_31, %get3A_32] : memref<1x64xf32, #tpu.memory_space<vmem>>, vector<1x64xf32>
    %add3A_34 = vector.broadcast %get3A_33 : vector<1x64xf32> to vector<2000x64xf32>
    %add3A_35 = arith.addf %dot_general3A_30, %add3A_34 : vector<2000x64xf32>
    %ge3A = arith.constant 0.000000e+00 : f32
    %ge3A_36 = vector.broadcast %ge3A : f32 to vector<2000x64xf32>
    %ge3A_37 = arith.cmpf oge, %add3A_35, %ge3A_36 : vector<2000x64xf32>
    %mul3A = arith.constant 0.00999999977 : f32
    %mul3A_38 = vector.broadcast %mul3A : f32 to vector<2000x64xf32>
    %mul3A_39 = arith.mulf %mul3A_38, %add3A_35 : vector<2000x64xf32>
    %select_n3A = arith.select %ge3A_37, %add3A_35, %mul3A_39 : vector<2000x64xi1>, vector<2000x64xf32>
    %broadcast_in_dim3A = arith.constant 0.000000e+00 : f32
    %broadcast_in_dim3A_40 = vector.broadcast %broadcast_in_dim3A : f32 to vector<2000x128xf32>
    %concatenate3A = tpu.concatenate %select_n3A, %broadcast_in_dim3A_40 in 1 : vector<2000x64xf32>, vector<2000x128xf32> -> vector<2000x192xf32>
    %swap3A = arith.constant 0 : index
    %swap3A_41 = arith.constant 0 : index
    %swap3A_42 = vector.load %arg7[%swap3A, %swap3A_41] : memref<2000x192xf32, #tpu.memory_space<vmem>>, vector<2000x192xf32>
    tpu.vector_store %arg7[%swap3A, %swap3A_41], %concatenate3A {strides = array<i32>} : memref<2000x192xf32, #tpu.memory_space<vmem>>, vector<2000x192xf32>,
    %swap3A_43 = arith.constant 0 : index
    %swap3A_44 = arith.constant 0 : index
    %swap3A_45 = vector.load %arg6[%swap3A_43, %swap3A_44] : memref<2000x64xf32, #tpu.memory_space<vmem>>, vector<2000x64xf32>
    tpu.vector_store %arg6[%swap3A_43, %swap3A_44], %select_n3A {strides = array<i32>} : memref<2000x64xf32, #tpu.memory_space<vmem>>, vector<2000x64xf32>,
    return
  }
  func.func @transform_0(%arg0: i32) -> (i32, i32) {
    %c0_i32 = arith.constant 0 : i32
    %c0_i32_0 = arith.constant 0 : i32
    return %arg0, %c0_i32 : i32, i32
  }
  func.func @transform_1(%arg0: i32) -> (i32, i32, i32) {
    %c0_i32 = arith.constant 0 : i32
    %c0_i32_0 = arith.constant 0 : i32
    %c0_i32_1 = arith.constant 0 : i32
    return %c0_i32, %arg0, %c0_i32_0 : i32, i32, i32
  }
  func.func @transform_2(%arg0: i32) -> (i32, i32, i32) {
    %c0_i32 = arith.constant 0 : i32
    %c0_i32_0 = arith.constant 0 : i32
    %c0_i32_1 = arith.constant 0 : i32
    return %c0_i32, %arg0, %c0_i32_0 : i32, i32, i32
  }
  func.func @transform_3(%arg0: i32) -> (i32, i32) {
    %c0_i32 = arith.constant 0 : i32
    %c0_i32_0 = arith.constant 0 : i32
    %c0_i32_1 = arith.constant 0 : i32
    return %c0_i32, %c0_i32_0 : i32, i32
  }
  func.func @transform_4(%arg0: i32) -> (i32, i32) {
    %c0_i32 = arith.constant 0 : i32
    %c0_i32_0 = arith.constant 0 : i32
    %c0_i32_1 = arith.constant 0 : i32
    return %c0_i32, %c0_i32_0 : i32, i32
  }
  func.func @transform_5(%arg0: i32) -> (i32, i32) {
    %c0_i32 = arith.constant 0 : i32
    %c0_i32_0 = arith.constant 0 : i32
    return %arg0, %c0_i32 : i32, i32
  }
  func.func @transform_6(%arg0: i32) -> (i32, i32) {
    %c0_i32 = arith.constant 0 : i32
    %c0_i32_0 = arith.constant 0 : i32
    return %arg0, %c0_i32 : i32, i32
  }
}

module attributes {stable_mosaic.version = 14 : i64} {
  func.func @body(%arg0: i32, %arg1: memref<2000x64xf32, #tpu.memory_space<vmem>>, %arg2: memref<2x2000x64xf32, #tpu.memory_space<vmem>>, %arg3: memref<2x2000x16xf32, #tpu.memory_space<vmem>>, %arg4: memref<64x64xf32, #tpu.memory_space<vmem>>, %arg5: memref<1x64xf32, #tpu.memory_space<vmem>>, %arg6: memref<2000x192xf32, #tpu.memory_space<vmem>>, %arg7: memref<2000x64xf32, #tpu.memory_space<vmem>>, %arg8: memref<2000x192xf32, #tpu.memory_space<vmem>>) attributes {dimension_semantics = [#tpu.dimension_semantics<arbitrary>], iteration_bounds = array<i64: 5>, scalar_prefetch = 0 : i64, scratch_operands = 0 : i64, tpu.core_type = #tpu.core_type<tc>, window_params = [{transform_indices = @transform_0, window_bounds = array<i64: 2000, 64>}, {transform_indices = @transform_1, window_bounds = array<i64: 2, 2000, 64>}, {transform_indices = @transform_2, window_bounds = array<i64: 2, 2000, 16>}, {pipeline_mode = #tpu.pipeline_mode<synchronous>, transform_indices = @transform_3, window_bounds = array<i64: 64, 64>}, {pipeline_mode = #tpu.pipeline_mode<synchronous>, transform_indices = @transform_4, window_bounds = array<i64: 1, 64>}, {transform_indices = @transform_5, window_bounds = array<i64: 2000, 192>}, {transform_indices = @transform_6, window_bounds = array<i64: 2000, 64>}, {transform_indices = @transform_7, window_bounds = array<i64: 2000, 192>}]} {
    %get3A = arith.constant 0 : index
    %get3A_0 = arith.constant 0 : index
    %get3A_1 = arith.constant 0 : index
    %get3A_2 = vector.load %arg2[%get3A, %get3A_0, %get3A_1] : memref<2x2000x64xf32, #tpu.memory_space<vmem>>, vector<1x2000x64xf32>
    %get3A_3 = vector.shape_cast %get3A_2 : vector<1x2000x64xf32> to vector<2000x64xf32>
    %get3A_4 = arith.constant 1 : index
    %get3A_5 = arith.constant 0 : index
    %get3A_6 = arith.constant 0 : index
    %get3A_7 = vector.load %arg2[%get3A_4, %get3A_5, %get3A_6] : memref<2x2000x64xf32, #tpu.memory_space<vmem>>, vector<1x2000x64xf32>
    %get3A_8 = vector.shape_cast %get3A_7 : vector<1x2000x64xf32> to vector<2000x64xf32>
    %add3A = arith.addf %get3A_3, %get3A_8 : vector<2000x64xf32>
    %get3A_9 = arith.constant 0 : index
    %get3A_10 = arith.constant 0 : index
    %get3A_11 = arith.constant 0 : index
    %get3A_12 = vector.load %arg3[%get3A_9, %get3A_10, %get3A_11] : memref<2x2000x16xf32, #tpu.memory_space<vmem>>, vector<1x2000x1xf32>
    %get3A_13 = vector.shape_cast %get3A_12 : vector<1x2000x1xf32> to vector<2000x1xf32>
    %get3A_14 = arith.constant 1 : index
    %get3A_15 = arith.constant 0 : index
    %get3A_16 = arith.constant 0 : index
    %get3A_17 = vector.load %arg3[%get3A_14, %get3A_15, %get3A_16] : memref<2x2000x16xf32, #tpu.memory_space<vmem>>, vector<1x2000x1xf32>
    %get3A_18 = vector.shape_cast %get3A_17 : vector<1x2000x1xf32> to vector<2000x1xf32>
    %add3A_19 = arith.addf %get3A_13, %get3A_18 : vector<2000x1xf32>
    %max3A = arith.constant 1.000000e+00 : f32
    %max3A_20 = vector.broadcast %max3A : f32 to vector<2000x1xf32>
    %max3A_21 = arith.maximumf %add3A_19, %max3A_20 : vector<2000x1xf32>
    %get3A_22 = arith.constant 0 : index
    %get3A_23 = arith.constant 0 : index
    %get3A_24 = vector.load %arg1[%get3A_22, %get3A_23] : memref<2000x64xf32, #tpu.memory_space<vmem>>, vector<2000x64xf32>
    %div3A = vector.broadcast %max3A_21 : vector<2000x1xf32> to vector<2000x64xf32>
    %div3A_25 = arith.divf %add3A, %div3A : vector<2000x64xf32>
    %add3A_26 = arith.addf %get3A_24, %div3A_25 : vector<2000x64xf32>
    %get3A_27 = arith.constant 0 : index
    %get3A_28 = arith.constant 0 : index
    %get3A_29 = vector.load %arg4[%get3A_27, %get3A_28] : memref<64x64xf32, #tpu.memory_space<vmem>>, vector<64x64xf32>
    %dot_general3A = arith.constant dense<0.000000e+00> : vector<2000x64xf32>
    %dot_general3A_30 = tpu.matmul %add3A_26, %get3A_29, %dot_general3A {dimension_numbers = #tpu.dot_dimension_numbers<[1], [0], [0], [1], [0, 0, 1, 1], [], []>, precision = #tpu.contract_precision<fp32>, transpose_lhs_hint = false} : vector<2000x64xf32>, vector<64x64xf32>, vector<2000x64xf32> -> vector<2000x64xf32>
    %get3A_31 = arith.constant 0 : index
    %get3A_32 = arith.constant 0 : index
    %get3A_33 = vector.load %arg5[%get3A_31, %get3A_32] : memref<1x64xf32, #tpu.memory_space<vmem>>, vector<1x64xf32>
    %add3A_34 = vector.broadcast %get3A_33 : vector<1x64xf32> to vector<2000x64xf32>
    %add3A_35 = arith.addf %dot_general3A_30, %add3A_34 : vector<2000x64xf32>
    %ge3A = arith.constant 0.000000e+00 : f32
    %ge3A_36 = vector.broadcast %ge3A : f32 to vector<2000x64xf32>
    %ge3A_37 = arith.cmpf oge, %add3A_35, %ge3A_36 : vector<2000x64xf32>
    %mul3A = arith.constant 0.00999999977 : f32
    %mul3A_38 = vector.broadcast %mul3A : f32 to vector<2000x64xf32>
    %mul3A_39 = arith.mulf %mul3A_38, %add3A_35 : vector<2000x64xf32>
    %select_n3A = arith.select %ge3A_37, %add3A_35, %mul3A_39 : vector<2000x64xi1>, vector<2000x64xf32>
    %get3A_40 = arith.constant 0 : index
    %get3A_41 = arith.constant 0 : index
    %get3A_42 = vector.load %arg6[%get3A_40, %get3A_41] : memref<2000x192xf32, #tpu.memory_space<vmem>>, vector<2000x64xf32>
    %broadcast_in_dim3A = arith.constant 0.000000e+00 : f32
    %broadcast_in_dim3A_43 = vector.broadcast %broadcast_in_dim3A : f32 to vector<2000x64xf32>
    %concatenate3A = tpu.concatenate %get3A_42, %select_n3A, %broadcast_in_dim3A_43 in 1 : vector<2000x64xf32>, vector<2000x64xf32>, vector<2000x64xf32> -> vector<2000x192xf32>
    %swap3A = arith.constant 0 : index
    %swap3A_44 = arith.constant 0 : index
    %swap3A_45 = vector.load %arg8[%swap3A, %swap3A_44] : memref<2000x192xf32, #tpu.memory_space<vmem>>, vector<2000x192xf32>
    tpu.vector_store %arg8[%swap3A, %swap3A_44], %concatenate3A {strides = array<i32>} : memref<2000x192xf32, #tpu.memory_space<vmem>>, vector<2000x192xf32>,
    %swap3A_46 = arith.constant 0 : index
    %swap3A_47 = arith.constant 0 : index
    %swap3A_48 = vector.load %arg7[%swap3A_46, %swap3A_47] : memref<2000x64xf32, #tpu.memory_space<vmem>>, vector<2000x64xf32>
    tpu.vector_store %arg7[%swap3A_46, %swap3A_47], %select_n3A {strides = array<i32>} : memref<2000x64xf32, #tpu.memory_space<vmem>>, vector<2000x64xf32>,
    return
  }
  func.func @transform_0(%arg0: i32) -> (i32, i32) {
    %c0_i32 = arith.constant 0 : i32
    %c0_i32_0 = arith.constant 0 : i32
    return %arg0, %c0_i32 : i32, i32
  }
  func.func @transform_1(%arg0: i32) -> (i32, i32, i32) {
    %c0_i32 = arith.constant 0 : i32
    %c0_i32_0 = arith.constant 0 : i32
    %c0_i32_1 = arith.constant 0 : i32
    return %c0_i32, %arg0, %c0_i32_0 : i32, i32, i32
  }
  func.func @transform_2(%arg0: i32) -> (i32, i32, i32) {
    %c0_i32 = arith.constant 0 : i32
    %c0_i32_0 = arith.constant 0 : i32
    %c0_i32_1 = arith.constant 0 : i32
    return %c0_i32, %arg0, %c0_i32_0 : i32, i32, i32
  }
  func.func @transform_3(%arg0: i32) -> (i32, i32) {
    %c0_i32 = arith.constant 0 : i32
    %c0_i32_0 = arith.constant 0 : i32
    %c0_i32_1 = arith.constant 0 : i32
    return %c0_i32, %c0_i32_0 : i32, i32
  }
  func.func @transform_4(%arg0: i32) -> (i32, i32) {
    %c0_i32 = arith.constant 0 : i32
    %c0_i32_0 = arith.constant 0 : i32
    %c0_i32_1 = arith.constant 0 : i32
    return %c0_i32, %c0_i32_0 : i32, i32
  }
  func.func @transform_5(%arg0: i32) -> (i32, i32) {
    %c0_i32 = arith.constant 0 : i32
    %c0_i32_0 = arith.constant 0 : i32
    return %arg0, %c0_i32 : i32, i32
  }
  func.func @transform_6(%arg0: i32) -> (i32, i32) {
    %c0_i32 = arith.constant 0 : i32
    %c0_i32_0 = arith.constant 0 : i32
    return %arg0, %c0_i32 : i32, i32
  }
  func.func @transform_7(%arg0: i32) -> (i32, i32) {
    %c0_i32 = arith.constant 0 : i32
    %c0_i32_0 = arith.constant 0 : i32
    return %arg0, %c0_i32 : i32, i32
  }
}

module attributes {stable_mosaic.version = 14 : i64} {
  func.func @body(%arg0: i32, %arg1: memref<2000x64xf32, #tpu.memory_space<vmem>>, %arg2: memref<2x2000x64xf32, #tpu.memory_space<vmem>>, %arg3: memref<2x2000x16xf32, #tpu.memory_space<vmem>>, %arg4: memref<64x64xf32, #tpu.memory_space<vmem>>, %arg5: memref<1x64xf32, #tpu.memory_space<vmem>>, %arg6: memref<2000x192xf32, #tpu.memory_space<vmem>>, %arg7: memref<2000x192xf32, #tpu.memory_space<vmem>>) attributes {dimension_semantics = [#tpu.dimension_semantics<arbitrary>], iteration_bounds = array<i64: 5>, scalar_prefetch = 0 : i64, scratch_operands = 0 : i64, tpu.core_type = #tpu.core_type<tc>, window_params = [{transform_indices = @transform_0, window_bounds = array<i64: 2000, 64>}, {transform_indices = @transform_1, window_bounds = array<i64: 2, 2000, 64>}, {transform_indices = @transform_2, window_bounds = array<i64: 2, 2000, 16>}, {pipeline_mode = #tpu.pipeline_mode<synchronous>, transform_indices = @transform_3, window_bounds = array<i64: 64, 64>}, {pipeline_mode = #tpu.pipeline_mode<synchronous>, transform_indices = @transform_4, window_bounds = array<i64: 1, 64>}, {transform_indices = @transform_5, window_bounds = array<i64: 2000, 192>}, {transform_indices = @transform_6, window_bounds = array<i64: 2000, 192>}]} {
    %get3A = arith.constant 0 : index
    %get3A_0 = arith.constant 0 : index
    %get3A_1 = arith.constant 0 : index
    %get3A_2 = vector.load %arg2[%get3A, %get3A_0, %get3A_1] : memref<2x2000x64xf32, #tpu.memory_space<vmem>>, vector<1x2000x64xf32>
    %get3A_3 = vector.shape_cast %get3A_2 : vector<1x2000x64xf32> to vector<2000x64xf32>
    %get3A_4 = arith.constant 1 : index
    %get3A_5 = arith.constant 0 : index
    %get3A_6 = arith.constant 0 : index
    %get3A_7 = vector.load %arg2[%get3A_4, %get3A_5, %get3A_6] : memref<2x2000x64xf32, #tpu.memory_space<vmem>>, vector<1x2000x64xf32>
    %get3A_8 = vector.shape_cast %get3A_7 : vector<1x2000x64xf32> to vector<2000x64xf32>
    %add3A = arith.addf %get3A_3, %get3A_8 : vector<2000x64xf32>
    %get3A_9 = arith.constant 0 : index
    %get3A_10 = arith.constant 0 : index
    %get3A_11 = arith.constant 0 : index
    %get3A_12 = vector.load %arg3[%get3A_9, %get3A_10, %get3A_11] : memref<2x2000x16xf32, #tpu.memory_space<vmem>>, vector<1x2000x1xf32>
    %get3A_13 = vector.shape_cast %get3A_12 : vector<1x2000x1xf32> to vector<2000x1xf32>
    %get3A_14 = arith.constant 1 : index
    %get3A_15 = arith.constant 0 : index
    %get3A_16 = arith.constant 0 : index
    %get3A_17 = vector.load %arg3[%get3A_14, %get3A_15, %get3A_16] : memref<2x2000x16xf32, #tpu.memory_space<vmem>>, vector<1x2000x1xf32>
    %get3A_18 = vector.shape_cast %get3A_17 : vector<1x2000x1xf32> to vector<2000x1xf32>
    %add3A_19 = arith.addf %get3A_13, %get3A_18 : vector<2000x1xf32>
    %max3A = arith.constant 1.000000e+00 : f32
    %max3A_20 = vector.broadcast %max3A : f32 to vector<2000x1xf32>
    %max3A_21 = arith.maximumf %add3A_19, %max3A_20 : vector<2000x1xf32>
    %get3A_22 = arith.constant 0 : index
    %get3A_23 = arith.constant 0 : index
    %get3A_24 = vector.load %arg1[%get3A_22, %get3A_23] : memref<2000x64xf32, #tpu.memory_space<vmem>>, vector<2000x64xf32>
    %div3A = vector.broadcast %max3A_21 : vector<2000x1xf32> to vector<2000x64xf32>
    %div3A_25 = arith.divf %add3A, %div3A : vector<2000x64xf32>
    %add3A_26 = arith.addf %get3A_24, %div3A_25 : vector<2000x64xf32>
    %get3A_27 = arith.constant 0 : index
    %get3A_28 = arith.constant 0 : index
    %get3A_29 = vector.load %arg4[%get3A_27, %get3A_28] : memref<64x64xf32, #tpu.memory_space<vmem>>, vector<64x64xf32>
    %dot_general3A = arith.constant dense<0.000000e+00> : vector<2000x64xf32>
    %dot_general3A_30 = tpu.matmul %add3A_26, %get3A_29, %dot_general3A {dimension_numbers = #tpu.dot_dimension_numbers<[1], [0], [0], [1], [0, 0, 1, 1], [], []>, precision = #tpu.contract_precision<fp32>, transpose_lhs_hint = false} : vector<2000x64xf32>, vector<64x64xf32>, vector<2000x64xf32> -> vector<2000x64xf32>
    %get3A_31 = arith.constant 0 : index
    %get3A_32 = arith.constant 0 : index
    %get3A_33 = vector.load %arg5[%get3A_31, %get3A_32] : memref<1x64xf32, #tpu.memory_space<vmem>>, vector<1x64xf32>
    %add3A_34 = vector.broadcast %get3A_33 : vector<1x64xf32> to vector<2000x64xf32>
    %add3A_35 = arith.addf %dot_general3A_30, %add3A_34 : vector<2000x64xf32>
    %ge3A = arith.constant 0.000000e+00 : f32
    %ge3A_36 = vector.broadcast %ge3A : f32 to vector<2000x64xf32>
    %ge3A_37 = arith.cmpf oge, %add3A_35, %ge3A_36 : vector<2000x64xf32>
    %mul3A = arith.constant 0.00999999977 : f32
    %mul3A_38 = vector.broadcast %mul3A : f32 to vector<2000x64xf32>
    %mul3A_39 = arith.mulf %mul3A_38, %add3A_35 : vector<2000x64xf32>
    %select_n3A = arith.select %ge3A_37, %add3A_35, %mul3A_39 : vector<2000x64xi1>, vector<2000x64xf32>
    %get3A_40 = arith.constant 0 : index
    %get3A_41 = arith.constant 0 : index
    %get3A_42 = vector.load %arg6[%get3A_40, %get3A_41] : memref<2000x192xf32, #tpu.memory_space<vmem>>, vector<2000x128xf32>
    %concatenate3A = tpu.concatenate %get3A_42, %select_n3A in 1 : vector<2000x128xf32>, vector<2000x64xf32> -> vector<2000x192xf32>
    %swap3A = arith.constant 0 : index
    %swap3A_43 = arith.constant 0 : index
    %swap3A_44 = vector.load %arg7[%swap3A, %swap3A_43] : memref<2000x192xf32, #tpu.memory_space<vmem>>, vector<2000x192xf32>
    tpu.vector_store %arg7[%swap3A, %swap3A_43], %concatenate3A {strides = array<i32>} : memref<2000x192xf32, #tpu.memory_space<vmem>>, vector<2000x192xf32>,
    return
  }
  func.func @transform_0(%arg0: i32) -> (i32, i32) {
    %c0_i32 = arith.constant 0 : i32
    %c0_i32_0 = arith.constant 0 : i32
    return %arg0, %c0_i32 : i32, i32
  }
  func.func @transform_1(%arg0: i32) -> (i32, i32, i32) {
    %c0_i32 = arith.constant 0 : i32
    %c0_i32_0 = arith.constant 0 : i32
    %c0_i32_1 = arith.constant 0 : i32
    return %c0_i32, %arg0, %c0_i32_0 : i32, i32, i32
  }
  func.func @transform_2(%arg0: i32) -> (i32, i32, i32) {
    %c0_i32 = arith.constant 0 : i32
    %c0_i32_0 = arith.constant 0 : i32
    %c0_i32_1 = arith.constant 0 : i32
    return %c0_i32, %arg0, %c0_i32_0 : i32, i32, i32
  }
  func.func @transform_3(%arg0: i32) -> (i32, i32) {
    %c0_i32 = arith.constant 0 : i32
    %c0_i32_0 = arith.constant 0 : i32
    %c0_i32_1 = arith.constant 0 : i32
    return %c0_i32, %c0_i32_0 : i32, i32
  }
  func.func @transform_4(%arg0: i32) -> (i32, i32) {
    %c0_i32 = arith.constant 0 : i32
    %c0_i32_0 = arith.constant 0 : i32
    %c0_i32_1 = arith.constant 0 : i32
    return %c0_i32, %c0_i32_0 : i32, i32
  }
  func.func @transform_5(%arg0: i32) -> (i32, i32) {
    %c0_i32 = arith.constant 0 : i32
    %c0_i32_0 = arith.constant 0 : i32
    return %arg0, %c0_i32 : i32, i32
  }
  func.func @transform_6(%arg0: i32) -> (i32, i32) {
    %c0_i32 = arith.constant 0 : i32
    %c0_i32_0 = arith.constant 0 : i32
    return %arg0, %c0_i32 : i32, i32
  }
}

</mosaic_0001>

<sc_bundles>
// kernel: kernel.12.cloned.1.call-start
scs
__scs_entry_jumppad:
0x0: {  	(pc) =	sbr.rel $0x88, $3  }
0x1: {  	(tag) =	ssettag $0x0;
	lr =	simm.s32 $0x1  }
0x2: {  	[smem:$0x3F96] =	sst lr;
	_ =	strace $0xD0000000  }
0x3: {  	_ = 	snop  }
0x4: {  	_ = 	snop  }
0x5: {  	_ = 	snop  }
0x6: {  	_ = 	snop  }
0x7: {  	_ = 	snop  }
__scs_overlays_trampoline_lowered:
0x8: {  	[smem:$0x3FA5] =	sst s0  }
0x9: {  	[smem:$0x3FA6] =	sst s1  }
0xa: {  	[smem:$0x3FA7] =	sst s2  }
0xb: {  	[smem:$0x3FA8] =	sst s3  }
0xc: {  	[smem:$0x3FA9] =	sst s4  }
0xd: {  	[smem:$0x3FAA] =	sst s5  }
0xe: {  	[smem:$0x3FAB] =	sst s6  }
0xf: {  	[smem:$0x3FAC] =	sst s7  }
0x10: {  	[smem:$0x3FAD] =	sst s8  }
0x11: {  	[smem:$0x3FAE] =	sst s9;
	s0 =	simm.s32 @!p0 $0x0  }
0x12: {  	s1 =	sld [smem:$0x3F94];
	s0 =	simm.s32 @p0 $0x1  }
0x13: {  	[smem:$0x3FAF] =	sst s0;
	s0 =	simm.s32 @!p1 $0x0  }
0x14: {  	s2 =	sld [smem:$0x3F93];
	s0 =	simm.s32 @p1 $0x1  }
0x15: {  	[smem:$0x3FB0] =	sst s0;
	s0 =	simm.s32 @!p2 $0x0  }
0x16: {  	s3 =	sld [smem:$0x3FDB];
	s0 =	simm.s32 @p2 $0x1  }
0x17: {  	s4 =	simm.s32 $0x1BF5;
	[smem:$0x3FB2] =	sst s0  }
0x18: {  	s0 =	sld [smem:$0x3F95];
	_ =	swait.ge [sflag:s4], $0x0  }
0x19: {  	s7 =	sld [smem:$0x3F96]  }
0x1a: {  	s8 =	sadd.s32 $0xFFFFE003, lr  }
0x1b: {  	s9 =	sadd.s32 $0xFFFFFEF7, lr;
	s5 =	simm.s32 $0xFFFFFFFF;
	p2 =	slt.u32 s8, $0xFFFFF086  }
0x1c: {  	p1 =	slt.u32 s9, $0xF7A;
	s5 =	simm.s32 @!p2 $0x0  }
0x1d: {  	s5 =	simm.s32 @p1 $0x1;
	p0 =	seq.s32 s7, s2  }
0x1e: {  	s7 =	smul.u32 @!p0 $0xF7A, s2;
	p2 =	seq.s32 @!p0 s5, $0x0  }
0x1f: {  	s9 =	smul.u32 $0xF7A, s1;
	s8 =	simm.s32 @!p0 $0x1BF5;
	p2 =	por !p2, p0  }
0x20: {  	[sflag:s8] =	ssyncset.s32 @!p0 $0xFFFFF086;
	s6 =	sadd.s32 @!p0 s3, s7;
	s7 =	simm.s32 @!p0 $0x108  }
0x21: {  	s3 =	sadd.s32 s3, s9;
	s6 =	sadd.s32 @!p0 $0x88, s6;
	s7 =	simm.s32 @p2 $0x1082  }
0x22: {  	[simem:s7], [sflag:s8] =	dma.local @!p0 [hbm:s6], $0xF7A  }
0x23: {  	s9 =	sor.u32 $0xD0000000, s2;
	s6 =	simm.s32 $0x108;
	_ =	swait.ge @!p0 [sflag:s8], $0x0  }
0x24: {  	s3 =	sadd.s32 $0x88, s3;
	s6 =	simm.s32 @!p1 $0x1082;
	[sflag:s4] =	ssyncset.s32 $0xFFFFF086  }
0x25: {  	[simem:s6], [sflag:s4] =	dma.local [hbm:s3], $0xF7A  }
0x26: {  	[smem:$0x3F96] =	sst s1;
	(tag) =	ssettag s2;
	_ =	strace s9  }
0x27: {  	s1 =	sld [smem:$0x3FA6]  }
0x28: {  	s2 =	sld [smem:$0x3FA7]  }
0x29: {  	s4 =	sld [smem:$0x3FA9]  }
0x2a: {  	p0 =	seq.s32 s5, $0x0;
	s5 =	sld [smem:$0x3FAA]  }
0x2b: {  	s6 =	sld [smem:$0x3FAB]  }
0x2c: {  	s7 =	sld [smem:$0x3FAC]  }
0x2d: {  	s3 =	simm.s32 $0x108;
	s8 =	sld [smem:$0x3FAD]  }
0x2e: {  	s3 =	simm.s32 @!p0 $0x1082;
	s9 =	sld [smem:$0x3FAE]  }
0x2f: {  	lr =	sadd.s32 s0, s3;
	s0 =	sld [smem:$0x3FA5]  }
0x30: {  	s3 =	sld [smem:$0x3FA8]  }
0x31: {  	[smem:$0x3FB1] =	sst s10  }
0x32: {  	s10 =	sld [smem:$0x3FAF];
	_ =	sdelay $0x3  }
0x33: {  	p0 =	seq.s32 s10, $0x1;
	s10 =	sld [smem:$0x3FB1];
	_ =	sdelay $0x3  }
0x34: {  	[smem:$0x3FB1] =	sst s10  }
0x35: {  	s10 =	sld [smem:$0x3FB0];
	_ =	sdelay $0x3  }
0x36: {  	p1 =	seq.s32 s10, $0x1;
	s10 =	sld [smem:$0x3FB1];
	_ =	sdelay $0x3  }
0x37: {  	[smem:$0x3FB1] =	sst s10  }
0x38: {  	s10 =	sld [smem:$0x3FB2]  }
0x39: {  	_ = 	snop;
	(pc) =	sbr.ind lr, $3  }
0x3a: {  	_ = 	snop  }
0x3b: {  	_ = 	snop  }
0x3c: {  	p2 =	seq.s32 s10, $0x1;
	s10 =	sld [smem:$0x3FB1]  }
0x3d: {  	_ =	shalt  }
0x3e: {  	_ =	shalt  }
0x3f: {  	_ =	shalt  }
0x40: {  	_ =	shalt  }
0x41: {  	_ =	shalt  }
0x42: {  	_ =	shalt  }
0x43: {  	_ =	shalt  }
0x44: {  	_ =	shalt  }
0x45: {  	_ =	shalt  }
0x46: {  	_ =	shalt  }
0x47: {  	_ =	shalt  }
0x48: {  	_ =	shalt  }
0x49: {  	_ =	shalt  }
0x4a: {  	_ =	shalt  }
0x4b: {  	_ =	shalt  }
0x4c: {  	_ =	shalt  }
0x4d: {  	_ =	shalt  }
0x4e: {  	_ =	shalt  }
0x4f: {  	_ =	shalt  }
0x50: {  	_ =	shalt  }
0x51: {  	_ =	shalt  }
0x52: {  	_ =	shalt  }
0x53: {  	_ =	shalt  }
0x54: {  	_ =	shalt  }
0x55: {  	_ =	shalt  }
0x56: {  	_ =	shalt  }
0x57: {  	_ =	shalt  }
0x58: {  	_ =	shalt  }
0x59: {  	_ =	shalt  }
0x5a: {  	_ =	shalt  }
0x5b: {  	_ =	shalt  }
0x5c: {  	_ =	shalt  }
0x5d: {  	_ =	shalt  }
0x5e: {  	_ =	shalt  }
0x5f: {  	_ =	shalt  }
0x60: {  	_ =	shalt  }
0x61: {  	_ =	shalt  }
0x62: {  	_ =	shalt  }
0x63: {  	_ =	shalt  }
0x64: {  	_ =	shalt  }
0x65: {  	_ =	shalt  }
0x66: {  	_ =	shalt  }
0x67: {  	_ =	shalt  }
0x68: {  	_ =	shalt  }
0x69: {  	_ =	shalt  }
0x6a: {  	_ =	shalt  }
0x6b: {  	_ =	shalt  }
0x6c: {  	_ =	shalt  }
0x6d: {  	_ =	shalt  }
0x6e: {  	_ =	shalt  }
0x6f: {  	_ =	shalt  }
0x70: {  	_ =	shalt  }
0x71: {  	_ =	shalt  }
0x72: {  	_ =	shalt  }
0x73: {  	_ =	shalt  }
0x74: {  	_ =	shalt  }
0x75: {  	_ =	shalt  }
0x76: {  	_ =	shalt  }
0x77: {  	_ =	shalt  }
0x78: {  	_ =	shalt  }
0x79: {  	_ =	shalt  }
0x7a: {  	_ =	shalt  }
0x7b: {  	_ =	shalt  }
0x7c: {  	_ =	shalt  }
0x7d: {  	_ =	shalt  }
0x7e: {  	_ =	shalt  }
0x7f: {  	_ =	shalt  }
0x80: {  	_ =	shalt  }
0x81: {  	_ =	shalt  }
0x82: {  	_ =	shalt  }
0x83: {  	_ =	shalt  }
0x84: {  	_ =	shalt  }
0x85: {  	_ =	shalt  }
0x86: {  	_ =	shalt  }
0x87: {  	_ =	shalt  }
.Lfunc_end0:
.L_simem_size_0:
called_computation.1_lowered:
.L_overlay_start_0:
0x88: {  	s2 =	sld [smem:$0x3FD9]  }
0x89: {  	s3 =	sld [smem:$0x3FFE];
	_ =	sdelay $0x1  }
0x8a: {  	s1 =	srdreg.scid  }
0x8b: {  	s0 =	sand.u32 $0x1, s1  }
0x8c: {  	s17 =	sshll.u32 s0, $0xA;
	s2 =	sadd.s32 s3, s2  }
0x8d: {  	s2 =	sadd.s32 s2, s17  }
0x8e: {  	[smem:$0x3FBD] =	sst s2  }
0x8f: {  	_ = 	snop  }
0x90: {  	s2 =	sld [smem:$0x3FD0];
	(tm) =	ssettm $0x1  }
0x91: {  	s18 =	sld [smem:$0x3FFB];
	_ =	sdelay $0x3  }
0x92: {  	_ =	strace s18  }
0x93: {  	s3 =	sld [smem:$0x3FFC];
	_ =	sdelay $0x3  }
0x94: {  	_ =	strace s3  }
0x95: {  	s3 =	sld [smem:$0x3FFD];
	_ =	sdelay $0x3  }
0x96: {  	_ =	strace s3  }
0x97: {  	_ =	strace $0x8FFFFFFF  }
0x98: {  	s19 =	sld [smem:$0x3FDB];
	_ =	sdelay $0x1  }
0x99: {  	s4 =	simm.s32 $_scs_section_size  }
0x9a: {  	s5 =	simm.s32 $_size__tile_overlayer_lowered;
	s6 =	simm.s32 $_tile_overlayer_lowered  }
0x9b: {  	s22 =	simm.s32 $0x1BFF;
	s21 =	sshll.u32 s6, $0x1;
	s3 =	sadd.s32 s4, s19  }
0x9c: {  	s7 =	simm.s32 $0x0;
	s20 =	sshll.u32 s5, $0x1;
	s5 =	sadd.s32 s21, s3  }
0x9d: {  	[timem:s7], [sflag:s22] =	dma.local [hbm:s5], s20  }
0x9e: {  	_ =	swait.ge [sflag:s22], s20  }
0x9f: {  	s4 =	ssub.s32 $0x0, s20;
	[sflag:s22] =	ssyncset.done $0x0  }
0xa0: {  	[sflag:s22] =	ssyncadd.s32 s4;
	_ =	sdelay $0x1  }
0xa1: {  	s23 =	simm.s32 $0x1B8B  }
0xa2: {  	_ =	swait.ge [sflag:s23], $0x1  }
0xa3: {  	[sflag:s23] =	ssyncset.done $0x0  }
0xa4: {  	s25 =	simm.s32 $0x1B8E;
	s24 =	sld [smem:$0x3FFE];
	[sflag:s23] =	ssyncadd.s32 $0xFFFFFFFF  }
0xa5: {  	s26 =	simm.s32 $execute0_lowered;
	[smem:$0x3FD2] =	sst s25  }
0xa6: {  	s5 =	sshll.u32 s26, $0x1;
	_ =	strace $0x80000049;
	[dreg:$0x1] =	wrdreg $0xFFFFFFFF  }
0xa7: {  	s28 =	simm.s32 $_size_execute0_lowered;
	s3 =	sadd.s32 s3, s5;
	[dreg:$0x0] =	wrdreg $0x0  }
0xa8: {  	s5 =	sshll.u32 s28, $0x1;
	[dreg:$0x2] =	wrdreg s3  }
0xa9: {  	[dreg:$0x3] =	wrdreg s5  }
0xaa: {  	[dreg:$0x4] =	wrdreg $0xC0  }
0xab: {  	_ =	task [dreg:s7], $0x5FFFF  }
0xac: {  	[dreg:$0x1] =	wrdreg $0xFFFFFFFF  }
0xad: {  	[dreg:$0x0] =	wrdreg $0x60  }
0xae: {  	[dreg:$0x2] =	wrdreg s24  }
0xaf: {  	[dreg:$0x3] =	wrdreg s2  }
0xb0: {  	[dreg:$0x4] =	wrdreg $0x14A000  }
0xb1: {  	[dreg:$0x5] =	wrdreg $0x9  }
0xb2: {  	_ =	task.clear_ibuf [dreg:s7], $0x6FFFF;
	_ =	strace $0x90000049  }
0xb3: {  	s29 =	simm.s32 $0x9;
	_ =	strace $0x8000004B  }
0xb4: {  	_ =	swait.ge [sflag:s29], $0x1  }
0xb5: {  	[sflag:s29] =	ssyncadd.s32 $0xFFFFFFFF  }
0xb6: {  	_ =	strace $0x9000004B  }
0xb7: {  	_ =	sfence  }
0xb8: {  	s30 =	sld [smem:$0x0];
	_ =	sdelay $0x2  }
0xb9: {  	s31 =	sshll.u32 s1, $0xD;
	s1 =	sshrl.u32 s1, $0x2  }
0xba: {  	s3 =	sand.u32 $0x4000, s31;
	s1 =	sadd.s32 s1, s30  }
0xbb: {  	s0 =	sor.u32 s3, s0;
	s1 =	sshll.u32 s1, $0x11  }
0xbc: {  	s0 =	sor.u32 s1, s0  }
0xbd: {  	s0 =	sadd.s32 $0x8F2B, s0  }
0xbe: {  	[sflag:s0] =	ssyncadd.remote.s32 $0x1  }
0xbf: {  	_ =	sfence.sel $0xFFFF  }
0xc0: {  	[dreg:$0x0] =	wrdreg $0xFFFFFFFF;
	(pc) =	sbr.abs _section_cstart, $3  }
0xc1: {  	[dreg:$0x1] =	wrdreg $0xFFFFFFFF  }
0xc2: {  	_ =	task.clear_ibuf [dreg:s7], $0x2FFFF;
	_ =	strace $0x9FFFFFFF  }
0xc3: {  	(tm) =	ssettm $0x7FFFFFFF  }
tec
execute0_lowered:
.L_overlay_start_1:
0x0: {  	(tag) =	ssettag $0x1  }
0x1: {  	s0 =	rddreg [dreg:$0x0]  }
0x2: {  	s1 =	srdreg.scid;
	s3 =	rddreg [dreg:$0x1]  }
0x3: {  	s9 =	stileid.u32;
	s2 =	rddreg [dreg:$0x2];
	s6 =	simm.s32 $0x0  }
0x4: {  	s16 =	simm.s32 $0x7D;
	s17 =	simm.s32 $0x5000;
	s28 =	simm.s32 $0x2  }
0x5: {  	s31 =	simm.s32 $0xEC40;
	s30 =	simm.s32 $0x12AC0;
	s18 =	simm.s32 $0x6  }
0x6: {  	s29 =	simm.s32 $0xA;
	s15 =	simm.s32 $0xC;
	s11 =	simm.s32 $0xE  }
0x7: {  	s12 =	simm.s32 $0xF;
	s13 =	simm.s32 $0x10;
	s1 =	sand.u32 $0x1, s1  }
0x8: {  	s4 =	sshll.u32 s9, $0x1;
	[smem:$0x7FF] =	sst s6;
	s19 =	smul.u32 $0x9E00, s9  }
0x9: {  	s21 =	sshll.u32 s9, $0x6;
	p0 =	seq.s32 s9, $0xF;
	s6 =	simm.s32 $0x7  }
0xa: {  	s9 =	simm.s32 $0x8;
	s4 =	sor.u32 s1, s4;
	_ =	strace $0x8000004A  }
0xb: {  	s8 =	ssub.s32 $0x2, s1;
	s1 =	smul.u32 $0x9C400, s1;
	s14 =	sor.u32 $0x1C11, s21  }
0xc: {  	s21 =	simm.s32 $0x8E80;
	s5 =	smul.u32 $0x2800, s4;
	s4 =	sadd.s32 $0x3200, s0  }
0xd: {  	s7 =	sshrl.u32 s19, $0x3;
	s20 =	sshrl.u32 s8, $0x1;
	s10 =	sadd.s32 s19, s2  }
0xe: {  	[dreg:$0x6] =	wrdreg s14;
	s23 =	sadd.s32 s19, s1;
	s1 =	sshrl.u32 s1, $0x3  }
0xf: {  	[dreg:$0x4] =	wrdreg s10;
	s26 =	sshrl.u32 s10, $0x3;
	s19 =	simm.s32 $0x6F40  }
0x10: {  	s10 =	simm.s32 $0xD;
	s5 =	sshrl.u32 s5, $0x3;
	s1 =	sadd.s32 s3, s1  }
0x11: {  	[dreg:$0xc] =	wrdreg s26;
	s26 =	simm.s32 $0xCD00;
	s5 =	sadd.s32 s5, s0  }
0x12: {  	s0 =	sadd.s32 s7, s0;
	s7 =	ssub.s32 s8, s20;
	s24 =	sadd.s32 $0x12840, s1  }
0x13: {  	s1 =	simm.s32 $0x3;
	s0 =	sadd.s32 $0x2FC00, s0;
	[dreg:$0xa] =	wrdreg s24  }
0x14: {  	s20 =	simm.s32 $0x10B80;
	s22 =	sadd.s32 $0x16C00, s5;
	[dreg:$0x5] =	wrdreg s0  }
0x15: {  	s8 =	simm.s32 $0xB;
	s5 =	sadd.s32 $0x20C00, s5;
	[dreg:$0x7] =	wrdreg s22  }
0x16: {  	s25 =	smax.u32 s7, $0x1;
	s24 =	simm.s32 $0x1;
	[dreg:$0x8] =	wrdreg s5  }
0x17: {  	s7 =	simm.s32 $0x0;
	s0 =	sshrl.u32 s23, $0x3;
	[dreg:$0xb] =	wrdreg s25  }
0x18: {  	s23 =	simm.s32 $0xADC0;
	s22 =	simm.s32 $0x4;
	s0 =	sadd.s32 s3, s0  }
0x19: {  	s25 =	simm.s32 $0x9;
	[dreg:$0x9] =	wrdreg s0;
	s0 =	simm.s32 $0x5  }
.LBB2_1:
0x1a: {  	[dreg:$0xd] =	wrdreg s7  }
0x1b: {  	s5 =	rddreg [dreg:$0x5]  }
0x1c: {  	s3 =	rddreg [dreg:$0xc]  }
0x1d: {  	[spmem:s3], [sflag:s14] =	dma.local [hbm:s5], $0x13C0  }
0x1e: {  	s3 =	simm.s32 $0x11  }
0x1f: {  	_ =	swait.ge [sflag:s3], $0x13C0  }
0x20: {  	[sflag:s3] =	ssyncset.done $0x0  }
0x21: {  	[sflag:s3] =	ssyncadd.s32 $0xFFFFEC40  }
0x22: {  	[bflag:$0x0] =	sbarrier.arrive $0xFFFF  }
0x23: {  	s5 =	simm.s32 $0x0;
	s14 =	rddreg [dreg:$0x7]  }
0x24: {  	[tilespmem:s5], [sflag:$0x11] =	stream.linear.gather [hbm4b:s14+s5], $0x2800, $0x38;
	[tilespmem:$0x1E800] =	vst v63  }
0x25: {  	_ =	swait.ge [sflag:s3], $0x2800  }
0x26: {  	[sflag:s3] =	ssyncset.done $0x0  }
0x27: {  	s14 =	simm.s32 $0x2800;
	s7 =	rddreg [dreg:$0x8];
	[sflag:s3] =	ssyncadd.s32 $0xFFFFD800  }
0x28: {  	[tilespmem:s14], [sflag:$0x11] =	stream.linear.gather [hbm4b:s7+s5], $0x2800, $0x38;
	[tilespmem:$0x1E800] =	vst v63  }
0x29: {  	_ =	swait.ge [sflag:s3], $0x2800  }
0x2a: {  	[sflag:s3] =	ssyncset.done $0x0  }
0x2b: {  	[sflag:s3] =	ssyncadd.s32 $0xFFFFD800  }
0x2c: {  	[tilespmem:s17], [sflag:$0x1] =	stream.indirect.gather [hbm4b:s4+s16], $0x40, s5, s16, $0xb8;
	[tilespmem:$0x1E800] =	vst v63  }
0x2d: {  	s7 =	simm.s32 $0x80  }
0x2e: {  	[tilespmem:s19], [sflag:$0x2] =	stream.indirect.gather [hbm4b:s4+s16], $0x40, s7, s16, $0xb8;
	[tilespmem:$0x1E800] =	vst v63  }
0x2f: {  	s5 =	simm.s32 $0x100  }
0x30: {  	[tilespmem:s21], [sflag:$0x3] =	stream.indirect.gather [hbm4b:s4+s16], $0x40, s5, s16, $0xb8;
	[tilespmem:$0x1E800] =	vst v63  }
0x31: {  	s7 =	simm.s32 $0x180  }
0x32: {  	[tilespmem:s23], [sflag:$0x4] =	stream.indirect.gather [hbm4b:s4+s16], $0x40, s7, s16, $0xb8;
	[tilespmem:$0x1E800] =	vst v63  }
0x33: {  	_ =	swait.ge [sflag:s24], $0x1F40  }
0x34: {  	[sflag:s24] =	ssyncset.done $0x0  }
0x35: {  	[sflag:s24] =	ssyncadd.s32 $0xFFFFE0C0  }
0x36: {  	[spmem:s2] =	stream.indirect.scatter.add.f32 [tilespmem:s17], [sflag:$0x9], $0x40, s14, s16, $0xb8;
	[tilespmem:$0x1E800] =	vst v63  }
0x37: {  	s5 =	simm.s32 $0x200  }
0x38: {  	[tilespmem:s26], [sflag:$0x5] =	stream.indirect.gather [hbm4b:s4+s16], $0x40, s5, s16, $0xb8;
	[tilespmem:$0x1E800] =	vst v63  }
0x39: {  	_ =	swait.ge [sflag:s28], $0x1F40  }
0x3a: {  	[sflag:s28] =	ssyncset.done $0x0  }
0x3b: {  	s7 =	simm.s32 $0x2880;
	[sflag:s28] =	ssyncadd.s32 $0xFFFFE0C0  }
0x3c: {  	[spmem:s2] =	stream.indirect.scatter.add.f32 [tilespmem:s19], [sflag:$0xA], $0x40, s7, s16, $0xb8;
	[tilespmem:$0x1E800] =	vst v63  }
0x3d: {  	s14 =	simm.s32 $0x280  }
0x3e: {  	[tilespmem:s31], [sflag:$0x6] =	stream.indirect.gather [hbm4b:s4+s16], $0x40, s14, s16, $0xb8;
	[tilespmem:$0x1E800] =	vst v63  }
0x3f: {  	_ =	swait.ge [sflag:s1], $0x1F40  }
0x40: {  	[sflag:s1] =	ssyncset.done $0x0  }
0x41: {  	s5 =	simm.s32 $0x2900;
	[sflag:s1] =	ssyncadd.s32 $0xFFFFE0C0  }
0x42: {  	[spmem:s2] =	stream.indirect.scatter.add.f32 [tilespmem:s21], [sflag:$0xB], $0x40, s5, s16, $0xb8;
	[tilespmem:$0x1E800] =	vst v63  }
0x43: {  	s7 =	simm.s32 $0x300  }
0x44: {  	[tilespmem:s20], [sflag:$0x7] =	stream.indirect.gather [hbm4b:s4+s16], $0x40, s7, s16, $0xb8;
	[tilespmem:$0x1E800] =	vst v63  }
0x45: {  	_ =	swait.ge [sflag:s22], $0x1F40  }
0x46: {  	[sflag:s22] =	ssyncset.done $0x0  }
0x47: {  	s14 =	simm.s32 $0x2980;
	[sflag:s22] =	ssyncadd.s32 $0xFFFFE0C0  }
0x48: {  	[spmem:s2] =	stream.indirect.scatter.add.f32 [tilespmem:s23], [sflag:$0xC], $0x40, s14, s16, $0xb8;
	[tilespmem:$0x1E800] =	vst v63  }
0x49: {  	s5 =	simm.s32 $0x380  }
0x4a: {  	[tilespmem:s30], [sflag:$0x8] =	stream.indirect.gather [hbm4b:s4+s16], $0x40, s5, s16, $0xb8;
	[tilespmem:$0x1E800] =	vst v63  }
0x4b: {  	_ =	swait.ge [sflag:s0], $0x1F40  }
0x4c: {  	[sflag:s0] =	ssyncset.done $0x0  }
0x4d: {  	s7 =	simm.s32 $0x2A00;
	[sflag:s0] =	ssyncadd.s32 $0xFFFFE0C0  }
0x4e: {  	[spmem:s2] =	stream.indirect.scatter.add.f32 [tilespmem:s26], [sflag:$0xD], $0x40, s7, s16, $0xb8;
	[tilespmem:$0x1E800] =	vst v63  }
0x4f: {  	_ =	swait.ge [sflag:s25], $0x1F40  }
0x50: {  	[sflag:s25] =	ssyncset.done $0x0  }
0x51: {  	s14 =	simm.s32 $0x400;
	[sflag:s25] =	ssyncadd.s32 $0xFFFFE0C0  }
0x52: {  	[tilespmem:s17], [sflag:$0x1] =	stream.indirect.gather [hbm4b:s4+s16], $0x40, s14, s16, $0xb8;
	[tilespmem:$0x1E800] =	vst v63  }
0x53: {  	_ =	swait.ge [sflag:s18], $0x1F40  }
0x54: {  	[sflag:s18] =	ssyncset.done $0x0  }
0x55: {  	s5 =	simm.s32 $0x2A80;
	[sflag:s18] =	ssyncadd.s32 $0xFFFFE0C0  }
0x56: {  	[spmem:s2] =	stream.indirect.scatter.add.f32 [tilespmem:s31], [sflag:$0xE], $0x40, s5, s16, $0xb8;
	[tilespmem:$0x1E800] =	vst v63  }
0x57: {  	_ =	swait.ge [sflag:s29], $0x1F40  }
0x58: {  	[sflag:s29] =	ssyncset.done $0x0  }
0x59: {  	s7 =	simm.s32 $0x480;
	[sflag:s29] =	ssyncadd.s32 $0xFFFFE0C0  }
0x5a: {  	[tilespmem:s19], [sflag:$0x2] =	stream.indirect.gather [hbm4b:s4+s16], $0x40, s7, s16, $0xb8;
	[tilespmem:$0x1E800] =	vst v63  }
0x5b: {  	_ =	swait.ge [sflag:s6], $0x1F40  }
0x5c: {  	[sflag:s6] =	ssyncset.done $0x0  }
0x5d: {  	s14 =	simm.s32 $0x2B00;
	[sflag:s6] =	ssyncadd.s32 $0xFFFFE0C0  }
0x5e: {  	[spmem:s2] =	stream.indirect.scatter.add.f32 [tilespmem:s20], [sflag:$0xF], $0x40, s14, s16, $0xb8;
	[tilespmem:$0x1E800] =	vst v63  }
0x5f: {  	_ =	swait.ge [sflag:s8], $0x1F40  }
0x60: {  	[sflag:s8] =	ssyncset.done $0x0  }
0x61: {  	s5 =	simm.s32 $0x500;
	[sflag:s8] =	ssyncadd.s32 $0xFFFFE0C0  }
0x62: {  	[tilespmem:s21], [sflag:$0x3] =	stream.indirect.gather [hbm4b:s4+s16], $0x40, s5, s16, $0xb8;
	[tilespmem:$0x1E800] =	vst v63  }
0x63: {  	_ =	swait.ge [sflag:s9], $0x1F40  }
0x64: {  	[sflag:s9] =	ssyncset.done $0x0  }
0x65: {  	s7 =	simm.s32 $0x2B80;
	[sflag:s9] =	ssyncadd.s32 $0xFFFFE0C0  }
0x66: {  	[spmem:s2] =	stream.indirect.scatter.add.f32 [tilespmem:s30], [sflag:$0x10], $0x40, s7, s16, $0xb8;
	[tilespmem:$0x1E800] =	vst v63  }
0x67: {  	_ =	swait.ge [sflag:s15], $0x1F40  }
0x68: {  	[sflag:s15] =	ssyncset.done $0x0  }
0x69: {  	s14 =	simm.s32 $0x580;
	[sflag:s15] =	ssyncadd.s32 $0xFFFFE0C0  }
0x6a: {  	[tilespmem:s23], [sflag:$0x4] =	stream.indirect.gather [hbm4b:s4+s16], $0x40, s14, s16, $0xb8;
	[tilespmem:$0x1E800] =	vst v63  }
0x6b: {  	_ =	swait.ge [sflag:s24], $0x1F40  }
0x6c: {  	[sflag:s24] =	ssyncset.done $0x0  }
0x6d: {  	s3 =	simm.s32 $0x2C00;
	[sflag:s24] =	ssyncadd.s32 $0xFFFFE0C0  }
0x6e: {  	[spmem:s2] =	stream.indirect.scatter.add.f32 [tilespmem:s17], [sflag:$0x9], $0x40, s3, s16, $0xb8;
	[tilespmem:$0x1E800] =	vst v63  }
0x6f: {  	_ =	swait.ge [sflag:s10], $0x1F40  }
0x70: {  	[sflag:s10] =	ssyncset.done $0x0  }
0x71: {  	s7 =	simm.s32 $0x600;
	[sflag:s10] =	ssyncadd.s32 $0xFFFFE0C0  }
0x72: {  	[tilespmem:s26], [sflag:$0x5] =	stream.indirect.gather [hbm4b:s4+s16], $0x40, s7, s16, $0xb8;
	[tilespmem:$0x1E800] =	vst v63  }
0x73: {  	_ =	swait.ge [sflag:s28], $0x1F40  }
0x74: {  	[sflag:s28] =	ssyncset.done $0x0  }
0x75: {  	s14 =	simm.s32 $0x2C80;
	[sflag:s28] =	ssyncadd.s32 $0xFFFFE0C0  }
0x76: {  	[spmem:s2] =	stream.indirect.scatter.add.f32 [tilespmem:s19], [sflag:$0xA], $0x40, s14, s16, $0xb8;
	[tilespmem:$0x1E800] =	vst v63  }
0x77: {  	_ =	swait.ge [sflag:s11], $0x1F40  }
0x78: {  	[sflag:s11] =	ssyncset.done $0x0  }
0x79: {  	s3 =	simm.s32 $0x680;
	[sflag:s11] =	ssyncadd.s32 $0xFFFFE0C0  }
0x7a: {  	[tilespmem:s31], [sflag:$0x6] =	stream.indirect.gather [hbm4b:s4+s16], $0x40, s3, s16, $0xb8;
	[tilespmem:$0x1E800] =	vst v63  }
0x7b: {  	_ =	swait.ge [sflag:s1], $0x1F40  }
0x7c: {  	[sflag:s1] =	ssyncset.done $0x0  }
0x7d: {  	s7 =	simm.s32 $0x2D00;
	[sflag:s1] =	ssyncadd.s32 $0xFFFFE0C0  }
0x7e: {  	[spmem:s2] =	stream.indirect.scatter.add.f32 [tilespmem:s21], [sflag:$0xB], $0x40, s7, s16, $0xb8;
	[tilespmem:$0x1E800] =	vst v63  }
0x7f: {  	_ =	swait.ge [sflag:s12], $0x1F40  }
0x80: {  	[sflag:s12] =	ssyncset.done $0x0  }
0x81: {  	s14 =	simm.s32 $0x700;
	[sflag:s12] =	ssyncadd.s32 $0xFFFFE0C0  }
0x82: {  	[tilespmem:s20], [sflag:$0x7] =	stream.indirect.gather [hbm4b:s4+s16], $0x40, s14, s16, $0xb8;
	[tilespmem:$0x1E800] =	vst v63  }
0x83: {  	_ =	swait.ge [sflag:s22], $0x1F40  }
0x84: {  	[sflag:s22] =	ssyncset.done $0x0  }
0x85: {  	s3 =	simm.s32 $0x2D80;
	[sflag:s22] =	ssyncadd.s32 $0xFFFFE0C0  }
0x86: {  	[spmem:s2] =	stream.indirect.scatter.add.f32 [tilespmem:s23], [sflag:$0xC], $0x40, s3, s16, $0xb8;
	[tilespmem:$0x1E800] =	vst v63  }
0x87: {  	_ =	swait.ge [sflag:s13], $0x1F40  }
0x88: {  	[sflag:s13] =	ssyncset.done $0x0  }
0x89: {  	s7 =	simm.s32 $0x780;
	[sflag:s13] =	ssyncadd.s32 $0xFFFFE0C0  }
0x8a: {  	[tilespmem:s30], [sflag:$0x8] =	stream.indirect.gather [hbm4b:s4+s16], $0x40, s7, s16, $0xb8;
	[tilespmem:$0x1E800] =	vst v63  }
0x8b: {  	_ =	swait.ge [sflag:s0], $0x1F40  }
0x8c: {  	[sflag:s0] =	ssyncset.done $0x0  }
0x8d: {  	s14 =	simm.s32 $0x2E00;
	[sflag:s0] =	ssyncadd.s32 $0xFFFFE0C0  }
0x8e: {  	[spmem:s2] =	stream.indirect.scatter.add.f32 [tilespmem:s26], [sflag:$0xD], $0x40, s14, s16, $0xb8;
	[tilespmem:$0x1E800] =	vst v63  }
0x8f: {  	_ =	swait.ge [sflag:s25], $0x1F40  }
0x90: {  	[sflag:s25] =	ssyncset.done $0x0  }
0x91: {  	s3 =	simm.s32 $0x800;
	[sflag:s25] =	ssyncadd.s32 $0xFFFFE0C0  }
0x92: {  	[tilespmem:s17], [sflag:$0x1] =	stream.indirect.gather [hbm4b:s4+s16], $0x40, s3, s16, $0xb8;
	[tilespmem:$0x1E800] =	vst v63  }
0x93: {  	_ =	swait.ge [sflag:s18], $0x1F40  }
0x94: {  	[sflag:s18] =	ssyncset.done $0x0  }
0x95: {  	s7 =	simm.s32 $0x2E80;
	[sflag:s18] =	ssyncadd.s32 $0xFFFFE0C0  }
0x96: {  	[spmem:s2] =	stream.indirect.scatter.add.f32 [tilespmem:s31], [sflag:$0xE], $0x40, s7, s16, $0xb8;
	[tilespmem:$0x1E800] =	vst v63  }
0x97: {  	_ =	swait.ge [sflag:s29], $0x1F40  }
0x98: {  	[sflag:s29] =	ssyncset.done $0x0  }
0x99: {  	s14 =	simm.s32 $0x880;
	[sflag:s29] =	ssyncadd.s32 $0xFFFFE0C0  }
0x9a: {  	[tilespmem:s19], [sflag:$0x2] =	stream.indirect.gather [hbm4b:s4+s16], $0x40, s14, s16, $0xb8;
	[tilespmem:$0x1E800] =	vst v63  }
0x9b: {  	_ =	swait.ge [sflag:s6], $0x1F40  }
0x9c: {  	[sflag:s6] =	ssyncset.done $0x0  }
0x9d: {  	s3 =	simm.s32 $0x2F00;
	[sflag:s6] =	ssyncadd.s32 $0xFFFFE0C0  }
0x9e: {  	[spmem:s2] =	stream.indirect.scatter.add.f32 [tilespmem:s20], [sflag:$0xF], $0x40, s3, s16, $0xb8;
	[tilespmem:$0x1E800] =	vst v63  }
0x9f: {  	_ =	swait.ge [sflag:s8], $0x1F40  }
0xa0: {  	[sflag:s8] =	ssyncset.done $0x0  }
0xa1: {  	s7 =	simm.s32 $0x900;
	[sflag:s8] =	ssyncadd.s32 $0xFFFFE0C0  }
0xa2: {  	[tilespmem:s21], [sflag:$0x3] =	stream.indirect.gather [hbm4b:s4+s16], $0x40, s7, s16, $0xb8;
	[tilespmem:$0x1E800] =	vst v63  }
0xa3: {  	_ =	swait.ge [sflag:s9], $0x1F40  }
0xa4: {  	[sflag:s9] =	ssyncset.done $0x0  }
0xa5: {  	s14 =	simm.s32 $0x2F80;
	[sflag:s9] =	ssyncadd.s32 $0xFFFFE0C0  }
0xa6: {  	[spmem:s2] =	stream.indirect.scatter.add.f32 [tilespmem:s30], [sflag:$0x10], $0x40, s14, s16, $0xb8;
	[tilespmem:$0x1E800] =	vst v63  }
0xa7: {  	_ =	swait.ge [sflag:s15], $0x1F40  }
0xa8: {  	[sflag:s15] =	ssyncset.done $0x0  }
0xa9: {  	s5 =	simm.s32 $0x1000;
	s7 =	simm.s32 $0x980;
	[sflag:s15] =	ssyncadd.s32 $0xFFFFE0C0  }
.LBB2_2:
0xaa: {  	[tilespmem:s23], [sflag:$0x4] =	stream.indirect.gather [hbm4b:s4+s16], $0x40, s7, s16, $0xb8;
	[tilespmem:$0x1E800] =	vst v63  }
0xab: {  	s7 =	smov.u32 s5  }
0xac: {  	p1 =	sne.s32 s5, $0x7000;
	s5 =	sadd.s32 $0x1000, s5;
	_ =	swait.ge [sflag:s24], $0x1F40  }
0xad: {  	s7 =	sshra.s32 s7, $0x2;
	[sflag:s24] =	ssyncset.done $0x0  }
0xae: {  	s14 =	sadd.s32 $0x2C00, s7;
	[sflag:s24] =	ssyncadd.s32 $0xFFFFE0C0  }
0xaf: {  	[spmem:s2] =	stream.indirect.scatter.add.f32 [tilespmem:s17], [sflag:$0x9], $0x40, s14, s16, $0xb8;
	[tilespmem:$0x1E800] =	vst v63  }
0xb0: {  	_ =	swait.ge [sflag:s10], $0x1F40  }
0xb1: {  	[sflag:s10] =	ssyncset.done $0x0  }
0xb2: {  	s14 =	sadd.s32 $0x600, s7;
	[sflag:s10] =	ssyncadd.s32 $0xFFFFE0C0  }
0xb3: {  	[tilespmem:s26], [sflag:$0x5] =	stream.indirect.gather [hbm4b:s4+s16], $0x40, s14, s16, $0xb8;
	[tilespmem:$0x1E800] =	vst v63  }
0xb4: {  	_ =	swait.ge [sflag:s28], $0x1F40  }
0xb5: {  	[sflag:s28] =	ssyncset.done $0x0  }
0xb6: {  	s14 =	sadd.s32 $0x2C80, s7;
	[sflag:s28] =	ssyncadd.s32 $0xFFFFE0C0  }
0xb7: {  	[spmem:s2] =	stream.indirect.scatter.add.f32 [tilespmem:s19], [sflag:$0xA], $0x40, s14, s16, $0xb8;
	[tilespmem:$0x1E800] =	vst v63  }
0xb8: {  	_ =	swait.ge [sflag:s11], $0x1F40  }
0xb9: {  	[sflag:s11] =	ssyncset.done $0x0  }
0xba: {  	s14 =	sadd.s32 $0x680, s7;
	[sflag:s11] =	ssyncadd.s32 $0xFFFFE0C0  }
0xbb: {  	[tilespmem:s31], [sflag:$0x6] =	stream.indirect.gather [hbm4b:s4+s16], $0x40, s14, s16, $0xb8;
	[tilespmem:$0x1E800] =	vst v63  }
0xbc: {  	_ =	swait.ge [sflag:s1], $0x1F40  }
0xbd: {  	[sflag:s1] =	ssyncset.done $0x0  }
0xbe: {  	s14 =	sadd.s32 $0x2D00, s7;
	[sflag:s1] =	ssyncadd.s32 $0xFFFFE0C0  }
0xbf: {  	[spmem:s2] =	stream.indirect.scatter.add.f32 [tilespmem:s21], [sflag:$0xB], $0x40, s14, s16, $0xb8;
	[tilespmem:$0x1E800] =	vst v63  }
0xc0: {  	_ =	swait.ge [sflag:s12], $0x1F40  }
0xc1: {  	[sflag:s12] =	ssyncset.done $0x0  }
0xc2: {  	s14 =	sadd.s32 $0x700, s7;
	[sflag:s12] =	ssyncadd.s32 $0xFFFFE0C0  }
0xc3: {  	[tilespmem:s20], [sflag:$0x7] =	stream.indirect.gather [hbm4b:s4+s16], $0x40, s14, s16, $0xb8;
	[tilespmem:$0x1E800] =	vst v63  }
0xc4: {  	_ =	swait.ge [sflag:s22], $0x1F40  }
0xc5: {  	[sflag:s22] =	ssyncset.done $0x0  }
0xc6: {  	s14 =	sadd.s32 $0x2D80, s7;
	[sflag:s22] =	ssyncadd.s32 $0xFFFFE0C0  }
0xc7: {  	[spmem:s2] =	stream.indirect.scatter.add.f32 [tilespmem:s23], [sflag:$0xC], $0x40, s14, s16, $0xb8;
	[tilespmem:$0x1E800] =	vst v63  }
0xc8: {  	_ =	swait.ge [sflag:s13], $0x1F40  }
0xc9: {  	[sflag:s13] =	ssyncset.done $0x0  }
0xca: {  	s14 =	sadd.s32 $0x780, s7;
	[sflag:s13] =	ssyncadd.s32 $0xFFFFE0C0  }
0xcb: {  	[tilespmem:s30], [sflag:$0x8] =	stream.indirect.gather [hbm4b:s4+s16], $0x40, s14, s16, $0xb8;
	[tilespmem:$0x1E800] =	vst v63  }
0xcc: {  	_ =	swait.ge [sflag:s0], $0x1F40  }
0xcd: {  	[sflag:s0] =	ssyncset.done $0x0  }
0xce: {  	s14 =	sadd.s32 $0x2E00, s7;
	[sflag:s0] =	ssyncadd.s32 $0xFFFFE0C0  }
0xcf: {  	[spmem:s2] =	stream.indirect.scatter.add.f32 [tilespmem:s26], [sflag:$0xD], $0x40, s14, s16, $0xb8;
	[tilespmem:$0x1E800] =	vst v63  }
0xd0: {  	_ =	swait.ge [sflag:s25], $0x1F40  }
0xd1: {  	[sflag:s25] =	ssyncset.done $0x0  }
0xd2: {  	s14 =	sadd.s32 $0x800, s7;
	[sflag:s25] =	ssyncadd.s32 $0xFFFFE0C0  }
0xd3: {  	[tilespmem:s17], [sflag:$0x1] =	stream.indirect.gather [hbm4b:s4+s16], $0x40, s14, s16, $0xb8;
	[tilespmem:$0x1E800] =	vst v63  }
0xd4: {  	_ =	swait.ge [sflag:s18], $0x1F40  }
0xd5: {  	[sflag:s18] =	ssyncset.done $0x0  }
0xd6: {  	s14 =	sadd.s32 $0x2E80, s7;
	[sflag:s18] =	ssyncadd.s32 $0xFFFFE0C0  }
0xd7: {  	[spmem:s2] =	stream.indirect.scatter.add.f32 [tilespmem:s31], [sflag:$0xE], $0x40, s14, s16, $0xb8;
	[tilespmem:$0x1E800] =	vst v63  }
0xd8: {  	_ =	swait.ge [sflag:s29], $0x1F40  }
0xd9: {  	[sflag:s29] =	ssyncset.done $0x0  }
0xda: {  	s14 =	sadd.s32 $0x880, s7;
	[sflag:s29] =	ssyncadd.s32 $0xFFFFE0C0  }
0xdb: {  	[tilespmem:s19], [sflag:$0x2] =	stream.indirect.gather [hbm4b:s4+s16], $0x40, s14, s16, $0xb8;
	[tilespmem:$0x1E800] =	vst v63  }
0xdc: {  	_ =	swait.ge [sflag:s6], $0x1F40  }
0xdd: {  	[sflag:s6] =	ssyncset.done $0x0  }
0xde: {  	s14 =	sadd.s32 $0x2F00, s7;
	[sflag:s6] =	ssyncadd.s32 $0xFFFFE0C0  }
0xdf: {  	[spmem:s2] =	stream.indirect.scatter.add.f32 [tilespmem:s20], [sflag:$0xF], $0x40, s14, s16, $0xb8;
	[tilespmem:$0x1E800] =	vst v63  }
0xe0: {  	_ =	swait.ge [sflag:s8], $0x1F40  }
0xe1: {  	[sflag:s8] =	ssyncset.done $0x0  }
0xe2: {  	s14 =	sadd.s32 $0x900, s7;
	[sflag:s8] =	ssyncadd.s32 $0xFFFFE0C0  }
0xe3: {  	[tilespmem:s21], [sflag:$0x3] =	stream.indirect.gather [hbm4b:s4+s16], $0x40, s14, s16, $0xb8;
	[tilespmem:$0x1E800] =	vst v63  }
0xe4: {  	_ =	swait.ge [sflag:s9], $0x1F40  }
0xe5: {  	[sflag:s9] =	ssyncset.done $0x0  }
.Ltmp0:
0xe6: {  	s14 =	sadd.s32 $0x2F80, s7;
	[sflag:s9] =	ssyncadd.s32 $0xFFFFE0C0;
	(pc) =	sbr.rel @p1 .LBB2_2-.Ltmp0, $4  }
0xe7: {  	[spmem:s2] =	stream.indirect.scatter.add.f32 [tilespmem:s30], [sflag:$0x10], $0x40, s14, s16, $0xb8;
	[tilespmem:$0x1E800] =	vst v63  }
0xe8: {  	_ =	swait.ge [sflag:s15], $0x1F40  }
0xe9: {  	[sflag:s15] =	ssyncset.done $0x0  }
0xea: {  	s7 =	sadd.s32 $0x980, s7;
	[sflag:s15] =	ssyncadd.s32 $0xFFFFE0C0  }
0xeb: {  	[tilespmem:s23], [sflag:$0x4] =	stream.indirect.gather [hbm4b:s4+s16], $0x40, s7, s16, $0xb8;
	[tilespmem:$0x1E800] =	vst v63  }
0xec: {  	_ =	swait.ge [sflag:s24], $0x1F40  }
0xed: {  	[sflag:s24] =	ssyncset.done $0x0  }
0xee: {  	s3 =	simm.s32 $0x4C00;
	[sflag:s24] =	ssyncadd.s32 $0xFFFFE0C0  }
0xef: {  	[spmem:s2] =	stream.indirect.scatter.add.f32 [tilespmem:s17], [sflag:$0x9], $0x40, s3, s16, $0xb8;
	[tilespmem:$0x1E800] =	vst v63  }
0xf0: {  	_ =	swait.ge [sflag:s10], $0x1F40  }
0xf1: {  	[sflag:s10] =	ssyncset.done $0x0  }
0xf2: {  	s7 =	simm.s32 $0x2600;
	[sflag:s10] =	ssyncadd.s32 $0xFFFFE0C0  }
0xf3: {  	[tilespmem:s26], [sflag:$0x5] =	stream.indirect.gather [hbm4b:s4+s16], $0x40, s7, s16, $0xb8;
	[tilespmem:$0x1E800] =	vst v63  }
0xf4: {  	_ =	swait.ge [sflag:s28], $0x1F40  }
0xf5: {  	[sflag:s28] =	ssyncset.done $0x0  }
0xf6: {  	s14 =	simm.s32 $0x4C80;
	[sflag:s28] =	ssyncadd.s32 $0xFFFFE0C0  }
0xf7: {  	[spmem:s2] =	stream.indirect.scatter.add.f32 [tilespmem:s19], [sflag:$0xA], $0x40, s14, s16, $0xb8;
	[tilespmem:$0x1E800] =	vst v63  }
0xf8: {  	_ =	swait.ge [sflag:s11], $0x1F40  }
0xf9: {  	[sflag:s11] =	ssyncset.done $0x0  }
0xfa: {  	s5 =	simm.s32 $0x2680;
	[sflag:s11] =	ssyncadd.s32 $0xFFFFE0C0  }
0xfb: {  	[tilespmem:s31], [sflag:$0x6] =	stream.indirect.gather [hbm4b:s4+s16], $0x40, s5, s16, $0xb8;
	[tilespmem:$0x1E800] =	vst v63  }
0xfc: {  	_ =	swait.ge [sflag:s1], $0x1F40  }
0xfd: {  	[sflag:s1] =	ssyncset.done $0x0  }
0xfe: {  	s7 =	simm.s32 $0x4D00;
	[sflag:s1] =	ssyncadd.s32 $0xFFFFE0C0  }
0xff: {  	[spmem:s2] =	stream.indirect.scatter.add.f32 [tilespmem:s21], [sflag:$0xB], $0x40, s7, s16, $0xb8;
	[tilespmem:$0x1E800] =	vst v63  }
0x100: {  	_ =	swait.ge [sflag:s12], $0x1F40  }
0x101: {  	[sflag:s12] =	ssyncset.done $0x0  }
0x102: {  	s14 =	simm.s32 $0x2700;
	[sflag:s12] =	ssyncadd.s32 $0xFFFFE0C0  }
0x103: {  	[tilespmem:s20], [sflag:$0x7] =	stream.indirect.gather [hbm4b:s4+s16], $0x40, s14, s16, $0xb8;
	[tilespmem:$0x1E800] =	vst v63  }
0x104: {  	_ =	swait.ge [sflag:s22], $0x1F40  }
0x105: {  	[sflag:s22] =	ssyncset.done $0x0  }
0x106: {  	s5 =	simm.s32 $0x4D80;
	[sflag:s22] =	ssyncadd.s32 $0xFFFFE0C0  }
0x107: {  	[spmem:s2] =	stream.indirect.scatter.add.f32 [tilespmem:s23], [sflag:$0xC], $0x40, s5, s16, $0xb8;
	[tilespmem:$0x1E800] =	vst v63  }
0x108: {  	_ =	swait.ge [sflag:s13], $0x1F40  }
0x109: {  	[sflag:s13] =	ssyncset.done $0x0  }
0x10a: {  	s7 =	simm.s32 $0x2780;
	[sflag:s13] =	ssyncadd.s32 $0xFFFFE0C0  }
0x10b: {  	[tilespmem:s30], [sflag:$0x8] =	stream.indirect.gather [hbm4b:s4+s16], $0x40, s7, s16, $0xb8;
	[tilespmem:$0x1E800] =	vst v63  }
0x10c: {  	_ =	swait.ge [sflag:s0], $0x1F40  }
0x10d: {  	[sflag:s0] =	ssyncset.done $0x0  }
0x10e: {  	s14 =	simm.s32 $0x4E00;
	[sflag:s0] =	ssyncadd.s32 $0xFFFFE0C0  }
0x10f: {  	[spmem:s2] =	stream.indirect.scatter.add.f32 [tilespmem:s26], [sflag:$0xD], $0x40, s14, s16, $0xb8;
	[tilespmem:$0x1E800] =	vst v63  }
0x110: {  	_ =	swait.ge [sflag:s18], $0x1F40  }
0x111: {  	[sflag:s18] =	ssyncset.done $0x0  }
0x112: {  	s5 =	simm.s32 $0x4E80;
	[sflag:s18] =	ssyncadd.s32 $0xFFFFE0C0  }
0x113: {  	[spmem:s2] =	stream.indirect.scatter.add.f32 [tilespmem:s31], [sflag:$0xE], $0x40, s5, s16, $0xb8;
	[tilespmem:$0x1E800] =	vst v63  }
0x114: {  	_ =	swait.ge [sflag:s6], $0x1F40  }
0x115: {  	[sflag:s6] =	ssyncset.done $0x0  }
0x116: {  	s7 =	simm.s32 $0x4F00;
	[sflag:s6] =	ssyncadd.s32 $0xFFFFE0C0  }
0x117: {  	[spmem:s2] =	stream.indirect.scatter.add.f32 [tilespmem:s20], [sflag:$0xF], $0x40, s7, s16, $0xb8;
	[tilespmem:$0x1E800] =	vst v63  }
0x118: {  	_ =	swait.ge [sflag:s9], $0x1F40  }
0x119: {  	[sflag:s9] =	ssyncset.done $0x0  }
0x11a: {  	s14 =	simm.s32 $0x4F80;
	[sflag:s9] =	ssyncadd.s32 $0xFFFFE0C0  }
0x11b: {  	[spmem:s2] =	stream.indirect.scatter.add.f32 [tilespmem:s30], [sflag:$0x10], $0x40, s14, s16, $0xb8;
	[tilespmem:$0x1E800] =	vst v63  }
0x11c: {  	_ =	swait.ge [sflag:s25], $0x1F40  }
0x11d: {  	[sflag:s25] =	ssyncset.done $0x0  }
0x11e: {  	[sflag:s25] =	ssyncadd.s32 $0xFFFFE0C0  }
0x11f: {  	_ =	swait.ge [sflag:s29], $0x1F40  }
0x120: {  	[sflag:s29] =	ssyncset.done $0x0  }
0x121: {  	[sflag:s29] =	ssyncadd.s32 $0xFFFFE0C0  }
0x122: {  	_ =	swait.ge [sflag:s8], $0x1F40  }
0x123: {  	[sflag:s8] =	ssyncset.done $0x0  }
0x124: {  	[sflag:s8] =	ssyncadd.s32 $0xFFFFE0C0  }
0x125: {  	_ =	swait.ge [sflag:s15], $0x1F40  }
0x126: {  	[sflag:s15] =	ssyncset.done $0x0  }
0x127: {  	[sflag:s15] =	ssyncadd.s32 $0xFFFFE0C0  }
0x128: {  	_ =	swait.ge [sflag:s10], $0x1F40  }
0x129: {  	[sflag:s10] =	ssyncset.done $0x0  }
0x12a: {  	[sflag:s10] =	ssyncadd.s32 $0xFFFFE0C0  }
0x12b: {  	_ =	swait.ge [sflag:s11], $0x1F40  }
0x12c: {  	[sflag:s11] =	ssyncset.done $0x0  }
0x12d: {  	[sflag:s11] =	ssyncadd.s32 $0xFFFFE0C0  }
0x12e: {  	_ =	swait.ge [sflag:s12], $0x1F40  }
0x12f: {  	[sflag:s12] =	ssyncset.done $0x0  }
0x130: {  	[sflag:s12] =	ssyncadd.s32 $0xFFFFE0C0  }
0x131: {  	_ =	swait.ge [sflag:s13], $0x1F40  }
0x132: {  	[sflag:s13] =	ssyncset.done $0x0  }
0x133: {  	[sflag:s13] =	ssyncadd.s32 $0xFFFFE0C0  }
0x134: {  	[bflag:$0x0] =	sbarrier.arrive $0xFFFF  }
0x135: {  	s7 =	rddreg [dreg:$0x4]  }
0x136: {  	s14 =	rddreg [dreg:$0x6]  }
0x137: {  	s3 =	rddreg [dreg:$0xa];
	s5 =	sshrl.u32 @p0 s7, $0x3  }
0x138: {  	[hbm:s3], [sflag:s14] =	dma.local @p0 [spmem:s5], $0x1040  }
0x139: {  	s5 =	simm.s32 @p0 $0x11  }
0x13a: {  	_ =	swait.ge @p0 [sflag:s5], $0x1040  }
0x13b: {  	[sflag:s5] =	ssyncset.done @p0 $0x0  }
0x13c: {  	[sflag:s5] =	ssyncadd.s32 @p0 $0xFFFFEFC0;
	s5 =	sshrl.u32 @!p0 s7, $0x3;
	s7 =	rddreg [dreg:$0x9]  }
0x13d: {  	[hbm:s7], [sflag:s14] =	dma.local @!p0 [spmem:s5], $0x13C0  }
0x13e: {  	s5 =	simm.s32 @!p0 $0x11  }
0x13f: {  	_ =	swait.ge @!p0 [sflag:s5], $0x13C0  }
0x140: {  	s3 =	rddreg [dreg:$0xd]  }
0x141: {  	s7 =	sadd.s32 $0x1, s3;
	s3 =	rddreg [dreg:$0xb]  }
0x142: {  	p1 =	sne.s32 s7, s3  }
.Ltmp1:
0x143: {  	_ = 	snop;
	(pc) =	sbr.rel @p1 .LBB2_1-.Ltmp1, $3  }
0x144: {  	_ =	sdelay $0x1  }
0x145: {  	[sflag:s5] =	ssyncset.done @!p0 $0x0  }
0x146: {  	[sflag:s5] =	ssyncadd.s32 @!p0 $0xFFFFEC40  }
0x147: {  	_ =	sfence.sel $0x180000  }
0x148: {  	[bflag:$0x0] =	sbarrier.arrive $0xFFFF  }
0x149: {  	_ =	strace $0x9000004A  }
0x14a: {  	s0 =	stileid.u32;
	[bflag:$0x2] =	sbarrier.arrive $0xFFFF  }
0x14b: {  	p0 =	sne.s32 s0, $0x0;
	s0 =	rddreg [dreg:$0x3]  }
0x14c: {  	s0 =	sadd.s32 @!p0 $0x100000, s0  }
0x14d: {  	[sflag:s0] =	ssyncadd.tile.s32 @!p0 $0x1;
	_ =	shalt  }
.Lfunc_end2:
_tile_overlayer_lowered:
.L_overlay_start_2:
0x14e: {  	(tag) =	ssettag $0x2  }
0x14f: {  	s0 =	rddreg [dreg:$0x0];
	s2 =	stileid.u32  }
0x150: {  	s1 =	rddreg [dreg:$0x1];
	p0 =	sne.s32 s2, $0x0  }
0x151: {  	s3 =	rddreg [dreg:$0x2];
	[bflag:$0x3] =	sbarrier.arrive $0xFFFF;
	s2 =	simm.s32 @!p0 $0x1C11  }
0x152: {  	[timem:s3], [sflag:s2] =	dma.local @!p0 [hbm:s0], s1  }
0x153: {  	s0 =	simm.s32 @!p0 $0x11  }
0x154: {  	_ =	swait.ge @!p0 [sflag:s0], s1  }
0x155: {  	s1 =	ssub.s32 @!p0 $0x0, s1;
	[sflag:s0] =	ssyncset.done @!p0 $0x0  }
0x156: {  	[sflag:s0] =	ssyncadd.s32 @!p0 s1  }
0x157: {  	[bflag:$0x3] =	sbarrier.arrive $0xFFFF  }
0x158: {  	_ =	shalt  }

// kernel: kernel.15.cloned.1.call-start
scs
__scs_entry_jumppad:
0x0: {  	(pc) =	sbr.rel $0x88, $3  }
0x1: {  	(tag) =	ssettag $0x0;
	lr =	simm.s32 $0x1  }
0x2: {  	[smem:$0x3F96] =	sst lr;
	_ =	strace $0xD0000000  }
0x3: {  	_ = 	snop  }
0x4: {  	_ = 	snop  }
0x5: {  	_ = 	snop  }
0x6: {  	_ = 	snop  }
0x7: {  	_ = 	snop  }
__scs_overlays_trampoline_lowered:
0x8: {  	[smem:$0x3FA5] =	sst s0  }
0x9: {  	[smem:$0x3FA6] =	sst s1  }
0xa: {  	[smem:$0x3FA7] =	sst s2  }
0xb: {  	[smem:$0x3FA8] =	sst s3  }
0xc: {  	[smem:$0x3FA9] =	sst s4  }
0xd: {  	[smem:$0x3FAA] =	sst s5  }
0xe: {  	[smem:$0x3FAB] =	sst s6  }
0xf: {  	[smem:$0x3FAC] =	sst s7  }
0x10: {  	[smem:$0x3FAD] =	sst s8  }
0x11: {  	[smem:$0x3FAE] =	sst s9;
	s0 =	simm.s32 @!p0 $0x0  }
0x12: {  	s1 =	sld [smem:$0x3F94];
	s0 =	simm.s32 @p0 $0x1  }
0x13: {  	[smem:$0x3FAF] =	sst s0;
	s0 =	simm.s32 @!p1 $0x0  }
0x14: {  	s2 =	sld [smem:$0x3F93];
	s0 =	simm.s32 @p1 $0x1  }
0x15: {  	[smem:$0x3FB0] =	sst s0;
	s0 =	simm.s32 @!p2 $0x0  }
0x16: {  	s3 =	sld [smem:$0x3FDB];
	s0 =	simm.s32 @p2 $0x1  }
0x17: {  	s4 =	simm.s32 $0x1BF5;
	[smem:$0x3FB2] =	sst s0  }
0x18: {  	s0 =	sld [smem:$0x3F95];
	_ =	swait.ge [sflag:s4], $0x0  }
0x19: {  	s7 =	sld [smem:$0x3F96]  }
0x1a: {  	s8 =	sadd.s32 $0xFFFFE003, lr  }
0x1b: {  	s9 =	sadd.s32 $0xFFFFFEF7, lr;
	s5 =	simm.s32 $0xFFFFFFFF;
	p2 =	slt.u32 s8, $0xFFFFF086  }
0x1c: {  	p1 =	slt.u32 s9, $0xF7A;
	s5 =	simm.s32 @!p2 $0x0  }
0x1d: {  	s5 =	simm.s32 @p1 $0x1;
	p0 =	seq.s32 s7, s2  }
0x1e: {  	s7 =	smul.u32 @!p0 $0xF7A, s2;
	p2 =	seq.s32 @!p0 s5, $0x0  }
0x1f: {  	s9 =	smul.u32 $0xF7A, s1;
	s8 =	simm.s32 @!p0 $0x1BF5;
	p2 =	por !p2, p0  }
0x20: {  	[sflag:s8] =	ssyncset.s32 @!p0 $0xFFFFF086;
	s6 =	sadd.s32 @!p0 s3, s7;
	s7 =	simm.s32 @!p0 $0x108  }
0x21: {  	s3 =	sadd.s32 s3, s9;
	s6 =	sadd.s32 @!p0 $0x88, s6;
	s7 =	simm.s32 @p2 $0x1082  }
0x22: {  	[simem:s7], [sflag:s8] =	dma.local @!p0 [hbm:s6], $0xF7A  }
0x23: {  	s9 =	sor.u32 $0xD0000000, s2;
	s6 =	simm.s32 $0x108;
	_ =	swait.ge @!p0 [sflag:s8], $0x0  }
0x24: {  	s3 =	sadd.s32 $0x88, s3;
	s6 =	simm.s32 @!p1 $0x1082;
	[sflag:s4] =	ssyncset.s32 $0xFFFFF086  }
0x25: {  	[simem:s6], [sflag:s4] =	dma.local [hbm:s3], $0xF7A  }
0x26: {  	[smem:$0x3F96] =	sst s1;
	(tag) =	ssettag s2;
	_ =	strace s9  }
0x27: {  	s1 =	sld [smem:$0x3FA6]  }
0x28: {  	s2 =	sld [smem:$0x3FA7]  }
0x29: {  	s4 =	sld [smem:$0x3FA9]  }
0x2a: {  	p0 =	seq.s32 s5, $0x0;
	s5 =	sld [smem:$0x3FAA]  }
0x2b: {  	s6 =	sld [smem:$0x3FAB]  }
0x2c: {  	s7 =	sld [smem:$0x3FAC]  }
0x2d: {  	s3 =	simm.s32 $0x108;
	s8 =	sld [smem:$0x3FAD]  }
0x2e: {  	s3 =	simm.s32 @!p0 $0x1082;
	s9 =	sld [smem:$0x3FAE]  }
0x2f: {  	lr =	sadd.s32 s0, s3;
	s0 =	sld [smem:$0x3FA5]  }
0x30: {  	s3 =	sld [smem:$0x3FA8]  }
0x31: {  	[smem:$0x3FB1] =	sst s10  }
0x32: {  	s10 =	sld [smem:$0x3FAF];
	_ =	sdelay $0x3  }
0x33: {  	p0 =	seq.s32 s10, $0x1;
	s10 =	sld [smem:$0x3FB1];
	_ =	sdelay $0x3  }
0x34: {  	[smem:$0x3FB1] =	sst s10  }
0x35: {  	s10 =	sld [smem:$0x3FB0];
	_ =	sdelay $0x3  }
0x36: {  	p1 =	seq.s32 s10, $0x1;
	s10 =	sld [smem:$0x3FB1];
	_ =	sdelay $0x3  }
0x37: {  	[smem:$0x3FB1] =	sst s10  }
0x38: {  	s10 =	sld [smem:$0x3FB2]  }
0x39: {  	_ = 	snop;
	(pc) =	sbr.ind lr, $3  }
0x3a: {  	_ = 	snop  }
0x3b: {  	_ = 	snop  }
0x3c: {  	p2 =	seq.s32 s10, $0x1;
	s10 =	sld [smem:$0x3FB1]  }
0x3d: {  	_ =	shalt  }
0x3e: {  	_ =	shalt  }
0x3f: {  	_ =	shalt  }
0x40: {  	_ =	shalt  }
0x41: {  	_ =	shalt  }
0x42: {  	_ =	shalt  }
0x43: {  	_ =	shalt  }
0x44: {  	_ =	shalt  }
0x45: {  	_ =	shalt  }
0x46: {  	_ =	shalt  }
0x47: {  	_ =	shalt  }
0x48: {  	_ =	shalt  }
0x49: {  	_ =	shalt  }
0x4a: {  	_ =	shalt  }
0x4b: {  	_ =	shalt  }
0x4c: {  	_ =	shalt  }
0x4d: {  	_ =	shalt  }
0x4e: {  	_ =	shalt  }
0x4f: {  	_ =	shalt  }
0x50: {  	_ =	shalt  }
0x51: {  	_ =	shalt  }
0x52: {  	_ =	shalt  }
0x53: {  	_ =	shalt  }
0x54: {  	_ =	shalt  }
0x55: {  	_ =	shalt  }
0x56: {  	_ =	shalt  }
0x57: {  	_ =	shalt  }
0x58: {  	_ =	shalt  }
0x59: {  	_ =	shalt  }
0x5a: {  	_ =	shalt  }
0x5b: {  	_ =	shalt  }
0x5c: {  	_ =	shalt  }
0x5d: {  	_ =	shalt  }
0x5e: {  	_ =	shalt  }
0x5f: {  	_ =	shalt  }
0x60: {  	_ =	shalt  }
0x61: {  	_ =	shalt  }
0x62: {  	_ =	shalt  }
0x63: {  	_ =	shalt  }
0x64: {  	_ =	shalt  }
0x65: {  	_ =	shalt  }
0x66: {  	_ =	shalt  }
0x67: {  	_ =	shalt  }
0x68: {  	_ =	shalt  }
0x69: {  	_ =	shalt  }
0x6a: {  	_ =	shalt  }
0x6b: {  	_ =	shalt  }
0x6c: {  	_ =	shalt  }
0x6d: {  	_ =	shalt  }
0x6e: {  	_ =	shalt  }
0x6f: {  	_ =	shalt  }
0x70: {  	_ =	shalt  }
0x71: {  	_ =	shalt  }
0x72: {  	_ =	shalt  }
0x73: {  	_ =	shalt  }
0x74: {  	_ =	shalt  }
0x75: {  	_ =	shalt  }
0x76: {  	_ =	shalt  }
0x77: {  	_ =	shalt  }
0x78: {  	_ =	shalt  }
0x79: {  	_ =	shalt  }
0x7a: {  	_ =	shalt  }
0x7b: {  	_ =	shalt  }
0x7c: {  	_ =	shalt  }
0x7d: {  	_ =	shalt  }
0x7e: {  	_ =	shalt  }
0x7f: {  	_ =	shalt  }
0x80: {  	_ =	shalt  }
0x81: {  	_ =	shalt  }
0x82: {  	_ =	shalt  }
0x83: {  	_ =	shalt  }
0x84: {  	_ =	shalt  }
0x85: {  	_ =	shalt  }
0x86: {  	_ =	shalt  }
0x87: {  	_ =	shalt  }
.Lfunc_end0:
.L_simem_size_0:
called_computation.2_lowered:
.L_overlay_start_0:
0x88: {  	s2 =	sld [smem:$0x3FD9]  }
0x89: {  	s3 =	sld [smem:$0x3FFE];
	_ =	sdelay $0x1  }
0x8a: {  	s1 =	srdreg.scid  }
0x8b: {  	s0 =	sand.u32 $0x1, s1  }
0x8c: {  	s17 =	sshll.u32 s0, $0xA;
	s2 =	sadd.s32 s3, s2  }
0x8d: {  	s2 =	sadd.s32 s2, s17  }
0x8e: {  	[smem:$0x3FBD] =	sst s2  }
0x8f: {  	_ = 	snop  }
0x90: {  	s2 =	sld [smem:$0x3FD0];
	(tm) =	ssettm $0x1  }
0x91: {  	s18 =	sld [smem:$0x3FFB];
	_ =	sdelay $0x3  }
0x92: {  	_ =	strace s18  }
0x93: {  	s3 =	sld [smem:$0x3FFC];
	_ =	sdelay $0x3  }
0x94: {  	_ =	strace s3  }
0x95: {  	s3 =	sld [smem:$0x3FFD];
	_ =	sdelay $0x3  }
0x96: {  	_ =	strace s3  }
0x97: {  	_ =	strace $0x8FFFFFFF  }
0x98: {  	s19 =	sld [smem:$0x3FDB];
	_ =	sdelay $0x1  }
0x99: {  	s4 =	simm.s32 $_scs_section_size  }
0x9a: {  	s5 =	simm.s32 $_size__tile_overlayer_lowered;
	s6 =	simm.s32 $_tile_overlayer_lowered  }
0x9b: {  	s22 =	simm.s32 $0x1BFF;
	s21 =	sshll.u32 s6, $0x1;
	s3 =	sadd.s32 s4, s19  }
0x9c: {  	s7 =	simm.s32 $0x0;
	s20 =	sshll.u32 s5, $0x1;
	s5 =	sadd.s32 s21, s3  }
0x9d: {  	[timem:s7], [sflag:s22] =	dma.local [hbm:s5], s20  }
0x9e: {  	_ =	swait.ge [sflag:s22], s20  }
0x9f: {  	s4 =	ssub.s32 $0x0, s20;
	[sflag:s22] =	ssyncset.done $0x0  }
0xa0: {  	[sflag:s22] =	ssyncadd.s32 s4;
	_ =	sdelay $0x1  }
0xa1: {  	s23 =	simm.s32 $0x1B8B  }
0xa2: {  	_ =	swait.ge [sflag:s23], $0x1  }
0xa3: {  	[sflag:s23] =	ssyncset.done $0x0  }
0xa4: {  	s25 =	simm.s32 $0x1B8E;
	s24 =	sld [smem:$0x3FFE];
	[sflag:s23] =	ssyncadd.s32 $0xFFFFFFFF  }
0xa5: {  	s26 =	simm.s32 $execute0_lowered;
	[smem:$0x3FD2] =	sst s25  }
0xa6: {  	s5 =	sshll.u32 s26, $0x1;
	_ =	strace $0x8000004C;
	[dreg:$0x1] =	wrdreg $0xFFFFFFFF  }
0xa7: {  	s28 =	simm.s32 $_size_execute0_lowered;
	s3 =	sadd.s32 s3, s5;
	[dreg:$0x0] =	wrdreg $0x0  }
0xa8: {  	s5 =	sshll.u32 s28, $0x1;
	[dreg:$0x2] =	wrdreg s3  }
0xa9: {  	[dreg:$0x3] =	wrdreg s5  }
0xaa: {  	[dreg:$0x4] =	wrdreg $0xC0  }
0xab: {  	_ =	task [dreg:s7], $0x5FFFF  }
0xac: {  	[dreg:$0x1] =	wrdreg $0xFFFFFFFF  }
0xad: {  	[dreg:$0x0] =	wrdreg $0x60  }
0xae: {  	[dreg:$0x2] =	wrdreg s24  }
0xaf: {  	[dreg:$0x3] =	wrdreg s2  }
0xb0: {  	[dreg:$0x4] =	wrdreg $0x14A000  }
0xb1: {  	[dreg:$0x5] =	wrdreg $0x9  }
0xb2: {  	_ =	task.clear_ibuf [dreg:s7], $0x6FFFF;
	_ =	strace $0x9000004C  }
0xb3: {  	s29 =	simm.s32 $0x9;
	_ =	strace $0x8000004E  }
0xb4: {  	_ =	swait.ge [sflag:s29], $0x1  }
0xb5: {  	[sflag:s29] =	ssyncadd.s32 $0xFFFFFFFF  }
0xb6: {  	_ =	strace $0x9000004E  }
0xb7: {  	_ =	sfence  }
0xb8: {  	s30 =	sld [smem:$0x0];
	_ =	sdelay $0x2  }
0xb9: {  	s31 =	sshll.u32 s1, $0xD;
	s1 =	sshrl.u32 s1, $0x2  }
0xba: {  	s3 =	sand.u32 $0x4000, s31;
	s1 =	sadd.s32 s1, s30  }
0xbb: {  	s0 =	sor.u32 s3, s0;
	s1 =	sshll.u32 s1, $0x11  }
0xbc: {  	s0 =	sor.u32 s1, s0  }
0xbd: {  	s0 =	sadd.s32 $0x8F2B, s0  }
0xbe: {  	[sflag:s0] =	ssyncadd.remote.s32 $0x1  }
0xbf: {  	_ =	sfence.sel $0xFFFF  }
0xc0: {  	[dreg:$0x0] =	wrdreg $0xFFFFFFFF;
	(pc) =	sbr.abs _section_cstart, $3  }
0xc1: {  	[dreg:$0x1] =	wrdreg $0xFFFFFFFF  }
0xc2: {  	_ =	task.clear_ibuf [dreg:s7], $0x2FFFF;
	_ =	strace $0x9FFFFFFF  }
0xc3: {  	(tm) =	ssettm $0x7FFFFFFF  }
tec
execute0_lowered:
.L_overlay_start_1:
0x0: {  	(tag) =	ssettag $0x1  }
0x1: {  	s0 =	rddreg [dreg:$0x0]  }
0x2: {  	s1 =	srdreg.scid;
	s3 =	rddreg [dreg:$0x1]  }
0x3: {  	s9 =	stileid.u32;
	s2 =	rddreg [dreg:$0x2];
	s6 =	simm.s32 $0x0  }
0x4: {  	s16 =	simm.s32 $0x7D;
	s17 =	simm.s32 $0x5000;
	s28 =	simm.s32 $0x2  }
0x5: {  	s31 =	simm.s32 $0xEC40;
	s30 =	simm.s32 $0x12AC0;
	s18 =	simm.s32 $0x6  }
0x6: {  	s29 =	simm.s32 $0xA;
	s15 =	simm.s32 $0xC;
	s11 =	simm.s32 $0xE  }
0x7: {  	s12 =	simm.s32 $0xF;
	s13 =	simm.s32 $0x10;
	s1 =	sand.u32 $0x1, s1  }
0x8: {  	s4 =	sshll.u32 s9, $0x1;
	[smem:$0x7FF] =	sst s6;
	s19 =	smul.u32 $0x9E00, s9  }
0x9: {  	s21 =	sshll.u32 s9, $0x6;
	p0 =	seq.s32 s9, $0xF;
	s6 =	simm.s32 $0x7  }
0xa: {  	s9 =	simm.s32 $0x8;
	s4 =	sor.u32 s1, s4;
	_ =	strace $0x8000004D  }
0xb: {  	s8 =	ssub.s32 $0x2, s1;
	s1 =	smul.u32 $0x9C400, s1;
	s14 =	sor.u32 $0x1C11, s21  }
0xc: {  	s21 =	simm.s32 $0x8E80;
	s5 =	smul.u32 $0x2800, s4;
	s4 =	sadd.s32 $0x3200, s0  }
0xd: {  	s7 =	sshrl.u32 s19, $0x3;
	s20 =	sshrl.u32 s8, $0x1;
	s10 =	sadd.s32 s19, s2  }
0xe: {  	[dreg:$0x6] =	wrdreg s14;
	s23 =	sadd.s32 s19, s1;
	s1 =	sshrl.u32 s1, $0x3  }
0xf: {  	[dreg:$0x4] =	wrdreg s10;
	s26 =	sshrl.u32 s10, $0x3;
	s19 =	simm.s32 $0x6F40  }
0x10: {  	s10 =	simm.s32 $0xD;
	s5 =	sshrl.u32 s5, $0x3;
	s1 =	sadd.s32 s3, s1  }
0x11: {  	[dreg:$0xc] =	wrdreg s26;
	s26 =	simm.s32 $0xCD00;
	s5 =	sadd.s32 s5, s0  }
0x12: {  	s0 =	sadd.s32 s7, s0;
	s7 =	ssub.s32 s8, s20;
	s24 =	sadd.s32 $0x12840, s1  }
0x13: {  	s1 =	simm.s32 $0x3;
	s0 =	sadd.s32 $0x2FC00, s0;
	[dreg:$0xa] =	wrdreg s24  }
0x14: {  	s20 =	simm.s32 $0x10B80;
	s22 =	sadd.s32 $0x16C00, s5;
	[dreg:$0x5] =	wrdreg s0  }
0x15: {  	s8 =	simm.s32 $0xB;
	s5 =	sadd.s32 $0x20C00, s5;
	[dreg:$0x7] =	wrdreg s22  }
0x16: {  	s25 =	smax.u32 s7, $0x1;
	s24 =	simm.s32 $0x1;
	[dreg:$0x8] =	wrdreg s5  }
0x17: {  	s7 =	simm.s32 $0x0;
	s0 =	sshrl.u32 s23, $0x3;
	[dreg:$0xb] =	wrdreg s25  }
0x18: {  	s23 =	simm.s32 $0xADC0;
	s22 =	simm.s32 $0x4;
	s0 =	sadd.s32 s3, s0  }
0x19: {  	s25 =	simm.s32 $0x9;
	[dreg:$0x9] =	wrdreg s0;
	s0 =	simm.s32 $0x5  }
.LBB2_1:
0x1a: {  	[dreg:$0xd] =	wrdreg s7  }
0x1b: {  	s5 =	rddreg [dreg:$0x5]  }
0x1c: {  	s3 =	rddreg [dreg:$0xc]  }
0x1d: {  	[spmem:s3], [sflag:s14] =	dma.local [hbm:s5], $0x13C0  }
0x1e: {  	s3 =	simm.s32 $0x11  }
0x1f: {  	_ =	swait.ge [sflag:s3], $0x13C0  }
0x20: {  	[sflag:s3] =	ssyncset.done $0x0  }
0x21: {  	[sflag:s3] =	ssyncadd.s32 $0xFFFFEC40  }
0x22: {  	[bflag:$0x0] =	sbarrier.arrive $0xFFFF  }
0x23: {  	s5 =	simm.s32 $0x0;
	s14 =	rddreg [dreg:$0x7]  }
0x24: {  	[tilespmem:s5], [sflag:$0x11] =	stream.linear.gather [hbm4b:s14+s5], $0x2800, $0x38;
	[tilespmem:$0x1E800] =	vst v63  }
0x25: {  	_ =	swait.ge [sflag:s3], $0x2800  }
0x26: {  	[sflag:s3] =	ssyncset.done $0x0  }
0x27: {  	s14 =	simm.s32 $0x2800;
	s7 =	rddreg [dreg:$0x8];
	[sflag:s3] =	ssyncadd.s32 $0xFFFFD800  }
0x28: {  	[tilespmem:s14], [sflag:$0x11] =	stream.linear.gather [hbm4b:s7+s5], $0x2800, $0x38;
	[tilespmem:$0x1E800] =	vst v63  }
0x29: {  	_ =	swait.ge [sflag:s3], $0x2800  }
0x2a: {  	[sflag:s3] =	ssyncset.done $0x0  }
0x2b: {  	[sflag:s3] =	ssyncadd.s32 $0xFFFFD800  }
0x2c: {  	[tilespmem:s17], [sflag:$0x1] =	stream.indirect.gather [hbm4b:s4+s16], $0x40, s5, s16, $0xb8;
	[tilespmem:$0x1E800] =	vst v63  }
0x2d: {  	s7 =	simm.s32 $0x80  }
0x2e: {  	[tilespmem:s19], [sflag:$0x2] =	stream.indirect.gather [hbm4b:s4+s16], $0x40, s7, s16, $0xb8;
	[tilespmem:$0x1E800] =	vst v63  }
0x2f: {  	s5 =	simm.s32 $0x100  }
0x30: {  	[tilespmem:s21], [sflag:$0x3] =	stream.indirect.gather [hbm4b:s4+s16], $0x40, s5, s16, $0xb8;
	[tilespmem:$0x1E800] =	vst v63  }
0x31: {  	s7 =	simm.s32 $0x180  }
0x32: {  	[tilespmem:s23], [sflag:$0x4] =	stream.indirect.gather [hbm4b:s4+s16], $0x40, s7, s16, $0xb8;
	[tilespmem:$0x1E800] =	vst v63  }
0x33: {  	_ =	swait.ge [sflag:s24], $0x1F40  }
0x34: {  	[sflag:s24] =	ssyncset.done $0x0  }
0x35: {  	[sflag:s24] =	ssyncadd.s32 $0xFFFFE0C0  }
0x36: {  	[spmem:s2] =	stream.indirect.scatter.add.f32 [tilespmem:s17], [sflag:$0x9], $0x40, s14, s16, $0xb8;
	[tilespmem:$0x1E800] =	vst v63  }
0x37: {  	s5 =	simm.s32 $0x200  }
0x38: {  	[tilespmem:s26], [sflag:$0x5] =	stream.indirect.gather [hbm4b:s4+s16], $0x40, s5, s16, $0xb8;
	[tilespmem:$0x1E800] =	vst v63  }
0x39: {  	_ =	swait.ge [sflag:s28], $0x1F40  }
0x3a: {  	[sflag:s28] =	ssyncset.done $0x0  }
0x3b: {  	s7 =	simm.s32 $0x2880;
	[sflag:s28] =	ssyncadd.s32 $0xFFFFE0C0  }
0x3c: {  	[spmem:s2] =	stream.indirect.scatter.add.f32 [tilespmem:s19], [sflag:$0xA], $0x40, s7, s16, $0xb8;
	[tilespmem:$0x1E800] =	vst v63  }
0x3d: {  	s14 =	simm.s32 $0x280  }
0x3e: {  	[tilespmem:s31], [sflag:$0x6] =	stream.indirect.gather [hbm4b:s4+s16], $0x40, s14, s16, $0xb8;
	[tilespmem:$0x1E800] =	vst v63  }
0x3f: {  	_ =	swait.ge [sflag:s1], $0x1F40  }
0x40: {  	[sflag:s1] =	ssyncset.done $0x0  }
0x41: {  	s5 =	simm.s32 $0x2900;
	[sflag:s1] =	ssyncadd.s32 $0xFFFFE0C0  }
0x42: {  	[spmem:s2] =	stream.indirect.scatter.add.f32 [tilespmem:s21], [sflag:$0xB], $0x40, s5, s16, $0xb8;
	[tilespmem:$0x1E800] =	vst v63  }
0x43: {  	s7 =	simm.s32 $0x300  }
0x44: {  	[tilespmem:s20], [sflag:$0x7] =	stream.indirect.gather [hbm4b:s4+s16], $0x40, s7, s16, $0xb8;
	[tilespmem:$0x1E800] =	vst v63  }
0x45: {  	_ =	swait.ge [sflag:s22], $0x1F40  }
0x46: {  	[sflag:s22] =	ssyncset.done $0x0  }
0x47: {  	s14 =	simm.s32 $0x2980;
	[sflag:s22] =	ssyncadd.s32 $0xFFFFE0C0  }
0x48: {  	[spmem:s2] =	stream.indirect.scatter.add.f32 [tilespmem:s23], [sflag:$0xC], $0x40, s14, s16, $0xb8;
	[tilespmem:$0x1E800] =	vst v63  }
0x49: {  	s5 =	simm.s32 $0x380  }
0x4a: {  	[tilespmem:s30], [sflag:$0x8] =	stream.indirect.gather [hbm4b:s4+s16], $0x40, s5, s16, $0xb8;
	[tilespmem:$0x1E800] =	vst v63  }
0x4b: {  	_ =	swait.ge [sflag:s0], $0x1F40  }
0x4c: {  	[sflag:s0] =	ssyncset.done $0x0  }
0x4d: {  	s7 =	simm.s32 $0x2A00;
	[sflag:s0] =	ssyncadd.s32 $0xFFFFE0C0  }
0x4e: {  	[spmem:s2] =	stream.indirect.scatter.add.f32 [tilespmem:s26], [sflag:$0xD], $0x40, s7, s16, $0xb8;
	[tilespmem:$0x1E800] =	vst v63  }
0x4f: {  	_ =	swait.ge [sflag:s25], $0x1F40  }
0x50: {  	[sflag:s25] =	ssyncset.done $0x0  }
0x51: {  	s14 =	simm.s32 $0x400;
	[sflag:s25] =	ssyncadd.s32 $0xFFFFE0C0  }
0x52: {  	[tilespmem:s17], [sflag:$0x1] =	stream.indirect.gather [hbm4b:s4+s16], $0x40, s14, s16, $0xb8;
	[tilespmem:$0x1E800] =	vst v63  }
0x53: {  	_ =	swait.ge [sflag:s18], $0x1F40  }
0x54: {  	[sflag:s18] =	ssyncset.done $0x0  }
0x55: {  	s5 =	simm.s32 $0x2A80;
	[sflag:s18] =	ssyncadd.s32 $0xFFFFE0C0  }
0x56: {  	[spmem:s2] =	stream.indirect.scatter.add.f32 [tilespmem:s31], [sflag:$0xE], $0x40, s5, s16, $0xb8;
	[tilespmem:$0x1E800] =	vst v63  }
0x57: {  	_ =	swait.ge [sflag:s29], $0x1F40  }
0x58: {  	[sflag:s29] =	ssyncset.done $0x0  }
0x59: {  	s7 =	simm.s32 $0x480;
	[sflag:s29] =	ssyncadd.s32 $0xFFFFE0C0  }
0x5a: {  	[tilespmem:s19], [sflag:$0x2] =	stream.indirect.gather [hbm4b:s4+s16], $0x40, s7, s16, $0xb8;
	[tilespmem:$0x1E800] =	vst v63  }
0x5b: {  	_ =	swait.ge [sflag:s6], $0x1F40  }
0x5c: {  	[sflag:s6] =	ssyncset.done $0x0  }
0x5d: {  	s14 =	simm.s32 $0x2B00;
	[sflag:s6] =	ssyncadd.s32 $0xFFFFE0C0  }
0x5e: {  	[spmem:s2] =	stream.indirect.scatter.add.f32 [tilespmem:s20], [sflag:$0xF], $0x40, s14, s16, $0xb8;
	[tilespmem:$0x1E800] =	vst v63  }
0x5f: {  	_ =	swait.ge [sflag:s8], $0x1F40  }
0x60: {  	[sflag:s8] =	ssyncset.done $0x0  }
0x61: {  	s5 =	simm.s32 $0x500;
	[sflag:s8] =	ssyncadd.s32 $0xFFFFE0C0  }
0x62: {  	[tilespmem:s21], [sflag:$0x3] =	stream.indirect.gather [hbm4b:s4+s16], $0x40, s5, s16, $0xb8;
	[tilespmem:$0x1E800] =	vst v63  }
0x63: {  	_ =	swait.ge [sflag:s9], $0x1F40  }
0x64: {  	[sflag:s9] =	ssyncset.done $0x0  }
0x65: {  	s7 =	simm.s32 $0x2B80;
	[sflag:s9] =	ssyncadd.s32 $0xFFFFE0C0  }
0x66: {  	[spmem:s2] =	stream.indirect.scatter.add.f32 [tilespmem:s30], [sflag:$0x10], $0x40, s7, s16, $0xb8;
	[tilespmem:$0x1E800] =	vst v63  }
0x67: {  	_ =	swait.ge [sflag:s15], $0x1F40  }
0x68: {  	[sflag:s15] =	ssyncset.done $0x0  }
0x69: {  	s14 =	simm.s32 $0x580;
	[sflag:s15] =	ssyncadd.s32 $0xFFFFE0C0  }
0x6a: {  	[tilespmem:s23], [sflag:$0x4] =	stream.indirect.gather [hbm4b:s4+s16], $0x40, s14, s16, $0xb8;
	[tilespmem:$0x1E800] =	vst v63  }
0x6b: {  	_ =	swait.ge [sflag:s24], $0x1F40  }
0x6c: {  	[sflag:s24] =	ssyncset.done $0x0  }
0x6d: {  	s3 =	simm.s32 $0x2C00;
	[sflag:s24] =	ssyncadd.s32 $0xFFFFE0C0  }
0x6e: {  	[spmem:s2] =	stream.indirect.scatter.add.f32 [tilespmem:s17], [sflag:$0x9], $0x40, s3, s16, $0xb8;
	[tilespmem:$0x1E800] =	vst v63  }
0x6f: {  	_ =	swait.ge [sflag:s10], $0x1F40  }
0x70: {  	[sflag:s10] =	ssyncset.done $0x0  }
0x71: {  	s7 =	simm.s32 $0x600;
	[sflag:s10] =	ssyncadd.s32 $0xFFFFE0C0  }
0x72: {  	[tilespmem:s26], [sflag:$0x5] =	stream.indirect.gather [hbm4b:s4+s16], $0x40, s7, s16, $0xb8;
	[tilespmem:$0x1E800] =	vst v63  }
0x73: {  	_ =	swait.ge [sflag:s28], $0x1F40  }
0x74: {  	[sflag:s28] =	ssyncset.done $0x0  }
0x75: {  	s14 =	simm.s32 $0x2C80;
	[sflag:s28] =	ssyncadd.s32 $0xFFFFE0C0  }
0x76: {  	[spmem:s2] =	stream.indirect.scatter.add.f32 [tilespmem:s19], [sflag:$0xA], $0x40, s14, s16, $0xb8;
	[tilespmem:$0x1E800] =	vst v63  }
0x77: {  	_ =	swait.ge [sflag:s11], $0x1F40  }
0x78: {  	[sflag:s11] =	ssyncset.done $0x0  }
0x79: {  	s3 =	simm.s32 $0x680;
	[sflag:s11] =	ssyncadd.s32 $0xFFFFE0C0  }
0x7a: {  	[tilespmem:s31], [sflag:$0x6] =	stream.indirect.gather [hbm4b:s4+s16], $0x40, s3, s16, $0xb8;
	[tilespmem:$0x1E800] =	vst v63  }
0x7b: {  	_ =	swait.ge [sflag:s1], $0x1F40  }
0x7c: {  	[sflag:s1] =	ssyncset.done $0x0  }
0x7d: {  	s7 =	simm.s32 $0x2D00;
	[sflag:s1] =	ssyncadd.s32 $0xFFFFE0C0  }
0x7e: {  	[spmem:s2] =	stream.indirect.scatter.add.f32 [tilespmem:s21], [sflag:$0xB], $0x40, s7, s16, $0xb8;
	[tilespmem:$0x1E800] =	vst v63  }
0x7f: {  	_ =	swait.ge [sflag:s12], $0x1F40  }
0x80: {  	[sflag:s12] =	ssyncset.done $0x0  }
0x81: {  	s14 =	simm.s32 $0x700;
	[sflag:s12] =	ssyncadd.s32 $0xFFFFE0C0  }
0x82: {  	[tilespmem:s20], [sflag:$0x7] =	stream.indirect.gather [hbm4b:s4+s16], $0x40, s14, s16, $0xb8;
	[tilespmem:$0x1E800] =	vst v63  }
0x83: {  	_ =	swait.ge [sflag:s22], $0x1F40  }
0x84: {  	[sflag:s22] =	ssyncset.done $0x0  }
0x85: {  	s3 =	simm.s32 $0x2D80;
	[sflag:s22] =	ssyncadd.s32 $0xFFFFE0C0  }
0x86: {  	[spmem:s2] =	stream.indirect.scatter.add.f32 [tilespmem:s23], [sflag:$0xC], $0x40, s3, s16, $0xb8;
	[tilespmem:$0x1E800] =	vst v63  }
0x87: {  	_ =	swait.ge [sflag:s13], $0x1F40  }
0x88: {  	[sflag:s13] =	ssyncset.done $0x0  }
0x89: {  	s7 =	simm.s32 $0x780;
	[sflag:s13] =	ssyncadd.s32 $0xFFFFE0C0  }
0x8a: {  	[tilespmem:s30], [sflag:$0x8] =	stream.indirect.gather [hbm4b:s4+s16], $0x40, s7, s16, $0xb8;
	[tilespmem:$0x1E800] =	vst v63  }
0x8b: {  	_ =	swait.ge [sflag:s0], $0x1F40  }
0x8c: {  	[sflag:s0] =	ssyncset.done $0x0  }
0x8d: {  	s14 =	simm.s32 $0x2E00;
	[sflag:s0] =	ssyncadd.s32 $0xFFFFE0C0  }
0x8e: {  	[spmem:s2] =	stream.indirect.scatter.add.f32 [tilespmem:s26], [sflag:$0xD], $0x40, s14, s16, $0xb8;
	[tilespmem:$0x1E800] =	vst v63  }
0x8f: {  	_ =	swait.ge [sflag:s25], $0x1F40  }
0x90: {  	[sflag:s25] =	ssyncset.done $0x0  }
0x91: {  	s3 =	simm.s32 $0x800;
	[sflag:s25] =	ssyncadd.s32 $0xFFFFE0C0  }
0x92: {  	[tilespmem:s17], [sflag:$0x1] =	stream.indirect.gather [hbm4b:s4+s16], $0x40, s3, s16, $0xb8;
	[tilespmem:$0x1E800] =	vst v63  }
0x93: {  	_ =	swait.ge [sflag:s18], $0x1F40  }
0x94: {  	[sflag:s18] =	ssyncset.done $0x0  }
0x95: {  	s7 =	simm.s32 $0x2E80;
	[sflag:s18] =	ssyncadd.s32 $0xFFFFE0C0  }
0x96: {  	[spmem:s2] =	stream.indirect.scatter.add.f32 [tilespmem:s31], [sflag:$0xE], $0x40, s7, s16, $0xb8;
	[tilespmem:$0x1E800] =	vst v63  }
0x97: {  	_ =	swait.ge [sflag:s29], $0x1F40  }
0x98: {  	[sflag:s29] =	ssyncset.done $0x0  }
0x99: {  	s14 =	simm.s32 $0x880;
	[sflag:s29] =	ssyncadd.s32 $0xFFFFE0C0  }
0x9a: {  	[tilespmem:s19], [sflag:$0x2] =	stream.indirect.gather [hbm4b:s4+s16], $0x40, s14, s16, $0xb8;
	[tilespmem:$0x1E800] =	vst v63  }
0x9b: {  	_ =	swait.ge [sflag:s6], $0x1F40  }
0x9c: {  	[sflag:s6] =	ssyncset.done $0x0  }
0x9d: {  	s3 =	simm.s32 $0x2F00;
	[sflag:s6] =	ssyncadd.s32 $0xFFFFE0C0  }
0x9e: {  	[spmem:s2] =	stream.indirect.scatter.add.f32 [tilespmem:s20], [sflag:$0xF], $0x40, s3, s16, $0xb8;
	[tilespmem:$0x1E800] =	vst v63  }
0x9f: {  	_ =	swait.ge [sflag:s8], $0x1F40  }
0xa0: {  	[sflag:s8] =	ssyncset.done $0x0  }
0xa1: {  	s7 =	simm.s32 $0x900;
	[sflag:s8] =	ssyncadd.s32 $0xFFFFE0C0  }
0xa2: {  	[tilespmem:s21], [sflag:$0x3] =	stream.indirect.gather [hbm4b:s4+s16], $0x40, s7, s16, $0xb8;
	[tilespmem:$0x1E800] =	vst v63  }
0xa3: {  	_ =	swait.ge [sflag:s9], $0x1F40  }
0xa4: {  	[sflag:s9] =	ssyncset.done $0x0  }
0xa5: {  	s14 =	simm.s32 $0x2F80;
	[sflag:s9] =	ssyncadd.s32 $0xFFFFE0C0  }
0xa6: {  	[spmem:s2] =	stream.indirect.scatter.add.f32 [tilespmem:s30], [sflag:$0x10], $0x40, s14, s16, $0xb8;
	[tilespmem:$0x1E800] =	vst v63  }
0xa7: {  	_ =	swait.ge [sflag:s15], $0x1F40  }
0xa8: {  	[sflag:s15] =	ssyncset.done $0x0  }
0xa9: {  	s5 =	simm.s32 $0x1000;
	s7 =	simm.s32 $0x980;
	[sflag:s15] =	ssyncadd.s32 $0xFFFFE0C0  }
.LBB2_2:
0xaa: {  	[tilespmem:s23], [sflag:$0x4] =	stream.indirect.gather [hbm4b:s4+s16], $0x40, s7, s16, $0xb8;
	[tilespmem:$0x1E800] =	vst v63  }
0xab: {  	s7 =	smov.u32 s5  }
0xac: {  	p1 =	sne.s32 s5, $0x7000;
	s5 =	sadd.s32 $0x1000, s5;
	_ =	swait.ge [sflag:s24], $0x1F40  }
0xad: {  	s7 =	sshra.s32 s7, $0x2;
	[sflag:s24] =	ssyncset.done $0x0  }
0xae: {  	s14 =	sadd.s32 $0x2C00, s7;
	[sflag:s24] =	ssyncadd.s32 $0xFFFFE0C0  }
0xaf: {  	[spmem:s2] =	stream.indirect.scatter.add.f32 [tilespmem:s17], [sflag:$0x9], $0x40, s14, s16, $0xb8;
	[tilespmem:$0x1E800] =	vst v63  }
0xb0: {  	_ =	swait.ge [sflag:s10], $0x1F40  }
0xb1: {  	[sflag:s10] =	ssyncset.done $0x0  }
0xb2: {  	s14 =	sadd.s32 $0x600, s7;
	[sflag:s10] =	ssyncadd.s32 $0xFFFFE0C0  }
0xb3: {  	[tilespmem:s26], [sflag:$0x5] =	stream.indirect.gather [hbm4b:s4+s16], $0x40, s14, s16, $0xb8;
	[tilespmem:$0x1E800] =	vst v63  }
0xb4: {  	_ =	swait.ge [sflag:s28], $0x1F40  }
0xb5: {  	[sflag:s28] =	ssyncset.done $0x0  }
0xb6: {  	s14 =	sadd.s32 $0x2C80, s7;
	[sflag:s28] =	ssyncadd.s32 $0xFFFFE0C0  }
0xb7: {  	[spmem:s2] =	stream.indirect.scatter.add.f32 [tilespmem:s19], [sflag:$0xA], $0x40, s14, s16, $0xb8;
	[tilespmem:$0x1E800] =	vst v63  }
0xb8: {  	_ =	swait.ge [sflag:s11], $0x1F40  }
0xb9: {  	[sflag:s11] =	ssyncset.done $0x0  }
0xba: {  	s14 =	sadd.s32 $0x680, s7;
	[sflag:s11] =	ssyncadd.s32 $0xFFFFE0C0  }
0xbb: {  	[tilespmem:s31], [sflag:$0x6] =	stream.indirect.gather [hbm4b:s4+s16], $0x40, s14, s16, $0xb8;
	[tilespmem:$0x1E800] =	vst v63  }
0xbc: {  	_ =	swait.ge [sflag:s1], $0x1F40  }
0xbd: {  	[sflag:s1] =	ssyncset.done $0x0  }
0xbe: {  	s14 =	sadd.s32 $0x2D00, s7;
	[sflag:s1] =	ssyncadd.s32 $0xFFFFE0C0  }
0xbf: {  	[spmem:s2] =	stream.indirect.scatter.add.f32 [tilespmem:s21], [sflag:$0xB], $0x40, s14, s16, $0xb8;
	[tilespmem:$0x1E800] =	vst v63  }
0xc0: {  	_ =	swait.ge [sflag:s12], $0x1F40  }
0xc1: {  	[sflag:s12] =	ssyncset.done $0x0  }
0xc2: {  	s14 =	sadd.s32 $0x700, s7;
	[sflag:s12] =	ssyncadd.s32 $0xFFFFE0C0  }
0xc3: {  	[tilespmem:s20], [sflag:$0x7] =	stream.indirect.gather [hbm4b:s4+s16], $0x40, s14, s16, $0xb8;
	[tilespmem:$0x1E800] =	vst v63  }
0xc4: {  	_ =	swait.ge [sflag:s22], $0x1F40  }
0xc5: {  	[sflag:s22] =	ssyncset.done $0x0  }
0xc6: {  	s14 =	sadd.s32 $0x2D80, s7;
	[sflag:s22] =	ssyncadd.s32 $0xFFFFE0C0  }
0xc7: {  	[spmem:s2] =	stream.indirect.scatter.add.f32 [tilespmem:s23], [sflag:$0xC], $0x40, s14, s16, $0xb8;
	[tilespmem:$0x1E800] =	vst v63  }
0xc8: {  	_ =	swait.ge [sflag:s13], $0x1F40  }
0xc9: {  	[sflag:s13] =	ssyncset.done $0x0  }
0xca: {  	s14 =	sadd.s32 $0x780, s7;
	[sflag:s13] =	ssyncadd.s32 $0xFFFFE0C0  }
0xcb: {  	[tilespmem:s30], [sflag:$0x8] =	stream.indirect.gather [hbm4b:s4+s16], $0x40, s14, s16, $0xb8;
	[tilespmem:$0x1E800] =	vst v63  }
0xcc: {  	_ =	swait.ge [sflag:s0], $0x1F40  }
0xcd: {  	[sflag:s0] =	ssyncset.done $0x0  }
0xce: {  	s14 =	sadd.s32 $0x2E00, s7;
	[sflag:s0] =	ssyncadd.s32 $0xFFFFE0C0  }
0xcf: {  	[spmem:s2] =	stream.indirect.scatter.add.f32 [tilespmem:s26], [sflag:$0xD], $0x40, s14, s16, $0xb8;
	[tilespmem:$0x1E800] =	vst v63  }
0xd0: {  	_ =	swait.ge [sflag:s25], $0x1F40  }
0xd1: {  	[sflag:s25] =	ssyncset.done $0x0  }
0xd2: {  	s14 =	sadd.s32 $0x800, s7;
	[sflag:s25] =	ssyncadd.s32 $0xFFFFE0C0  }
0xd3: {  	[tilespmem:s17], [sflag:$0x1] =	stream.indirect.gather [hbm4b:s4+s16], $0x40, s14, s16, $0xb8;
	[tilespmem:$0x1E800] =	vst v63  }
0xd4: {  	_ =	swait.ge [sflag:s18], $0x1F40  }
0xd5: {  	[sflag:s18] =	ssyncset.done $0x0  }
0xd6: {  	s14 =	sadd.s32 $0x2E80, s7;
	[sflag:s18] =	ssyncadd.s32 $0xFFFFE0C0  }
0xd7: {  	[spmem:s2] =	stream.indirect.scatter.add.f32 [tilespmem:s31], [sflag:$0xE], $0x40, s14, s16, $0xb8;
	[tilespmem:$0x1E800] =	vst v63  }
0xd8: {  	_ =	swait.ge [sflag:s29], $0x1F40  }
0xd9: {  	[sflag:s29] =	ssyncset.done $0x0  }
0xda: {  	s14 =	sadd.s32 $0x880, s7;
	[sflag:s29] =	ssyncadd.s32 $0xFFFFE0C0  }
0xdb: {  	[tilespmem:s19], [sflag:$0x2] =	stream.indirect.gather [hbm4b:s4+s16], $0x40, s14, s16, $0xb8;
	[tilespmem:$0x1E800] =	vst v63  }
0xdc: {  	_ =	swait.ge [sflag:s6], $0x1F40  }
0xdd: {  	[sflag:s6] =	ssyncset.done $0x0  }
0xde: {  	s14 =	sadd.s32 $0x2F00, s7;
	[sflag:s6] =	ssyncadd.s32 $0xFFFFE0C0  }
0xdf: {  	[spmem:s2] =	stream.indirect.scatter.add.f32 [tilespmem:s20], [sflag:$0xF], $0x40, s14, s16, $0xb8;
	[tilespmem:$0x1E800] =	vst v63  }
0xe0: {  	_ =	swait.ge [sflag:s8], $0x1F40  }
0xe1: {  	[sflag:s8] =	ssyncset.done $0x0  }
0xe2: {  	s14 =	sadd.s32 $0x900, s7;
	[sflag:s8] =	ssyncadd.s32 $0xFFFFE0C0  }
0xe3: {  	[tilespmem:s21], [sflag:$0x3] =	stream.indirect.gather [hbm4b:s4+s16], $0x40, s14, s16, $0xb8;
	[tilespmem:$0x1E800] =	vst v63  }
0xe4: {  	_ =	swait.ge [sflag:s9], $0x1F40  }
0xe5: {  	[sflag:s9] =	ssyncset.done $0x0  }
.Ltmp0:
0xe6: {  	s14 =	sadd.s32 $0x2F80, s7;
	[sflag:s9] =	ssyncadd.s32 $0xFFFFE0C0;
	(pc) =	sbr.rel @p1 .LBB2_2-.Ltmp0, $4  }
0xe7: {  	[spmem:s2] =	stream.indirect.scatter.add.f32 [tilespmem:s30], [sflag:$0x10], $0x40, s14, s16, $0xb8;
	[tilespmem:$0x1E800] =	vst v63  }
0xe8: {  	_ =	swait.ge [sflag:s15], $0x1F40  }
0xe9: {  	[sflag:s15] =	ssyncset.done $0x0  }
0xea: {  	s7 =	sadd.s32 $0x980, s7;
	[sflag:s15] =	ssyncadd.s32 $0xFFFFE0C0  }
0xeb: {  	[tilespmem:s23], [sflag:$0x4] =	stream.indirect.gather [hbm4b:s4+s16], $0x40, s7, s16, $0xb8;
	[tilespmem:$0x1E800] =	vst v63  }
0xec: {  	_ =	swait.ge [sflag:s24], $0x1F40  }
0xed: {  	[sflag:s24] =	ssyncset.done $0x0  }
0xee: {  	s3 =	simm.s32 $0x4C00;
	[sflag:s24] =	ssyncadd.s32 $0xFFFFE0C0  }
0xef: {  	[spmem:s2] =	stream.indirect.scatter.add.f32 [tilespmem:s17], [sflag:$0x9], $0x40, s3, s16, $0xb8;
	[tilespmem:$0x1E800] =	vst v63  }
0xf0: {  	_ =	swait.ge [sflag:s10], $0x1F40  }
0xf1: {  	[sflag:s10] =	ssyncset.done $0x0  }
0xf2: {  	s7 =	simm.s32 $0x2600;
	[sflag:s10] =	ssyncadd.s32 $0xFFFFE0C0  }
0xf3: {  	[tilespmem:s26], [sflag:$0x5] =	stream.indirect.gather [hbm4b:s4+s16], $0x40, s7, s16, $0xb8;
	[tilespmem:$0x1E800] =	vst v63  }
0xf4: {  	_ =	swait.ge [sflag:s28], $0x1F40  }
0xf5: {  	[sflag:s28] =	ssyncset.done $0x0  }
0xf6: {  	s14 =	simm.s32 $0x4C80;
	[sflag:s28] =	ssyncadd.s32 $0xFFFFE0C0  }
0xf7: {  	[spmem:s2] =	stream.indirect.scatter.add.f32 [tilespmem:s19], [sflag:$0xA], $0x40, s14, s16, $0xb8;
	[tilespmem:$0x1E800] =	vst v63  }
0xf8: {  	_ =	swait.ge [sflag:s11], $0x1F40  }
0xf9: {  	[sflag:s11] =	ssyncset.done $0x0  }
0xfa: {  	s5 =	simm.s32 $0x2680;
	[sflag:s11] =	ssyncadd.s32 $0xFFFFE0C0  }
0xfb: {  	[tilespmem:s31], [sflag:$0x6] =	stream.indirect.gather [hbm4b:s4+s16], $0x40, s5, s16, $0xb8;
	[tilespmem:$0x1E800] =	vst v63  }
0xfc: {  	_ =	swait.ge [sflag:s1], $0x1F40  }
0xfd: {  	[sflag:s1] =	ssyncset.done $0x0  }
0xfe: {  	s7 =	simm.s32 $0x4D00;
	[sflag:s1] =	ssyncadd.s32 $0xFFFFE0C0  }
0xff: {  	[spmem:s2] =	stream.indirect.scatter.add.f32 [tilespmem:s21], [sflag:$0xB], $0x40, s7, s16, $0xb8;
	[tilespmem:$0x1E800] =	vst v63  }
0x100: {  	_ =	swait.ge [sflag:s12], $0x1F40  }
0x101: {  	[sflag:s12] =	ssyncset.done $0x0  }
0x102: {  	s14 =	simm.s32 $0x2700;
	[sflag:s12] =	ssyncadd.s32 $0xFFFFE0C0  }
0x103: {  	[tilespmem:s20], [sflag:$0x7] =	stream.indirect.gather [hbm4b:s4+s16], $0x40, s14, s16, $0xb8;
	[tilespmem:$0x1E800] =	vst v63  }
0x104: {  	_ =	swait.ge [sflag:s22], $0x1F40  }
0x105: {  	[sflag:s22] =	ssyncset.done $0x0  }
0x106: {  	s5 =	simm.s32 $0x4D80;
	[sflag:s22] =	ssyncadd.s32 $0xFFFFE0C0  }
0x107: {  	[spmem:s2] =	stream.indirect.scatter.add.f32 [tilespmem:s23], [sflag:$0xC], $0x40, s5, s16, $0xb8;
	[tilespmem:$0x1E800] =	vst v63  }
0x108: {  	_ =	swait.ge [sflag:s13], $0x1F40  }
0x109: {  	[sflag:s13] =	ssyncset.done $0x0  }
0x10a: {  	s7 =	simm.s32 $0x2780;
	[sflag:s13] =	ssyncadd.s32 $0xFFFFE0C0  }
0x10b: {  	[tilespmem:s30], [sflag:$0x8] =	stream.indirect.gather [hbm4b:s4+s16], $0x40, s7, s16, $0xb8;
	[tilespmem:$0x1E800] =	vst v63  }
0x10c: {  	_ =	swait.ge [sflag:s0], $0x1F40  }
0x10d: {  	[sflag:s0] =	ssyncset.done $0x0  }
0x10e: {  	s14 =	simm.s32 $0x4E00;
	[sflag:s0] =	ssyncadd.s32 $0xFFFFE0C0  }
0x10f: {  	[spmem:s2] =	stream.indirect.scatter.add.f32 [tilespmem:s26], [sflag:$0xD], $0x40, s14, s16, $0xb8;
	[tilespmem:$0x1E800] =	vst v63  }
0x110: {  	_ =	swait.ge [sflag:s18], $0x1F40  }
0x111: {  	[sflag:s18] =	ssyncset.done $0x0  }
0x112: {  	s5 =	simm.s32 $0x4E80;
	[sflag:s18] =	ssyncadd.s32 $0xFFFFE0C0  }
0x113: {  	[spmem:s2] =	stream.indirect.scatter.add.f32 [tilespmem:s31], [sflag:$0xE], $0x40, s5, s16, $0xb8;
	[tilespmem:$0x1E800] =	vst v63  }
0x114: {  	_ =	swait.ge [sflag:s6], $0x1F40  }
0x115: {  	[sflag:s6] =	ssyncset.done $0x0  }
0x116: {  	s7 =	simm.s32 $0x4F00;
	[sflag:s6] =	ssyncadd.s32 $0xFFFFE0C0  }
0x117: {  	[spmem:s2] =	stream.indirect.scatter.add.f32 [tilespmem:s20], [sflag:$0xF], $0x40, s7, s16, $0xb8;
	[tilespmem:$0x1E800] =	vst v63  }
0x118: {  	_ =	swait.ge [sflag:s9], $0x1F40  }
0x119: {  	[sflag:s9] =	ssyncset.done $0x0  }
0x11a: {  	s14 =	simm.s32 $0x4F80;
	[sflag:s9] =	ssyncadd.s32 $0xFFFFE0C0  }
0x11b: {  	[spmem:s2] =	stream.indirect.scatter.add.f32 [tilespmem:s30], [sflag:$0x10], $0x40, s14, s16, $0xb8;
	[tilespmem:$0x1E800] =	vst v63  }
0x11c: {  	_ =	swait.ge [sflag:s25], $0x1F40  }
0x11d: {  	[sflag:s25] =	ssyncset.done $0x0  }
0x11e: {  	[sflag:s25] =	ssyncadd.s32 $0xFFFFE0C0  }
0x11f: {  	_ =	swait.ge [sflag:s29], $0x1F40  }
0x120: {  	[sflag:s29] =	ssyncset.done $0x0  }
0x121: {  	[sflag:s29] =	ssyncadd.s32 $0xFFFFE0C0  }
0x122: {  	_ =	swait.ge [sflag:s8], $0x1F40  }
0x123: {  	[sflag:s8] =	ssyncset.done $0x0  }
0x124: {  	[sflag:s8] =	ssyncadd.s32 $0xFFFFE0C0  }
0x125: {  	_ =	swait.ge [sflag:s15], $0x1F40  }
0x126: {  	[sflag:s15] =	ssyncset.done $0x0  }
0x127: {  	[sflag:s15] =	ssyncadd.s32 $0xFFFFE0C0  }
0x128: {  	_ =	swait.ge [sflag:s10], $0x1F40  }
0x129: {  	[sflag:s10] =	ssyncset.done $0x0  }
0x12a: {  	[sflag:s10] =	ssyncadd.s32 $0xFFFFE0C0  }
0x12b: {  	_ =	swait.ge [sflag:s11], $0x1F40  }
0x12c: {  	[sflag:s11] =	ssyncset.done $0x0  }
0x12d: {  	[sflag:s11] =	ssyncadd.s32 $0xFFFFE0C0  }
0x12e: {  	_ =	swait.ge [sflag:s12], $0x1F40  }
0x12f: {  	[sflag:s12] =	ssyncset.done $0x0  }
0x130: {  	[sflag:s12] =	ssyncadd.s32 $0xFFFFE0C0  }
0x131: {  	_ =	swait.ge [sflag:s13], $0x1F40  }
0x132: {  	[sflag:s13] =	ssyncset.done $0x0  }
0x133: {  	[sflag:s13] =	ssyncadd.s32 $0xFFFFE0C0  }
0x134: {  	[bflag:$0x0] =	sbarrier.arrive $0xFFFF  }
0x135: {  	s7 =	rddreg [dreg:$0x4]  }
0x136: {  	s14 =	rddreg [dreg:$0x6]  }
0x137: {  	s3 =	rddreg [dreg:$0xa];
	s5 =	sshrl.u32 @p0 s7, $0x3  }
0x138: {  	[hbm:s3], [sflag:s14] =	dma.local @p0 [spmem:s5], $0x1040  }
0x139: {  	s5 =	simm.s32 @p0 $0x11  }
0x13a: {  	_ =	swait.ge @p0 [sflag:s5], $0x1040  }
0x13b: {  	[sflag:s5] =	ssyncset.done @p0 $0x0  }
0x13c: {  	[sflag:s5] =	ssyncadd.s32 @p0 $0xFFFFEFC0;
	s5 =	sshrl.u32 @!p0 s7, $0x3;
	s7 =	rddreg [dreg:$0x9]  }
0x13d: {  	[hbm:s7], [sflag:s14] =	dma.local @!p0 [spmem:s5], $0x13C0  }
0x13e: {  	s5 =	simm.s32 @!p0 $0x11  }
0x13f: {  	_ =	swait.ge @!p0 [sflag:s5], $0x13C0  }
0x140: {  	s3 =	rddreg [dreg:$0xd]  }
0x141: {  	s7 =	sadd.s32 $0x1, s3;
	s3 =	rddreg [dreg:$0xb]  }
0x142: {  	p1 =	sne.s32 s7, s3  }
.Ltmp1:
0x143: {  	_ = 	snop;
	(pc) =	sbr.rel @p1 .LBB2_1-.Ltmp1, $3  }
0x144: {  	_ =	sdelay $0x1  }
0x145: {  	[sflag:s5] =	ssyncset.done @!p0 $0x0  }
0x146: {  	[sflag:s5] =	ssyncadd.s32 @!p0 $0xFFFFEC40  }
0x147: {  	_ =	sfence.sel $0x180000  }
0x148: {  	[bflag:$0x0] =	sbarrier.arrive $0xFFFF  }
0x149: {  	_ =	strace $0x9000004D  }
0x14a: {  	s0 =	stileid.u32;
	[bflag:$0x2] =	sbarrier.arrive $0xFFFF  }
0x14b: {  	p0 =	sne.s32 s0, $0x0;
	s0 =	rddreg [dreg:$0x3]  }
0x14c: {  	s0 =	sadd.s32 @!p0 $0x100000, s0  }
0x14d: {  	[sflag:s0] =	ssyncadd.tile.s32 @!p0 $0x1;
	_ =	shalt  }
.Lfunc_end2:
_tile_overlayer_lowered:
.L_overlay_start_2:
0x14e: {  	(tag) =	ssettag $0x2  }
0x14f: {  	s0 =	rddreg [dreg:$0x0];
	s2 =	stileid.u32  }
0x150: {  	s1 =	rddreg [dreg:$0x1];
	p0 =	sne.s32 s2, $0x0  }
0x151: {  	s3 =	rddreg [dreg:$0x2];
	[bflag:$0x3] =	sbarrier.arrive $0xFFFF;
	s2 =	simm.s32 @!p0 $0x1C11  }
0x152: {  	[timem:s3], [sflag:s2] =	dma.local @!p0 [hbm:s0], s1  }
0x153: {  	s0 =	simm.s32 @!p0 $0x11  }
0x154: {  	_ =	swait.ge @!p0 [sflag:s0], s1  }
0x155: {  	s1 =	ssub.s32 @!p0 $0x0, s1;
	[sflag:s0] =	ssyncset.done @!p0 $0x0  }
0x156: {  	[sflag:s0] =	ssyncadd.s32 @!p0 s1  }
0x157: {  	[bflag:$0x3] =	sbarrier.arrive $0xFFFF  }
0x158: {  	_ =	shalt  }

// kernel: kernel.9.cloned.1.call-start
scs
__scs_entry_jumppad:
0x0: {  	(pc) =	sbr.rel $0x88, $3  }
0x1: {  	(tag) =	ssettag $0x0;
	lr =	simm.s32 $0x1  }
0x2: {  	[smem:$0x3F96] =	sst lr;
	_ =	strace $0xD0000000  }
0x3: {  	_ = 	snop  }
0x4: {  	_ = 	snop  }
0x5: {  	_ = 	snop  }
0x6: {  	_ = 	snop  }
0x7: {  	_ = 	snop  }
__scs_overlays_trampoline_lowered:
0x8: {  	[smem:$0x3FA5] =	sst s0  }
0x9: {  	[smem:$0x3FA6] =	sst s1  }
0xa: {  	[smem:$0x3FA7] =	sst s2  }
0xb: {  	[smem:$0x3FA8] =	sst s3  }
0xc: {  	[smem:$0x3FA9] =	sst s4  }
0xd: {  	[smem:$0x3FAA] =	sst s5  }
0xe: {  	[smem:$0x3FAB] =	sst s6  }
0xf: {  	[smem:$0x3FAC] =	sst s7  }
0x10: {  	[smem:$0x3FAD] =	sst s8  }
0x11: {  	[smem:$0x3FAE] =	sst s9;
	s0 =	simm.s32 @!p0 $0x0  }
0x12: {  	s1 =	sld [smem:$0x3F94];
	s0 =	simm.s32 @p0 $0x1  }
0x13: {  	[smem:$0x3FAF] =	sst s0;
	s0 =	simm.s32 @!p1 $0x0  }
0x14: {  	s2 =	sld [smem:$0x3F93];
	s0 =	simm.s32 @p1 $0x1  }
0x15: {  	[smem:$0x3FB0] =	sst s0;
	s0 =	simm.s32 @!p2 $0x0  }
0x16: {  	s3 =	sld [smem:$0x3FDB];
	s0 =	simm.s32 @p2 $0x1  }
0x17: {  	s4 =	simm.s32 $0x1BF5;
	[smem:$0x3FB2] =	sst s0  }
0x18: {  	s0 =	sld [smem:$0x3F95];
	_ =	swait.ge [sflag:s4], $0x0  }
0x19: {  	s7 =	sld [smem:$0x3F96]  }
0x1a: {  	s8 =	sadd.s32 $0xFFFFE003, lr  }
0x1b: {  	s9 =	sadd.s32 $0xFFFFFEF7, lr;
	s5 =	simm.s32 $0xFFFFFFFF;
	p2 =	slt.u32 s8, $0xFFFFF086  }
0x1c: {  	p1 =	slt.u32 s9, $0xF7A;
	s5 =	simm.s32 @!p2 $0x0  }
0x1d: {  	s5 =	simm.s32 @p1 $0x1;
	p0 =	seq.s32 s7, s2  }
0x1e: {  	s7 =	smul.u32 @!p0 $0xF7A, s2;
	p2 =	seq.s32 @!p0 s5, $0x0  }
0x1f: {  	s9 =	smul.u32 $0xF7A, s1;
	s8 =	simm.s32 @!p0 $0x1BF5;
	p2 =	por !p2, p0  }
0x20: {  	[sflag:s8] =	ssyncset.s32 @!p0 $0xFFFFF086;
	s6 =	sadd.s32 @!p0 s3, s7;
	s7 =	simm.s32 @!p0 $0x108  }
0x21: {  	s3 =	sadd.s32 s3, s9;
	s6 =	sadd.s32 @!p0 $0x88, s6;
	s7 =	simm.s32 @p2 $0x1082  }
0x22: {  	[simem:s7], [sflag:s8] =	dma.local @!p0 [hbm:s6], $0xF7A  }
0x23: {  	s9 =	sor.u32 $0xD0000000, s2;
	s6 =	simm.s32 $0x108;
	_ =	swait.ge @!p0 [sflag:s8], $0x0  }
0x24: {  	s3 =	sadd.s32 $0x88, s3;
	s6 =	simm.s32 @!p1 $0x1082;
	[sflag:s4] =	ssyncset.s32 $0xFFFFF086  }
0x25: {  	[simem:s6], [sflag:s4] =	dma.local [hbm:s3], $0xF7A  }
0x26: {  	[smem:$0x3F96] =	sst s1;
	(tag) =	ssettag s2;
	_ =	strace s9  }
0x27: {  	s1 =	sld [smem:$0x3FA6]  }
0x28: {  	s2 =	sld [smem:$0x3FA7]  }
0x29: {  	s4 =	sld [smem:$0x3FA9]  }
0x2a: {  	p0 =	seq.s32 s5, $0x0;
	s5 =	sld [smem:$0x3FAA]  }
0x2b: {  	s6 =	sld [smem:$0x3FAB]  }
0x2c: {  	s7 =	sld [smem:$0x3FAC]  }
0x2d: {  	s3 =	simm.s32 $0x108;
	s8 =	sld [smem:$0x3FAD]  }
0x2e: {  	s3 =	simm.s32 @!p0 $0x1082;
	s9 =	sld [smem:$0x3FAE]  }
0x2f: {  	lr =	sadd.s32 s0, s3;
	s0 =	sld [smem:$0x3FA5]  }
0x30: {  	s3 =	sld [smem:$0x3FA8]  }
0x31: {  	[smem:$0x3FB1] =	sst s10  }
0x32: {  	s10 =	sld [smem:$0x3FAF];
	_ =	sdelay $0x3  }
0x33: {  	p0 =	seq.s32 s10, $0x1;
	s10 =	sld [smem:$0x3FB1];
	_ =	sdelay $0x3  }
0x34: {  	[smem:$0x3FB1] =	sst s10  }
0x35: {  	s10 =	sld [smem:$0x3FB0];
	_ =	sdelay $0x3  }
0x36: {  	p1 =	seq.s32 s10, $0x1;
	s10 =	sld [smem:$0x3FB1];
	_ =	sdelay $0x3  }
0x37: {  	[smem:$0x3FB1] =	sst s10  }
0x38: {  	s10 =	sld [smem:$0x3FB2]  }
0x39: {  	_ = 	snop;
	(pc) =	sbr.ind lr, $3  }
0x3a: {  	_ = 	snop  }
0x3b: {  	_ = 	snop  }
0x3c: {  	p2 =	seq.s32 s10, $0x1;
	s10 =	sld [smem:$0x3FB1]  }
0x3d: {  	_ =	shalt  }
0x3e: {  	_ =	shalt  }
0x3f: {  	_ =	shalt  }
0x40: {  	_ =	shalt  }
0x41: {  	_ =	shalt  }
0x42: {  	_ =	shalt  }
0x43: {  	_ =	shalt  }
0x44: {  	_ =	shalt  }
0x45: {  	_ =	shalt  }
0x46: {  	_ =	shalt  }
0x47: {  	_ =	shalt  }
0x48: {  	_ =	shalt  }
0x49: {  	_ =	shalt  }
0x4a: {  	_ =	shalt  }
0x4b: {  	_ =	shalt  }
0x4c: {  	_ =	shalt  }
0x4d: {  	_ =	shalt  }
0x4e: {  	_ =	shalt  }
0x4f: {  	_ =	shalt  }
0x50: {  	_ =	shalt  }
0x51: {  	_ =	shalt  }
0x52: {  	_ =	shalt  }
0x53: {  	_ =	shalt  }
0x54: {  	_ =	shalt  }
0x55: {  	_ =	shalt  }
0x56: {  	_ =	shalt  }
0x57: {  	_ =	shalt  }
0x58: {  	_ =	shalt  }
0x59: {  	_ =	shalt  }
0x5a: {  	_ =	shalt  }
0x5b: {  	_ =	shalt  }
0x5c: {  	_ =	shalt  }
0x5d: {  	_ =	shalt  }
0x5e: {  	_ =	shalt  }
0x5f: {  	_ =	shalt  }
0x60: {  	_ =	shalt  }
0x61: {  	_ =	shalt  }
0x62: {  	_ =	shalt  }
0x63: {  	_ =	shalt  }
0x64: {  	_ =	shalt  }
0x65: {  	_ =	shalt  }
0x66: {  	_ =	shalt  }
0x67: {  	_ =	shalt  }
0x68: {  	_ =	shalt  }
0x69: {  	_ =	shalt  }
0x6a: {  	_ =	shalt  }
0x6b: {  	_ =	shalt  }
0x6c: {  	_ =	shalt  }
0x6d: {  	_ =	shalt  }
0x6e: {  	_ =	shalt  }
0x6f: {  	_ =	shalt  }
0x70: {  	_ =	shalt  }
0x71: {  	_ =	shalt  }
0x72: {  	_ =	shalt  }
0x73: {  	_ =	shalt  }
0x74: {  	_ =	shalt  }
0x75: {  	_ =	shalt  }
0x76: {  	_ =	shalt  }
0x77: {  	_ =	shalt  }
0x78: {  	_ =	shalt  }
0x79: {  	_ =	shalt  }
0x7a: {  	_ =	shalt  }
0x7b: {  	_ =	shalt  }
0x7c: {  	_ =	shalt  }
0x7d: {  	_ =	shalt  }
0x7e: {  	_ =	shalt  }
0x7f: {  	_ =	shalt  }
0x80: {  	_ =	shalt  }
0x81: {  	_ =	shalt  }
0x82: {  	_ =	shalt  }
0x83: {  	_ =	shalt  }
0x84: {  	_ =	shalt  }
0x85: {  	_ =	shalt  }
0x86: {  	_ =	shalt  }
0x87: {  	_ =	shalt  }
.Lfunc_end0:
.L_simem_size_0:
called_computation_lowered:
.L_overlay_start_0:
0x88: {  	s2 =	sld [smem:$0x3FD9]  }
0x89: {  	s3 =	sld [smem:$0x3FFE];
	_ =	sdelay $0x1  }
0x8a: {  	s1 =	srdreg.scid  }
0x8b: {  	s0 =	sand.u32 $0x1, s1  }
0x8c: {  	s17 =	sshll.u32 s0, $0xA;
	s2 =	sadd.s32 s3, s2  }
0x8d: {  	s2 =	sadd.s32 s2, s17  }
0x8e: {  	[smem:$0x3FBD] =	sst s2  }
0x8f: {  	_ = 	snop  }
0x90: {  	s2 =	sld [smem:$0x3FD0];
	(tm) =	ssettm $0x1  }
0x91: {  	s18 =	sld [smem:$0x3FFB];
	_ =	sdelay $0x3  }
0x92: {  	_ =	strace s18  }
0x93: {  	s3 =	sld [smem:$0x3FFC];
	_ =	sdelay $0x3  }
0x94: {  	_ =	strace s3  }
0x95: {  	s3 =	sld [smem:$0x3FFD];
	_ =	sdelay $0x3  }
0x96: {  	_ =	strace s3  }
0x97: {  	_ =	strace $0x8FFFFFFF  }
0x98: {  	s19 =	sld [smem:$0x3FDB];
	_ =	sdelay $0x1  }
0x99: {  	s4 =	simm.s32 $_scs_section_size  }
0x9a: {  	s5 =	simm.s32 $_size__tile_overlayer_lowered;
	s6 =	simm.s32 $_tile_overlayer_lowered  }
0x9b: {  	s22 =	simm.s32 $0x1BFF;
	s21 =	sshll.u32 s6, $0x1;
	s3 =	sadd.s32 s4, s19  }
0x9c: {  	s7 =	simm.s32 $0x0;
	s20 =	sshll.u32 s5, $0x1;
	s5 =	sadd.s32 s21, s3  }
0x9d: {  	[timem:s7], [sflag:s22] =	dma.local [hbm:s5], s20  }
0x9e: {  	_ =	swait.ge [sflag:s22], s20  }
0x9f: {  	s4 =	ssub.s32 $0x0, s20;
	[sflag:s22] =	ssyncset.done $0x0  }
0xa0: {  	[sflag:s22] =	ssyncadd.s32 s4;
	_ =	sdelay $0x1  }
0xa1: {  	s23 =	simm.s32 $0x1B8B  }
0xa2: {  	_ =	swait.ge [sflag:s23], $0x1  }
0xa3: {  	[sflag:s23] =	ssyncset.done $0x0  }
0xa4: {  	s25 =	simm.s32 $0x1B8E;
	s24 =	sld [smem:$0x3FFE];
	[sflag:s23] =	ssyncadd.s32 $0xFFFFFFFF  }
0xa5: {  	s26 =	simm.s32 $execute0_lowered;
	[smem:$0x3FD2] =	sst s25  }
0xa6: {  	s5 =	sshll.u32 s26, $0x1;
	_ =	strace $0x80000046;
	[dreg:$0x1] =	wrdreg $0xFFFFFFFF  }
0xa7: {  	s28 =	simm.s32 $_size_execute0_lowered;
	s3 =	sadd.s32 s3, s5;
	[dreg:$0x0] =	wrdreg $0x0  }
0xa8: {  	s5 =	sshll.u32 s28, $0x1;
	[dreg:$0x2] =	wrdreg s3  }
0xa9: {  	[dreg:$0x3] =	wrdreg s5  }
0xaa: {  	[dreg:$0x4] =	wrdreg $0xC0  }
0xab: {  	_ =	task [dreg:s7], $0x5FFFF  }
0xac: {  	[dreg:$0x1] =	wrdreg $0xFFFFFFFF  }
0xad: {  	[dreg:$0x0] =	wrdreg $0x60  }
0xae: {  	[dreg:$0x2] =	wrdreg s24  }
0xaf: {  	[dreg:$0x3] =	wrdreg s2  }
0xb0: {  	[dreg:$0x4] =	wrdreg $0x113500  }
0xb1: {  	[dreg:$0x5] =	wrdreg $0x1B1500  }
0xb2: {  	[dreg:$0x6] =	wrdreg $0x9  }
0xb3: {  	_ =	task.clear_ibuf [dreg:s7], $0x7FFFF;
	_ =	strace $0x90000046  }
0xb4: {  	s29 =	simm.s32 $0x9;
	_ =	strace $0x80000048  }
0xb5: {  	_ =	swait.ge [sflag:s29], $0x1  }
0xb6: {  	[sflag:s29] =	ssyncadd.s32 $0xFFFFFFFF  }
0xb7: {  	_ =	strace $0x90000048  }
0xb8: {  	_ =	sfence  }
0xb9: {  	s30 =	sld [smem:$0x0];
	_ =	sdelay $0x2  }
0xba: {  	s31 =	sshll.u32 s1, $0xD;
	s1 =	sshrl.u32 s1, $0x2  }
0xbb: {  	s3 =	sand.u32 $0x4000, s31;
	s1 =	sadd.s32 s1, s30  }
0xbc: {  	s0 =	sor.u32 s3, s0;
	s1 =	sshll.u32 s1, $0x11  }
0xbd: {  	s0 =	sor.u32 s1, s0  }
0xbe: {  	s0 =	sadd.s32 $0x8F2B, s0  }
0xbf: {  	[sflag:s0] =	ssyncadd.remote.s32 $0x1  }
0xc0: {  	_ =	sfence.sel $0xFFFF  }
0xc1: {  	[dreg:$0x0] =	wrdreg $0xFFFFFFFF;
	(pc) =	sbr.abs _section_cstart, $3  }
0xc2: {  	[dreg:$0x1] =	wrdreg $0xFFFFFFFF  }
0xc3: {  	_ =	task.clear_ibuf [dreg:s7], $0x2FFFF;
	_ =	strace $0x9FFFFFFF  }
0xc4: {  	(tm) =	ssettm $0x7FFFFFFF  }
0xc5: {  	_ =	shalt  }
tec
execute0_lowered:
.L_overlay_start_1:
0x0: {  	(tag) =	ssettag $0x1  }
0x1: {  	s0 =	rddreg [dreg:$0x0]  }
0x2: {  	s1 =	rddreg [dreg:$0x1];
	s3 =	srdreg.scid  }
0x3: {  	s16 =	stileid.u32;
	s2 =	rddreg [dreg:$0x2];
	s28 =	simm.s32 $0x8E80  }
0x4: {  	s29 =	simm.s32 $0x1;
	s30 =	simm.s32 $0x10B80;
	s31 =	simm.s32 $0xCD00  }
0x5: {  	s7 =	sand.u32 $0x1, s3;
	s4 =	sshll.u32 s16, $0x1;
	s10 =	smul.u32 $0x9E00, s16  }
0x6: {  	s3 =	rddreg [dreg:$0x3];
	s11 =	smul.u32 $0x2780, s16;
	s20 =	sshll.u32 s16, $0x6  }
0x7: {  	p0 =	seq.s32 s16, $0xF;
	s5 =	sor.u32 s7, s4;
	s15 =	smul.u32 $0x9C400, s7  }
0x8: {  	s4 =	simm.s32 $0x0;
	s9 =	ssub.s32 $0x2, s7;
	s7 =	smul.u32 $0x27100, s7  }
0x9: {  	s16 =	simm.s32 $0x8;
	s5 =	smul.u32 $0x2800, s5;
	[smem:$0x7FF] =	sst s4  }
0xa: {  	s17 =	sshrl.u32 s10, $0x3;
	s18 =	sshrl.u32 s11, $0x3;
	s19 =	sshrl.u32 s9, $0x1  }
0xb: {  	_ =	strace $0x80000047;
	s8 =	sadd.s32 s17, s0;
	s13 =	sadd.s32 s18, s0  }
0xc: {  	s14 =	ssub.s32 s9, s19;
	s9 =	sadd.s32 s11, s3;
	s22 =	sadd.s32 s11, s7  }
0xd: {  	s23 =	sshrl.u32 s15, $0x3;
	s7 =	sshrl.u32 s7, $0x3;
	s19 =	simm.s32 $0xD  }
0xe: {  	s11 =	simm.s32 $0x4;
	s17 =	simm.s32 $0x6;
	s6 =	sshrl.u32 s5, $0x3  }
0xf: {  	s5 =	sadd.s32 $0x3200, s0;
	s8 =	sadd.s32 $0x2FC00, s8;
	s13 =	sadd.s32 $0x2AC00, s13  }
0x10: {  	s24 =	smax.u32 s14, $0x1;
	s26 =	sshrl.u32 s9, $0x3;
	[dreg:$0x5] =	wrdreg s8  }
0x11: {  	s14 =	simm.s32 $0x5;
	s12 =	sadd.s32 s6, s0;
	[dreg:$0x6] =	wrdreg s13  }
0x12: {  	s0 =	sadd.s32 $0x43800, s0;
	s6 =	sadd.s32 s10, s2;
	[dreg:$0xd] =	wrdreg s24  }
0x13: {  	s8 =	sor.u32 $0x1C0D, s20;
	s10 =	sadd.s32 s10, s15;
	[dreg:$0xf] =	wrdreg s26  }
0x14: {  	s26 =	simm.s32 $0x3;
	s13 =	simm.s32 $0x7;
	s20 =	simm.s32 $0x9  }
0x15: {  	s24 =	simm.s32 $0xA;
	s21 =	sadd.s32 $0x16C00, s12;
	s10 =	sshrl.u32 s10, $0x3  }
0x16: {  	s12 =	sadd.s32 $0x20C00, s12;
	s25 =	sshrl.u32 s6, $0x3;
	[dreg:$0x7] =	wrdreg s21  }
0x17: {  	[dreg:$0x8] =	wrdreg s12;
	s10 =	sadd.s32 s1, s10;
	s1 =	sadd.s32 s1, s23  }
0x18: {  	[dreg:$0xe] =	wrdreg s25;
	s23 =	simm.s32 $0x5000;
	s25 =	simm.s32 $0x6F40  }
0x19: {  	s12 =	simm.s32 $0xC;
	[dreg:$0x9] =	wrdreg s10;
	s10 =	sshrl.u32 s22, $0x3  }
0x1a: {  	s1 =	sadd.s32 $0x12840, s1;
	s22 =	simm.s32 $0x7D;
	s10 =	sadd.s32 s0, s10  }
0x1b: {  	s0 =	sadd.s32 s0, s7;
	[dreg:$0xb] =	wrdreg s1;
	s1 =	simm.s32 $0xADC0  }
0x1c: {  	s7 =	simm.s32 $0xB;
	[dreg:$0xa] =	wrdreg s10;
	s0 =	sadd.s32 $0x4A10, s0  }
0x1d: {  	v0 =	vimm.f32 $1.000000000e+00;
	s10 =	simm.s32 $0xEC40;
	[dreg:$0xc] =	wrdreg s0;
	s0 =	simm.s32 $0x2  }
.LBB2_1:
0x1e: {  	s15 =	rddreg [dreg:$0x5]  }
0x1f: {  	s18 =	rddreg [dreg:$0xe]  }
0x20: {  	[spmem:s18], [sflag:s8] =	dma.local [hbm:s15], $0x13C0  }
0x21: {  	_ =	swait.ge [sflag:s19], $0x13C0  }
0x22: {  	[sflag:s19] =	ssyncset.done $0x0;
	s18 =	rddreg [dreg:$0x6]  }
0x23: {  	s21 =	rddreg [dreg:$0xf];
	[sflag:s19] =	ssyncadd.s32 $0xFFFFEC40  }
0x24: {  	[spmem:s21], [sflag:s8] =	dma.local [hbm:s18], $0x4F0  }
0x25: {  	_ =	swait.ge [sflag:s19], $0x4F0  }
0x26: {  	[sflag:s19] =	ssyncset.done $0x0  }
0x27: {  	s15 =	simm.s32 $0x40;
	s18 =	simm.s32 $0x0;
	[sflag:s19] =	ssyncadd.s32 $0xFFFFFB10  }
.LBB2_2:
0x28: {  	p1 =	sne.s32 s15, $0x1F00;
	[tilespmem:s18+$0x10B80] =	vst v0;
	s18 =	smov.u32 s15;
	s15 =	sadd.s32 $0x40, s15  }
.Ltmp0:
0x29: {  	(pc) =	sbr.rel @p1 .LBB2_2-.Ltmp0, $2  }
0x2a: {  	_ =	sdelay $0x2  }
0x2b: {  	s18 =	sshra.s32 s18, $0x2  }
0x2c: {  	[tilespmem:s18+$0x10B80] =	vst v0  }
0x2d: {  	[bflag:$0x0] =	sbarrier.arrive $0xFFFF  }
0x2e: {  	s15 =	simm.s32 $0x0;
	s21 =	rddreg [dreg:$0x7]  }
0x2f: {  	[tilespmem:s15], [sflag:$0xD] =	stream.linear.gather [hbm4b:s21+s15], $0x2800, $0x38;
	[tilespmem:$0x1D8D0] =	vst v63  }
0x30: {  	_ =	swait.ge [sflag:s19], $0x2800  }
0x31: {  	[sflag:s19] =	ssyncset.done $0x0  }
0x32: {  	s21 =	simm.s32 $0x2800;
	s18 =	rddreg [dreg:$0x8];
	[sflag:s19] =	ssyncadd.s32 $0xFFFFD800  }
0x33: {  	[tilespmem:s21], [sflag:$0xD] =	stream.linear.gather [hbm4b:s18+s15], $0x2800, $0x38;
	[tilespmem:$0x1D8D0] =	vst v63  }
0x34: {  	_ =	swait.ge [sflag:s19], $0x2800  }
0x35: {  	[sflag:s19] =	ssyncset.done $0x0  }
0x36: {  	[sflag:s19] =	ssyncadd.s32 $0xFFFFD800  }
0x37: {  	[tilespmem:s23], [sflag:$0x1] =	stream.indirect.gather [hbm4b:s5+s22], $0x40, s15, s22, $0xb8;
	[tilespmem:$0x1D8D0] =	vst v63  }
0x38: {  	s18 =	simm.s32 $0x80  }
0x39: {  	[tilespmem:s25], [sflag:$0x2] =	stream.indirect.gather [hbm4b:s5+s22], $0x40, s18, s22, $0xb8;
	[tilespmem:$0x1D8D0] =	vst v63  }
0x3a: {  	s18 =	simm.s32 $0x100  }
0x3b: {  	[tilespmem:s28], [sflag:$0x3] =	stream.indirect.gather [hbm4b:s5+s22], $0x40, s18, s22, $0xb8;
	[tilespmem:$0x1D8D0] =	vst v63  }
0x3c: {  	_ =	swait.ge [sflag:s29], $0x1F40  }
0x3d: {  	[sflag:s29] =	ssyncset.done $0x0  }
0x3e: {  	[sflag:s29] =	ssyncadd.s32 $0xFFFFE0C0  }
0x3f: {  	[spmem:s2] =	stream.indirect.scatter.add.f32 [tilespmem:s23], [sflag:$0x7], $0x40, s21, s22, $0xb8;
	[tilespmem:$0x1D8D0] =	vst v63  }
0x40: {  	_ = 	snop  }
0x41: {  	[spmem:s3] =	stream.indirect.scatter.add.f32 [tilespmem:s30], [sflag:$0xD], $0x10, s21, s22, $0xb8;
	[tilespmem:$0x1D8D0] =	vst v63  }
0x42: {  	_ =	swait.ge [sflag:s19], $0x7D0  }
0x43: {  	[sflag:s19] =	ssyncset.done $0x0  }
0x44: {  	s18 =	simm.s32 $0x180;
	[sflag:s19] =	ssyncadd.s32 $0xFFFFF830  }
0x45: {  	[tilespmem:s1], [sflag:$0x4] =	stream.indirect.gather [hbm4b:s5+s22], $0x40, s18, s22, $0xb8;
	[tilespmem:$0x1D8D0] =	vst v63  }
0x46: {  	_ =	swait.ge [sflag:s0], $0x1F40  }
0x47: {  	[sflag:s0] =	ssyncset.done $0x0  }
0x48: {  	s21 =	simm.s32 $0x2880;
	[sflag:s0] =	ssyncadd.s32 $0xFFFFE0C0  }
0x49: {  	[spmem:s2] =	stream.indirect.scatter.add.f32 [tilespmem:s25], [sflag:$0x8], $0x40, s21, s22, $0xb8;
	[tilespmem:$0x1D8D0] =	vst v63  }
0x4a: {  	_ = 	snop  }
0x4b: {  	[spmem:s3] =	stream.indirect.scatter.add.f32 [tilespmem:s30], [sflag:$0xD], $0x10, s21, s22, $0xb8;
	[tilespmem:$0x1D8D0] =	vst v63  }
0x4c: {  	_ =	swait.ge [sflag:s19], $0x7D0  }
0x4d: {  	[sflag:s19] =	ssyncset.done $0x0  }
0x4e: {  	s18 =	simm.s32 $0x200;
	[sflag:s19] =	ssyncadd.s32 $0xFFFFF830  }
0x4f: {  	[tilespmem:s31], [sflag:$0x5] =	stream.indirect.gather [hbm4b:s5+s22], $0x40, s18, s22, $0xb8;
	[tilespmem:$0x1D8D0] =	vst v63  }
0x50: {  	_ =	swait.ge [sflag:s26], $0x1F40  }
0x51: {  	[sflag:s26] =	ssyncset.done $0x0  }
0x52: {  	s21 =	simm.s32 $0x2900;
	[sflag:s26] =	ssyncadd.s32 $0xFFFFE0C0  }
0x53: {  	[spmem:s2] =	stream.indirect.scatter.add.f32 [tilespmem:s28], [sflag:$0x9], $0x40, s21, s22, $0xb8;
	[tilespmem:$0x1D8D0] =	vst v63  }
0x54: {  	_ = 	snop  }
0x55: {  	[spmem:s3] =	stream.indirect.scatter.add.f32 [tilespmem:s30], [sflag:$0xD], $0x10, s21, s22, $0xb8;
	[tilespmem:$0x1D8D0] =	vst v63  }
0x56: {  	_ =	swait.ge [sflag:s19], $0x7D0  }
0x57: {  	[sflag:s19] =	ssyncset.done $0x0  }
0x58: {  	s18 =	simm.s32 $0x280;
	[sflag:s19] =	ssyncadd.s32 $0xFFFFF830  }
0x59: {  	[tilespmem:s10], [sflag:$0x6] =	stream.indirect.gather [hbm4b:s5+s22], $0x40, s18, s22, $0xb8;
	[tilespmem:$0x1D8D0] =	vst v63  }
0x5a: {  	_ =	swait.ge [sflag:s11], $0x1F40  }
0x5b: {  	[sflag:s11] =	ssyncset.done $0x0  }
0x5c: {  	s21 =	simm.s32 $0x2980;
	[sflag:s11] =	ssyncadd.s32 $0xFFFFE0C0  }
0x5d: {  	[spmem:s2] =	stream.indirect.scatter.add.f32 [tilespmem:s1], [sflag:$0xA], $0x40, s21, s22, $0xb8;
	[tilespmem:$0x1D8D0] =	vst v63  }
0x5e: {  	_ = 	snop  }
0x5f: {  	[spmem:s3] =	stream.indirect.scatter.add.f32 [tilespmem:s30], [sflag:$0xD], $0x10, s21, s22, $0xb8;
	[tilespmem:$0x1D8D0] =	vst v63  }
0x60: {  	_ =	swait.ge [sflag:s19], $0x7D0  }
0x61: {  	[sflag:s19] =	ssyncset.done $0x0  }
0x62: {  	[sflag:s19] =	ssyncadd.s32 $0xFFFFF830  }
0x63: {  	_ =	swait.ge [sflag:s13], $0x1F40  }
0x64: {  	[sflag:s13] =	ssyncset.done $0x0  }
0x65: {  	s18 =	simm.s32 $0x300;
	[sflag:s13] =	ssyncadd.s32 $0xFFFFE0C0  }
0x66: {  	[tilespmem:s23], [sflag:$0x1] =	stream.indirect.gather [hbm4b:s5+s22], $0x40, s18, s22, $0xb8;
	[tilespmem:$0x1D8D0] =	vst v63  }
0x67: {  	_ =	swait.ge [sflag:s14], $0x1F40  }
0x68: {  	[sflag:s14] =	ssyncset.done $0x0  }
0x69: {  	s21 =	simm.s32 $0x2A00;
	[sflag:s14] =	ssyncadd.s32 $0xFFFFE0C0  }
0x6a: {  	[spmem:s2] =	stream.indirect.scatter.add.f32 [tilespmem:s31], [sflag:$0xB], $0x40, s21, s22, $0xb8;
	[tilespmem:$0x1D8D0] =	vst v63  }
0x6b: {  	_ = 	snop  }
0x6c: {  	[spmem:s3] =	stream.indirect.scatter.add.f32 [tilespmem:s30], [sflag:$0xD], $0x10, s21, s22, $0xb8;
	[tilespmem:$0x1D8D0] =	vst v63  }
0x6d: {  	_ =	swait.ge [sflag:s19], $0x7D0  }
0x6e: {  	[sflag:s19] =	ssyncset.done $0x0  }
0x6f: {  	[sflag:s19] =	ssyncadd.s32 $0xFFFFF830  }
0x70: {  	_ =	swait.ge [sflag:s16], $0x1F40  }
0x71: {  	[sflag:s16] =	ssyncset.done $0x0  }
0x72: {  	s18 =	simm.s32 $0x380;
	[sflag:s16] =	ssyncadd.s32 $0xFFFFE0C0  }
0x73: {  	[tilespmem:s25], [sflag:$0x2] =	stream.indirect.gather [hbm4b:s5+s22], $0x40, s18, s22, $0xb8;
	[tilespmem:$0x1D8D0] =	vst v63  }
0x74: {  	_ =	swait.ge [sflag:s17], $0x1F40  }
0x75: {  	[sflag:s17] =	ssyncset.done $0x0  }
0x76: {  	s21 =	simm.s32 $0x2A80;
	[sflag:s17] =	ssyncadd.s32 $0xFFFFE0C0  }
0x77: {  	[spmem:s2] =	stream.indirect.scatter.add.f32 [tilespmem:s10], [sflag:$0xC], $0x40, s21, s22, $0xb8;
	[tilespmem:$0x1D8D0] =	vst v63  }
0x78: {  	_ = 	snop  }
0x79: {  	[spmem:s3] =	stream.indirect.scatter.add.f32 [tilespmem:s30], [sflag:$0xD], $0x10, s21, s22, $0xb8;
	[tilespmem:$0x1D8D0] =	vst v63  }
0x7a: {  	_ =	swait.ge [sflag:s19], $0x7D0  }
0x7b: {  	[sflag:s19] =	ssyncset.done $0x0  }
0x7c: {  	[sflag:s19] =	ssyncadd.s32 $0xFFFFF830  }
0x7d: {  	_ =	swait.ge [sflag:s20], $0x1F40  }
0x7e: {  	[sflag:s20] =	ssyncset.done $0x0  }
0x7f: {  	s18 =	simm.s32 $0x400;
	[sflag:s20] =	ssyncadd.s32 $0xFFFFE0C0  }
0x80: {  	[tilespmem:s28], [sflag:$0x3] =	stream.indirect.gather [hbm4b:s5+s22], $0x40, s18, s22, $0xb8;
	[tilespmem:$0x1D8D0] =	vst v63  }
0x81: {  	_ =	swait.ge [sflag:s29], $0x1F40  }
0x82: {  	[sflag:s29] =	ssyncset.done $0x0  }
0x83: {  	s21 =	simm.s32 $0x2B00;
	[sflag:s29] =	ssyncadd.s32 $0xFFFFE0C0  }
0x84: {  	[spmem:s2] =	stream.indirect.scatter.add.f32 [tilespmem:s23], [sflag:$0x7], $0x40, s21, s22, $0xb8;
	[tilespmem:$0x1D8D0] =	vst v63  }
0x85: {  	_ = 	snop  }
0x86: {  	[spmem:s3] =	stream.indirect.scatter.add.f32 [tilespmem:s30], [sflag:$0xD], $0x10, s21, s22, $0xb8;
	[tilespmem:$0x1D8D0] =	vst v63  }
0x87: {  	_ =	swait.ge [sflag:s19], $0x7D0  }
0x88: {  	[sflag:s19] =	ssyncset.done $0x0  }
0x89: {  	[sflag:s19] =	ssyncadd.s32 $0xFFFFF830  }
0x8a: {  	_ =	swait.ge [sflag:s24], $0x1F40  }
0x8b: {  	[sflag:s24] =	ssyncset.done $0x0  }
0x8c: {  	s18 =	simm.s32 $0x480;
	[sflag:s24] =	ssyncadd.s32 $0xFFFFE0C0  }
0x8d: {  	[tilespmem:s1], [sflag:$0x4] =	stream.indirect.gather [hbm4b:s5+s22], $0x40, s18, s22, $0xb8;
	[tilespmem:$0x1D8D0] =	vst v63  }
0x8e: {  	_ =	swait.ge [sflag:s0], $0x1F40  }
0x8f: {  	[sflag:s0] =	ssyncset.done $0x0  }
0x90: {  	s21 =	simm.s32 $0x2B80;
	[sflag:s0] =	ssyncadd.s32 $0xFFFFE0C0  }
0x91: {  	[spmem:s2] =	stream.indirect.scatter.add.f32 [tilespmem:s25], [sflag:$0x8], $0x40, s21, s22, $0xb8;
	[tilespmem:$0x1D8D0] =	vst v63  }
0x92: {  	_ = 	snop  }
0x93: {  	[spmem:s3] =	stream.indirect.scatter.add.f32 [tilespmem:s30], [sflag:$0xD], $0x10, s21, s22, $0xb8;
	[tilespmem:$0x1D8D0] =	vst v63  }
0x94: {  	_ =	swait.ge [sflag:s19], $0x7D0  }
0x95: {  	[sflag:s19] =	ssyncset.done $0x0  }
0x96: {  	[sflag:s19] =	ssyncadd.s32 $0xFFFFF830  }
0x97: {  	_ =	swait.ge [sflag:s7], $0x1F40  }
0x98: {  	[sflag:s7] =	ssyncset.done $0x0  }
0x99: {  	s18 =	simm.s32 $0x500;
	[sflag:s7] =	ssyncadd.s32 $0xFFFFE0C0  }
0x9a: {  	[tilespmem:s31], [sflag:$0x5] =	stream.indirect.gather [hbm4b:s5+s22], $0x40, s18, s22, $0xb8;
	[tilespmem:$0x1D8D0] =	vst v63  }
0x9b: {  	_ =	swait.ge [sflag:s26], $0x1F40  }
0x9c: {  	[sflag:s26] =	ssyncset.done $0x0  }
0x9d: {  	s21 =	simm.s32 $0x2C00;
	[sflag:s26] =	ssyncadd.s32 $0xFFFFE0C0  }
0x9e: {  	[spmem:s2] =	stream.indirect.scatter.add.f32 [tilespmem:s28], [sflag:$0x9], $0x40, s21, s22, $0xb8;
	[tilespmem:$0x1D8D0] =	vst v63  }
0x9f: {  	_ = 	snop  }
0xa0: {  	[spmem:s3] =	stream.indirect.scatter.add.f32 [tilespmem:s30], [sflag:$0xD], $0x10, s21, s22, $0xb8;
	[tilespmem:$0x1D8D0] =	vst v63  }
0xa1: {  	_ =	swait.ge [sflag:s19], $0x7D0  }
0xa2: {  	[sflag:s19] =	ssyncset.done $0x0  }
0xa3: {  	[sflag:s19] =	ssyncadd.s32 $0xFFFFF830  }
0xa4: {  	_ =	swait.ge [sflag:s12], $0x1F40  }
0xa5: {  	[sflag:s12] =	ssyncset.done $0x0  }
0xa6: {  	s18 =	simm.s32 $0x580;
	[sflag:s12] =	ssyncadd.s32 $0xFFFFE0C0  }
0xa7: {  	[tilespmem:s10], [sflag:$0x6] =	stream.indirect.gather [hbm4b:s5+s22], $0x40, s18, s22, $0xb8;
	[tilespmem:$0x1D8D0] =	vst v63  }
0xa8: {  	_ =	swait.ge [sflag:s11], $0x1F40  }
0xa9: {  	[sflag:s11] =	ssyncset.done $0x0  }
0xaa: {  	s21 =	simm.s32 $0x2C80;
	[sflag:s11] =	ssyncadd.s32 $0xFFFFE0C0  }
0xab: {  	[spmem:s2] =	stream.indirect.scatter.add.f32 [tilespmem:s1], [sflag:$0xA], $0x40, s21, s22, $0xb8;
	[tilespmem:$0x1D8D0] =	vst v63  }
0xac: {  	_ = 	snop  }
0xad: {  	[spmem:s3] =	stream.indirect.scatter.add.f32 [tilespmem:s30], [sflag:$0xD], $0x10, s21, s22, $0xb8;
	[tilespmem:$0x1D8D0] =	vst v63  }
0xae: {  	_ =	swait.ge [sflag:s19], $0x7D0  }
0xaf: {  	[sflag:s19] =	ssyncset.done $0x0  }
0xb0: {  	[sflag:s19] =	ssyncadd.s32 $0xFFFFF830  }
0xb1: {  	_ =	swait.ge [sflag:s13], $0x1F40  }
0xb2: {  	[sflag:s13] =	ssyncset.done $0x0  }
0xb3: {  	s18 =	simm.s32 $0x600;
	[sflag:s13] =	ssyncadd.s32 $0xFFFFE0C0  }
0xb4: {  	[tilespmem:s23], [sflag:$0x1] =	stream.indirect.gather [hbm4b:s5+s22], $0x40, s18, s22, $0xb8;
	[tilespmem:$0x1D8D0] =	vst v63  }
0xb5: {  	_ =	swait.ge [sflag:s14], $0x1F40  }
0xb6: {  	[sflag:s14] =	ssyncset.done $0x0  }
0xb7: {  	s21 =	simm.s32 $0x2D00;
	[sflag:s14] =	ssyncadd.s32 $0xFFFFE0C0  }
0xb8: {  	[spmem:s2] =	stream.indirect.scatter.add.f32 [tilespmem:s31], [sflag:$0xB], $0x40, s21, s22, $0xb8;
	[tilespmem:$0x1D8D0] =	vst v63  }
0xb9: {  	_ = 	snop  }
0xba: {  	[spmem:s3] =	stream.indirect.scatter.add.f32 [tilespmem:s30], [sflag:$0xD], $0x10, s21, s22, $0xb8;
	[tilespmem:$0x1D8D0] =	vst v63  }
0xbb: {  	_ =	swait.ge [sflag:s19], $0x7D0  }
0xbc: {  	[sflag:s19] =	ssyncset.done $0x0  }
0xbd: {  	[sflag:s19] =	ssyncadd.s32 $0xFFFFF830  }
0xbe: {  	_ =	swait.ge [sflag:s16], $0x1F40  }
0xbf: {  	[sflag:s16] =	ssyncset.done $0x0  }
0xc0: {  	s18 =	simm.s32 $0x680;
	[sflag:s16] =	ssyncadd.s32 $0xFFFFE0C0  }
0xc1: {  	[tilespmem:s25], [sflag:$0x2] =	stream.indirect.gather [hbm4b:s5+s22], $0x40, s18, s22, $0xb8;
	[tilespmem:$0x1D8D0] =	vst v63  }
0xc2: {  	_ =	swait.ge [sflag:s17], $0x1F40  }
0xc3: {  	[sflag:s17] =	ssyncset.done $0x0  }
0xc4: {  	s21 =	simm.s32 $0x2D80;
	[sflag:s17] =	ssyncadd.s32 $0xFFFFE0C0  }
0xc5: {  	[spmem:s2] =	stream.indirect.scatter.add.f32 [tilespmem:s10], [sflag:$0xC], $0x40, s21, s22, $0xb8;
	[tilespmem:$0x1D8D0] =	vst v63  }
0xc6: {  	_ = 	snop  }
0xc7: {  	[spmem:s3] =	stream.indirect.scatter.add.f32 [tilespmem:s30], [sflag:$0xD], $0x10, s21, s22, $0xb8;
	[tilespmem:$0x1D8D0] =	vst v63  }
0xc8: {  	_ =	swait.ge [sflag:s19], $0x7D0  }
0xc9: {  	[sflag:s19] =	ssyncset.done $0x0  }
0xca: {  	[sflag:s19] =	ssyncadd.s32 $0xFFFFF830  }
0xcb: {  	_ =	swait.ge [sflag:s20], $0x1F40  }
0xcc: {  	[sflag:s20] =	ssyncset.done $0x0  }
0xcd: {  	s15 =	simm.s32 $0xC00;
	s18 =	simm.s32 $0x700;
	[sflag:s20] =	ssyncadd.s32 $0xFFFFE0C0  }
.LBB2_4:
0xce: {  	[tilespmem:s28], [sflag:$0x3] =	stream.indirect.gather [hbm4b:s5+s22], $0x40, s18, s22, $0xb8;
	[tilespmem:$0x1D8D0] =	vst v63  }
0xcf: {  	s18 =	smov.u32 s15  }
0xd0: {  	p1 =	sne.s32 s15, $0x7800;
	s15 =	sadd.s32 $0xC00, s15;
	_ =	swait.ge [sflag:s29], $0x1F40  }
0xd1: {  	s18 =	sshra.s32 s18, $0x2;
	[sflag:s29] =	ssyncset.done $0x0  }
0xd2: {  	s21 =	sadd.s32 $0x2B00, s18;
	[sflag:s29] =	ssyncadd.s32 $0xFFFFE0C0  }
0xd3: {  	[spmem:s2] =	stream.indirect.scatter.add.f32 [tilespmem:s23], [sflag:$0x7], $0x40, s21, s22, $0xb8;
	[tilespmem:$0x1D8D0] =	vst v63  }
0xd4: {  	_ = 	snop  }
0xd5: {  	[spmem:s3] =	stream.indirect.scatter.add.f32 [tilespmem:s30], [sflag:$0xD], $0x10, s21, s22, $0xb8;
	[tilespmem:$0x1D8D0] =	vst v63  }
0xd6: {  	_ =	swait.ge [sflag:s19], $0x7D0  }
0xd7: {  	[sflag:s19] =	ssyncset.done $0x0  }
0xd8: {  	[sflag:s19] =	ssyncadd.s32 $0xFFFFF830  }
0xd9: {  	_ =	swait.ge [sflag:s24], $0x1F40  }
0xda: {  	[sflag:s24] =	ssyncset.done $0x0  }
0xdb: {  	s21 =	sadd.s32 $0x480, s18;
	[sflag:s24] =	ssyncadd.s32 $0xFFFFE0C0  }
0xdc: {  	[tilespmem:s1], [sflag:$0x4] =	stream.indirect.gather [hbm4b:s5+s22], $0x40, s21, s22, $0xb8;
	[tilespmem:$0x1D8D0] =	vst v63  }
0xdd: {  	_ =	swait.ge [sflag:s0], $0x1F40  }
0xde: {  	[sflag:s0] =	ssyncset.done $0x0  }
0xdf: {  	s21 =	sadd.s32 $0x2B80, s18;
	[sflag:s0] =	ssyncadd.s32 $0xFFFFE0C0  }
0xe0: {  	[spmem:s2] =	stream.indirect.scatter.add.f32 [tilespmem:s25], [sflag:$0x8], $0x40, s21, s22, $0xb8;
	[tilespmem:$0x1D8D0] =	vst v63  }
0xe1: {  	_ = 	snop  }
0xe2: {  	[spmem:s3] =	stream.indirect.scatter.add.f32 [tilespmem:s30], [sflag:$0xD], $0x10, s21, s22, $0xb8;
	[tilespmem:$0x1D8D0] =	vst v63  }
0xe3: {  	_ =	swait.ge [sflag:s19], $0x7D0  }
0xe4: {  	[sflag:s19] =	ssyncset.done $0x0  }
0xe5: {  	[sflag:s19] =	ssyncadd.s32 $0xFFFFF830  }
0xe6: {  	_ =	swait.ge [sflag:s7], $0x1F40  }
0xe7: {  	[sflag:s7] =	ssyncset.done $0x0  }
0xe8: {  	s21 =	sadd.s32 $0x500, s18;
	[sflag:s7] =	ssyncadd.s32 $0xFFFFE0C0  }
0xe9: {  	[tilespmem:s31], [sflag:$0x5] =	stream.indirect.gather [hbm4b:s5+s22], $0x40, s21, s22, $0xb8;
	[tilespmem:$0x1D8D0] =	vst v63  }
0xea: {  	_ =	swait.ge [sflag:s26], $0x1F40  }
0xeb: {  	[sflag:s26] =	ssyncset.done $0x0  }
0xec: {  	s21 =	sadd.s32 $0x2C00, s18;
	[sflag:s26] =	ssyncadd.s32 $0xFFFFE0C0  }
0xed: {  	[spmem:s2] =	stream.indirect.scatter.add.f32 [tilespmem:s28], [sflag:$0x9], $0x40, s21, s22, $0xb8;
	[tilespmem:$0x1D8D0] =	vst v63  }
0xee: {  	_ = 	snop  }
0xef: {  	[spmem:s3] =	stream.indirect.scatter.add.f32 [tilespmem:s30], [sflag:$0xD], $0x10, s21, s22, $0xb8;
	[tilespmem:$0x1D8D0] =	vst v63  }
0xf0: {  	_ =	swait.ge [sflag:s19], $0x7D0  }
0xf1: {  	[sflag:s19] =	ssyncset.done $0x0  }
0xf2: {  	[sflag:s19] =	ssyncadd.s32 $0xFFFFF830  }
0xf3: {  	_ =	swait.ge [sflag:s12], $0x1F40  }
0xf4: {  	[sflag:s12] =	ssyncset.done $0x0  }
0xf5: {  	s21 =	sadd.s32 $0x580, s18;
	[sflag:s12] =	ssyncadd.s32 $0xFFFFE0C0  }
0xf6: {  	[tilespmem:s10], [sflag:$0x6] =	stream.indirect.gather [hbm4b:s5+s22], $0x40, s21, s22, $0xb8;
	[tilespmem:$0x1D8D0] =	vst v63  }
0xf7: {  	_ =	swait.ge [sflag:s11], $0x1F40  }
0xf8: {  	[sflag:s11] =	ssyncset.done $0x0  }
0xf9: {  	s21 =	sadd.s32 $0x2C80, s18;
	[sflag:s11] =	ssyncadd.s32 $0xFFFFE0C0  }
0xfa: {  	[spmem:s2] =	stream.indirect.scatter.add.f32 [tilespmem:s1], [sflag:$0xA], $0x40, s21, s22, $0xb8;
	[tilespmem:$0x1D8D0] =	vst v63  }
0xfb: {  	_ = 	snop  }
0xfc: {  	[spmem:s3] =	stream.indirect.scatter.add.f32 [tilespmem:s30], [sflag:$0xD], $0x10, s21, s22, $0xb8;
	[tilespmem:$0x1D8D0] =	vst v63  }
0xfd: {  	_ =	swait.ge [sflag:s19], $0x7D0  }
0xfe: {  	[sflag:s19] =	ssyncset.done $0x0  }
0xff: {  	[sflag:s19] =	ssyncadd.s32 $0xFFFFF830  }
0x100: {  	_ =	swait.ge [sflag:s13], $0x1F40  }
0x101: {  	[sflag:s13] =	ssyncset.done $0x0  }
0x102: {  	s21 =	sadd.s32 $0x600, s18;
	[sflag:s13] =	ssyncadd.s32 $0xFFFFE0C0  }
0x103: {  	[tilespmem:s23], [sflag:$0x1] =	stream.indirect.gather [hbm4b:s5+s22], $0x40, s21, s22, $0xb8;
	[tilespmem:$0x1D8D0] =	vst v63  }
0x104: {  	_ =	swait.ge [sflag:s14], $0x1F40  }
0x105: {  	[sflag:s14] =	ssyncset.done $0x0  }
0x106: {  	s21 =	sadd.s32 $0x2D00, s18;
	[sflag:s14] =	ssyncadd.s32 $0xFFFFE0C0  }
0x107: {  	[spmem:s2] =	stream.indirect.scatter.add.f32 [tilespmem:s31], [sflag:$0xB], $0x40, s21, s22, $0xb8;
	[tilespmem:$0x1D8D0] =	vst v63  }
0x108: {  	_ = 	snop  }
0x109: {  	[spmem:s3] =	stream.indirect.scatter.add.f32 [tilespmem:s30], [sflag:$0xD], $0x10, s21, s22, $0xb8;
	[tilespmem:$0x1D8D0] =	vst v63  }
0x10a: {  	_ =	swait.ge [sflag:s19], $0x7D0  }
0x10b: {  	[sflag:s19] =	ssyncset.done $0x0  }
0x10c: {  	[sflag:s19] =	ssyncadd.s32 $0xFFFFF830  }
0x10d: {  	_ =	swait.ge [sflag:s16], $0x1F40  }
0x10e: {  	[sflag:s16] =	ssyncset.done $0x0  }
0x10f: {  	s21 =	sadd.s32 $0x680, s18;
	[sflag:s16] =	ssyncadd.s32 $0xFFFFE0C0  }
0x110: {  	[tilespmem:s25], [sflag:$0x2] =	stream.indirect.gather [hbm4b:s5+s22], $0x40, s21, s22, $0xb8;
	[tilespmem:$0x1D8D0] =	vst v63  }
0x111: {  	_ =	swait.ge [sflag:s17], $0x1F40  }
0x112: {  	[sflag:s17] =	ssyncset.done $0x0  }
0x113: {  	s21 =	sadd.s32 $0x2D80, s18;
	[sflag:s17] =	ssyncadd.s32 $0xFFFFE0C0  }
0x114: {  	[spmem:s2] =	stream.indirect.scatter.add.f32 [tilespmem:s10], [sflag:$0xC], $0x40, s21, s22, $0xb8;
	[tilespmem:$0x1D8D0] =	vst v63  }
0x115: {  	_ = 	snop  }
0x116: {  	[spmem:s3] =	stream.indirect.scatter.add.f32 [tilespmem:s30], [sflag:$0xD], $0x10, s21, s22, $0xb8;
	[tilespmem:$0x1D8D0] =	vst v63  }
0x117: {  	_ =	swait.ge [sflag:s19], $0x7D0  }
.Ltmp1:
0x118: {  	[sflag:s19] =	ssyncset.done $0x0;
	(pc) =	sbr.rel @p1 .LBB2_4-.Ltmp1, $4  }
0x119: {  	[sflag:s19] =	ssyncadd.s32 $0xFFFFF830  }
0x11a: {  	_ =	swait.ge [sflag:s20], $0x1F40  }
0x11b: {  	[sflag:s20] =	ssyncset.done $0x0  }
0x11c: {  	s18 =	sadd.s32 $0x700, s18;
	[sflag:s20] =	ssyncadd.s32 $0xFFFFE0C0  }
0x11d: {  	[tilespmem:s28], [sflag:$0x3] =	stream.indirect.gather [hbm4b:s5+s22], $0x40, s18, s22, $0xb8;
	[tilespmem:$0x1D8D0] =	vst v63  }
0x11e: {  	_ =	swait.ge [sflag:s29], $0x1F40  }
0x11f: {  	[sflag:s29] =	ssyncset.done $0x0  }
0x120: {  	s15 =	simm.s32 $0x4C00;
	[sflag:s29] =	ssyncadd.s32 $0xFFFFE0C0  }
0x121: {  	[spmem:s2] =	stream.indirect.scatter.add.f32 [tilespmem:s23], [sflag:$0x7], $0x40, s15, s22, $0xb8;
	[tilespmem:$0x1D8D0] =	vst v63  }
0x122: {  	_ = 	snop  }
0x123: {  	[spmem:s3] =	stream.indirect.scatter.add.f32 [tilespmem:s30], [sflag:$0xD], $0x10, s15, s22, $0xb8;
	[tilespmem:$0x1D8D0] =	vst v63  }
0x124: {  	_ =	swait.ge [sflag:s19], $0x7D0  }
0x125: {  	[sflag:s19] =	ssyncset.done $0x0  }
0x126: {  	[sflag:s19] =	ssyncadd.s32 $0xFFFFF830  }
0x127: {  	_ =	swait.ge [sflag:s24], $0x1F40  }
0x128: {  	[sflag:s24] =	ssyncset.done $0x0  }
0x129: {  	s21 =	simm.s32 $0x2580;
	[sflag:s24] =	ssyncadd.s32 $0xFFFFE0C0  }
0x12a: {  	[tilespmem:s1], [sflag:$0x4] =	stream.indirect.gather [hbm4b:s5+s22], $0x40, s21, s22, $0xb8;
	[tilespmem:$0x1D8D0] =	vst v63  }
0x12b: {  	_ =	swait.ge [sflag:s0], $0x1F40  }
0x12c: {  	[sflag:s0] =	ssyncset.done $0x0  }
0x12d: {  	s18 =	simm.s32 $0x4C80;
	[sflag:s0] =	ssyncadd.s32 $0xFFFFE0C0  }
0x12e: {  	[spmem:s2] =	stream.indirect.scatter.add.f32 [tilespmem:s25], [sflag:$0x8], $0x40, s18, s22, $0xb8;
	[tilespmem:$0x1D8D0] =	vst v63  }
0x12f: {  	_ = 	snop  }
0x130: {  	[spmem:s3] =	stream.indirect.scatter.add.f32 [tilespmem:s30], [sflag:$0xD], $0x10, s18, s22, $0xb8;
	[tilespmem:$0x1D8D0] =	vst v63  }
0x131: {  	_ =	swait.ge [sflag:s19], $0x7D0  }
0x132: {  	[sflag:s19] =	ssyncset.done $0x0  }
0x133: {  	[sflag:s19] =	ssyncadd.s32 $0xFFFFF830  }
0x134: {  	_ =	swait.ge [sflag:s7], $0x1F40  }
0x135: {  	[sflag:s7] =	ssyncset.done $0x0  }
0x136: {  	s21 =	simm.s32 $0x2600;
	[sflag:s7] =	ssyncadd.s32 $0xFFFFE0C0  }
0x137: {  	[tilespmem:s31], [sflag:$0x5] =	stream.indirect.gather [hbm4b:s5+s22], $0x40, s21, s22, $0xb8;
	[tilespmem:$0x1D8D0] =	vst v63  }
0x138: {  	_ =	swait.ge [sflag:s26], $0x1F40  }
0x139: {  	[sflag:s26] =	ssyncset.done $0x0  }
0x13a: {  	s18 =	simm.s32 $0x4D00;
	[sflag:s26] =	ssyncadd.s32 $0xFFFFE0C0  }
0x13b: {  	[spmem:s2] =	stream.indirect.scatter.add.f32 [tilespmem:s28], [sflag:$0x9], $0x40, s18, s22, $0xb8;
	[tilespmem:$0x1D8D0] =	vst v63  }
0x13c: {  	_ = 	snop  }
0x13d: {  	[spmem:s3] =	stream.indirect.scatter.add.f32 [tilespmem:s30], [sflag:$0xD], $0x10, s18, s22, $0xb8;
	[tilespmem:$0x1D8D0] =	vst v63  }
0x13e: {  	_ =	swait.ge [sflag:s19], $0x7D0  }
0x13f: {  	[sflag:s19] =	ssyncset.done $0x0  }
0x140: {  	[sflag:s19] =	ssyncadd.s32 $0xFFFFF830  }
0x141: {  	_ =	swait.ge [sflag:s12], $0x1F40  }
0x142: {  	[sflag:s12] =	ssyncset.done $0x0  }
0x143: {  	s21 =	simm.s32 $0x2680;
	[sflag:s12] =	ssyncadd.s32 $0xFFFFE0C0  }
0x144: {  	[tilespmem:s10], [sflag:$0x6] =	stream.indirect.gather [hbm4b:s5+s22], $0x40, s21, s22, $0xb8;
	[tilespmem:$0x1D8D0] =	vst v63  }
0x145: {  	_ =	swait.ge [sflag:s11], $0x1F40  }
0x146: {  	[sflag:s11] =	ssyncset.done $0x0  }
0x147: {  	s18 =	simm.s32 $0x4D80;
	[sflag:s11] =	ssyncadd.s32 $0xFFFFE0C0  }
0x148: {  	[spmem:s2] =	stream.indirect.scatter.add.f32 [tilespmem:s1], [sflag:$0xA], $0x40, s18, s22, $0xb8;
	[tilespmem:$0x1D8D0] =	vst v63  }
0x149: {  	_ = 	snop  }
0x14a: {  	[spmem:s3] =	stream.indirect.scatter.add.f32 [tilespmem:s30], [sflag:$0xD], $0x10, s18, s22, $0xb8;
	[tilespmem:$0x1D8D0] =	vst v63  }
0x14b: {  	_ =	swait.ge [sflag:s19], $0x7D0  }
0x14c: {  	[sflag:s19] =	ssyncset.done $0x0  }
0x14d: {  	[sflag:s19] =	ssyncadd.s32 $0xFFFFF830  }
0x14e: {  	_ =	swait.ge [sflag:s13], $0x1F40  }
0x14f: {  	[sflag:s13] =	ssyncset.done $0x0  }
0x150: {  	s21 =	simm.s32 $0x2700;
	[sflag:s13] =	ssyncadd.s32 $0xFFFFE0C0  }
0x151: {  	[tilespmem:s23], [sflag:$0x1] =	stream.indirect.gather [hbm4b:s5+s22], $0x40, s21, s22, $0xb8;
	[tilespmem:$0x1D8D0] =	vst v63  }
0x152: {  	_ =	swait.ge [sflag:s14], $0x1F40  }
0x153: {  	[sflag:s14] =	ssyncset.done $0x0  }
0x154: {  	s18 =	simm.s32 $0x4E00;
	[sflag:s14] =	ssyncadd.s32 $0xFFFFE0C0  }
0x155: {  	[spmem:s2] =	stream.indirect.scatter.add.f32 [tilespmem:s31], [sflag:$0xB], $0x40, s18, s22, $0xb8;
	[tilespmem:$0x1D8D0] =	vst v63  }
0x156: {  	_ = 	snop  }
0x157: {  	[spmem:s3] =	stream.indirect.scatter.add.f32 [tilespmem:s30], [sflag:$0xD], $0x10, s18, s22, $0xb8;
	[tilespmem:$0x1D8D0] =	vst v63  }
0x158: {  	_ =	swait.ge [sflag:s19], $0x7D0  }
0x159: {  	[sflag:s19] =	ssyncset.done $0x0  }
0x15a: {  	[sflag:s19] =	ssyncadd.s32 $0xFFFFF830  }
0x15b: {  	_ =	swait.ge [sflag:s16], $0x1F40  }
0x15c: {  	[sflag:s16] =	ssyncset.done $0x0  }
0x15d: {  	s21 =	simm.s32 $0x2780;
	[sflag:s16] =	ssyncadd.s32 $0xFFFFE0C0  }
0x15e: {  	[tilespmem:s25], [sflag:$0x2] =	stream.indirect.gather [hbm4b:s5+s22], $0x40, s21, s22, $0xb8;
	[tilespmem:$0x1D8D0] =	vst v63  }
0x15f: {  	_ =	swait.ge [sflag:s17], $0x1F40  }
0x160: {  	[sflag:s17] =	ssyncset.done $0x0  }
0x161: {  	s18 =	simm.s32 $0x4E80;
	[sflag:s17] =	ssyncadd.s32 $0xFFFFE0C0  }
0x162: {  	[spmem:s2] =	stream.indirect.scatter.add.f32 [tilespmem:s10], [sflag:$0xC], $0x40, s18, s22, $0xb8;
	[tilespmem:$0x1D8D0] =	vst v63  }
0x163: {  	_ = 	snop  }
0x164: {  	[spmem:s3] =	stream.indirect.scatter.add.f32 [tilespmem:s30], [sflag:$0xD], $0x10, s18, s22, $0xb8;
	[tilespmem:$0x1D8D0] =	vst v63  }
0x165: {  	_ =	swait.ge [sflag:s19], $0x7D0  }
0x166: {  	[sflag:s19] =	ssyncset.done $0x0  }
0x167: {  	[sflag:s19] =	ssyncadd.s32 $0xFFFFF830  }
0x168: {  	_ =	swait.ge [sflag:s29], $0x1F40  }
0x169: {  	[sflag:s29] =	ssyncset.done $0x0  }
0x16a: {  	s21 =	simm.s32 $0x4F00;
	[sflag:s29] =	ssyncadd.s32 $0xFFFFE0C0  }
0x16b: {  	[spmem:s2] =	stream.indirect.scatter.add.f32 [tilespmem:s23], [sflag:$0x7], $0x40, s21, s22, $0xb8;
	[tilespmem:$0x1D8D0] =	vst v63  }
0x16c: {  	_ = 	snop  }
0x16d: {  	[spmem:s3] =	stream.indirect.scatter.add.f32 [tilespmem:s30], [sflag:$0xD], $0x10, s21, s22, $0xb8;
	[tilespmem:$0x1D8D0] =	vst v63  }
0x16e: {  	_ =	swait.ge [sflag:s19], $0x7D0  }
0x16f: {  	[sflag:s19] =	ssyncset.done $0x0  }
0x170: {  	[sflag:s19] =	ssyncadd.s32 $0xFFFFF830  }
0x171: {  	_ =	swait.ge [sflag:s0], $0x1F40  }
0x172: {  	[sflag:s0] =	ssyncset.done $0x0  }
0x173: {  	s18 =	simm.s32 $0x4F80;
	[sflag:s0] =	ssyncadd.s32 $0xFFFFE0C0  }
0x174: {  	[spmem:s2] =	stream.indirect.scatter.add.f32 [tilespmem:s25], [sflag:$0x8], $0x40, s18, s22, $0xb8;
	[tilespmem:$0x1D8D0] =	vst v63  }
0x175: {  	_ = 	snop  }
0x176: {  	[spmem:s3] =	stream.indirect.scatter.add.f32 [tilespmem:s30], [sflag:$0xD], $0x10, s18, s22, $0xb8;
	[tilespmem:$0x1D8D0] =	vst v63  }
0x177: {  	_ =	swait.ge [sflag:s19], $0x7D0  }
0x178: {  	[sflag:s19] =	ssyncset.done $0x0  }
0x179: {  	[sflag:s19] =	ssyncadd.s32 $0xFFFFF830  }
0x17a: {  	_ =	swait.ge [sflag:s13], $0x1F40  }
0x17b: {  	[sflag:s13] =	ssyncset.done $0x0  }
0x17c: {  	[sflag:s13] =	ssyncadd.s32 $0xFFFFE0C0  }
0x17d: {  	_ =	swait.ge [sflag:s16], $0x1F40  }
0x17e: {  	[sflag:s16] =	ssyncset.done $0x0  }
0x17f: {  	[sflag:s16] =	ssyncadd.s32 $0xFFFFE0C0  }
0x180: {  	_ =	swait.ge [sflag:s20], $0x1F40  }
0x181: {  	[sflag:s20] =	ssyncset.done $0x0  }
0x182: {  	[sflag:s20] =	ssyncadd.s32 $0xFFFFE0C0  }
0x183: {  	_ =	swait.ge [sflag:s24], $0x1F40  }
0x184: {  	[sflag:s24] =	ssyncset.done $0x0  }
0x185: {  	[sflag:s24] =	ssyncadd.s32 $0xFFFFE0C0  }
0x186: {  	_ =	swait.ge [sflag:s7], $0x1F40  }
0x187: {  	[sflag:s7] =	ssyncset.done $0x0  }
0x188: {  	[sflag:s7] =	ssyncadd.s32 $0xFFFFE0C0  }
0x189: {  	_ =	swait.ge [sflag:s12], $0x1F40  }
0x18a: {  	[sflag:s12] =	ssyncset.done $0x0  }
0x18b: {  	[sflag:s12] =	ssyncadd.s32 $0xFFFFE0C0  }
0x18c: {  	[bflag:$0x0] =	sbarrier.arrive $0xFFFF  }
0x18d: {  	s15 =	sshrl.u32 @p0 s6, $0x3;
	s18 =	rddreg [dreg:$0xb]  }
0x18e: {  	[hbm:s18], [sflag:s8] =	dma.local @p0 [spmem:s15], $0x1040  }
0x18f: {  	s15 =	simm.s32 @p0 $0xD  }
0x190: {  	_ =	swait.ge @p0 [sflag:s15], $0x1040  }
0x191: {  	[sflag:s15] =	ssyncset.done @p0 $0x0  }
0x192: {  	s18 =	sshrl.u32 @p0 s9, $0x3;
	s21 =	rddreg [dreg:$0xc];
	[sflag:s15] =	ssyncadd.s32 @p0 $0xFFFFEFC0  }
0x193: {  	[hbm:s21], [sflag:s8] =	dma.local @p0 [spmem:s18], $0x410  }
0x194: {  	_ =	swait.ge @p0 [sflag:s15], $0x410  }
0x195: {  	[sflag:s15] =	ssyncset.done @p0 $0x0  }
0x196: {  	s18 =	rddreg [dreg:$0x9];
	[sflag:s15] =	ssyncadd.s32 @p0 $0xFFFFFBF0;
	s15 =	sshrl.u32 @!p0 s6, $0x3  }
0x197: {  	[hbm:s18], [sflag:s8] =	dma.local @!p0 [spmem:s15], $0x13C0  }
0x198: {  	s15 =	simm.s32 @!p0 $0xD  }
0x199: {  	_ =	swait.ge @!p0 [sflag:s15], $0x13C0  }
0x19a: {  	[sflag:s15] =	ssyncset.done @!p0 $0x0  }
0x19b: {  	s18 =	sshrl.u32 @!p0 s9, $0x3;
	s21 =	rddreg [dreg:$0xa];
	[sflag:s15] =	ssyncadd.s32 @!p0 $0xFFFFEC40  }
0x19c: {  	[hbm:s21], [sflag:s8] =	dma.local @!p0 [spmem:s18], $0x4F0  }
0x19d: {  	_ =	swait.ge @!p0 [sflag:s15], $0x4F0  }
0x19e: {  	s4 =	sadd.s32 $0x1, s4;
	s21 =	rddreg [dreg:$0xd]  }
0x19f: {  	p1 =	sne.s32 s4, s21  }
.Ltmp2:
0x1a0: {  	_ = 	snop;
	(pc) =	sbr.rel @p1 .LBB2_1-.Ltmp2, $3  }
0x1a1: {  	_ =	sdelay $0x1  }
0x1a2: {  	[sflag:s15] =	ssyncset.done @!p0 $0x0  }
0x1a3: {  	[sflag:s15] =	ssyncadd.s32 @!p0 $0xFFFFFB10  }
0x1a4: {  	_ =	sfence.sel $0x180000  }
0x1a5: {  	[bflag:$0x0] =	sbarrier.arrive $0xFFFF  }
0x1a6: {  	_ =	strace $0x90000047  }
0x1a7: {  	s0 =	stileid.u32;
	[bflag:$0x2] =	sbarrier.arrive $0xFFFF  }
0x1a8: {  	p0 =	sne.s32 s0, $0x0;
	s0 =	rddreg [dreg:$0x4]  }
0x1a9: {  	s0 =	sadd.s32 @!p0 $0x100000, s0  }
0x1aa: {  	[sflag:s0] =	ssyncadd.tile.s32 @!p0 $0x1;
	_ =	shalt  }
.Lfunc_end2:
_tile_overlayer_lowered:
.L_overlay_start_2:
0x1ab: {  	(tag) =	ssettag $0x2  }
0x1ac: {  	s0 =	rddreg [dreg:$0x0];
	s2 =	stileid.u32  }
0x1ad: {  	s1 =	rddreg [dreg:$0x1];
	p0 =	sne.s32 s2, $0x0  }
0x1ae: {  	s3 =	rddreg [dreg:$0x2];
	[bflag:$0x3] =	sbarrier.arrive $0xFFFF;
	s2 =	simm.s32 @!p0 $0x1C0D  }
0x1af: {  	[timem:s3], [sflag:s2] =	dma.local @!p0 [hbm:s0], s1  }
0x1b0: {  	s0 =	simm.s32 @!p0 $0xD  }
0x1b1: {  	_ =	swait.ge @!p0 [sflag:s0], s1  }
0x1b2: {  	s1 =	ssub.s32 @!p0 $0x0, s1;
	[sflag:s0] =	ssyncset.done @!p0 $0x0  }
0x1b3: {  	[sflag:s0] =	ssyncadd.s32 @!p0 s1  }
0x1b4: {  	[bflag:$0x3] =	sbarrier.arrive $0xFFFF  }
0x1b5: {  	_ =	shalt  }

</sc_bundles>
